<compile_context>
chip_gen: v7x
topology: tpu7x:2x2x1
jax: 0.10.2.dev20260603
libtpu: 0.0.44.dev20260713+nightly
codegen_flags: <defaults>
</compile_context>

<pallas_src>
import functools

import jax
import jax.numpy as jnp
from jax.experimental import pallas as pl
from jax.experimental.pallas import tpu as pltpu
from jax.experimental.pallas import tpu_sc as plsc

_N_HASHES = 8
_BLK = 128
_LSH_R = 1.0
_W = 128
_ROW = 128


def _xbox_plus(queries, keys):
    q_norm_sq = jnp.sum(queries ** 2, axis=-1, keepdims=True)
    k_norm_sq = jnp.sum(keys ** 2, axis=-1, keepdims=True)
    MQ_sq = jnp.max(q_norm_sq, axis=1, keepdims=True)
    MK_sq = jnp.max(k_norm_sq, axis=1, keepdims=True)
    q_ext = jnp.sqrt(jnp.maximum(MQ_sq - q_norm_sq, 0.0))
    k_ext = jnp.sqrt(jnp.maximum(MK_sq - k_norm_sq, 0.0))
    Q = jnp.concatenate([queries, jnp.zeros_like(q_ext), q_ext], axis=-1)
    K = jnp.concatenate([keys, k_ext, jnp.zeros_like(k_ext)], axis=-1)
    return Q, K


def _lsh_positions(X, n_hashes, bs, r, rng):
    hb, seqlen, dim = X.shape
    ka, kb = jax.random.split(rng)
    alpha = jax.random.normal(ka, (n_hashes, dim), dtype=X.dtype)
    beta = jax.random.uniform(kb, (n_hashes, 1, 1), dtype=X.dtype) * r
    Xh = X.reshape(n_hashes, bs, seqlen, dim)
    proj = jnp.einsum('hbsd,hd->hbs', Xh, alpha)
    hashes = (proj + beta) / r
    return jnp.argsort(hashes, axis=-1).reshape(n_hashes * bs, seqlen)


def _sc_mesh():
    return plsc.VectorSubcoreMesh(core_axis_name="c", subcore_axis_name="s")


def _sc_gather2(qtab, kvtab, qidx, kidx):
    B = qidx.shape[1]

    @functools.partial(
        pl.kernel,
        mesh=_sc_mesh(),
        out_type=[
            jax.ShapeDtypeStruct((B, _ROW), qtab.dtype),
            jax.ShapeDtypeStruct((B, _ROW), kvtab.dtype),
        ],
        scratch_types=[pltpu.SemaphoreType.DMA, pltpu.SemaphoreType.DMA],
    )
    def run(q_hbm, kv_hbm, qi_hbm, ki_hbm, sq_hbm, skv_hbm, sem1, sem2):
        def body(qi_v, ki_v, sq_v, skv_v):
            h1 = pltpu.async_copy(q_hbm.at[qi_v.at[0]], sq_v, sem1)
            h2 = pltpu.async_copy(kv_hbm.at[ki_v.at[0]], skv_v, sem2)
            h1.wait()
            h2.wait()

        pltpu.emit_pipeline(
            body,
            grid=(B // _W,),
            in_specs=[
                pl.BlockSpec((1, _W), lambda i: (0, i)),
                pl.BlockSpec((1, _W), lambda i: (0, i)),
            ],
            out_specs=[
                pl.BlockSpec((_W, _ROW), lambda i: (i, 0)),
                pl.BlockSpec((_W, _ROW), lambda i: (i, 0)),
            ],
            core_axis_name=("c", "s"),
            dimension_semantics=(pltpu.PARALLEL,),
        )(qi_hbm, ki_hbm, sq_hbm, skv_hbm)

    return run(qtab, kvtab, qidx, kidx)


def _sc_scatter(rows, sidx, n_rows):
    B = sidx.shape[1]

    @functools.partial(
        pl.kernel,
        mesh=_sc_mesh(),
        out_type=jax.ShapeDtypeStruct((n_rows, _ROW), rows.dtype),
    )
    def run(rows_hbm, si_hbm, o_hbm):
        def body(rows_v, si_v):
            pltpu.sync_copy(rows_v, o_hbm.at[si_v.at[0]])

        pltpu.emit_pipeline(
            body,
            grid=(B // _W,),
            in_specs=[
                pl.BlockSpec((_W, _ROW), lambda i: (i, 0)),
                pl.BlockSpec((1, _W), lambda i: (0, i)),
            ],
            out_specs=[],
            core_axis_name=("c", "s"),
            dimension_semantics=(pltpu.PARALLEL,),
        )(rows_hbm, si_hbm)

    return run(rows, sidx)


def _attn_blocks_kernel(dim, v_dim, sq_ref, skv_ref, out_ref):
    q = sq_ref[0][..., :dim]
    k = skv_ref[0][..., :dim]
    v = skv_ref[0][..., dim:dim + v_dim]
    inner = jax.lax.dot_general(
        q, k, (((2,), (2,)), ((0,), (0,))),
        preferred_element_type=jnp.float32)
    m = jnp.max(inner, axis=-1, keepdims=True)
    e = jnp.exp(inner - m)
    s = jnp.sum(e, axis=-1, keepdims=True)
    bo = jax.lax.dot_general(
        e / s, v, (((2,), (1,)), ((0,), (0,))),
        preferred_element_type=jnp.float32)
    lse = m + jnp.log(s)
    lse_b = jnp.broadcast_to(lse, lse.shape[:-1] + (_ROW - v_dim,))
    out_ref[0] = jnp.concatenate([bo, lse_b], axis=-1)


def _block_attention(sq, skv, n_steps, nblk_per_step, dim, v_dim):
    sq = sq.reshape(n_steps, nblk_per_step, _BLK, _ROW)
    skv = skv.reshape(n_steps, nblk_per_step, _BLK, _ROW)
    spec = pl.BlockSpec((1, nblk_per_step, _BLK, _ROW),
                        lambda i: (i, 0, 0, 0))
    out = pl.pallas_call(
        functools.partial(_attn_blocks_kernel, dim, v_dim),
        grid=(n_steps,),
        in_specs=[spec, spec],
        out_specs=spec,
        out_shape=jax.ShapeDtypeStruct(
            (n_steps, nblk_per_step, _BLK, _ROW), jnp.float32),
    )(sq, skv)
    return out


def _combine_kernel(v_dim, *refs):
    x_refs, out_ref = refs[:-1], refs[-1]
    x = jnp.concatenate([r[:, 0] for r in x_refs], axis=0)
    o = x[..., :v_dim]
    logits = x[..., v_dim]
    m = jnp.max(logits, axis=0)
    w = jnp.exp(logits - m[None, :])
    den = jnp.sum(w, axis=0)
    num = jnp.sum(w[..., None] * o, axis=0)
    out_ref[0] = num / den[:, None]


def _combine(o_uns_chunks, bs, seqlen, v_dim):
    hc = o_uns_chunks[0].shape[0]
    out = pl.pallas_call(
        functools.partial(_combine_kernel, v_dim),
        grid=(bs,),
        in_specs=[
            pl.BlockSpec((hc, 1, seqlen, _ROW), lambda i: (0, i, 0, 0))
            for _ in o_uns_chunks
        ],
        out_specs=pl.BlockSpec((1, seqlen, v_dim), lambda i: (i, 0, 0)),
        out_shape=jax.ShapeDtypeStruct((bs, seqlen, v_dim), jnp.float32),
    )(*o_uns_chunks)
    return out


def _bitonic_argsort_kernel(h_ref, idx_ref):
    v = h_ref[...]
    ix = jax.lax.broadcasted_iota(jnp.int32, v.shape, 1)
    rb, n = v.shape
    pos = jax.lax.broadcasted_iota(jnp.int32, v.shape, 1)
    k = 2
    while k <= n:
        j = k // 2
        asc = (pos & k) == 0
        while j >= 1:
            bitc = (pos & j) == 0
            vm = jnp.roll(v, -j, axis=1)
            vp = jnp.roll(v, j, axis=1)
            im = jnp.roll(ix, -j, axis=1)
            ip = jnp.roll(ix, j, axis=1)
            pv = jnp.where(bitc, vm, vp)
            pi = jnp.where(bitc, im, ip)
            less = (v < pv) | ((v == pv) & (ix < pi))
            keep = less ^ bitc ^ asc
            v = jnp.where(keep, v, pv)
            ix = jnp.where(keep, ix, pi)
            j //= 2
        k *= 2
    idx_ref[...] = ix


def _tc_argsort(h, rows_per_block=32):
    shape = h.shape
    n = shape[-1]
    rows = 1
    for s in shape[:-1]:
        rows *= s
    rows_per_block = min(rows_per_block, rows)
    h2 = h.reshape(rows, n)
    idx = pl.pallas_call(
        _bitonic_argsort_kernel,
        grid=(rows // rows_per_block,),
        in_specs=[pl.BlockSpec((rows_per_block, n), lambda i: (i, 0))],
        out_specs=pl.BlockSpec((rows_per_block, n), lambda i: (i, 0)),
        out_shape=jax.ShapeDtypeStruct((rows, n), jnp.int32),
    )(h2)
    return idx.reshape(shape)


_N_CHUNKS = 2


def _hash_values(X, n_hashes, bs, r, rng):
    hb, seqlen, dim = X.shape
    ka, kb = jax.random.split(rng)
    alpha = jax.random.normal(ka, (n_hashes, dim), dtype=X.dtype)
    beta = jax.random.uniform(kb, (n_hashes, 1, 1), dtype=X.dtype) * r
    Xh = X.reshape(n_hashes, bs, seqlen, dim)
    proj = jnp.einsum('hbsd,hd->hbs', Xh, alpha)
    return (proj + beta) / r


def kernel(queries, keys, values):
    n_hashes = _N_HASHES
    bs, q_seqlen, dim = queries.shape
    k_seqlen = keys.shape[1]
    v_dim = values.shape[-1]

    Qx, Kx = _xbox_plus(queries, keys)
    Qx = jnp.tile(Qx, (n_hashes, 1, 1))
    Kx = jnp.tile(Kx, (n_hashes, 1, 1))
    rng = jax.random.key(42)
    rq, rk = jax.random.split(rng)
    q_hashes = _hash_values(Qx, n_hashes, bs, _LSH_R, rq)
    k_hashes = _hash_values(Kx, n_hashes, bs, _LSH_R, rk)

    boff = (jnp.arange(bs, dtype=jnp.int32) * q_seqlen)[None, :, None]

    qtab = jnp.concatenate(
        [queries, jnp.zeros((bs, q_seqlen, _ROW - dim), queries.dtype)],
        axis=-1).reshape(bs * q_seqlen, _ROW)
    kvtab = jnp.concatenate([keys, values], axis=-1).reshape(
        bs * k_seqlen, _ROW)

    hc = n_hashes // _N_CHUNKS
    hoff = (jnp.arange(hc, dtype=jnp.int32) * (bs * q_seqlen))[:, None, None]
    Bc = hc * bs * q_seqlen
    nblk = q_seqlen // _BLK
    o_uns_chunks = []
    for c in range(_N_CHUNKS):
        qp = _tc_argsort(q_hashes[c * hc:(c + 1) * hc])
        kp = _tc_argsort(k_hashes[c * hc:(c + 1) * hc])
        q_abs = qp.astype(jnp.int32) + boff
        k_abs = kp.astype(jnp.int32) + boff
        s_abs = q_abs + hoff
        sq, skv = _sc_gather2(qtab, kvtab, q_abs.reshape(1, Bc),
                              k_abs.reshape(1, Bc))
        bo_ext = _block_attention(sq, skv, hc * bs, nblk, dim, v_dim)
        o_uns = _sc_scatter(bo_ext.reshape(Bc, _ROW), s_abs.reshape(1, Bc),
                            Bc)
        o_uns_chunks.append(o_uns.reshape(hc, bs, q_seqlen, _ROW))

    out = _combine(o_uns_chunks, bs, q_seqlen, v_dim)
    return out

# --- scband reference (transcript-rebuilt; emitter-appended) ---
"""Pipeline reference for scband-smyrf-attention-34583076667862 (READ-ONLY COPY).

The authoritative reference and input builder live on the scoring server;
editing this copy changes nothing except your own understanding.
"""

import jax, jax.numpy as jnp
import numpy as np

N_HASHES = 8
Q_ATTN_SIZE = 128
K_ATTN_SIZE = 128
LSH_R = 1.0


def _xbox_plus(queries, keys):
    # XBOXPLUS asymmetric transform: append 2 extra dims so that inner products are preserved
    q_norm_sq = jnp.sum(queries ** 2, axis=-1, keepdims=True)
    k_norm_sq = jnp.sum(keys ** 2, axis=-1, keepdims=True)
    MQ_sq = jnp.max(q_norm_sq, axis=1, keepdims=True)
    MK_sq = jnp.max(k_norm_sq, axis=1, keepdims=True)
    q_ext = jnp.sqrt(jnp.maximum(MQ_sq - q_norm_sq, 0.0))
    k_ext = jnp.sqrt(jnp.maximum(MK_sq - k_norm_sq, 0.0))
    Q = jnp.concatenate([queries, jnp.zeros_like(q_ext), q_ext], axis=-1)
    K = jnp.concatenate([keys, k_ext, jnp.zeros_like(k_ext)], axis=-1)
    return Q, K


def _lsh_clustering(X, n_hashes, bs, r, rng):
    # E2LSH: random projection + uniform shift, then argsort hash values -> cluster order
    hb, seqlen, dim = X.shape
    ka, kb = jax.random.split(rng)
    alpha = jax.random.normal(ka, (n_hashes, dim), dtype=X.dtype)
    beta = jax.random.uniform(kb, (n_hashes, 1, 1), dtype=X.dtype) * r
    Xh = X.reshape(n_hashes, bs, seqlen, dim)
    proj = jnp.einsum('hbsd,hd->hbs', Xh, alpha)
    hashes = (proj + beta) / r
    return jnp.argsort(hashes, axis=-1).reshape(n_hashes * bs, seqlen)


def _smyrf_forward(queries, keys, values):
    n_hashes = N_HASHES
    bs, q_seqlen, dim = queries.shape
    k_seqlen = keys.shape[1]
    v_dim = values.shape[-1]
    # clustering is done under no_grad in the original
    Qx, Kx = _xbox_plus(jax.lax.stop_gradient(queries), jax.lax.stop_gradient(keys))
    Qx = jnp.tile(Qx, (n_hashes, 1, 1))
    Kx = jnp.tile(Kx, (n_hashes, 1, 1))
    rng = jax.random.key(42)
    rq, rk = jax.random.split(rng)
    q_positions = _lsh_clustering(Qx, n_hashes, bs, LSH_R, rq).reshape(n_hashes, bs, -1)
    k_positions = _lsh_clustering(Kx, n_hashes, bs, LSH_R, rk).reshape(n_hashes, bs, -1)
    q_rev_positions = jnp.argsort(q_positions, axis=-1)
    q_rep = jnp.broadcast_to(queries[None], (n_hashes, bs, q_seqlen, dim))
    k_rep = jnp.broadcast_to(keys[None], (n_hashes, bs, k_seqlen, dim))
    v_rep = jnp.broadcast_to(values[None], (n_hashes, bs, k_seqlen, v_dim))
    s_queries = jnp.take_along_axis(q_rep, q_positions[..., None], axis=2).reshape(-1, Q_ATTN_SIZE, dim)
    s_keys = jnp.take_along_axis(k_rep, k_positions[..., None], axis=2).reshape(-1, K_ATTN_SIZE, dim)
    s_values = jnp.take_along_axis(v_rep, k_positions[..., None], axis=2).reshape(-1, K_ATTN_SIZE, v_dim)
    inner = jnp.einsum('nqd,nkd->nqk', s_queries, s_keys)
    dots_logsumexp = jax.scipy.special.logsumexp(inner, axis=-1, keepdims=True)
    dots = jnp.exp(inner - dots_logsumexp)
    # dropout p=0.0 -> identity
    bo = jnp.einsum('nqk,nkv->nqv', dots, s_values).reshape(n_hashes, bs, q_seqlen, -1)
    o = jnp.take_along_axis(bo, q_rev_positions[..., None], axis=2)
    slogits = dots_logsumexp.reshape(n_hashes, bs, -1)
    logits = jnp.take_along_axis(slogits, q_rev_positions, axis=2)
    probs = jnp.exp(logits - jax.scipy.special.logsumexp(logits, axis=0, keepdims=True))
    out = jnp.sum(o * probs[..., None], axis=0)
    return out


def setup_inputs(seed: int = 0):
    key = jax.random.key(seed)
    kq, kk, kv = jax.random.split(key, 3)
    return {
        'queries': jax.random.normal(kq, (32, 2048, 64), dtype=jnp.float32),
        'keys': jax.random.normal(kk, (32, 2048, 64), dtype=jnp.float32),
        'values': jax.random.normal(kv, (32, 2048, 64), dtype=jnp.float32),
    }


def reference(queries, keys, values):
    return _smyrf_forward(queries, keys, values)

if __name__ == "__main__":
    import jax
    _d = setup_inputs()
    print(jax.jit(kernel)(*tuple(_d.values())))

</pallas_src>

<mosaic_0001>
#map = affine_map<(d0, d1) -> (0, 0)>
module attributes {stable_mosaic.version = 14 : i64} {
  func.func @run(%arg0: i32, %arg1: i32, %arg2: memref<65536x128xf32, #tpu.memory_space<hbm>>, %arg3: memref<65536x128xf32, #tpu.memory_space<hbm>>, %arg4: memref<1x262144xi32, #tpu.memory_space<hbm>>, %arg5: memref<1x262144xi32, #tpu.memory_space<hbm>>, %arg6: memref<262144x128xf32, #tpu.memory_space<hbm>>, %arg7: memref<262144x128xf32, #tpu.memory_space<hbm>>, %arg8: memref<!tpu.dma_semaphore, #tpu.memory_space<semaphore_mem>>, %arg9: memref<!tpu.dma_semaphore, #tpu.memory_space<semaphore_mem>>) attributes {dimension_semantics = [#tpu.dimension_semantics<core_parallel>, #tpu.dimension_semantics<subcore_parallel>], iteration_bounds = array<i64: 2, 16>, scalar_prefetch = 0 : i64, scratch_operands = 2 : i64, tpu.core_type = #tpu.core_type<sc_vector_subcore>, window_params = [{transform_indices = #map}, {transform_indices = #map}, {transform_indices = #map}, {transform_indices = #map}, {transform_indices = #map}, {transform_indices = #map}]} {
    %mul3A = arith.constant 1 : i32
    %mul3A_0 = arith.muli %arg1, %mul3A : i32
    %add3A = arith.constant 0 : i32
    %add3A_1 = arith.addi %add3A, %mul3A_0 : i32
    %mul3A_2 = arith.constant 16 : i32
    %mul3A_3 = arith.muli %arg0, %mul3A_2 : i32
    %add3A_4 = arith.addi %add3A_1, %mul3A_3 : i32
    %mul3A_5 = arith.constant 64 : i32
    %mul3A_6 = arith.muli %add3A_4, %mul3A_5 : i32
    "tpu.region"() ({
      %run_scoped3A = memref.alloca() : memref<2x1x128xi32, #tpu.memory_space<vmem>>
      %run_scoped3A_7 = tpu.sem_alloc : memref<2x!tpu.dma_semaphore, #tpu.memory_space<semaphore_mem>>
      %run_scoped3A_8 = memref.alloca() : memref<2x1x128xi32, #tpu.memory_space<vmem>>
      %run_scoped3A_9 = tpu.sem_alloc : memref<2x!tpu.dma_semaphore, #tpu.memory_space<semaphore_mem>>
      %run_scoped3A_10 = memref.alloca() : memref<2x128x128xf32, #tpu.memory_space<vmem>>
      %run_scoped3A_11 = tpu.sem_alloc : memref<2x!tpu.dma_semaphore, #tpu.memory_space<semaphore_mem>>
      %run_scoped3A_12 = memref.alloca() : memref<2x128x128xf32, #tpu.memory_space<vmem>>
      %run_scoped3A_13 = tpu.sem_alloc : memref<2x!tpu.dma_semaphore, #tpu.memory_space<semaphore_mem>>
      %add3A_14 = arith.constant 0 : i32
      %add3A_15 = arith.addi %add3A_14, %mul3A_6 : i32
      %select_n3A = arith.constant true
      %select_n3A_16 = arith.constant 0 : i32
      %select_n3A_17 = arith.constant -1 : i32
      %select_n3A_18 = arith.select %select_n3A, %select_n3A_17, %select_n3A_16 : i32
      %eq3A = arith.constant -1 : i32
      %eq3A_19 = arith.cmpi eq, %select_n3A_18, %eq3A : i32
      %select_n3A_20 = arith.constant 63 : i32
      %select_n3A_21 = arith.select %eq3A_19, %select_n3A_20, %select_n3A_18 : i32
      %add3A_22 = arith.addi %select_n3A_21, %mul3A_6 : i32
      %select_n3A_23 = arith.constant true
      %select_n3A_24 = arith.constant 0 : i32
      %select_n3A_25 = arith.constant 1 : i32
      %select_n3A_26 = arith.select %select_n3A_23, %select_n3A_25, %select_n3A_24 : i32
      %eq3A_27 = arith.constant 64 : i32
      %eq3A_28 = arith.cmpi eq, %select_n3A_26, %eq3A_27 : i32
      %select_n3A_29 = arith.constant 0 : i32
      %select_n3A_30 = arith.select %eq3A_28, %select_n3A_29, %select_n3A_26 : i32
      %add3A_31 = arith.addi %select_n3A_30, %mul3A_6 : i32
      %add3A_32 = arith.constant 1 : i32
      %add3A_33 = arith.addi %select_n3A_30, %add3A_32 : i32
      %select_n3A_34 = arith.constant true
      %select_n3A_35 = arith.select %select_n3A_34, %add3A_33, %select_n3A_30 : i32
      %eq3A_36 = arith.constant 64 : i32
      %eq3A_37 = arith.cmpi eq, %select_n3A_35, %eq3A_36 : i32
      %select_n3A_38 = arith.constant 0 : i32
      %select_n3A_39 = arith.select %eq3A_37, %select_n3A_38, %select_n3A_35 : i32
      %add3A_40 = arith.addi %select_n3A_39, %mul3A_6 : i32
      "tpu.trace_start"() <{level = 10 : i32, message = "ep_initialize_0"}> : () -> ()
      %rem3A = arith.constant 0 : i32
      %rem3A_41 = arith.constant 2 : i32
      %rem3A_42 = arith.remui %rem3A, %rem3A_41 : i32
      %mul3A_43 = arith.constant 128 : i32
      %mul3A_44 = arith.muli %mul3A_43, %add3A_15 : i32
      %dma_start3A = arith.constant 0 : i32
      %dma_start3A_45 = arith.constant 0 : i32
      %dma_start3A_46 = tpu.memref_slice %run_scoped3A[%rem3A_42, %dma_start3A, %dma_start3A_45] : memref<2x1x128xi32, #tpu.memory_space<vmem>> -> memref<1x1x128xi32, #tpu.memory_space<vmem>>
      %dma_start3A_47 = tpu.memref_squeeze %dma_start3A_46 : memref<1x1x128xi32, #tpu.memory_space<vmem>> -> memref<1x128xi32, #tpu.memory_space<vmem>>
      %dma_start3A_48 = arith.constant 0 : i32
      %dma_start3A_49 = tpu.memref_slice %arg4[%dma_start3A_48, %mul3A_44] : memref<1x262144xi32, #tpu.memory_space<hbm>> -> memref<1x128xi32, #tpu.memory_space<hbm>>
      %dma_start3A_50 = tpu.memref_slice %run_scoped3A_7[%rem3A_42] : memref<2x!tpu.dma_semaphore, #tpu.memory_space<semaphore_mem>> -> memref<1x!tpu.dma_semaphore, #tpu.memory_space<semaphore_mem>>
      %dma_start3A_51 = tpu.memref_squeeze %dma_start3A_50 : memref<1x!tpu.dma_semaphore, #tpu.memory_space<semaphore_mem>> -> memref<!tpu.dma_semaphore, #tpu.memory_space<semaphore_mem>>
      %dma_start3A_52 = arith.constant 0 : i32
      %dma_start3A_53 = arith.constant 0 : i32
      %dma_start3A_54 = tpu.memref_slice %run_scoped3A[%rem3A_42, %dma_start3A_52, %dma_start3A_53] : memref<2x1x128xi32, #tpu.memory_space<vmem>> -> memref<1x1x128xi32, #tpu.memory_space<vmem>>
      %dma_start3A_55 = tpu.memref_squeeze %dma_start3A_54 : memref<1x1x128xi32, #tpu.memory_space<vmem>> -> memref<1x128xi32, #tpu.memory_space<vmem>>
      %dma_start3A_56 = arith.constant 0 : i32
      %dma_start3A_57 = tpu.memref_slice %arg4[%dma_start3A_56, %mul3A_44] : memref<1x262144xi32, #tpu.memory_space<hbm>> -> memref<1x128xi32, #tpu.memory_space<hbm>>
      tpu.enqueue_dma source(%dma_start3A_57 : memref<1x128xi32, #tpu.memory_space<hbm>>) target(%dma_start3A_55 : memref<1x128xi32, #tpu.memory_space<vmem>>) target_semaphore(%dma_start3A_51 : memref<!tpu.dma_semaphore, #tpu.memory_space<semaphore_mem>>)
      %add3A_58 = arith.constant 0 : i32
      %add3A_59 = arith.constant 1 : i32
      %add3A_60 = arith.addi %add3A_58, %add3A_59 : i32
      %select_n3A_61 = arith.constant true
      %select_n3A_62 = arith.constant 0 : i32
      %select_n3A_63 = arith.select %select_n3A_61, %add3A_60, %select_n3A_62 : i32
      %rem3A_64 = arith.constant 0 : i32
      %rem3A_65 = arith.constant 2 : i32
      %rem3A_66 = arith.remui %rem3A_64, %rem3A_65 : i32
      %mul3A_67 = arith.constant 128 : i32
      %mul3A_68 = arith.muli %mul3A_67, %add3A_15 : i32
      %dma_start3A_69 = arith.constant 0 : i32
      %dma_start3A_70 = arith.constant 0 : i32
      %dma_start3A_71 = tpu.memref_slice %run_scoped3A_8[%rem3A_66, %dma_start3A_69, %dma_start3A_70] : memref<2x1x128xi32, #tpu.memory_space<vmem>> -> memref<1x1x128xi32, #tpu.memory_space<vmem>>
      %dma_start3A_72 = tpu.memref_squeeze %dma_start3A_71 : memref<1x1x128xi32, #tpu.memory_space<vmem>> -> memref<1x128xi32, #tpu.memory_space<vmem>>
      %dma_start3A_73 = arith.constant 0 : i32
      %dma_start3A_74 = tpu.memref_slice %arg5[%dma_start3A_73, %mul3A_68] : memref<1x262144xi32, #tpu.memory_space<hbm>> -> memref<1x128xi32, #tpu.memory_space<hbm>>
      %dma_start3A_75 = tpu.memref_slice %run_scoped3A_9[%rem3A_66] : memref<2x!tpu.dma_semaphore, #tpu.memory_space<semaphore_mem>> -> memref<1x!tpu.dma_semaphore, #tpu.memory_space<semaphore_mem>>
      %dma_start3A_76 = tpu.memref_squeeze %dma_start3A_75 : memref<1x!tpu.dma_semaphore, #tpu.memory_space<semaphore_mem>> -> memref<!tpu.dma_semaphore, #tpu.memory_space<semaphore_mem>>
      %dma_start3A_77 = arith.constant 0 : i32
      %dma_start3A_78 = arith.constant 0 : i32
      %dma_start3A_79 = tpu.memref_slice %run_scoped3A_8[%rem3A_66, %dma_start3A_77, %dma_start3A_78] : memref<2x1x128xi32, #tpu.memory_space<vmem>> -> memref<1x1x128xi32, #tpu.memory_space<vmem>>
      %dma_start3A_80 = tpu.memref_squeeze %dma_start3A_79 : memref<1x1x128xi32, #tpu.memory_space<vmem>> -> memref<1x128xi32, #tpu.memory_space<vmem>>
      %dma_start3A_81 = arith.constant 0 : i32
      %dma_start3A_82 = tpu.memref_slice %arg5[%dma_start3A_81, %mul3A_68] : memref<1x262144xi32, #tpu.memory_space<hbm>> -> memref<1x128xi32, #tpu.memory_space<hbm>>
      tpu.enqueue_dma source(%dma_start3A_82 : memref<1x128xi32, #tpu.memory_space<hbm>>) target(%dma_start3A_80 : memref<1x128xi32, #tpu.memory_space<vmem>>) target_semaphore(%dma_start3A_76 : memref<!tpu.dma_semaphore, #tpu.memory_space<semaphore_mem>>)
      %add3A_83 = arith.constant 0 : i32
      %add3A_84 = arith.constant 1 : i32
      %add3A_85 = arith.addi %add3A_83, %add3A_84 : i32
      %select_n3A_86 = arith.constant true
      %select_n3A_87 = arith.constant 0 : i32
      %select_n3A_88 = arith.select %select_n3A_86, %add3A_85, %select_n3A_87 : i32
      "tpu.trace_stop"() : () -> ()
      %scan3A = arith.constant 0 : i32
      %scan3A_89 = arith.constant 0 : i32
      %scan3A_90 = arith.constant 0 : i32
      %scan3A_91 = arith.constant 0 : i32
      %scan3A_92 = arith.constant 0 : i32
      %scan3A_93 = arith.constant 0 : i32
      %scan3A_94 = arith.constant 0 : i32
      %scan3A_95 = arith.constant 0 : i32
      %scan3A_96 = arith.constant 64 : i32
      %scan3A_97 = arith.addi %scan3A_95, %scan3A_96 : i32
      %scan3A_98 = arith.constant 1 : i32
      %scan3A_99:9 = scf.for %scan3A_171 = %scan3A_95 to %scan3A_97 step %scan3A_98 iter_args(%scan3A_172 = %select_n3A_63, %scan3A_173 = %scan3A, %scan3A_174 = %select_n3A_88, %scan3A_175 = %scan3A_89, %scan3A_176 = %scan3A_90, %scan3A_177 = %scan3A_91, %scan3A_178 = %scan3A_92, %scan3A_179 = %scan3A_93, %scan3A_180 = %scan3A_94) -> (i32, i32, i32, i32, i32, i32, i32, i32, i32)  : i32 {
        %eq3A_181 = arith.constant 0 : i32
        %eq3A_182 = arith.cmpi eq, %scan3A_171, %eq3A_181 : i32
        %eq3A_183 = arith.constant 63 : i32
        %eq3A_184 = arith.cmpi eq, %scan3A_171, %eq3A_183 : i32
        %add3A_185 = arith.addi %scan3A_180, %mul3A_6 : i32
        %sub3A_186 = arith.constant 1 : i32
        %sub3A_187 = arith.subi %scan3A_180, %sub3A_186 : i32
        %select_n3A_188 = arith.constant true
        %select_n3A_189 = arith.select %select_n3A_188, %sub3A_187, %scan3A_180 : i32
        %eq3A_190 = arith.constant -1 : i32
        %eq3A_191 = arith.cmpi eq, %select_n3A_189, %eq3A_190 : i32
        %select_n3A_192 = arith.constant 63 : i32
        %select_n3A_193 = arith.select %eq3A_191, %select_n3A_192, %select_n3A_189 : i32
        %add3A_194 = arith.addi %select_n3A_193, %mul3A_6 : i32
        %add3A_195 = arith.constant 1 : i32
        %add3A_196 = arith.addi %scan3A_180, %add3A_195 : i32
        %select_n3A_197 = arith.constant true
        %select_n3A_198 = arith.select %select_n3A_197, %add3A_196, %scan3A_180 : i32
        %eq3A_199 = arith.constant 64 : i32
        %eq3A_200 = arith.cmpi eq, %select_n3A_198, %eq3A_199 : i32
        %select_n3A_201 = arith.constant 0 : i32
        %select_n3A_202 = arith.select %eq3A_200, %select_n3A_201, %select_n3A_198 : i32
        %add3A_203 = arith.addi %select_n3A_202, %mul3A_6 : i32
        %add3A_204 = arith.constant 1 : i32
        %add3A_205 = arith.addi %select_n3A_202, %add3A_204 : i32
        %select_n3A_206 = arith.constant true
        %select_n3A_207 = arith.select %select_n3A_206, %add3A_205, %select_n3A_202 : i32
        %eq3A_208 = arith.constant 64 : i32
        %eq3A_209 = arith.cmpi eq, %select_n3A_207, %eq3A_208 : i32
        %select_n3A_210 = arith.constant 0 : i32
        %select_n3A_211 = arith.select %eq3A_209, %select_n3A_210, %select_n3A_207 : i32
        %add3A_212 = arith.addi %select_n3A_211, %mul3A_6 : i32
        %ne3A = arith.cmpi ne, %add3A_185, %add3A_203 : i32
        %or3A = arith.constant false
        %or3A_213 = arith.ori %or3A, %ne3A : i1
        %ge3A = arith.constant 63 : i32
        %ge3A_214 = arith.cmpi sge, %scan3A_171, %ge3A : i32
        %not3A = arith.constant true
        %not3A_215 = arith.xori %ge3A_214, %not3A : i1
        %and3A = arith.andi %or3A_213, %not3A_215 : i1
        %convert_element_type3A = arith.extui %and3A : i1 to i32
        %cond3A = arith.constant 0 : i32
        %cond3A_216 = arith.cmpi ne, %convert_element_type3A, %cond3A : i32
        scf.if %cond3A_216 {
          "tpu.trace_start"() <{level = 10 : i32, message = "ep_copy_in"}> : () -> ()
          %rem3A_480 = arith.constant 2 : i32
          %rem3A_481 = arith.remui %scan3A_172, %rem3A_480 : i32
          %mul3A_482 = arith.constant 128 : i32
          %mul3A_483 = arith.muli %mul3A_482, %add3A_203 : i32
          %dma_start3A_484 = arith.constant 0 : i32
          %dma_start3A_485 = arith.constant 0 : i32
          %dma_start3A_486 = tpu.memref_slice %run_scoped3A[%rem3A_481, %dma_start3A_484, %dma_start3A_485] : memref<2x1x128xi32, #tpu.memory_space<vmem>> -> memref<1x1x128xi32, #tpu.memory_space<vmem>>
          %dma_start3A_487 = tpu.memref_squeeze %dma_start3A_486 : memref<1x1x128xi32, #tpu.memory_space<vmem>> -> memref<1x128xi32, #tpu.memory_space<vmem>>
          %dma_start3A_488 = arith.constant 0 : i32
          %dma_start3A_489 = tpu.memref_slice %arg4[%dma_start3A_488, %mul3A_483] : memref<1x262144xi32, #tpu.memory_space<hbm>> -> memref<1x128xi32, #tpu.memory_space<hbm>>
          %dma_start3A_490 = tpu.memref_slice %run_scoped3A_7[%rem3A_481] : memref<2x!tpu.dma_semaphore, #tpu.memory_space<semaphore_mem>> -> memref<1x!tpu.dma_semaphore, #tpu.memory_space<semaphore_mem>>
          %dma_start3A_491 = tpu.memref_squeeze %dma_start3A_490 : memref<1x!tpu.dma_semaphore, #tpu.memory_space<semaphore_mem>> -> memref<!tpu.dma_semaphore, #tpu.memory_space<semaphore_mem>>
          %dma_start3A_492 = arith.constant 0 : i32
          %dma_start3A_493 = arith.constant 0 : i32
          %dma_start3A_494 = tpu.memref_slice %run_scoped3A[%rem3A_481, %dma_start3A_492, %dma_start3A_493] : memref<2x1x128xi32, #tpu.memory_space<vmem>> -> memref<1x1x128xi32, #tpu.memory_space<vmem>>
          %dma_start3A_495 = tpu.memref_squeeze %dma_start3A_494 : memref<1x1x128xi32, #tpu.memory_space<vmem>> -> memref<1x128xi32, #tpu.memory_space<vmem>>
          %dma_start3A_496 = arith.constant 0 : i32
          %dma_start3A_497 = tpu.memref_slice %arg4[%dma_start3A_496, %mul3A_483] : memref<1x262144xi32, #tpu.memory_space<hbm>> -> memref<1x128xi32, #tpu.memory_space<hbm>>
          tpu.enqueue_dma source(%dma_start3A_497 : memref<1x128xi32, #tpu.memory_space<hbm>>) target(%dma_start3A_495 : memref<1x128xi32, #tpu.memory_space<vmem>>) target_semaphore(%dma_start3A_491 : memref<!tpu.dma_semaphore, #tpu.memory_space<semaphore_mem>>)
          "tpu.trace_stop"() : () -> ()
        } else {
        }
        %and3A_217 = arith.constant true
        %and3A_218 = arith.andi %and3A, %and3A_217 : i1
        %add3A_219 = arith.constant 1 : i32
        %add3A_220 = arith.addi %scan3A_172, %add3A_219 : i32
        %select_n3A_221 = arith.select %and3A_218, %add3A_220, %scan3A_172 : i32
        %ne3A_222 = arith.cmpi ne, %add3A_185, %add3A_203 : i32
        %or3A_223 = arith.constant false
        %or3A_224 = arith.ori %or3A_223, %ne3A_222 : i1
        %ge3A_225 = arith.constant 63 : i32
        %ge3A_226 = arith.cmpi sge, %scan3A_171, %ge3A_225 : i32
        %not3A_227 = arith.constant true
        %not3A_228 = arith.xori %ge3A_226, %not3A_227 : i1
        %and3A_229 = arith.andi %or3A_224, %not3A_228 : i1
        %convert_element_type3A_230 = arith.extui %and3A_229 : i1 to i32
        %cond3A_231 = arith.constant 0 : i32
        %cond3A_232 = arith.cmpi ne, %convert_element_type3A_230, %cond3A_231 : i32
        scf.if %cond3A_232 {
          "tpu.trace_start"() <{level = 10 : i32, message = "ep_copy_in"}> : () -> ()
          %rem3A_480 = arith.constant 2 : i32
          %rem3A_481 = arith.remui %scan3A_174, %rem3A_480 : i32
          %mul3A_482 = arith.constant 128 : i32
          %mul3A_483 = arith.muli %mul3A_482, %add3A_203 : i32
          %dma_start3A_484 = arith.constant 0 : i32
          %dma_start3A_485 = arith.constant 0 : i32
          %dma_start3A_486 = tpu.memref_slice %run_scoped3A_8[%rem3A_481, %dma_start3A_484, %dma_start3A_485] : memref<2x1x128xi32, #tpu.memory_space<vmem>> -> memref<1x1x128xi32, #tpu.memory_space<vmem>>
          %dma_start3A_487 = tpu.memref_squeeze %dma_start3A_486 : memref<1x1x128xi32, #tpu.memory_space<vmem>> -> memref<1x128xi32, #tpu.memory_space<vmem>>
          %dma_start3A_488 = arith.constant 0 : i32
          %dma_start3A_489 = tpu.memref_slice %arg5[%dma_start3A_488, %mul3A_483] : memref<1x262144xi32, #tpu.memory_space<hbm>> -> memref<1x128xi32, #tpu.memory_space<hbm>>
          %dma_start3A_490 = tpu.memref_slice %run_scoped3A_9[%rem3A_481] : memref<2x!tpu.dma_semaphore, #tpu.memory_space<semaphore_mem>> -> memref<1x!tpu.dma_semaphore, #tpu.memory_space<semaphore_mem>>
          %dma_start3A_491 = tpu.memref_squeeze %dma_start3A_490 : memref<1x!tpu.dma_semaphore, #tpu.memory_space<semaphore_mem>> -> memref<!tpu.dma_semaphore, #tpu.memory_space<semaphore_mem>>
          %dma_start3A_492 = arith.constant 0 : i32
          %dma_start3A_493 = arith.constant 0 : i32
          %dma_start3A_494 = tpu.memref_slice %run_scoped3A_8[%rem3A_481, %dma_start3A_492, %dma_start3A_493] : memref<2x1x128xi32, #tpu.memory_space<vmem>> -> memref<1x1x128xi32, #tpu.memory_space<vmem>>
          %dma_start3A_495 = tpu.memref_squeeze %dma_start3A_494 : memref<1x1x128xi32, #tpu.memory_space<vmem>> -> memref<1x128xi32, #tpu.memory_space<vmem>>
          %dma_start3A_496 = arith.constant 0 : i32
          %dma_start3A_497 = tpu.memref_slice %arg5[%dma_start3A_496, %mul3A_483] : memref<1x262144xi32, #tpu.memory_space<hbm>> -> memref<1x128xi32, #tpu.memory_space<hbm>>
          tpu.enqueue_dma source(%dma_start3A_497 : memref<1x128xi32, #tpu.memory_space<hbm>>) target(%dma_start3A_495 : memref<1x128xi32, #tpu.memory_space<vmem>>) target_semaphore(%dma_start3A_491 : memref<!tpu.dma_semaphore, #tpu.memory_space<semaphore_mem>>)
          "tpu.trace_stop"() : () -> ()
        } else {
        }
        %and3A_233 = arith.constant true
        %and3A_234 = arith.andi %and3A_229, %and3A_233 : i1
        %add3A_235 = arith.constant 1 : i32
        %add3A_236 = arith.addi %scan3A_174, %add3A_235 : i32
        %select_n3A_237 = arith.select %and3A_234, %add3A_236, %scan3A_174 : i32
        %ne3A_238 = arith.cmpi ne, %add3A_185, %add3A_203 : i32
        %or3A_239 = arith.constant false
        %or3A_240 = arith.ori %or3A_239, %ne3A_238 : i1
        %or3A_241 = arith.constant false
        %or3A_242 = arith.ori %or3A_240, %or3A_241 : i1
        %ge3A_243 = arith.constant 63 : i32
        %ge3A_244 = arith.cmpi sge, %scan3A_171, %ge3A_243 : i32
        %not3A_245 = arith.constant true
        %not3A_246 = arith.xori %ge3A_244, %not3A_245 : i1
        %and3A_247 = arith.andi %or3A_242, %not3A_246 : i1
        %ne3A_248 = arith.cmpi ne, %add3A_185, %add3A_203 : i32
        %or3A_249 = arith.constant false
        %or3A_250 = arith.ori %or3A_249, %ne3A_248 : i1
        %or3A_251 = arith.constant false
        %or3A_252 = arith.ori %or3A_250, %or3A_251 : i1
        %ge3A_253 = arith.constant 63 : i32
        %ge3A_254 = arith.cmpi sge, %scan3A_171, %ge3A_253 : i32
        %not3A_255 = arith.constant true
        %not3A_256 = arith.xori %ge3A_254, %not3A_255 : i1
        %and3A_257 = arith.andi %or3A_252, %not3A_256 : i1
        %ne3A_258 = arith.cmpi ne, %add3A_185, %add3A_194 : i32
        %or3A_259 = arith.constant false
        %or3A_260 = arith.ori %or3A_259, %ne3A_258 : i1
        %or3A_261 = arith.ori %or3A_260, %eq3A_182 : i1
        %convert_element_type3A_262 = arith.extui %or3A_261 : i1 to i32
        %cond3A_263 = arith.constant 0 : i32
        %cond3A_264 = arith.cmpi ne, %convert_element_type3A_262, %cond3A_263 : i32
        scf.if %cond3A_264 {
          "tpu.trace_start"() <{level = 10 : i32, message = "ep_wait_in"}> : () -> ()
          %mul3A_480 = arith.constant 128 : i32
          %mul3A_481 = arith.muli %mul3A_480, %add3A_185 : i32
          %rem3A_482 = arith.constant 2 : i32
          %rem3A_483 = arith.remui %scan3A_173, %rem3A_482 : i32
          %dma_wait3A_484 = arith.constant 0 : i32
          %dma_wait3A_485 = arith.constant 0 : i32
          %dma_wait3A_486 = tpu.memref_slice %run_scoped3A[%rem3A_483, %dma_wait3A_484, %dma_wait3A_485] : memref<2x1x128xi32, #tpu.memory_space<vmem>> -> memref<1x1x128xi32, #tpu.memory_space<vmem>>
          %dma_wait3A_487 = tpu.memref_squeeze %dma_wait3A_486 : memref<1x1x128xi32, #tpu.memory_space<vmem>> -> memref<1x128xi32, #tpu.memory_space<vmem>>
          %dma_wait3A_488 = arith.constant 0 : i32
          %dma_wait3A_489 = tpu.memref_slice %arg4[%dma_wait3A_488, %mul3A_481] : memref<1x262144xi32, #tpu.memory_space<hbm>> -> memref<1x128xi32, #tpu.memory_space<hbm>>
          %dma_wait3A_490 = tpu.memref_slice %run_scoped3A_7[%rem3A_483] : memref<2x!tpu.dma_semaphore, #tpu.memory_space<semaphore_mem>> -> memref<1x!tpu.dma_semaphore, #tpu.memory_space<semaphore_mem>>
          %dma_wait3A_491 = tpu.memref_squeeze %dma_wait3A_490 : memref<1x!tpu.dma_semaphore, #tpu.memory_space<semaphore_mem>> -> memref<!tpu.dma_semaphore, #tpu.memory_space<semaphore_mem>>
          %dma_wait3A_492 = arith.constant 0 : i32
          %dma_wait3A_493 = arith.constant 0 : i32
          %dma_wait3A_494 = tpu.memref_slice %run_scoped3A[%rem3A_483, %dma_wait3A_492, %dma_wait3A_493] : memref<2x1x128xi32, #tpu.memory_space<vmem>> -> memref<1x1x128xi32, #tpu.memory_space<vmem>>
          %dma_wait3A_495 = tpu.memref_squeeze %dma_wait3A_494 : memref<1x1x128xi32, #tpu.memory_space<vmem>> -> memref<1x128xi32, #tpu.memory_space<vmem>>
          %dma_wait3A_496 = arith.constant 0 : i32
          %dma_wait3A_497 = tpu.memref_slice %arg4[%dma_wait3A_496, %mul3A_481] : memref<1x262144xi32, #tpu.memory_space<hbm>> -> memref<1x128xi32, #tpu.memory_space<hbm>>
          tpu.wait_dma2 semaphore(%dma_wait3A_491 : memref<!tpu.dma_semaphore, #tpu.memory_space<semaphore_mem>>) src(%dma_wait3A_497 : memref<1x128xi32, #tpu.memory_space<hbm>>) dst(%dma_wait3A_495 : memref<1x128xi32, #tpu.memory_space<vmem>>)
          "tpu.trace_stop"() : () -> ()
        } else {
        }
        %ne3A_265 = arith.cmpi ne, %add3A_185, %add3A_194 : i32
        %or3A_266 = arith.constant false
        %or3A_267 = arith.ori %or3A_266, %ne3A_265 : i1
        %or3A_268 = arith.ori %or3A_267, %eq3A_182 : i1
        %convert_element_type3A_269 = arith.extui %or3A_268 : i1 to i32
        %cond3A_270 = arith.constant 0 : i32
        %cond3A_271 = arith.cmpi ne, %convert_element_type3A_269, %cond3A_270 : i32
        scf.if %cond3A_271 {
          "tpu.trace_start"() <{level = 10 : i32, message = "ep_wait_in"}> : () -> ()
          %mul3A_480 = arith.constant 128 : i32
          %mul3A_481 = arith.muli %mul3A_480, %add3A_185 : i32
          %rem3A_482 = arith.constant 2 : i32
          %rem3A_483 = arith.remui %scan3A_175, %rem3A_482 : i32
          %dma_wait3A_484 = arith.constant 0 : i32
          %dma_wait3A_485 = arith.constant 0 : i32
          %dma_wait3A_486 = tpu.memref_slice %run_scoped3A_8[%rem3A_483, %dma_wait3A_484, %dma_wait3A_485] : memref<2x1x128xi32, #tpu.memory_space<vmem>> -> memref<1x1x128xi32, #tpu.memory_space<vmem>>
          %dma_wait3A_487 = tpu.memref_squeeze %dma_wait3A_486 : memref<1x1x128xi32, #tpu.memory_space<vmem>> -> memref<1x128xi32, #tpu.memory_space<vmem>>
          %dma_wait3A_488 = arith.constant 0 : i32
          %dma_wait3A_489 = tpu.memref_slice %arg5[%dma_wait3A_488, %mul3A_481] : memref<1x262144xi32, #tpu.memory_space<hbm>> -> memref<1x128xi32, #tpu.memory_space<hbm>>
          %dma_wait3A_490 = tpu.memref_slice %run_scoped3A_9[%rem3A_483] : memref<2x!tpu.dma_semaphore, #tpu.memory_space<semaphore_mem>> -> memref<1x!tpu.dma_semaphore, #tpu.memory_space<semaphore_mem>>
          %dma_wait3A_491 = tpu.memref_squeeze %dma_wait3A_490 : memref<1x!tpu.dma_semaphore, #tpu.memory_space<semaphore_mem>> -> memref<!tpu.dma_semaphore, #tpu.memory_space<semaphore_mem>>
          %dma_wait3A_492 = arith.constant 0 : i32
          %dma_wait3A_493 = arith.constant 0 : i32
          %dma_wait3A_494 = tpu.memref_slice %run_scoped3A_8[%rem3A_483, %dma_wait3A_492, %dma_wait3A_493] : memref<2x1x128xi32, #tpu.memory_space<vmem>> -> memref<1x1x128xi32, #tpu.memory_space<vmem>>
          %dma_wait3A_495 = tpu.memref_squeeze %dma_wait3A_494 : memref<1x1x128xi32, #tpu.memory_space<vmem>> -> memref<1x128xi32, #tpu.memory_space<vmem>>
          %dma_wait3A_496 = arith.constant 0 : i32
          %dma_wait3A_497 = tpu.memref_slice %arg5[%dma_wait3A_496, %mul3A_481] : memref<1x262144xi32, #tpu.memory_space<hbm>> -> memref<1x128xi32, #tpu.memory_space<hbm>>
          tpu.wait_dma2 semaphore(%dma_wait3A_491 : memref<!tpu.dma_semaphore, #tpu.memory_space<semaphore_mem>>) src(%dma_wait3A_497 : memref<1x128xi32, #tpu.memory_space<hbm>>) dst(%dma_wait3A_495 : memref<1x128xi32, #tpu.memory_space<vmem>>)
          "tpu.trace_stop"() : () -> ()
        } else {
        }
        %ne3A_272 = arith.cmpi ne, %add3A_185, %add3A_194 : i32
        %or3A_273 = arith.constant false
        %or3A_274 = arith.ori %or3A_273, %ne3A_272 : i1
        %or3A_275 = arith.constant false
        %or3A_276 = arith.ori %or3A_274, %or3A_275 : i1
        %or3A_277 = arith.ori %or3A_276, %eq3A_182 : i1
        %convert_element_type3A_278 = arith.extui %or3A_277 : i1 to i32
        %cond3A_279 = arith.constant 0 : i32
        %cond3A_280 = arith.cmpi ne, %convert_element_type3A_278, %cond3A_279 : i32
        scf.if %cond3A_280 {
        } else {
        }
        %ne3A_281 = arith.cmpi ne, %add3A_185, %add3A_194 : i32
        %or3A_282 = arith.constant false
        %or3A_283 = arith.ori %or3A_282, %ne3A_281 : i1
        %or3A_284 = arith.constant false
        %or3A_285 = arith.ori %or3A_283, %or3A_284 : i1
        %or3A_286 = arith.ori %or3A_285, %eq3A_182 : i1
        %convert_element_type3A_287 = arith.extui %or3A_286 : i1 to i32
        %cond3A_288 = arith.constant 0 : i32
        %cond3A_289 = arith.cmpi ne, %convert_element_type3A_287, %cond3A_288 : i32
        scf.if %cond3A_289 {
        } else {
        }
        %rem3A_290 = arith.constant 2 : i32
        %rem3A_291 = arith.remui %scan3A_173, %rem3A_290 : i32
        %rem3A_292 = arith.constant 2 : i32
        %rem3A_293 = arith.remui %scan3A_175, %rem3A_292 : i32
        %rem3A_294 = arith.constant 2 : i32
        %rem3A_295 = arith.remui %scan3A_176, %rem3A_294 : i32
        %rem3A_296 = arith.constant 2 : i32
        %rem3A_297 = arith.remui %scan3A_178, %rem3A_296 : i32
        %dma_start3A_298 = arith.constant 0 : i32
        "tpu.trace_start"() <{level = 10 : i32, message = "ep_run_kernel"}> : () -> ()
        %dma_start3A_299 = arith.constant 0 : i32
        %dma_start3A_300 = arith.constant 0 : i32
        %dma_start3A_301 = tpu.memref_slice %run_scoped3A_10[%rem3A_295, %dma_start3A_299, %dma_start3A_300] : memref<2x128x128xf32, #tpu.memory_space<vmem>> -> memref<1x128x128xf32, #tpu.memory_space<vmem>>
        %dma_start3A_302 = tpu.memref_squeeze %dma_start3A_301 : memref<1x128x128xf32, #tpu.memory_space<vmem>> -> memref<128x128xf32, #tpu.memory_space<vmem>>
        %dma_start3A_303 = arith.constant 0 : i32
        %dma_start3A_304 = arith.constant 0 : i32
        %dma_start3A_305 = tpu.memref_slice %run_scoped3A[%rem3A_291, %dma_start3A_303, %dma_start3A_304] : memref<2x1x128xi32, #tpu.memory_space<vmem>> -> memref<1x1x128xi32, #tpu.memory_space<vmem>>
        %dma_start3A_306 = tpu.memref_squeeze %dma_start3A_305 : memref<1x1x128xi32, #tpu.memory_space<vmem>> -> memref<1x128xi32, #tpu.memory_space<vmem>>
        %dma_start3A_307 = arith.constant 0 : i32
        %dma_start3A_308 = tpu.memref_slice %dma_start3A_306[%dma_start3A_298, %dma_start3A_307] : memref<1x128xi32, #tpu.memory_space<vmem>> -> memref<1x128xi32, #tpu.memory_space<vmem>>
        %dma_start3A_309 = tpu.memref_squeeze %dma_start3A_308 : memref<1x128xi32, #tpu.memory_space<vmem>> -> memref<128xi32, #tpu.memory_space<vmem>>
        %dma_start3A_310 = arith.constant 0 : i32
        %dma_start3A_311 = arith.constant 0 : i32
        %dma_start3A_312 = tpu.memref_slice %arg2[%dma_start3A_310, %dma_start3A_311] : memref<65536x128xf32, #tpu.memory_space<hbm>> -> memref<65536x128xf32, #tpu.memory_space<hbm>>
        tpu.enqueue_indirect_dma source(%dma_start3A_312 : memref<65536x128xf32, #tpu.memory_space<hbm>>) target(%dma_start3A_302 : memref<128x128xf32, #tpu.memory_space<vmem>>) offsets(%dma_start3A_309 : memref<128xi32, #tpu.memory_space<vmem>>) semaphore(%arg8 : memref<!tpu.dma_semaphore, #tpu.memory_space<semaphore_mem>>)
        %dma_start3A_313 = arith.constant 0 : i32
        %dma_start3A_314 = arith.constant 0 : i32
        %dma_start3A_315 = arith.constant 0 : i32
        %dma_start3A_316 = tpu.memref_slice %run_scoped3A_12[%rem3A_297, %dma_start3A_314, %dma_start3A_315] : memref<2x128x128xf32, #tpu.memory_space<vmem>> -> memref<1x128x128xf32, #tpu.memory_space<vmem>>
        %dma_start3A_317 = tpu.memref_squeeze %dma_start3A_316 : memref<1x128x128xf32, #tpu.memory_space<vmem>> -> memref<128x128xf32, #tpu.memory_space<vmem>>
        %dma_start3A_318 = arith.constant 0 : i32
        %dma_start3A_319 = arith.constant 0 : i32
        %dma_start3A_320 = tpu.memref_slice %run_scoped3A_8[%rem3A_293, %dma_start3A_318, %dma_start3A_319] : memref<2x1x128xi32, #tpu.memory_space<vmem>> -> memref<1x1x128xi32, #tpu.memory_space<vmem>>
        %dma_start3A_321 = tpu.memref_squeeze %dma_start3A_320 : memref<1x1x128xi32, #tpu.memory_space<vmem>> -> memref<1x128xi32, #tpu.memory_space<vmem>>
        %dma_start3A_322 = arith.constant 0 : i32
        %dma_start3A_323 = tpu.memref_slice %dma_start3A_321[%dma_start3A_313, %dma_start3A_322] : memref<1x128xi32, #tpu.memory_space<vmem>> -> memref<1x128xi32, #tpu.memory_space<vmem>>
        %dma_start3A_324 = tpu.memref_squeeze %dma_start3A_323 : memref<1x128xi32, #tpu.memory_space<vmem>> -> memref<128xi32, #tpu.memory_space<vmem>>
        %dma_start3A_325 = arith.constant 0 : i32
        %dma_start3A_326 = arith.constant 0 : i32
        %dma_start3A_327 = tpu.memref_slice %arg3[%dma_start3A_325, %dma_start3A_326] : memref<65536x128xf32, #tpu.memory_space<hbm>> -> memref<65536x128xf32, #tpu.memory_space<hbm>>
        tpu.enqueue_indirect_dma source(%dma_start3A_327 : memref<65536x128xf32, #tpu.memory_space<hbm>>) target(%dma_start3A_317 : memref<128x128xf32, #tpu.memory_space<vmem>>) offsets(%dma_start3A_324 : memref<128xi32, #tpu.memory_space<vmem>>) semaphore(%arg9 : memref<!tpu.dma_semaphore, #tpu.memory_space<semaphore_mem>>)
        %dma_wait3A_328 = arith.constant 0 : i32
        %dma_wait3A_329 = arith.constant 0 : i32
        %dma_wait3A_330 = arith.constant 0 : i32
        %dma_wait3A_331 = tpu.memref_slice %run_scoped3A_10[%rem3A_295, %dma_wait3A_329, %dma_wait3A_330] : memref<2x128x128xf32, #tpu.memory_space<vmem>> -> memref<1x128x128xf32, #tpu.memory_space<vmem>>
        %dma_wait3A_332 = tpu.memref_squeeze %dma_wait3A_331 : memref<1x128x128xf32, #tpu.memory_space<vmem>> -> memref<128x128xf32, #tpu.memory_space<vmem>>
        %dma_wait3A_333 = arith.constant 0 : i32
        %dma_wait3A_334 = arith.constant 0 : i32
        %dma_wait3A_335 = tpu.memref_slice %run_scoped3A[%rem3A_291, %dma_wait3A_333, %dma_wait3A_334] : memref<2x1x128xi32, #tpu.memory_space<vmem>> -> memref<1x1x128xi32, #tpu.memory_space<vmem>>
        %dma_wait3A_336 = tpu.memref_squeeze %dma_wait3A_335 : memref<1x1x128xi32, #tpu.memory_space<vmem>> -> memref<1x128xi32, #tpu.memory_space<vmem>>
        %dma_wait3A_337 = arith.constant 0 : i32
        %dma_wait3A_338 = tpu.memref_slice %dma_wait3A_336[%dma_wait3A_328, %dma_wait3A_337] : memref<1x128xi32, #tpu.memory_space<vmem>> -> memref<1x128xi32, #tpu.memory_space<vmem>>
        %dma_wait3A_339 = tpu.memref_squeeze %dma_wait3A_338 : memref<1x128xi32, #tpu.memory_space<vmem>> -> memref<128xi32, #tpu.memory_space<vmem>>
        %dma_wait3A_340 = arith.constant 0 : i32
        %dma_wait3A_341 = arith.constant 0 : i32
        %dma_wait3A_342 = tpu.memref_slice %arg2[%dma_wait3A_340, %dma_wait3A_341] : memref<65536x128xf32, #tpu.memory_space<hbm>> -> memref<65536x128xf32, #tpu.memory_space<hbm>>
        tpu.wait_indirect_dma semaphore(%arg8 : memref<!tpu.dma_semaphore, #tpu.memory_space<semaphore_mem>>) src(%dma_wait3A_342 : memref<65536x128xf32, #tpu.memory_space<hbm>>) dst(%dma_wait3A_332 : memref<128x128xf32, #tpu.memory_space<vmem>>)
        %dma_wait3A_343 = arith.constant 0 : i32
        %dma_wait3A_344 = arith.constant 0 : i32
        %dma_wait3A_345 = arith.constant 0 : i32
        %dma_wait3A_346 = tpu.memref_slice %run_scoped3A_12[%rem3A_297, %dma_wait3A_344, %dma_wait3A_345] : memref<2x128x128xf32, #tpu.memory_space<vmem>> -> memref<1x128x128xf32, #tpu.memory_space<vmem>>
        %dma_wait3A_347 = tpu.memref_squeeze %dma_wait3A_346 : memref<1x128x128xf32, #tpu.memory_space<vmem>> -> memref<128x128xf32, #tpu.memory_space<vmem>>
        %dma_wait3A_348 = arith.constant 0 : i32
        %dma_wait3A_349 = arith.constant 0 : i32
        %dma_wait3A_350 = tpu.memref_slice %run_scoped3A_8[%rem3A_293, %dma_wait3A_348, %dma_wait3A_349] : memref<2x1x128xi32, #tpu.memory_space<vmem>> -> memref<1x1x128xi32, #tpu.memory_space<vmem>>
        %dma_wait3A_351 = tpu.memref_squeeze %dma_wait3A_350 : memref<1x1x128xi32, #tpu.memory_space<vmem>> -> memref<1x128xi32, #tpu.memory_space<vmem>>
        %dma_wait3A_352 = arith.constant 0 : i32
        %dma_wait3A_353 = tpu.memref_slice %dma_wait3A_351[%dma_wait3A_343, %dma_wait3A_352] : memref<1x128xi32, #tpu.memory_space<vmem>> -> memref<1x128xi32, #tpu.memory_space<vmem>>
        %dma_wait3A_354 = tpu.memref_squeeze %dma_wait3A_353 : memref<1x128xi32, #tpu.memory_space<vmem>> -> memref<128xi32, #tpu.memory_space<vmem>>
        %dma_wait3A_355 = arith.constant 0 : i32
        %dma_wait3A_356 = arith.constant 0 : i32
        %dma_wait3A_357 = tpu.memref_slice %arg3[%dma_wait3A_355, %dma_wait3A_356] : memref<65536x128xf32, #tpu.memory_space<hbm>> -> memref<65536x128xf32, #tpu.memory_space<hbm>>
        tpu.wait_indirect_dma semaphore(%arg9 : memref<!tpu.dma_semaphore, #tpu.memory_space<semaphore_mem>>) src(%dma_wait3A_357 : memref<65536x128xf32, #tpu.memory_space<hbm>>) dst(%dma_wait3A_347 : memref<128x128xf32, #tpu.memory_space<vmem>>)
        "tpu.trace_stop"() : () -> ()
        %ne3A_358 = arith.cmpi ne, %add3A_185, %add3A_203 : i32
        %or3A_359 = arith.constant false
        %or3A_360 = arith.ori %or3A_359, %ne3A_358 : i1
        %or3A_361 = arith.ori %or3A_360, %eq3A_184 : i1
        %convert_element_type3A_362 = arith.extui %or3A_361 : i1 to i32
        %cond3A_363 = arith.constant 0 : i32
        %cond3A_364 = arith.cmpi ne, %convert_element_type3A_362, %cond3A_363 : i32
        scf.if %cond3A_364 {
        } else {
        }
        %and3A_365 = arith.constant false
        %and3A_366 = arith.andi %or3A_361, %and3A_365 : i1
        %ne3A_367 = arith.cmpi ne, %add3A_185, %add3A_203 : i32
        %or3A_368 = arith.constant false
        %or3A_369 = arith.ori %or3A_368, %ne3A_367 : i1
        %or3A_370 = arith.ori %or3A_369, %eq3A_184 : i1
        %convert_element_type3A_371 = arith.extui %or3A_370 : i1 to i32
        %cond3A_372 = arith.constant 0 : i32
        %cond3A_373 = arith.cmpi ne, %convert_element_type3A_371, %cond3A_372 : i32
        scf.if %cond3A_373 {
        } else {
        }
        %and3A_374 = arith.constant false
        %and3A_375 = arith.andi %or3A_370, %and3A_374 : i1
        %ne3A_376 = arith.cmpi ne, %add3A_185, %add3A_203 : i32
        %or3A_377 = arith.constant false
        %or3A_378 = arith.ori %or3A_377, %ne3A_376 : i1
        %or3A_379 = arith.constant false
        %or3A_380 = arith.ori %or3A_378, %or3A_379 : i1
        %or3A_381 = arith.ori %or3A_380, %eq3A_184 : i1
        %convert_element_type3A_382 = arith.extui %or3A_381 : i1 to i32
        %cond3A_383 = arith.constant 0 : i32
        %cond3A_384 = arith.cmpi ne, %convert_element_type3A_382, %cond3A_383 : i32
        scf.if %cond3A_384 {
          "tpu.trace_start"() <{level = 10 : i32, message = "ep_copy_out"}> : () -> ()
          %rem3A_480 = arith.constant 2 : i32
          %rem3A_481 = arith.remui %scan3A_176, %rem3A_480 : i32
          %mul3A_482 = arith.constant 128 : i32
          %mul3A_483 = arith.muli %mul3A_482, %add3A_185 : i32
          %dma_start3A_484 = arith.constant 0 : i32
          %dma_start3A_485 = arith.constant 0 : i32
          %dma_start3A_486 = tpu.memref_slice %run_scoped3A_10[%rem3A_481, %dma_start3A_484, %dma_start3A_485] : memref<2x128x128xf32, #tpu.memory_space<vmem>> -> memref<1x128x128xf32, #tpu.memory_space<vmem>>
          %dma_start3A_487 = tpu.memref_squeeze %dma_start3A_486 : memref<1x128x128xf32, #tpu.memory_space<vmem>> -> memref<128x128xf32, #tpu.memory_space<vmem>>
          %dma_start3A_488 = arith.constant 0 : i32
          %dma_start3A_489 = tpu.memref_slice %arg6[%mul3A_483, %dma_start3A_488] : memref<262144x128xf32, #tpu.memory_space<hbm>> -> memref<128x128xf32, #tpu.memory_space<hbm>>
          %dma_start3A_490 = tpu.memref_slice %run_scoped3A_11[%rem3A_481] : memref<2x!tpu.dma_semaphore, #tpu.memory_space<semaphore_mem>> -> memref<1x!tpu.dma_semaphore, #tpu.memory_space<semaphore_mem>>
          %dma_start3A_491 = tpu.memref_squeeze %dma_start3A_490 : memref<1x!tpu.dma_semaphore, #tpu.memory_space<semaphore_mem>> -> memref<!tpu.dma_semaphore, #tpu.memory_space<semaphore_mem>>
          %dma_start3A_492 = arith.constant 0 : i32
          %dma_start3A_493 = tpu.memref_slice %arg6[%mul3A_483, %dma_start3A_492] : memref<262144x128xf32, #tpu.memory_space<hbm>> -> memref<128x128xf32, #tpu.memory_space<hbm>>
          %dma_start3A_494 = arith.constant 0 : i32
          %dma_start3A_495 = arith.constant 0 : i32
          %dma_start3A_496 = tpu.memref_slice %run_scoped3A_10[%rem3A_481, %dma_start3A_494, %dma_start3A_495] : memref<2x128x128xf32, #tpu.memory_space<vmem>> -> memref<1x128x128xf32, #tpu.memory_space<vmem>>
          %dma_start3A_497 = tpu.memref_squeeze %dma_start3A_496 : memref<1x128x128xf32, #tpu.memory_space<vmem>> -> memref<128x128xf32, #tpu.memory_space<vmem>>
          tpu.enqueue_dma source(%dma_start3A_497 : memref<128x128xf32, #tpu.memory_space<vmem>>) target(%dma_start3A_493 : memref<128x128xf32, #tpu.memory_space<hbm>>) target_semaphore(%dma_start3A_491 : memref<!tpu.dma_semaphore, #tpu.memory_space<semaphore_mem>>)
          "tpu.trace_stop"() : () -> ()
        } else {
        }
        %and3A_385 = arith.constant true
        %and3A_386 = arith.andi %or3A_381, %and3A_385 : i1
        %add3A_387 = arith.constant 1 : i32
        %add3A_388 = arith.addi %scan3A_176, %add3A_387 : i32
        %select_n3A_389 = arith.select %and3A_386, %add3A_388, %scan3A_176 : i32
        %ne3A_390 = arith.cmpi ne, %add3A_185, %add3A_203 : i32
        %or3A_391 = arith.constant false
        %or3A_392 = arith.ori %or3A_391, %ne3A_390 : i1
        %or3A_393 = arith.constant false
        %or3A_394 = arith.ori %or3A_392, %or3A_393 : i1
        %or3A_395 = arith.ori %or3A_394, %eq3A_184 : i1
        %convert_element_type3A_396 = arith.extui %or3A_395 : i1 to i32
        %cond3A_397 = arith.constant 0 : i32
        %cond3A_398 = arith.cmpi ne, %convert_element_type3A_396, %cond3A_397 : i32
        scf.if %cond3A_398 {
          "tpu.trace_start"() <{level = 10 : i32, message = "ep_copy_out"}> : () -> ()
          %rem3A_480 = arith.constant 2 : i32
          %rem3A_481 = arith.remui %scan3A_178, %rem3A_480 : i32
          %mul3A_482 = arith.constant 128 : i32
          %mul3A_483 = arith.muli %mul3A_482, %add3A_185 : i32
          %dma_start3A_484 = arith.constant 0 : i32
          %dma_start3A_485 = arith.constant 0 : i32
          %dma_start3A_486 = tpu.memref_slice %run_scoped3A_12[%rem3A_481, %dma_start3A_484, %dma_start3A_485] : memref<2x128x128xf32, #tpu.memory_space<vmem>> -> memref<1x128x128xf32, #tpu.memory_space<vmem>>
          %dma_start3A_487 = tpu.memref_squeeze %dma_start3A_486 : memref<1x128x128xf32, #tpu.memory_space<vmem>> -> memref<128x128xf32, #tpu.memory_space<vmem>>
          %dma_start3A_488 = arith.constant 0 : i32
          %dma_start3A_489 = tpu.memref_slice %arg7[%mul3A_483, %dma_start3A_488] : memref<262144x128xf32, #tpu.memory_space<hbm>> -> memref<128x128xf32, #tpu.memory_space<hbm>>
          %dma_start3A_490 = tpu.memref_slice %run_scoped3A_13[%rem3A_481] : memref<2x!tpu.dma_semaphore, #tpu.memory_space<semaphore_mem>> -> memref<1x!tpu.dma_semaphore, #tpu.memory_space<semaphore_mem>>
          %dma_start3A_491 = tpu.memref_squeeze %dma_start3A_490 : memref<1x!tpu.dma_semaphore, #tpu.memory_space<semaphore_mem>> -> memref<!tpu.dma_semaphore, #tpu.memory_space<semaphore_mem>>
          %dma_start3A_492 = arith.constant 0 : i32
          %dma_start3A_493 = tpu.memref_slice %arg7[%mul3A_483, %dma_start3A_492] : memref<262144x128xf32, #tpu.memory_space<hbm>> -> memref<128x128xf32, #tpu.memory_space<hbm>>
          %dma_start3A_494 = arith.constant 0 : i32
          %dma_start3A_495 = arith.constant 0 : i32
          %dma_start3A_496 = tpu.memref_slice %run_scoped3A_12[%rem3A_481, %dma_start3A_494, %dma_start3A_495] : memref<2x128x128xf32, #tpu.memory_space<vmem>> -> memref<1x128x128xf32, #tpu.memory_space<vmem>>
          %dma_start3A_497 = tpu.memref_squeeze %dma_start3A_496 : memref<1x128x128xf32, #tpu.memory_space<vmem>> -> memref<128x128xf32, #tpu.memory_space<vmem>>
          tpu.enqueue_dma source(%dma_start3A_497 : memref<128x128xf32, #tpu.memory_space<vmem>>) target(%dma_start3A_493 : memref<128x128xf32, #tpu.memory_space<hbm>>) target_semaphore(%dma_start3A_491 : memref<!tpu.dma_semaphore, #tpu.memory_space<semaphore_mem>>)
          "tpu.trace_stop"() : () -> ()
        } else {
        }
        %and3A_399 = arith.constant true
        %and3A_400 = arith.andi %or3A_395, %and3A_399 : i1
        %add3A_401 = arith.constant 1 : i32
        %add3A_402 = arith.addi %scan3A_178, %add3A_401 : i32
        %select_n3A_403 = arith.select %and3A_400, %add3A_402, %scan3A_178 : i32
        %ne3A_404 = arith.cmpi ne, %add3A_185, %add3A_194 : i32
        %or3A_405 = arith.constant false
        %or3A_406 = arith.ori %or3A_405, %ne3A_404 : i1
        %not3A_407 = arith.constant true
        %not3A_408 = arith.xori %eq3A_182, %not3A_407 : i1
        %and3A_409 = arith.andi %or3A_406, %not3A_408 : i1
        %convert_element_type3A_410 = arith.extui %and3A_409 : i1 to i32
        %cond3A_411 = arith.constant 0 : i32
        %cond3A_412 = arith.cmpi ne, %convert_element_type3A_410, %cond3A_411 : i32
        scf.if %cond3A_412 {
        } else {
        }
        %and3A_413 = arith.constant false
        %and3A_414 = arith.andi %and3A_409, %and3A_413 : i1
        %ne3A_415 = arith.cmpi ne, %add3A_185, %add3A_194 : i32
        %or3A_416 = arith.constant false
        %or3A_417 = arith.ori %or3A_416, %ne3A_415 : i1
        %not3A_418 = arith.constant true
        %not3A_419 = arith.xori %eq3A_182, %not3A_418 : i1
        %and3A_420 = arith.andi %or3A_417, %not3A_419 : i1
        %convert_element_type3A_421 = arith.extui %and3A_420 : i1 to i32
        %cond3A_422 = arith.constant 0 : i32
        %cond3A_423 = arith.cmpi ne, %convert_element_type3A_421, %cond3A_422 : i32
        scf.if %cond3A_423 {
        } else {
        }
        %and3A_424 = arith.constant false
        %and3A_425 = arith.andi %and3A_420, %and3A_424 : i1
        %ne3A_426 = arith.cmpi ne, %add3A_185, %add3A_194 : i32
        %or3A_427 = arith.constant false
        %or3A_428 = arith.ori %or3A_427, %ne3A_426 : i1
        %or3A_429 = arith.constant false
        %or3A_430 = arith.ori %or3A_428, %or3A_429 : i1
        %not3A_431 = arith.constant true
        %not3A_432 = arith.xori %eq3A_182, %not3A_431 : i1
        %and3A_433 = arith.andi %or3A_430, %not3A_432 : i1
        %convert_element_type3A_434 = arith.extui %and3A_433 : i1 to i32
        %cond3A_435 = arith.constant 0 : i32
        %cond3A_436 = arith.cmpi ne, %convert_element_type3A_434, %cond3A_435 : i32
        scf.if %cond3A_436 {
          "tpu.trace_start"() <{level = 10 : i32, message = "ep_wait_out"}> : () -> ()
          %rem3A_480 = arith.constant 2 : i32
          %rem3A_481 = arith.remui %scan3A_177, %rem3A_480 : i32
          %mul3A_482 = arith.constant 128 : i32
          %mul3A_483 = arith.muli %mul3A_482, %add3A_194 : i32
          %dma_wait3A_484 = arith.constant 0 : i32
          %dma_wait3A_485 = arith.constant 0 : i32
          %dma_wait3A_486 = tpu.memref_slice %run_scoped3A_10[%rem3A_481, %dma_wait3A_484, %dma_wait3A_485] : memref<2x128x128xf32, #tpu.memory_space<vmem>> -> memref<1x128x128xf32, #tpu.memory_space<vmem>>
          %dma_wait3A_487 = tpu.memref_squeeze %dma_wait3A_486 : memref<1x128x128xf32, #tpu.memory_space<vmem>> -> memref<128x128xf32, #tpu.memory_space<vmem>>
          %dma_wait3A_488 = arith.constant 0 : i32
          %dma_wait3A_489 = tpu.memref_slice %arg6[%mul3A_483, %dma_wait3A_488] : memref<262144x128xf32, #tpu.memory_space<hbm>> -> memref<128x128xf32, #tpu.memory_space<hbm>>
          %dma_wait3A_490 = tpu.memref_slice %run_scoped3A_11[%rem3A_481] : memref<2x!tpu.dma_semaphore, #tpu.memory_space<semaphore_mem>> -> memref<1x!tpu.dma_semaphore, #tpu.memory_space<semaphore_mem>>
          %dma_wait3A_491 = tpu.memref_squeeze %dma_wait3A_490 : memref<1x!tpu.dma_semaphore, #tpu.memory_space<semaphore_mem>> -> memref<!tpu.dma_semaphore, #tpu.memory_space<semaphore_mem>>
          %dma_wait3A_492 = arith.constant 0 : i32
          %dma_wait3A_493 = tpu.memref_slice %arg6[%mul3A_483, %dma_wait3A_492] : memref<262144x128xf32, #tpu.memory_space<hbm>> -> memref<128x128xf32, #tpu.memory_space<hbm>>
          %dma_wait3A_494 = arith.constant 0 : i32
          %dma_wait3A_495 = arith.constant 0 : i32
          %dma_wait3A_496 = tpu.memref_slice %run_scoped3A_10[%rem3A_481, %dma_wait3A_494, %dma_wait3A_495] : memref<2x128x128xf32, #tpu.memory_space<vmem>> -> memref<1x128x128xf32, #tpu.memory_space<vmem>>
          %dma_wait3A_497 = tpu.memref_squeeze %dma_wait3A_496 : memref<1x128x128xf32, #tpu.memory_space<vmem>> -> memref<128x128xf32, #tpu.memory_space<vmem>>
          tpu.wait_dma2 semaphore(%dma_wait3A_491 : memref<!tpu.dma_semaphore, #tpu.memory_space<semaphore_mem>>) src(%dma_wait3A_497 : memref<128x128xf32, #tpu.memory_space<vmem>>) dst(%dma_wait3A_493 : memref<128x128xf32, #tpu.memory_space<hbm>>)
          "tpu.trace_stop"() : () -> ()
        } else {
        }
        %and3A_437 = arith.constant true
        %and3A_438 = arith.andi %and3A_433, %and3A_437 : i1
        %add3A_439 = arith.constant 1 : i32
        %add3A_440 = arith.addi %scan3A_177, %add3A_439 : i32
        %select_n3A_441 = arith.select %and3A_438, %add3A_440, %scan3A_177 : i32
        %ne3A_442 = arith.cmpi ne, %add3A_185, %add3A_194 : i32
        %or3A_443 = arith.constant false
        %or3A_444 = arith.ori %or3A_443, %ne3A_442 : i1
        %or3A_445 = arith.constant false
        %or3A_446 = arith.ori %or3A_444, %or3A_445 : i1
        %not3A_447 = arith.constant true
        %not3A_448 = arith.xori %eq3A_182, %not3A_447 : i1
        %and3A_449 = arith.andi %or3A_446, %not3A_448 : i1
        %convert_element_type3A_450 = arith.extui %and3A_449 : i1 to i32
        %cond3A_451 = arith.constant 0 : i32
        %cond3A_452 = arith.cmpi ne, %convert_element_type3A_450, %cond3A_451 : i32
        scf.if %cond3A_452 {
          "tpu.trace_start"() <{level = 10 : i32, message = "ep_wait_out"}> : () -> ()
          %rem3A_480 = arith.constant 2 : i32
          %rem3A_481 = arith.remui %scan3A_179, %rem3A_480 : i32
          %mul3A_482 = arith.constant 128 : i32
          %mul3A_483 = arith.muli %mul3A_482, %add3A_194 : i32
          %dma_wait3A_484 = arith.constant 0 : i32
          %dma_wait3A_485 = arith.constant 0 : i32
          %dma_wait3A_486 = tpu.memref_slice %run_scoped3A_12[%rem3A_481, %dma_wait3A_484, %dma_wait3A_485] : memref<2x128x128xf32, #tpu.memory_space<vmem>> -> memref<1x128x128xf32, #tpu.memory_space<vmem>>
          %dma_wait3A_487 = tpu.memref_squeeze %dma_wait3A_486 : memref<1x128x128xf32, #tpu.memory_space<vmem>> -> memref<128x128xf32, #tpu.memory_space<vmem>>
          %dma_wait3A_488 = arith.constant 0 : i32
          %dma_wait3A_489 = tpu.memref_slice %arg7[%mul3A_483, %dma_wait3A_488] : memref<262144x128xf32, #tpu.memory_space<hbm>> -> memref<128x128xf32, #tpu.memory_space<hbm>>
          %dma_wait3A_490 = tpu.memref_slice %run_scoped3A_13[%rem3A_481] : memref<2x!tpu.dma_semaphore, #tpu.memory_space<semaphore_mem>> -> memref<1x!tpu.dma_semaphore, #tpu.memory_space<semaphore_mem>>
          %dma_wait3A_491 = tpu.memref_squeeze %dma_wait3A_490 : memref<1x!tpu.dma_semaphore, #tpu.memory_space<semaphore_mem>> -> memref<!tpu.dma_semaphore, #tpu.memory_space<semaphore_mem>>
          %dma_wait3A_492 = arith.constant 0 : i32
          %dma_wait3A_493 = tpu.memref_slice %arg7[%mul3A_483, %dma_wait3A_492] : memref<262144x128xf32, #tpu.memory_space<hbm>> -> memref<128x128xf32, #tpu.memory_space<hbm>>
          %dma_wait3A_494 = arith.constant 0 : i32
          %dma_wait3A_495 = arith.constant 0 : i32
          %dma_wait3A_496 = tpu.memref_slice %run_scoped3A_12[%rem3A_481, %dma_wait3A_494, %dma_wait3A_495] : memref<2x128x128xf32, #tpu.memory_space<vmem>> -> memref<1x128x128xf32, #tpu.memory_space<vmem>>
          %dma_wait3A_497 = tpu.memref_squeeze %dma_wait3A_496 : memref<1x128x128xf32, #tpu.memory_space<vmem>> -> memref<128x128xf32, #tpu.memory_space<vmem>>
          tpu.wait_dma2 semaphore(%dma_wait3A_491 : memref<!tpu.dma_semaphore, #tpu.memory_space<semaphore_mem>>) src(%dma_wait3A_497 : memref<128x128xf32, #tpu.memory_space<vmem>>) dst(%dma_wait3A_493 : memref<128x128xf32, #tpu.memory_space<hbm>>)
          "tpu.trace_stop"() : () -> ()
        } else {
        }
        %and3A_453 = arith.constant true
        %and3A_454 = arith.andi %and3A_449, %and3A_453 : i1
        %add3A_455 = arith.constant 1 : i32
        %add3A_456 = arith.addi %scan3A_179, %add3A_455 : i32
        %select_n3A_457 = arith.select %and3A_454, %add3A_456, %scan3A_179 : i32
        %ne3A_458 = arith.cmpi ne, %add3A_185, %add3A_203 : i32
        %or3A_459 = arith.constant false
        %or3A_460 = arith.ori %or3A_459, %ne3A_458 : i1
        %or3A_461 = arith.ori %or3A_460, %eq3A_184 : i1
        %add3A_462 = arith.constant 1 : i32
        %add3A_463 = arith.addi %scan3A_173, %add3A_462 : i32
        %select_n3A_464 = arith.select %or3A_461, %add3A_463, %scan3A_173 : i32
        %ne3A_465 = arith.cmpi ne, %add3A_185, %add3A_203 : i32
        %or3A_466 = arith.constant false
        %or3A_467 = arith.ori %or3A_466, %ne3A_465 : i1
        %or3A_468 = arith.ori %or3A_467, %eq3A_184 : i1
        %add3A_469 = arith.constant 1 : i32
        %add3A_470 = arith.addi %scan3A_175, %add3A_469 : i32
        %select_n3A_471 = arith.select %or3A_468, %add3A_470, %scan3A_175 : i32
        %add3A_472 = arith.constant 1 : i32
        %add3A_473 = arith.addi %scan3A_180, %add3A_472 : i32
        %select_n3A_474 = arith.constant true
        %select_n3A_475 = arith.select %select_n3A_474, %add3A_473, %scan3A_180 : i32
        %eq3A_476 = arith.constant 64 : i32
        %eq3A_477 = arith.cmpi eq, %select_n3A_475, %eq3A_476 : i32
        %select_n3A_478 = arith.constant 0 : i32
        %select_n3A_479 = arith.select %eq3A_477, %select_n3A_478, %select_n3A_475 : i32
        scf.yield %select_n3A_221, %select_n3A_464, %select_n3A_237, %select_n3A_471, %select_n3A_389, %select_n3A_441, %select_n3A_403, %select_n3A_457, %select_n3A_479 : i32, i32, i32, i32, i32, i32, i32, i32, i32
      }
      %scan3A_100 = arith.constant 64 : i32
      %sub3A = arith.constant 1 : i32
      %sub3A_101 = arith.subi %scan3A_99#8, %sub3A : i32
      %select_n3A_102 = arith.constant true
      %select_n3A_103 = arith.select %select_n3A_102, %sub3A_101, %scan3A_99#8 : i32
      %eq3A_104 = arith.constant -1 : i32
      %eq3A_105 = arith.cmpi eq, %select_n3A_103, %eq3A_104 : i32
      %select_n3A_106 = arith.constant 63 : i32
      %select_n3A_107 = arith.select %eq3A_105, %select_n3A_106, %select_n3A_103 : i32
      %add3A_108 = arith.addi %select_n3A_107, %mul3A_6 : i32
      %sub3A_109 = arith.constant 1 : i32
      %sub3A_110 = arith.subi %select_n3A_107, %sub3A_109 : i32
      %select_n3A_111 = arith.constant true
      %select_n3A_112 = arith.select %select_n3A_111, %sub3A_110, %select_n3A_107 : i32
      %eq3A_113 = arith.constant -1 : i32
      %eq3A_114 = arith.cmpi eq, %select_n3A_112, %eq3A_113 : i32
      %select_n3A_115 = arith.constant 63 : i32
      %select_n3A_116 = arith.select %eq3A_114, %select_n3A_115, %select_n3A_112 : i32
      %add3A_117 = arith.addi %select_n3A_116, %mul3A_6 : i32
      %add3A_118 = arith.constant 1 : i32
      %add3A_119 = arith.addi %select_n3A_107, %add3A_118 : i32
      %select_n3A_120 = arith.constant true
      %select_n3A_121 = arith.select %select_n3A_120, %add3A_119, %select_n3A_107 : i32
      %eq3A_122 = arith.constant 64 : i32
      %eq3A_123 = arith.cmpi eq, %select_n3A_121, %eq3A_122 : i32
      %select_n3A_124 = arith.constant 0 : i32
      %select_n3A_125 = arith.select %eq3A_123, %select_n3A_124, %select_n3A_121 : i32
      %add3A_126 = arith.addi %select_n3A_125, %mul3A_6 : i32
      %add3A_127 = arith.constant 1 : i32
      %add3A_128 = arith.addi %select_n3A_125, %add3A_127 : i32
      %select_n3A_129 = arith.constant true
      %select_n3A_130 = arith.select %select_n3A_129, %add3A_128, %select_n3A_125 : i32
      %eq3A_131 = arith.constant 64 : i32
      %eq3A_132 = arith.cmpi eq, %select_n3A_130, %eq3A_131 : i32
      %select_n3A_133 = arith.constant 0 : i32
      %select_n3A_134 = arith.select %eq3A_132, %select_n3A_133, %select_n3A_130 : i32
      %add3A_135 = arith.addi %select_n3A_134, %mul3A_6 : i32
      "tpu.trace_start"() <{level = 10 : i32, message = "ep_finalize"}> : () -> ()
      %rem3A_136 = arith.constant 2 : i32
      %rem3A_137 = arith.remui %scan3A_99#5, %rem3A_136 : i32
      %mul3A_138 = arith.constant 128 : i32
      %mul3A_139 = arith.muli %mul3A_138, %add3A_108 : i32
      %dma_wait3A = arith.constant 0 : i32
      %dma_wait3A_140 = arith.constant 0 : i32
      %dma_wait3A_141 = tpu.memref_slice %run_scoped3A_10[%rem3A_137, %dma_wait3A, %dma_wait3A_140] : memref<2x128x128xf32, #tpu.memory_space<vmem>> -> memref<1x128x128xf32, #tpu.memory_space<vmem>>
      %dma_wait3A_142 = tpu.memref_squeeze %dma_wait3A_141 : memref<1x128x128xf32, #tpu.memory_space<vmem>> -> memref<128x128xf32, #tpu.memory_space<vmem>>
      %dma_wait3A_143 = arith.constant 0 : i32
      %dma_wait3A_144 = tpu.memref_slice %arg6[%mul3A_139, %dma_wait3A_143] : memref<262144x128xf32, #tpu.memory_space<hbm>> -> memref<128x128xf32, #tpu.memory_space<hbm>>
      %dma_wait3A_145 = tpu.memref_slice %run_scoped3A_11[%rem3A_137] : memref<2x!tpu.dma_semaphore, #tpu.memory_space<semaphore_mem>> -> memref<1x!tpu.dma_semaphore, #tpu.memory_space<semaphore_mem>>
      %dma_wait3A_146 = tpu.memref_squeeze %dma_wait3A_145 : memref<1x!tpu.dma_semaphore, #tpu.memory_space<semaphore_mem>> -> memref<!tpu.dma_semaphore, #tpu.memory_space<semaphore_mem>>
      %dma_wait3A_147 = arith.constant 0 : i32
      %dma_wait3A_148 = tpu.memref_slice %arg6[%mul3A_139, %dma_wait3A_147] : memref<262144x128xf32, #tpu.memory_space<hbm>> -> memref<128x128xf32, #tpu.memory_space<hbm>>
      %dma_wait3A_149 = arith.constant 0 : i32
      %dma_wait3A_150 = arith.constant 0 : i32
      %dma_wait3A_151 = tpu.memref_slice %run_scoped3A_10[%rem3A_137, %dma_wait3A_149, %dma_wait3A_150] : memref<2x128x128xf32, #tpu.memory_space<vmem>> -> memref<1x128x128xf32, #tpu.memory_space<vmem>>
      %dma_wait3A_152 = tpu.memref_squeeze %dma_wait3A_151 : memref<1x128x128xf32, #tpu.memory_space<vmem>> -> memref<128x128xf32, #tpu.memory_space<vmem>>
      tpu.wait_dma2 semaphore(%dma_wait3A_146 : memref<!tpu.dma_semaphore, #tpu.memory_space<semaphore_mem>>) src(%dma_wait3A_152 : memref<128x128xf32, #tpu.memory_space<vmem>>) dst(%dma_wait3A_148 : memref<128x128xf32, #tpu.memory_space<hbm>>)
      %rem3A_153 = arith.constant 2 : i32
      %rem3A_154 = arith.remui %scan3A_99#7, %rem3A_153 : i32
      %mul3A_155 = arith.constant 128 : i32
      %mul3A_156 = arith.muli %mul3A_155, %add3A_108 : i32
      %dma_wait3A_157 = arith.constant 0 : i32
      %dma_wait3A_158 = arith.constant 0 : i32
      %dma_wait3A_159 = tpu.memref_slice %run_scoped3A_12[%rem3A_154, %dma_wait3A_157, %dma_wait3A_158] : memref<2x128x128xf32, #tpu.memory_space<vmem>> -> memref<1x128x128xf32, #tpu.memory_space<vmem>>
      %dma_wait3A_160 = tpu.memref_squeeze %dma_wait3A_159 : memref<1x128x128xf32, #tpu.memory_space<vmem>> -> memref<128x128xf32, #tpu.memory_space<vmem>>
      %dma_wait3A_161 = arith.constant 0 : i32
      %dma_wait3A_162 = tpu.memref_slice %arg7[%mul3A_156, %dma_wait3A_161] : memref<262144x128xf32, #tpu.memory_space<hbm>> -> memref<128x128xf32, #tpu.memory_space<hbm>>
      %dma_wait3A_163 = tpu.memref_slice %run_scoped3A_13[%rem3A_154] : memref<2x!tpu.dma_semaphore, #tpu.memory_space<semaphore_mem>> -> memref<1x!tpu.dma_semaphore, #tpu.memory_space<semaphore_mem>>
      %dma_wait3A_164 = tpu.memref_squeeze %dma_wait3A_163 : memref<1x!tpu.dma_semaphore, #tpu.memory_space<semaphore_mem>> -> memref<!tpu.dma_semaphore, #tpu.memory_space<semaphore_mem>>
      %dma_wait3A_165 = arith.constant 0 : i32
      %dma_wait3A_166 = tpu.memref_slice %arg7[%mul3A_156, %dma_wait3A_165] : memref<262144x128xf32, #tpu.memory_space<hbm>> -> memref<128x128xf32, #tpu.memory_space<hbm>>
      %dma_wait3A_167 = arith.constant 0 : i32
      %dma_wait3A_168 = arith.constant 0 : i32
      %dma_wait3A_169 = tpu.memref_slice %run_scoped3A_12[%rem3A_154, %dma_wait3A_167, %dma_wait3A_168] : memref<2x128x128xf32, #tpu.memory_space<vmem>> -> memref<1x128x128xf32, #tpu.memory_space<vmem>>
      %dma_wait3A_170 = tpu.memref_squeeze %dma_wait3A_169 : memref<1x128x128xf32, #tpu.memory_space<vmem>> -> memref<128x128xf32, #tpu.memory_space<vmem>>
      tpu.wait_dma2 semaphore(%dma_wait3A_164 : memref<!tpu.dma_semaphore, #tpu.memory_space<semaphore_mem>>) src(%dma_wait3A_170 : memref<128x128xf32, #tpu.memory_space<vmem>>) dst(%dma_wait3A_166 : memref<128x128xf32, #tpu.memory_space<hbm>>)
      "tpu.trace_stop"() : () -> ()
      tpu.yield
    }) : () -> ()
    return
  }
}

#map = affine_map<(d0, d1) -> (0, 0)>
module attributes {stable_mosaic.version = 14 : i64} {
  func.func @run(%arg0: i32, %arg1: i32, %arg2: memref<262144x128xf32, #tpu.memory_space<hbm>>, %arg3: memref<1x262144xi32, #tpu.memory_space<hbm>>, %arg4: memref<262144x128xf32, #tpu.memory_space<hbm>>) attributes {dimension_semantics = [#tpu.dimension_semantics<core_parallel>, #tpu.dimension_semantics<subcore_parallel>], iteration_bounds = array<i64: 2, 16>, scalar_prefetch = 0 : i64, scratch_operands = 0 : i64, tpu.core_type = #tpu.core_type<sc_vector_subcore>, window_params = [{transform_indices = #map}, {transform_indices = #map}, {transform_indices = #map}]} {
    %mul3A = arith.constant 1 : i32
    %mul3A_0 = arith.muli %arg1, %mul3A : i32
    %add3A = arith.constant 0 : i32
    %add3A_1 = arith.addi %add3A, %mul3A_0 : i32
    %mul3A_2 = arith.constant 16 : i32
    %mul3A_3 = arith.muli %arg0, %mul3A_2 : i32
    %add3A_4 = arith.addi %add3A_1, %mul3A_3 : i32
    %mul3A_5 = arith.constant 64 : i32
    %mul3A_6 = arith.muli %add3A_4, %mul3A_5 : i32
    "tpu.region"() ({
      %run_scoped3A = memref.alloca() : memref<2x128x128xf32, #tpu.memory_space<vmem>>
      %run_scoped3A_7 = tpu.sem_alloc : memref<2x!tpu.dma_semaphore, #tpu.memory_space<semaphore_mem>>
      %run_scoped3A_8 = memref.alloca() : memref<2x1x128xi32, #tpu.memory_space<vmem>>
      %run_scoped3A_9 = tpu.sem_alloc : memref<2x!tpu.dma_semaphore, #tpu.memory_space<semaphore_mem>>
      %add3A_10 = arith.constant 0 : i32
      %add3A_11 = arith.addi %add3A_10, %mul3A_6 : i32
      %select_n3A = arith.constant true
      %select_n3A_12 = arith.constant 0 : i32
      %select_n3A_13 = arith.constant -1 : i32
      %select_n3A_14 = arith.select %select_n3A, %select_n3A_13, %select_n3A_12 : i32
      %eq3A = arith.constant -1 : i32
      %eq3A_15 = arith.cmpi eq, %select_n3A_14, %eq3A : i32
      %select_n3A_16 = arith.constant 63 : i32
      %select_n3A_17 = arith.select %eq3A_15, %select_n3A_16, %select_n3A_14 : i32
      %add3A_18 = arith.addi %select_n3A_17, %mul3A_6 : i32
      %select_n3A_19 = arith.constant true
      %select_n3A_20 = arith.constant 0 : i32
      %select_n3A_21 = arith.constant 1 : i32
      %select_n3A_22 = arith.select %select_n3A_19, %select_n3A_21, %select_n3A_20 : i32
      %eq3A_23 = arith.constant 64 : i32
      %eq3A_24 = arith.cmpi eq, %select_n3A_22, %eq3A_23 : i32
      %select_n3A_25 = arith.constant 0 : i32
      %select_n3A_26 = arith.select %eq3A_24, %select_n3A_25, %select_n3A_22 : i32
      %add3A_27 = arith.addi %select_n3A_26, %mul3A_6 : i32
      %add3A_28 = arith.constant 1 : i32
      %add3A_29 = arith.addi %select_n3A_26, %add3A_28 : i32
      %select_n3A_30 = arith.constant true
      %select_n3A_31 = arith.select %select_n3A_30, %add3A_29, %select_n3A_26 : i32
      %eq3A_32 = arith.constant 64 : i32
      %eq3A_33 = arith.cmpi eq, %select_n3A_31, %eq3A_32 : i32
      %select_n3A_34 = arith.constant 0 : i32
      %select_n3A_35 = arith.select %eq3A_33, %select_n3A_34, %select_n3A_31 : i32
      %add3A_36 = arith.addi %select_n3A_35, %mul3A_6 : i32
      "tpu.trace_start"() <{level = 10 : i32, message = "ep_initialize_0"}> : () -> ()
      %rem3A = arith.constant 0 : i32
      %rem3A_37 = arith.constant 2 : i32
      %rem3A_38 = arith.remui %rem3A, %rem3A_37 : i32
      %mul3A_39 = arith.constant 128 : i32
      %mul3A_40 = arith.muli %mul3A_39, %add3A_11 : i32
      %dma_start3A = arith.constant 0 : i32
      %dma_start3A_41 = arith.constant 0 : i32
      %dma_start3A_42 = tpu.memref_slice %run_scoped3A[%rem3A_38, %dma_start3A, %dma_start3A_41] : memref<2x128x128xf32, #tpu.memory_space<vmem>> -> memref<1x128x128xf32, #tpu.memory_space<vmem>>
      %dma_start3A_43 = tpu.memref_squeeze %dma_start3A_42 : memref<1x128x128xf32, #tpu.memory_space<vmem>> -> memref<128x128xf32, #tpu.memory_space<vmem>>
      %dma_start3A_44 = arith.constant 0 : i32
      %dma_start3A_45 = tpu.memref_slice %arg2[%mul3A_40, %dma_start3A_44] : memref<262144x128xf32, #tpu.memory_space<hbm>> -> memref<128x128xf32, #tpu.memory_space<hbm>>
      %dma_start3A_46 = tpu.memref_slice %run_scoped3A_7[%rem3A_38] : memref<2x!tpu.dma_semaphore, #tpu.memory_space<semaphore_mem>> -> memref<1x!tpu.dma_semaphore, #tpu.memory_space<semaphore_mem>>
      %dma_start3A_47 = tpu.memref_squeeze %dma_start3A_46 : memref<1x!tpu.dma_semaphore, #tpu.memory_space<semaphore_mem>> -> memref<!tpu.dma_semaphore, #tpu.memory_space<semaphore_mem>>
      %dma_start3A_48 = arith.constant 0 : i32
      %dma_start3A_49 = arith.constant 0 : i32
      %dma_start3A_50 = tpu.memref_slice %run_scoped3A[%rem3A_38, %dma_start3A_48, %dma_start3A_49] : memref<2x128x128xf32, #tpu.memory_space<vmem>> -> memref<1x128x128xf32, #tpu.memory_space<vmem>>
      %dma_start3A_51 = tpu.memref_squeeze %dma_start3A_50 : memref<1x128x128xf32, #tpu.memory_space<vmem>> -> memref<128x128xf32, #tpu.memory_space<vmem>>
      %dma_start3A_52 = arith.constant 0 : i32
      %dma_start3A_53 = tpu.memref_slice %arg2[%mul3A_40, %dma_start3A_52] : memref<262144x128xf32, #tpu.memory_space<hbm>> -> memref<128x128xf32, #tpu.memory_space<hbm>>
      tpu.enqueue_dma source(%dma_start3A_53 : memref<128x128xf32, #tpu.memory_space<hbm>>) target(%dma_start3A_51 : memref<128x128xf32, #tpu.memory_space<vmem>>) target_semaphore(%dma_start3A_47 : memref<!tpu.dma_semaphore, #tpu.memory_space<semaphore_mem>>)
      %add3A_54 = arith.constant 0 : i32
      %add3A_55 = arith.constant 1 : i32
      %add3A_56 = arith.addi %add3A_54, %add3A_55 : i32
      %select_n3A_57 = arith.constant true
      %select_n3A_58 = arith.constant 0 : i32
      %select_n3A_59 = arith.select %select_n3A_57, %add3A_56, %select_n3A_58 : i32
      %rem3A_60 = arith.constant 0 : i32
      %rem3A_61 = arith.constant 2 : i32
      %rem3A_62 = arith.remui %rem3A_60, %rem3A_61 : i32
      %mul3A_63 = arith.constant 128 : i32
      %mul3A_64 = arith.muli %mul3A_63, %add3A_11 : i32
      %dma_start3A_65 = arith.constant 0 : i32
      %dma_start3A_66 = arith.constant 0 : i32
      %dma_start3A_67 = tpu.memref_slice %run_scoped3A_8[%rem3A_62, %dma_start3A_65, %dma_start3A_66] : memref<2x1x128xi32, #tpu.memory_space<vmem>> -> memref<1x1x128xi32, #tpu.memory_space<vmem>>
      %dma_start3A_68 = tpu.memref_squeeze %dma_start3A_67 : memref<1x1x128xi32, #tpu.memory_space<vmem>> -> memref<1x128xi32, #tpu.memory_space<vmem>>
      %dma_start3A_69 = arith.constant 0 : i32
      %dma_start3A_70 = tpu.memref_slice %arg3[%dma_start3A_69, %mul3A_64] : memref<1x262144xi32, #tpu.memory_space<hbm>> -> memref<1x128xi32, #tpu.memory_space<hbm>>
      %dma_start3A_71 = tpu.memref_slice %run_scoped3A_9[%rem3A_62] : memref<2x!tpu.dma_semaphore, #tpu.memory_space<semaphore_mem>> -> memref<1x!tpu.dma_semaphore, #tpu.memory_space<semaphore_mem>>
      %dma_start3A_72 = tpu.memref_squeeze %dma_start3A_71 : memref<1x!tpu.dma_semaphore, #tpu.memory_space<semaphore_mem>> -> memref<!tpu.dma_semaphore, #tpu.memory_space<semaphore_mem>>
      %dma_start3A_73 = arith.constant 0 : i32
      %dma_start3A_74 = arith.constant 0 : i32
      %dma_start3A_75 = tpu.memref_slice %run_scoped3A_8[%rem3A_62, %dma_start3A_73, %dma_start3A_74] : memref<2x1x128xi32, #tpu.memory_space<vmem>> -> memref<1x1x128xi32, #tpu.memory_space<vmem>>
      %dma_start3A_76 = tpu.memref_squeeze %dma_start3A_75 : memref<1x1x128xi32, #tpu.memory_space<vmem>> -> memref<1x128xi32, #tpu.memory_space<vmem>>
      %dma_start3A_77 = arith.constant 0 : i32
      %dma_start3A_78 = tpu.memref_slice %arg3[%dma_start3A_77, %mul3A_64] : memref<1x262144xi32, #tpu.memory_space<hbm>> -> memref<1x128xi32, #tpu.memory_space<hbm>>
      tpu.enqueue_dma source(%dma_start3A_78 : memref<1x128xi32, #tpu.memory_space<hbm>>) target(%dma_start3A_76 : memref<1x128xi32, #tpu.memory_space<vmem>>) target_semaphore(%dma_start3A_72 : memref<!tpu.dma_semaphore, #tpu.memory_space<semaphore_mem>>)
      %add3A_79 = arith.constant 0 : i32
      %add3A_80 = arith.constant 1 : i32
      %add3A_81 = arith.addi %add3A_79, %add3A_80 : i32
      %select_n3A_82 = arith.constant true
      %select_n3A_83 = arith.constant 0 : i32
      %select_n3A_84 = arith.select %select_n3A_82, %add3A_81, %select_n3A_83 : i32
      "tpu.trace_stop"() : () -> ()
      %scan3A = arith.constant 0 : i32
      %scan3A_85 = arith.constant 0 : i32
      %scan3A_86 = arith.constant 0 : i32
      %scan3A_87 = arith.constant 0 : i32
      %scan3A_88 = arith.constant 64 : i32
      %scan3A_89 = arith.addi %scan3A_87, %scan3A_88 : i32
      %scan3A_90 = arith.constant 1 : i32
      %scan3A_91:5 = scf.for %scan3A_128 = %scan3A_87 to %scan3A_89 step %scan3A_90 iter_args(%scan3A_129 = %select_n3A_59, %scan3A_130 = %scan3A, %scan3A_131 = %select_n3A_84, %scan3A_132 = %scan3A_85, %scan3A_133 = %scan3A_86) -> (i32, i32, i32, i32, i32)  : i32 {
        %eq3A_134 = arith.constant 0 : i32
        %eq3A_135 = arith.cmpi eq, %scan3A_128, %eq3A_134 : i32
        %eq3A_136 = arith.constant 63 : i32
        %eq3A_137 = arith.cmpi eq, %scan3A_128, %eq3A_136 : i32
        %add3A_138 = arith.addi %scan3A_133, %mul3A_6 : i32
        %sub3A_139 = arith.constant 1 : i32
        %sub3A_140 = arith.subi %scan3A_133, %sub3A_139 : i32
        %select_n3A_141 = arith.constant true
        %select_n3A_142 = arith.select %select_n3A_141, %sub3A_140, %scan3A_133 : i32
        %eq3A_143 = arith.constant -1 : i32
        %eq3A_144 = arith.cmpi eq, %select_n3A_142, %eq3A_143 : i32
        %select_n3A_145 = arith.constant 63 : i32
        %select_n3A_146 = arith.select %eq3A_144, %select_n3A_145, %select_n3A_142 : i32
        %add3A_147 = arith.addi %select_n3A_146, %mul3A_6 : i32
        %add3A_148 = arith.constant 1 : i32
        %add3A_149 = arith.addi %scan3A_133, %add3A_148 : i32
        %select_n3A_150 = arith.constant true
        %select_n3A_151 = arith.select %select_n3A_150, %add3A_149, %scan3A_133 : i32
        %eq3A_152 = arith.constant 64 : i32
        %eq3A_153 = arith.cmpi eq, %select_n3A_151, %eq3A_152 : i32
        %select_n3A_154 = arith.constant 0 : i32
        %select_n3A_155 = arith.select %eq3A_153, %select_n3A_154, %select_n3A_151 : i32
        %add3A_156 = arith.addi %select_n3A_155, %mul3A_6 : i32
        %add3A_157 = arith.constant 1 : i32
        %add3A_158 = arith.addi %select_n3A_155, %add3A_157 : i32
        %select_n3A_159 = arith.constant true
        %select_n3A_160 = arith.select %select_n3A_159, %add3A_158, %select_n3A_155 : i32
        %eq3A_161 = arith.constant 64 : i32
        %eq3A_162 = arith.cmpi eq, %select_n3A_160, %eq3A_161 : i32
        %select_n3A_163 = arith.constant 0 : i32
        %select_n3A_164 = arith.select %eq3A_162, %select_n3A_163, %select_n3A_160 : i32
        %add3A_165 = arith.addi %select_n3A_164, %mul3A_6 : i32
        %ne3A = arith.cmpi ne, %add3A_138, %add3A_156 : i32
        %or3A = arith.constant false
        %or3A_166 = arith.ori %or3A, %ne3A : i1
        %or3A_167 = arith.constant false
        %or3A_168 = arith.ori %or3A_166, %or3A_167 : i1
        %ge3A = arith.constant 63 : i32
        %ge3A_169 = arith.cmpi sge, %scan3A_128, %ge3A : i32
        %not3A = arith.constant true
        %not3A_170 = arith.xori %ge3A_169, %not3A : i1
        %and3A = arith.andi %or3A_168, %not3A_170 : i1
        %convert_element_type3A = arith.extui %and3A : i1 to i32
        %cond3A = arith.constant 0 : i32
        %cond3A_171 = arith.cmpi ne, %convert_element_type3A, %cond3A : i32
        scf.if %cond3A_171 {
          "tpu.trace_start"() <{level = 10 : i32, message = "ep_copy_in"}> : () -> ()
          %rem3A_282 = arith.constant 2 : i32
          %rem3A_283 = arith.remui %scan3A_129, %rem3A_282 : i32
          %mul3A_284 = arith.constant 128 : i32
          %mul3A_285 = arith.muli %mul3A_284, %add3A_156 : i32
          %dma_start3A_286 = arith.constant 0 : i32
          %dma_start3A_287 = arith.constant 0 : i32
          %dma_start3A_288 = tpu.memref_slice %run_scoped3A[%rem3A_283, %dma_start3A_286, %dma_start3A_287] : memref<2x128x128xf32, #tpu.memory_space<vmem>> -> memref<1x128x128xf32, #tpu.memory_space<vmem>>
          %dma_start3A_289 = tpu.memref_squeeze %dma_start3A_288 : memref<1x128x128xf32, #tpu.memory_space<vmem>> -> memref<128x128xf32, #tpu.memory_space<vmem>>
          %dma_start3A_290 = arith.constant 0 : i32
          %dma_start3A_291 = tpu.memref_slice %arg2[%mul3A_285, %dma_start3A_290] : memref<262144x128xf32, #tpu.memory_space<hbm>> -> memref<128x128xf32, #tpu.memory_space<hbm>>
          %dma_start3A_292 = tpu.memref_slice %run_scoped3A_7[%rem3A_283] : memref<2x!tpu.dma_semaphore, #tpu.memory_space<semaphore_mem>> -> memref<1x!tpu.dma_semaphore, #tpu.memory_space<semaphore_mem>>
          %dma_start3A_293 = tpu.memref_squeeze %dma_start3A_292 : memref<1x!tpu.dma_semaphore, #tpu.memory_space<semaphore_mem>> -> memref<!tpu.dma_semaphore, #tpu.memory_space<semaphore_mem>>
          %dma_start3A_294 = arith.constant 0 : i32
          %dma_start3A_295 = arith.constant 0 : i32
          %dma_start3A_296 = tpu.memref_slice %run_scoped3A[%rem3A_283, %dma_start3A_294, %dma_start3A_295] : memref<2x128x128xf32, #tpu.memory_space<vmem>> -> memref<1x128x128xf32, #tpu.memory_space<vmem>>
          %dma_start3A_297 = tpu.memref_squeeze %dma_start3A_296 : memref<1x128x128xf32, #tpu.memory_space<vmem>> -> memref<128x128xf32, #tpu.memory_space<vmem>>
          %dma_start3A_298 = arith.constant 0 : i32
          %dma_start3A_299 = tpu.memref_slice %arg2[%mul3A_285, %dma_start3A_298] : memref<262144x128xf32, #tpu.memory_space<hbm>> -> memref<128x128xf32, #tpu.memory_space<hbm>>
          tpu.enqueue_dma source(%dma_start3A_299 : memref<128x128xf32, #tpu.memory_space<hbm>>) target(%dma_start3A_297 : memref<128x128xf32, #tpu.memory_space<vmem>>) target_semaphore(%dma_start3A_293 : memref<!tpu.dma_semaphore, #tpu.memory_space<semaphore_mem>>)
          "tpu.trace_stop"() : () -> ()
        } else {
        }
        %and3A_172 = arith.constant true
        %and3A_173 = arith.andi %and3A, %and3A_172 : i1
        %add3A_174 = arith.constant 1 : i32
        %add3A_175 = arith.addi %scan3A_129, %add3A_174 : i32
        %select_n3A_176 = arith.select %and3A_173, %add3A_175, %scan3A_129 : i32
        %ne3A_177 = arith.cmpi ne, %add3A_138, %add3A_156 : i32
        %or3A_178 = arith.constant false
        %or3A_179 = arith.ori %or3A_178, %ne3A_177 : i1
        %ge3A_180 = arith.constant 63 : i32
        %ge3A_181 = arith.cmpi sge, %scan3A_128, %ge3A_180 : i32
        %not3A_182 = arith.constant true
        %not3A_183 = arith.xori %ge3A_181, %not3A_182 : i1
        %and3A_184 = arith.andi %or3A_179, %not3A_183 : i1
        %convert_element_type3A_185 = arith.extui %and3A_184 : i1 to i32
        %cond3A_186 = arith.constant 0 : i32
        %cond3A_187 = arith.cmpi ne, %convert_element_type3A_185, %cond3A_186 : i32
        scf.if %cond3A_187 {
          "tpu.trace_start"() <{level = 10 : i32, message = "ep_copy_in"}> : () -> ()
          %rem3A_282 = arith.constant 2 : i32
          %rem3A_283 = arith.remui %scan3A_131, %rem3A_282 : i32
          %mul3A_284 = arith.constant 128 : i32
          %mul3A_285 = arith.muli %mul3A_284, %add3A_156 : i32
          %dma_start3A_286 = arith.constant 0 : i32
          %dma_start3A_287 = arith.constant 0 : i32
          %dma_start3A_288 = tpu.memref_slice %run_scoped3A_8[%rem3A_283, %dma_start3A_286, %dma_start3A_287] : memref<2x1x128xi32, #tpu.memory_space<vmem>> -> memref<1x1x128xi32, #tpu.memory_space<vmem>>
          %dma_start3A_289 = tpu.memref_squeeze %dma_start3A_288 : memref<1x1x128xi32, #tpu.memory_space<vmem>> -> memref<1x128xi32, #tpu.memory_space<vmem>>
          %dma_start3A_290 = arith.constant 0 : i32
          %dma_start3A_291 = tpu.memref_slice %arg3[%dma_start3A_290, %mul3A_285] : memref<1x262144xi32, #tpu.memory_space<hbm>> -> memref<1x128xi32, #tpu.memory_space<hbm>>
          %dma_start3A_292 = tpu.memref_slice %run_scoped3A_9[%rem3A_283] : memref<2x!tpu.dma_semaphore, #tpu.memory_space<semaphore_mem>> -> memref<1x!tpu.dma_semaphore, #tpu.memory_space<semaphore_mem>>
          %dma_start3A_293 = tpu.memref_squeeze %dma_start3A_292 : memref<1x!tpu.dma_semaphore, #tpu.memory_space<semaphore_mem>> -> memref<!tpu.dma_semaphore, #tpu.memory_space<semaphore_mem>>
          %dma_start3A_294 = arith.constant 0 : i32
          %dma_start3A_295 = arith.constant 0 : i32
          %dma_start3A_296 = tpu.memref_slice %run_scoped3A_8[%rem3A_283, %dma_start3A_294, %dma_start3A_295] : memref<2x1x128xi32, #tpu.memory_space<vmem>> -> memref<1x1x128xi32, #tpu.memory_space<vmem>>
          %dma_start3A_297 = tpu.memref_squeeze %dma_start3A_296 : memref<1x1x128xi32, #tpu.memory_space<vmem>> -> memref<1x128xi32, #tpu.memory_space<vmem>>
          %dma_start3A_298 = arith.constant 0 : i32
          %dma_start3A_299 = tpu.memref_slice %arg3[%dma_start3A_298, %mul3A_285] : memref<1x262144xi32, #tpu.memory_space<hbm>> -> memref<1x128xi32, #tpu.memory_space<hbm>>
          tpu.enqueue_dma source(%dma_start3A_299 : memref<1x128xi32, #tpu.memory_space<hbm>>) target(%dma_start3A_297 : memref<1x128xi32, #tpu.memory_space<vmem>>) target_semaphore(%dma_start3A_293 : memref<!tpu.dma_semaphore, #tpu.memory_space<semaphore_mem>>)
          "tpu.trace_stop"() : () -> ()
        } else {
        }
        %and3A_188 = arith.constant true
        %and3A_189 = arith.andi %and3A_184, %and3A_188 : i1
        %add3A_190 = arith.constant 1 : i32
        %add3A_191 = arith.addi %scan3A_131, %add3A_190 : i32
        %select_n3A_192 = arith.select %and3A_189, %add3A_191, %scan3A_131 : i32
        %ne3A_193 = arith.cmpi ne, %add3A_138, %add3A_147 : i32
        %or3A_194 = arith.constant false
        %or3A_195 = arith.ori %or3A_194, %ne3A_193 : i1
        %or3A_196 = arith.constant false
        %or3A_197 = arith.ori %or3A_195, %or3A_196 : i1
        %or3A_198 = arith.ori %or3A_197, %eq3A_135 : i1
        %convert_element_type3A_199 = arith.extui %or3A_198 : i1 to i32
        %cond3A_200 = arith.constant 0 : i32
        %cond3A_201 = arith.cmpi ne, %convert_element_type3A_199, %cond3A_200 : i32
        scf.if %cond3A_201 {
          "tpu.trace_start"() <{level = 10 : i32, message = "ep_wait_in"}> : () -> ()
          %mul3A_282 = arith.constant 128 : i32
          %mul3A_283 = arith.muli %mul3A_282, %add3A_138 : i32
          %rem3A_284 = arith.constant 2 : i32
          %rem3A_285 = arith.remui %scan3A_130, %rem3A_284 : i32
          %dma_wait3A = arith.constant 0 : i32
          %dma_wait3A_286 = arith.constant 0 : i32
          %dma_wait3A_287 = tpu.memref_slice %run_scoped3A[%rem3A_285, %dma_wait3A, %dma_wait3A_286] : memref<2x128x128xf32, #tpu.memory_space<vmem>> -> memref<1x128x128xf32, #tpu.memory_space<vmem>>
          %dma_wait3A_288 = tpu.memref_squeeze %dma_wait3A_287 : memref<1x128x128xf32, #tpu.memory_space<vmem>> -> memref<128x128xf32, #tpu.memory_space<vmem>>
          %dma_wait3A_289 = arith.constant 0 : i32
          %dma_wait3A_290 = tpu.memref_slice %arg2[%mul3A_283, %dma_wait3A_289] : memref<262144x128xf32, #tpu.memory_space<hbm>> -> memref<128x128xf32, #tpu.memory_space<hbm>>
          %dma_wait3A_291 = tpu.memref_slice %run_scoped3A_7[%rem3A_285] : memref<2x!tpu.dma_semaphore, #tpu.memory_space<semaphore_mem>> -> memref<1x!tpu.dma_semaphore, #tpu.memory_space<semaphore_mem>>
          %dma_wait3A_292 = tpu.memref_squeeze %dma_wait3A_291 : memref<1x!tpu.dma_semaphore, #tpu.memory_space<semaphore_mem>> -> memref<!tpu.dma_semaphore, #tpu.memory_space<semaphore_mem>>
          %dma_wait3A_293 = arith.constant 0 : i32
          %dma_wait3A_294 = arith.constant 0 : i32
          %dma_wait3A_295 = tpu.memref_slice %run_scoped3A[%rem3A_285, %dma_wait3A_293, %dma_wait3A_294] : memref<2x128x128xf32, #tpu.memory_space<vmem>> -> memref<1x128x128xf32, #tpu.memory_space<vmem>>
          %dma_wait3A_296 = tpu.memref_squeeze %dma_wait3A_295 : memref<1x128x128xf32, #tpu.memory_space<vmem>> -> memref<128x128xf32, #tpu.memory_space<vmem>>
          %dma_wait3A_297 = arith.constant 0 : i32
          %dma_wait3A_298 = tpu.memref_slice %arg2[%mul3A_283, %dma_wait3A_297] : memref<262144x128xf32, #tpu.memory_space<hbm>> -> memref<128x128xf32, #tpu.memory_space<hbm>>
          tpu.wait_dma2 semaphore(%dma_wait3A_292 : memref<!tpu.dma_semaphore, #tpu.memory_space<semaphore_mem>>) src(%dma_wait3A_298 : memref<128x128xf32, #tpu.memory_space<hbm>>) dst(%dma_wait3A_296 : memref<128x128xf32, #tpu.memory_space<vmem>>)
          "tpu.trace_stop"() : () -> ()
        } else {
        }
        %ne3A_202 = arith.cmpi ne, %add3A_138, %add3A_147 : i32
        %or3A_203 = arith.constant false
        %or3A_204 = arith.ori %or3A_203, %ne3A_202 : i1
        %or3A_205 = arith.ori %or3A_204, %eq3A_135 : i1
        %convert_element_type3A_206 = arith.extui %or3A_205 : i1 to i32
        %cond3A_207 = arith.constant 0 : i32
        %cond3A_208 = arith.cmpi ne, %convert_element_type3A_206, %cond3A_207 : i32
        scf.if %cond3A_208 {
          "tpu.trace_start"() <{level = 10 : i32, message = "ep_wait_in"}> : () -> ()
          %mul3A_282 = arith.constant 128 : i32
          %mul3A_283 = arith.muli %mul3A_282, %add3A_138 : i32
          %rem3A_284 = arith.constant 2 : i32
          %rem3A_285 = arith.remui %scan3A_132, %rem3A_284 : i32
          %dma_wait3A = arith.constant 0 : i32
          %dma_wait3A_286 = arith.constant 0 : i32
          %dma_wait3A_287 = tpu.memref_slice %run_scoped3A_8[%rem3A_285, %dma_wait3A, %dma_wait3A_286] : memref<2x1x128xi32, #tpu.memory_space<vmem>> -> memref<1x1x128xi32, #tpu.memory_space<vmem>>
          %dma_wait3A_288 = tpu.memref_squeeze %dma_wait3A_287 : memref<1x1x128xi32, #tpu.memory_space<vmem>> -> memref<1x128xi32, #tpu.memory_space<vmem>>
          %dma_wait3A_289 = arith.constant 0 : i32
          %dma_wait3A_290 = tpu.memref_slice %arg3[%dma_wait3A_289, %mul3A_283] : memref<1x262144xi32, #tpu.memory_space<hbm>> -> memref<1x128xi32, #tpu.memory_space<hbm>>
          %dma_wait3A_291 = tpu.memref_slice %run_scoped3A_9[%rem3A_285] : memref<2x!tpu.dma_semaphore, #tpu.memory_space<semaphore_mem>> -> memref<1x!tpu.dma_semaphore, #tpu.memory_space<semaphore_mem>>
          %dma_wait3A_292 = tpu.memref_squeeze %dma_wait3A_291 : memref<1x!tpu.dma_semaphore, #tpu.memory_space<semaphore_mem>> -> memref<!tpu.dma_semaphore, #tpu.memory_space<semaphore_mem>>
          %dma_wait3A_293 = arith.constant 0 : i32
          %dma_wait3A_294 = arith.constant 0 : i32
          %dma_wait3A_295 = tpu.memref_slice %run_scoped3A_8[%rem3A_285, %dma_wait3A_293, %dma_wait3A_294] : memref<2x1x128xi32, #tpu.memory_space<vmem>> -> memref<1x1x128xi32, #tpu.memory_space<vmem>>
          %dma_wait3A_296 = tpu.memref_squeeze %dma_wait3A_295 : memref<1x1x128xi32, #tpu.memory_space<vmem>> -> memref<1x128xi32, #tpu.memory_space<vmem>>
          %dma_wait3A_297 = arith.constant 0 : i32
          %dma_wait3A_298 = tpu.memref_slice %arg3[%dma_wait3A_297, %mul3A_283] : memref<1x262144xi32, #tpu.memory_space<hbm>> -> memref<1x128xi32, #tpu.memory_space<hbm>>
          tpu.wait_dma2 semaphore(%dma_wait3A_292 : memref<!tpu.dma_semaphore, #tpu.memory_space<semaphore_mem>>) src(%dma_wait3A_298 : memref<1x128xi32, #tpu.memory_space<hbm>>) dst(%dma_wait3A_296 : memref<1x128xi32, #tpu.memory_space<vmem>>)
          "tpu.trace_stop"() : () -> ()
        } else {
        }
        %rem3A_209 = arith.constant 2 : i32
        %rem3A_210 = arith.remui %scan3A_130, %rem3A_209 : i32
        %rem3A_211 = arith.constant 2 : i32
        %rem3A_212 = arith.remui %scan3A_132, %rem3A_211 : i32
        %run_scoped3A_213 = arith.constant 0 : i32
        "tpu.trace_start"() <{level = 10 : i32, message = "ep_run_kernel"}> : () -> ()
        "tpu.region"() ({
          %run_scoped3A_282 = tpu.sem_alloc : memref<!tpu.dma_semaphore, #tpu.memory_space<semaphore_mem>>
          %dma_start3A_283 = arith.constant 0 : i32
          %dma_start3A_284 = arith.constant 0 : i32
          %dma_start3A_285 = tpu.memref_slice %run_scoped3A[%rem3A_210, %dma_start3A_283, %dma_start3A_284] : memref<2x128x128xf32, #tpu.memory_space<vmem>> -> memref<1x128x128xf32, #tpu.memory_space<vmem>>
          %dma_start3A_286 = tpu.memref_squeeze %dma_start3A_285 : memref<1x128x128xf32, #tpu.memory_space<vmem>> -> memref<128x128xf32, #tpu.memory_space<vmem>>
          %dma_start3A_287 = arith.constant 0 : i32
          %dma_start3A_288 = arith.constant 0 : i32
          %dma_start3A_289 = tpu.memref_slice %run_scoped3A_8[%rem3A_212, %dma_start3A_287, %dma_start3A_288] : memref<2x1x128xi32, #tpu.memory_space<vmem>> -> memref<1x1x128xi32, #tpu.memory_space<vmem>>
          %dma_start3A_290 = tpu.memref_squeeze %dma_start3A_289 : memref<1x1x128xi32, #tpu.memory_space<vmem>> -> memref<1x128xi32, #tpu.memory_space<vmem>>
          %dma_start3A_291 = arith.constant 0 : i32
          %dma_start3A_292 = tpu.memref_slice %dma_start3A_290[%run_scoped3A_213, %dma_start3A_291] : memref<1x128xi32, #tpu.memory_space<vmem>> -> memref<1x128xi32, #tpu.memory_space<vmem>>
          %dma_start3A_293 = tpu.memref_squeeze %dma_start3A_292 : memref<1x128xi32, #tpu.memory_space<vmem>> -> memref<128xi32, #tpu.memory_space<vmem>>
          %dma_start3A_294 = arith.constant 0 : i32
          %dma_start3A_295 = arith.constant 0 : i32
          %dma_start3A_296 = tpu.memref_slice %arg4[%dma_start3A_294, %dma_start3A_295] : memref<262144x128xf32, #tpu.memory_space<hbm>> -> memref<262144x128xf32, #tpu.memory_space<hbm>>
          tpu.enqueue_indirect_dma source(%dma_start3A_286 : memref<128x128xf32, #tpu.memory_space<vmem>>) target(%dma_start3A_296 : memref<262144x128xf32, #tpu.memory_space<hbm>>) offsets(%dma_start3A_293 : memref<128xi32, #tpu.memory_space<vmem>>) semaphore(%run_scoped3A_282 : memref<!tpu.dma_semaphore, #tpu.memory_space<semaphore_mem>>)
          %dma_wait3A = arith.constant 0 : i32
          %dma_wait3A_297 = arith.constant 0 : i32
          %dma_wait3A_298 = tpu.memref_slice %run_scoped3A[%rem3A_210, %dma_wait3A, %dma_wait3A_297] : memref<2x128x128xf32, #tpu.memory_space<vmem>> -> memref<1x128x128xf32, #tpu.memory_space<vmem>>
          %dma_wait3A_299 = tpu.memref_squeeze %dma_wait3A_298 : memref<1x128x128xf32, #tpu.memory_space<vmem>> -> memref<128x128xf32, #tpu.memory_space<vmem>>
          %dma_wait3A_300 = arith.constant 0 : i32
          %dma_wait3A_301 = arith.constant 0 : i32
          %dma_wait3A_302 = tpu.memref_slice %run_scoped3A_8[%rem3A_212, %dma_wait3A_300, %dma_wait3A_301] : memref<2x1x128xi32, #tpu.memory_space<vmem>> -> memref<1x1x128xi32, #tpu.memory_space<vmem>>
          %dma_wait3A_303 = tpu.memref_squeeze %dma_wait3A_302 : memref<1x1x128xi32, #tpu.memory_space<vmem>> -> memref<1x128xi32, #tpu.memory_space<vmem>>
          %dma_wait3A_304 = arith.constant 0 : i32
          %dma_wait3A_305 = tpu.memref_slice %dma_wait3A_303[%run_scoped3A_213, %dma_wait3A_304] : memref<1x128xi32, #tpu.memory_space<vmem>> -> memref<1x128xi32, #tpu.memory_space<vmem>>
          %dma_wait3A_306 = tpu.memref_squeeze %dma_wait3A_305 : memref<1x128xi32, #tpu.memory_space<vmem>> -> memref<128xi32, #tpu.memory_space<vmem>>
          %dma_wait3A_307 = arith.constant 0 : i32
          %dma_wait3A_308 = arith.constant 0 : i32
          %dma_wait3A_309 = tpu.memref_slice %arg4[%dma_wait3A_307, %dma_wait3A_308] : memref<262144x128xf32, #tpu.memory_space<hbm>> -> memref<262144x128xf32, #tpu.memory_space<hbm>>
          tpu.wait_indirect_dma semaphore(%run_scoped3A_282 : memref<!tpu.dma_semaphore, #tpu.memory_space<semaphore_mem>>) src(%dma_wait3A_299 : memref<128x128xf32, #tpu.memory_space<vmem>>) dst(%dma_wait3A_309 : memref<262144x128xf32, #tpu.memory_space<hbm>>)
          tpu.yield
        }) : () -> ()
        "tpu.trace_stop"() : () -> ()
        %ne3A_214 = arith.cmpi ne, %add3A_138, %add3A_156 : i32
        %or3A_215 = arith.constant false
        %or3A_216 = arith.ori %or3A_215, %ne3A_214 : i1
        %or3A_217 = arith.constant false
        %or3A_218 = arith.ori %or3A_216, %or3A_217 : i1
        %or3A_219 = arith.ori %or3A_218, %eq3A_137 : i1
        %convert_element_type3A_220 = arith.extui %or3A_219 : i1 to i32
        %cond3A_221 = arith.constant 0 : i32
        %cond3A_222 = arith.cmpi ne, %convert_element_type3A_220, %cond3A_221 : i32
        scf.if %cond3A_222 {
        } else {
        }
        %and3A_223 = arith.constant false
        %and3A_224 = arith.andi %or3A_219, %and3A_223 : i1
        %ne3A_225 = arith.cmpi ne, %add3A_138, %add3A_156 : i32
        %or3A_226 = arith.constant false
        %or3A_227 = arith.ori %or3A_226, %ne3A_225 : i1
        %or3A_228 = arith.ori %or3A_227, %eq3A_137 : i1
        %convert_element_type3A_229 = arith.extui %or3A_228 : i1 to i32
        %cond3A_230 = arith.constant 0 : i32
        %cond3A_231 = arith.cmpi ne, %convert_element_type3A_229, %cond3A_230 : i32
        scf.if %cond3A_231 {
        } else {
        }
        %and3A_232 = arith.constant false
        %and3A_233 = arith.andi %or3A_228, %and3A_232 : i1
        %ne3A_234 = arith.cmpi ne, %add3A_138, %add3A_147 : i32
        %or3A_235 = arith.constant false
        %or3A_236 = arith.ori %or3A_235, %ne3A_234 : i1
        %or3A_237 = arith.constant false
        %or3A_238 = arith.ori %or3A_236, %or3A_237 : i1
        %not3A_239 = arith.constant true
        %not3A_240 = arith.xori %eq3A_135, %not3A_239 : i1
        %and3A_241 = arith.andi %or3A_238, %not3A_240 : i1
        %convert_element_type3A_242 = arith.extui %and3A_241 : i1 to i32
        %cond3A_243 = arith.constant 0 : i32
        %cond3A_244 = arith.cmpi ne, %convert_element_type3A_242, %cond3A_243 : i32
        scf.if %cond3A_244 {
        } else {
        }
        %and3A_245 = arith.constant false
        %and3A_246 = arith.andi %and3A_241, %and3A_245 : i1
        %ne3A_247 = arith.cmpi ne, %add3A_138, %add3A_147 : i32
        %or3A_248 = arith.constant false
        %or3A_249 = arith.ori %or3A_248, %ne3A_247 : i1
        %not3A_250 = arith.constant true
        %not3A_251 = arith.xori %eq3A_135, %not3A_250 : i1
        %and3A_252 = arith.andi %or3A_249, %not3A_251 : i1
        %convert_element_type3A_253 = arith.extui %and3A_252 : i1 to i32
        %cond3A_254 = arith.constant 0 : i32
        %cond3A_255 = arith.cmpi ne, %convert_element_type3A_253, %cond3A_254 : i32
        scf.if %cond3A_255 {
        } else {
        }
        %and3A_256 = arith.constant false
        %and3A_257 = arith.andi %and3A_252, %and3A_256 : i1
        %ne3A_258 = arith.cmpi ne, %add3A_138, %add3A_156 : i32
        %or3A_259 = arith.constant false
        %or3A_260 = arith.ori %or3A_259, %ne3A_258 : i1
        %or3A_261 = arith.constant false
        %or3A_262 = arith.ori %or3A_260, %or3A_261 : i1
        %or3A_263 = arith.ori %or3A_262, %eq3A_137 : i1
        %add3A_264 = arith.constant 1 : i32
        %add3A_265 = arith.addi %scan3A_130, %add3A_264 : i32
        %select_n3A_266 = arith.select %or3A_263, %add3A_265, %scan3A_130 : i32
        %ne3A_267 = arith.cmpi ne, %add3A_138, %add3A_156 : i32
        %or3A_268 = arith.constant false
        %or3A_269 = arith.ori %or3A_268, %ne3A_267 : i1
        %or3A_270 = arith.ori %or3A_269, %eq3A_137 : i1
        %add3A_271 = arith.constant 1 : i32
        %add3A_272 = arith.addi %scan3A_132, %add3A_271 : i32
        %select_n3A_273 = arith.select %or3A_270, %add3A_272, %scan3A_132 : i32
        %add3A_274 = arith.constant 1 : i32
        %add3A_275 = arith.addi %scan3A_133, %add3A_274 : i32
        %select_n3A_276 = arith.constant true
        %select_n3A_277 = arith.select %select_n3A_276, %add3A_275, %scan3A_133 : i32
        %eq3A_278 = arith.constant 64 : i32
        %eq3A_279 = arith.cmpi eq, %select_n3A_277, %eq3A_278 : i32
        %select_n3A_280 = arith.constant 0 : i32
        %select_n3A_281 = arith.select %eq3A_279, %select_n3A_280, %select_n3A_277 : i32
        scf.yield %select_n3A_176, %select_n3A_266, %select_n3A_192, %select_n3A_273, %select_n3A_281 : i32, i32, i32, i32, i32
      }
      %scan3A_92 = arith.constant 64 : i32
      %sub3A = arith.constant 1 : i32
      %sub3A_93 = arith.subi %scan3A_91#4, %sub3A : i32
      %select_n3A_94 = arith.constant true
      %select_n3A_95 = arith.select %select_n3A_94, %sub3A_93, %scan3A_91#4 : i32
      %eq3A_96 = arith.constant -1 : i32
      %eq3A_97 = arith.cmpi eq, %select_n3A_95, %eq3A_96 : i32
      %select_n3A_98 = arith.constant 63 : i32
      %select_n3A_99 = arith.select %eq3A_97, %select_n3A_98, %select_n3A_95 : i32
      %add3A_100 = arith.addi %select_n3A_99, %mul3A_6 : i32
      %sub3A_101 = arith.constant 1 : i32
      %sub3A_102 = arith.subi %select_n3A_99, %sub3A_101 : i32
      %select_n3A_103 = arith.constant true
      %select_n3A_104 = arith.select %select_n3A_103, %sub3A_102, %select_n3A_99 : i32
      %eq3A_105 = arith.constant -1 : i32
      %eq3A_106 = arith.cmpi eq, %select_n3A_104, %eq3A_105 : i32
      %select_n3A_107 = arith.constant 63 : i32
      %select_n3A_108 = arith.select %eq3A_106, %select_n3A_107, %select_n3A_104 : i32
      %add3A_109 = arith.addi %select_n3A_108, %mul3A_6 : i32
      %add3A_110 = arith.constant 1 : i32
      %add3A_111 = arith.addi %select_n3A_99, %add3A_110 : i32
      %select_n3A_112 = arith.constant true
      %select_n3A_113 = arith.select %select_n3A_112, %add3A_111, %select_n3A_99 : i32
      %eq3A_114 = arith.constant 64 : i32
      %eq3A_115 = arith.cmpi eq, %select_n3A_113, %eq3A_114 : i32
      %select_n3A_116 = arith.constant 0 : i32
      %select_n3A_117 = arith.select %eq3A_115, %select_n3A_116, %select_n3A_113 : i32
      %add3A_118 = arith.addi %select_n3A_117, %mul3A_6 : i32
      %add3A_119 = arith.constant 1 : i32
      %add3A_120 = arith.addi %select_n3A_117, %add3A_119 : i32
      %select_n3A_121 = arith.constant true
      %select_n3A_122 = arith.select %select_n3A_121, %add3A_120, %select_n3A_117 : i32
      %eq3A_123 = arith.constant 64 : i32
      %eq3A_124 = arith.cmpi eq, %select_n3A_122, %eq3A_123 : i32
      %select_n3A_125 = arith.constant 0 : i32
      %select_n3A_126 = arith.select %eq3A_124, %select_n3A_125, %select_n3A_122 : i32
      %add3A_127 = arith.addi %select_n3A_126, %mul3A_6 : i32
      tpu.yield
    }) : () -> ()
    return
  }
}

#map = affine_map<(d0, d1) -> (0, 0)>
module attributes {stable_mosaic.version = 14 : i64} {
  func.func @run(%arg0: i32, %arg1: i32, %arg2: memref<262144x128xf32, #tpu.memory_space<hbm>>, %arg3: memref<1x262144xi32, #tpu.memory_space<hbm>>, %arg4: memref<262144x128xf32, #tpu.memory_space<hbm>>) attributes {dimension_semantics = [#tpu.dimension_semantics<core_parallel>, #tpu.dimension_semantics<subcore_parallel>], iteration_bounds = array<i64: 2, 16>, scalar_prefetch = 0 : i64, scratch_operands = 0 : i64, tpu.core_type = #tpu.core_type<sc_vector_subcore>, window_params = [{transform_indices = #map}, {transform_indices = #map}, {transform_indices = #map}]} {
    %mul3A = arith.constant 1 : i32
    %mul3A_0 = arith.muli %arg1, %mul3A : i32
    %add3A = arith.constant 0 : i32
    %add3A_1 = arith.addi %add3A, %mul3A_0 : i32
    %mul3A_2 = arith.constant 16 : i32
    %mul3A_3 = arith.muli %arg0, %mul3A_2 : i32
    %add3A_4 = arith.addi %add3A_1, %mul3A_3 : i32
    %mul3A_5 = arith.constant 64 : i32
    %mul3A_6 = arith.muli %add3A_4, %mul3A_5 : i32
    "tpu.region"() ({
      %run_scoped3A = memref.alloca() : memref<2x128x128xf32, #tpu.memory_space<vmem>>
      %run_scoped3A_7 = tpu.sem_alloc : memref<2x!tpu.dma_semaphore, #tpu.memory_space<semaphore_mem>>
      %run_scoped3A_8 = memref.alloca() : memref<2x1x128xi32, #tpu.memory_space<vmem>>
      %run_scoped3A_9 = tpu.sem_alloc : memref<2x!tpu.dma_semaphore, #tpu.memory_space<semaphore_mem>>
      %add3A_10 = arith.constant 0 : i32
      %add3A_11 = arith.addi %add3A_10, %mul3A_6 : i32
      %select_n3A = arith.constant true
      %select_n3A_12 = arith.constant 0 : i32
      %select_n3A_13 = arith.constant -1 : i32
      %select_n3A_14 = arith.select %select_n3A, %select_n3A_13, %select_n3A_12 : i32
      %eq3A = arith.constant -1 : i32
      %eq3A_15 = arith.cmpi eq, %select_n3A_14, %eq3A : i32
      %select_n3A_16 = arith.constant 63 : i32
      %select_n3A_17 = arith.select %eq3A_15, %select_n3A_16, %select_n3A_14 : i32
      %add3A_18 = arith.addi %select_n3A_17, %mul3A_6 : i32
      %select_n3A_19 = arith.constant true
      %select_n3A_20 = arith.constant 0 : i32
      %select_n3A_21 = arith.constant 1 : i32
      %select_n3A_22 = arith.select %select_n3A_19, %select_n3A_21, %select_n3A_20 : i32
      %eq3A_23 = arith.constant 64 : i32
      %eq3A_24 = arith.cmpi eq, %select_n3A_22, %eq3A_23 : i32
      %select_n3A_25 = arith.constant 0 : i32
      %select_n3A_26 = arith.select %eq3A_24, %select_n3A_25, %select_n3A_22 : i32
      %add3A_27 = arith.addi %select_n3A_26, %mul3A_6 : i32
      %add3A_28 = arith.constant 1 : i32
      %add3A_29 = arith.addi %select_n3A_26, %add3A_28 : i32
      %select_n3A_30 = arith.constant true
      %select_n3A_31 = arith.select %select_n3A_30, %add3A_29, %select_n3A_26 : i32
      %eq3A_32 = arith.constant 64 : i32
      %eq3A_33 = arith.cmpi eq, %select_n3A_31, %eq3A_32 : i32
      %select_n3A_34 = arith.constant 0 : i32
      %select_n3A_35 = arith.select %eq3A_33, %select_n3A_34, %select_n3A_31 : i32
      %add3A_36 = arith.addi %select_n3A_35, %mul3A_6 : i32
      "tpu.trace_start"() <{level = 10 : i32, message = "ep_initialize_0"}> : () -> ()
      %rem3A = arith.constant 0 : i32
      %rem3A_37 = arith.constant 2 : i32
      %rem3A_38 = arith.remui %rem3A, %rem3A_37 : i32
      %mul3A_39 = arith.constant 128 : i32
      %mul3A_40 = arith.muli %mul3A_39, %add3A_11 : i32
      %dma_start3A = arith.constant 0 : i32
      %dma_start3A_41 = arith.constant 0 : i32
      %dma_start3A_42 = tpu.memref_slice %run_scoped3A[%rem3A_38, %dma_start3A, %dma_start3A_41] : memref<2x128x128xf32, #tpu.memory_space<vmem>> -> memref<1x128x128xf32, #tpu.memory_space<vmem>>
      %dma_start3A_43 = tpu.memref_squeeze %dma_start3A_42 : memref<1x128x128xf32, #tpu.memory_space<vmem>> -> memref<128x128xf32, #tpu.memory_space<vmem>>
      %dma_start3A_44 = arith.constant 0 : i32
      %dma_start3A_45 = tpu.memref_slice %arg2[%mul3A_40, %dma_start3A_44] : memref<262144x128xf32, #tpu.memory_space<hbm>> -> memref<128x128xf32, #tpu.memory_space<hbm>>
      %dma_start3A_46 = tpu.memref_slice %run_scoped3A_7[%rem3A_38] : memref<2x!tpu.dma_semaphore, #tpu.memory_space<semaphore_mem>> -> memref<1x!tpu.dma_semaphore, #tpu.memory_space<semaphore_mem>>
      %dma_start3A_47 = tpu.memref_squeeze %dma_start3A_46 : memref<1x!tpu.dma_semaphore, #tpu.memory_space<semaphore_mem>> -> memref<!tpu.dma_semaphore, #tpu.memory_space<semaphore_mem>>
      %dma_start3A_48 = arith.constant 0 : i32
      %dma_start3A_49 = arith.constant 0 : i32
      %dma_start3A_50 = tpu.memref_slice %run_scoped3A[%rem3A_38, %dma_start3A_48, %dma_start3A_49] : memref<2x128x128xf32, #tpu.memory_space<vmem>> -> memref<1x128x128xf32, #tpu.memory_space<vmem>>
      %dma_start3A_51 = tpu.memref_squeeze %dma_start3A_50 : memref<1x128x128xf32, #tpu.memory_space<vmem>> -> memref<128x128xf32, #tpu.memory_space<vmem>>
      %dma_start3A_52 = arith.constant 0 : i32
      %dma_start3A_53 = tpu.memref_slice %arg2[%mul3A_40, %dma_start3A_52] : memref<262144x128xf32, #tpu.memory_space<hbm>> -> memref<128x128xf32, #tpu.memory_space<hbm>>
      tpu.enqueue_dma source(%dma_start3A_53 : memref<128x128xf32, #tpu.memory_space<hbm>>) target(%dma_start3A_51 : memref<128x128xf32, #tpu.memory_space<vmem>>) target_semaphore(%dma_start3A_47 : memref<!tpu.dma_semaphore, #tpu.memory_space<semaphore_mem>>)
      %add3A_54 = arith.constant 0 : i32
      %add3A_55 = arith.constant 1 : i32
      %add3A_56 = arith.addi %add3A_54, %add3A_55 : i32
      %select_n3A_57 = arith.constant true
      %select_n3A_58 = arith.constant 0 : i32
      %select_n3A_59 = arith.select %select_n3A_57, %add3A_56, %select_n3A_58 : i32
      %rem3A_60 = arith.constant 0 : i32
      %rem3A_61 = arith.constant 2 : i32
      %rem3A_62 = arith.remui %rem3A_60, %rem3A_61 : i32
      %mul3A_63 = arith.constant 128 : i32
      %mul3A_64 = arith.muli %mul3A_63, %add3A_11 : i32
      %dma_start3A_65 = arith.constant 0 : i32
      %dma_start3A_66 = arith.constant 0 : i32
      %dma_start3A_67 = tpu.memref_slice %run_scoped3A_8[%rem3A_62, %dma_start3A_65, %dma_start3A_66] : memref<2x1x128xi32, #tpu.memory_space<vmem>> -> memref<1x1x128xi32, #tpu.memory_space<vmem>>
      %dma_start3A_68 = tpu.memref_squeeze %dma_start3A_67 : memref<1x1x128xi32, #tpu.memory_space<vmem>> -> memref<1x128xi32, #tpu.memory_space<vmem>>
      %dma_start3A_69 = arith.constant 0 : i32
      %dma_start3A_70 = tpu.memref_slice %arg3[%dma_start3A_69, %mul3A_64] : memref<1x262144xi32, #tpu.memory_space<hbm>> -> memref<1x128xi32, #tpu.memory_space<hbm>>
      %dma_start3A_71 = tpu.memref_slice %run_scoped3A_9[%rem3A_62] : memref<2x!tpu.dma_semaphore, #tpu.memory_space<semaphore_mem>> -> memref<1x!tpu.dma_semaphore, #tpu.memory_space<semaphore_mem>>
      %dma_start3A_72 = tpu.memref_squeeze %dma_start3A_71 : memref<1x!tpu.dma_semaphore, #tpu.memory_space<semaphore_mem>> -> memref<!tpu.dma_semaphore, #tpu.memory_space<semaphore_mem>>
      %dma_start3A_73 = arith.constant 0 : i32
      %dma_start3A_74 = arith.constant 0 : i32
      %dma_start3A_75 = tpu.memref_slice %run_scoped3A_8[%rem3A_62, %dma_start3A_73, %dma_start3A_74] : memref<2x1x128xi32, #tpu.memory_space<vmem>> -> memref<1x1x128xi32, #tpu.memory_space<vmem>>
      %dma_start3A_76 = tpu.memref_squeeze %dma_start3A_75 : memref<1x1x128xi32, #tpu.memory_space<vmem>> -> memref<1x128xi32, #tpu.memory_space<vmem>>
      %dma_start3A_77 = arith.constant 0 : i32
      %dma_start3A_78 = tpu.memref_slice %arg3[%dma_start3A_77, %mul3A_64] : memref<1x262144xi32, #tpu.memory_space<hbm>> -> memref<1x128xi32, #tpu.memory_space<hbm>>
      tpu.enqueue_dma source(%dma_start3A_78 : memref<1x128xi32, #tpu.memory_space<hbm>>) target(%dma_start3A_76 : memref<1x128xi32, #tpu.memory_space<vmem>>) target_semaphore(%dma_start3A_72 : memref<!tpu.dma_semaphore, #tpu.memory_space<semaphore_mem>>)
      %add3A_79 = arith.constant 0 : i32
      %add3A_80 = arith.constant 1 : i32
      %add3A_81 = arith.addi %add3A_79, %add3A_80 : i32
      %select_n3A_82 = arith.constant true
      %select_n3A_83 = arith.constant 0 : i32
      %select_n3A_84 = arith.select %select_n3A_82, %add3A_81, %select_n3A_83 : i32
      "tpu.trace_stop"() : () -> ()
      %scan3A = arith.constant 0 : i32
      %scan3A_85 = arith.constant 0 : i32
      %scan3A_86 = arith.constant 0 : i32
      %scan3A_87 = arith.constant 0 : i32
      %scan3A_88 = arith.constant 64 : i32
      %scan3A_89 = arith.addi %scan3A_87, %scan3A_88 : i32
      %scan3A_90 = arith.constant 1 : i32
      %scan3A_91:5 = scf.for %scan3A_128 = %scan3A_87 to %scan3A_89 step %scan3A_90 iter_args(%scan3A_129 = %select_n3A_59, %scan3A_130 = %scan3A, %scan3A_131 = %select_n3A_84, %scan3A_132 = %scan3A_85, %scan3A_133 = %scan3A_86) -> (i32, i32, i32, i32, i32)  : i32 {
        %eq3A_134 = arith.constant 0 : i32
        %eq3A_135 = arith.cmpi eq, %scan3A_128, %eq3A_134 : i32
        %eq3A_136 = arith.constant 63 : i32
        %eq3A_137 = arith.cmpi eq, %scan3A_128, %eq3A_136 : i32
        %add3A_138 = arith.addi %scan3A_133, %mul3A_6 : i32
        %sub3A_139 = arith.constant 1 : i32
        %sub3A_140 = arith.subi %scan3A_133, %sub3A_139 : i32
        %select_n3A_141 = arith.constant true
        %select_n3A_142 = arith.select %select_n3A_141, %sub3A_140, %scan3A_133 : i32
        %eq3A_143 = arith.constant -1 : i32
        %eq3A_144 = arith.cmpi eq, %select_n3A_142, %eq3A_143 : i32
        %select_n3A_145 = arith.constant 63 : i32
        %select_n3A_146 = arith.select %eq3A_144, %select_n3A_145, %select_n3A_142 : i32
        %add3A_147 = arith.addi %select_n3A_146, %mul3A_6 : i32
        %add3A_148 = arith.constant 1 : i32
        %add3A_149 = arith.addi %scan3A_133, %add3A_148 : i32
        %select_n3A_150 = arith.constant true
        %select_n3A_151 = arith.select %select_n3A_150, %add3A_149, %scan3A_133 : i32
        %eq3A_152 = arith.constant 64 : i32
        %eq3A_153 = arith.cmpi eq, %select_n3A_151, %eq3A_152 : i32
        %select_n3A_154 = arith.constant 0 : i32
        %select_n3A_155 = arith.select %eq3A_153, %select_n3A_154, %select_n3A_151 : i32
        %add3A_156 = arith.addi %select_n3A_155, %mul3A_6 : i32
        %add3A_157 = arith.constant 1 : i32
        %add3A_158 = arith.addi %select_n3A_155, %add3A_157 : i32
        %select_n3A_159 = arith.constant true
        %select_n3A_160 = arith.select %select_n3A_159, %add3A_158, %select_n3A_155 : i32
        %eq3A_161 = arith.constant 64 : i32
        %eq3A_162 = arith.cmpi eq, %select_n3A_160, %eq3A_161 : i32
        %select_n3A_163 = arith.constant 0 : i32
        %select_n3A_164 = arith.select %eq3A_162, %select_n3A_163, %select_n3A_160 : i32
        %add3A_165 = arith.addi %select_n3A_164, %mul3A_6 : i32
        %ne3A = arith.cmpi ne, %add3A_138, %add3A_156 : i32
        %or3A = arith.constant false
        %or3A_166 = arith.ori %or3A, %ne3A : i1
        %or3A_167 = arith.constant false
        %or3A_168 = arith.ori %or3A_166, %or3A_167 : i1
        %ge3A = arith.constant 63 : i32
        %ge3A_169 = arith.cmpi sge, %scan3A_128, %ge3A : i32
        %not3A = arith.constant true
        %not3A_170 = arith.xori %ge3A_169, %not3A : i1
        %and3A = arith.andi %or3A_168, %not3A_170 : i1
        %convert_element_type3A = arith.extui %and3A : i1 to i32
        %cond3A = arith.constant 0 : i32
        %cond3A_171 = arith.cmpi ne, %convert_element_type3A, %cond3A : i32
        scf.if %cond3A_171 {
          "tpu.trace_start"() <{level = 10 : i32, message = "ep_copy_in"}> : () -> ()
          %rem3A_282 = arith.constant 2 : i32
          %rem3A_283 = arith.remui %scan3A_129, %rem3A_282 : i32
          %mul3A_284 = arith.constant 128 : i32
          %mul3A_285 = arith.muli %mul3A_284, %add3A_156 : i32
          %dma_start3A_286 = arith.constant 0 : i32
          %dma_start3A_287 = arith.constant 0 : i32
          %dma_start3A_288 = tpu.memref_slice %run_scoped3A[%rem3A_283, %dma_start3A_286, %dma_start3A_287] : memref<2x128x128xf32, #tpu.memory_space<vmem>> -> memref<1x128x128xf32, #tpu.memory_space<vmem>>
          %dma_start3A_289 = tpu.memref_squeeze %dma_start3A_288 : memref<1x128x128xf32, #tpu.memory_space<vmem>> -> memref<128x128xf32, #tpu.memory_space<vmem>>
          %dma_start3A_290 = arith.constant 0 : i32
          %dma_start3A_291 = tpu.memref_slice %arg2[%mul3A_285, %dma_start3A_290] : memref<262144x128xf32, #tpu.memory_space<hbm>> -> memref<128x128xf32, #tpu.memory_space<hbm>>
          %dma_start3A_292 = tpu.memref_slice %run_scoped3A_7[%rem3A_283] : memref<2x!tpu.dma_semaphore, #tpu.memory_space<semaphore_mem>> -> memref<1x!tpu.dma_semaphore, #tpu.memory_space<semaphore_mem>>
          %dma_start3A_293 = tpu.memref_squeeze %dma_start3A_292 : memref<1x!tpu.dma_semaphore, #tpu.memory_space<semaphore_mem>> -> memref<!tpu.dma_semaphore, #tpu.memory_space<semaphore_mem>>
          %dma_start3A_294 = arith.constant 0 : i32
          %dma_start3A_295 = arith.constant 0 : i32
          %dma_start3A_296 = tpu.memref_slice %run_scoped3A[%rem3A_283, %dma_start3A_294, %dma_start3A_295] : memref<2x128x128xf32, #tpu.memory_space<vmem>> -> memref<1x128x128xf32, #tpu.memory_space<vmem>>
          %dma_start3A_297 = tpu.memref_squeeze %dma_start3A_296 : memref<1x128x128xf32, #tpu.memory_space<vmem>> -> memref<128x128xf32, #tpu.memory_space<vmem>>
          %dma_start3A_298 = arith.constant 0 : i32
          %dma_start3A_299 = tpu.memref_slice %arg2[%mul3A_285, %dma_start3A_298] : memref<262144x128xf32, #tpu.memory_space<hbm>> -> memref<128x128xf32, #tpu.memory_space<hbm>>
          tpu.enqueue_dma source(%dma_start3A_299 : memref<128x128xf32, #tpu.memory_space<hbm>>) target(%dma_start3A_297 : memref<128x128xf32, #tpu.memory_space<vmem>>) target_semaphore(%dma_start3A_293 : memref<!tpu.dma_semaphore, #tpu.memory_space<semaphore_mem>>)
          "tpu.trace_stop"() : () -> ()
        } else {
        }
        %and3A_172 = arith.constant true
        %and3A_173 = arith.andi %and3A, %and3A_172 : i1
        %add3A_174 = arith.constant 1 : i32
        %add3A_175 = arith.addi %scan3A_129, %add3A_174 : i32
        %select_n3A_176 = arith.select %and3A_173, %add3A_175, %scan3A_129 : i32
        %ne3A_177 = arith.cmpi ne, %add3A_138, %add3A_156 : i32
        %or3A_178 = arith.constant false
        %or3A_179 = arith.ori %or3A_178, %ne3A_177 : i1
        %ge3A_180 = arith.constant 63 : i32
        %ge3A_181 = arith.cmpi sge, %scan3A_128, %ge3A_180 : i32
        %not3A_182 = arith.constant true
        %not3A_183 = arith.xori %ge3A_181, %not3A_182 : i1
        %and3A_184 = arith.andi %or3A_179, %not3A_183 : i1
        %convert_element_type3A_185 = arith.extui %and3A_184 : i1 to i32
        %cond3A_186 = arith.constant 0 : i32
        %cond3A_187 = arith.cmpi ne, %convert_element_type3A_185, %cond3A_186 : i32
        scf.if %cond3A_187 {
          "tpu.trace_start"() <{level = 10 : i32, message = "ep_copy_in"}> : () -> ()
          %rem3A_282 = arith.constant 2 : i32
          %rem3A_283 = arith.remui %scan3A_131, %rem3A_282 : i32
          %mul3A_284 = arith.constant 128 : i32
          %mul3A_285 = arith.muli %mul3A_284, %add3A_156 : i32
          %dma_start3A_286 = arith.constant 0 : i32
          %dma_start3A_287 = arith.constant 0 : i32
          %dma_start3A_288 = tpu.memref_slice %run_scoped3A_8[%rem3A_283, %dma_start3A_286, %dma_start3A_287] : memref<2x1x128xi32, #tpu.memory_space<vmem>> -> memref<1x1x128xi32, #tpu.memory_space<vmem>>
          %dma_start3A_289 = tpu.memref_squeeze %dma_start3A_288 : memref<1x1x128xi32, #tpu.memory_space<vmem>> -> memref<1x128xi32, #tpu.memory_space<vmem>>
          %dma_start3A_290 = arith.constant 0 : i32
          %dma_start3A_291 = tpu.memref_slice %arg3[%dma_start3A_290, %mul3A_285] : memref<1x262144xi32, #tpu.memory_space<hbm>> -> memref<1x128xi32, #tpu.memory_space<hbm>>
          %dma_start3A_292 = tpu.memref_slice %run_scoped3A_9[%rem3A_283] : memref<2x!tpu.dma_semaphore, #tpu.memory_space<semaphore_mem>> -> memref<1x!tpu.dma_semaphore, #tpu.memory_space<semaphore_mem>>
          %dma_start3A_293 = tpu.memref_squeeze %dma_start3A_292 : memref<1x!tpu.dma_semaphore, #tpu.memory_space<semaphore_mem>> -> memref<!tpu.dma_semaphore, #tpu.memory_space<semaphore_mem>>
          %dma_start3A_294 = arith.constant 0 : i32
          %dma_start3A_295 = arith.constant 0 : i32
          %dma_start3A_296 = tpu.memref_slice %run_scoped3A_8[%rem3A_283, %dma_start3A_294, %dma_start3A_295] : memref<2x1x128xi32, #tpu.memory_space<vmem>> -> memref<1x1x128xi32, #tpu.memory_space<vmem>>
          %dma_start3A_297 = tpu.memref_squeeze %dma_start3A_296 : memref<1x1x128xi32, #tpu.memory_space<vmem>> -> memref<1x128xi32, #tpu.memory_space<vmem>>
          %dma_start3A_298 = arith.constant 0 : i32
          %dma_start3A_299 = tpu.memref_slice %arg3[%dma_start3A_298, %mul3A_285] : memref<1x262144xi32, #tpu.memory_space<hbm>> -> memref<1x128xi32, #tpu.memory_space<hbm>>
          tpu.enqueue_dma source(%dma_start3A_299 : memref<1x128xi32, #tpu.memory_space<hbm>>) target(%dma_start3A_297 : memref<1x128xi32, #tpu.memory_space<vmem>>) target_semaphore(%dma_start3A_293 : memref<!tpu.dma_semaphore, #tpu.memory_space<semaphore_mem>>)
          "tpu.trace_stop"() : () -> ()
        } else {
        }
        %and3A_188 = arith.constant true
        %and3A_189 = arith.andi %and3A_184, %and3A_188 : i1
        %add3A_190 = arith.constant 1 : i32
        %add3A_191 = arith.addi %scan3A_131, %add3A_190 : i32
        %select_n3A_192 = arith.select %and3A_189, %add3A_191, %scan3A_131 : i32
        %ne3A_193 = arith.cmpi ne, %add3A_138, %add3A_147 : i32
        %or3A_194 = arith.constant false
        %or3A_195 = arith.ori %or3A_194, %ne3A_193 : i1
        %or3A_196 = arith.constant false
        %or3A_197 = arith.ori %or3A_195, %or3A_196 : i1
        %or3A_198 = arith.ori %or3A_197, %eq3A_135 : i1
        %convert_element_type3A_199 = arith.extui %or3A_198 : i1 to i32
        %cond3A_200 = arith.constant 0 : i32
        %cond3A_201 = arith.cmpi ne, %convert_element_type3A_199, %cond3A_200 : i32
        scf.if %cond3A_201 {
          "tpu.trace_start"() <{level = 10 : i32, message = "ep_wait_in"}> : () -> ()
          %mul3A_282 = arith.constant 128 : i32
          %mul3A_283 = arith.muli %mul3A_282, %add3A_138 : i32
          %rem3A_284 = arith.constant 2 : i32
          %rem3A_285 = arith.remui %scan3A_130, %rem3A_284 : i32
          %dma_wait3A = arith.constant 0 : i32
          %dma_wait3A_286 = arith.constant 0 : i32
          %dma_wait3A_287 = tpu.memref_slice %run_scoped3A[%rem3A_285, %dma_wait3A, %dma_wait3A_286] : memref<2x128x128xf32, #tpu.memory_space<vmem>> -> memref<1x128x128xf32, #tpu.memory_space<vmem>>
          %dma_wait3A_288 = tpu.memref_squeeze %dma_wait3A_287 : memref<1x128x128xf32, #tpu.memory_space<vmem>> -> memref<128x128xf32, #tpu.memory_space<vmem>>
          %dma_wait3A_289 = arith.constant 0 : i32
          %dma_wait3A_290 = tpu.memref_slice %arg2[%mul3A_283, %dma_wait3A_289] : memref<262144x128xf32, #tpu.memory_space<hbm>> -> memref<128x128xf32, #tpu.memory_space<hbm>>
          %dma_wait3A_291 = tpu.memref_slice %run_scoped3A_7[%rem3A_285] : memref<2x!tpu.dma_semaphore, #tpu.memory_space<semaphore_mem>> -> memref<1x!tpu.dma_semaphore, #tpu.memory_space<semaphore_mem>>
          %dma_wait3A_292 = tpu.memref_squeeze %dma_wait3A_291 : memref<1x!tpu.dma_semaphore, #tpu.memory_space<semaphore_mem>> -> memref<!tpu.dma_semaphore, #tpu.memory_space<semaphore_mem>>
          %dma_wait3A_293 = arith.constant 0 : i32
          %dma_wait3A_294 = arith.constant 0 : i32
          %dma_wait3A_295 = tpu.memref_slice %run_scoped3A[%rem3A_285, %dma_wait3A_293, %dma_wait3A_294] : memref<2x128x128xf32, #tpu.memory_space<vmem>> -> memref<1x128x128xf32, #tpu.memory_space<vmem>>
          %dma_wait3A_296 = tpu.memref_squeeze %dma_wait3A_295 : memref<1x128x128xf32, #tpu.memory_space<vmem>> -> memref<128x128xf32, #tpu.memory_space<vmem>>
          %dma_wait3A_297 = arith.constant 0 : i32
          %dma_wait3A_298 = tpu.memref_slice %arg2[%mul3A_283, %dma_wait3A_297] : memref<262144x128xf32, #tpu.memory_space<hbm>> -> memref<128x128xf32, #tpu.memory_space<hbm>>
          tpu.wait_dma2 semaphore(%dma_wait3A_292 : memref<!tpu.dma_semaphore, #tpu.memory_space<semaphore_mem>>) src(%dma_wait3A_298 : memref<128x128xf32, #tpu.memory_space<hbm>>) dst(%dma_wait3A_296 : memref<128x128xf32, #tpu.memory_space<vmem>>)
          "tpu.trace_stop"() : () -> ()
        } else {
        }
        %ne3A_202 = arith.cmpi ne, %add3A_138, %add3A_147 : i32
        %or3A_203 = arith.constant false
        %or3A_204 = arith.ori %or3A_203, %ne3A_202 : i1
        %or3A_205 = arith.ori %or3A_204, %eq3A_135 : i1
        %convert_element_type3A_206 = arith.extui %or3A_205 : i1 to i32
        %cond3A_207 = arith.constant 0 : i32
        %cond3A_208 = arith.cmpi ne, %convert_element_type3A_206, %cond3A_207 : i32
        scf.if %cond3A_208 {
          "tpu.trace_start"() <{level = 10 : i32, message = "ep_wait_in"}> : () -> ()
          %mul3A_282 = arith.constant 128 : i32
          %mul3A_283 = arith.muli %mul3A_282, %add3A_138 : i32
          %rem3A_284 = arith.constant 2 : i32
          %rem3A_285 = arith.remui %scan3A_132, %rem3A_284 : i32
          %dma_wait3A = arith.constant 0 : i32
          %dma_wait3A_286 = arith.constant 0 : i32
          %dma_wait3A_287 = tpu.memref_slice %run_scoped3A_8[%rem3A_285, %dma_wait3A, %dma_wait3A_286] : memref<2x1x128xi32, #tpu.memory_space<vmem>> -> memref<1x1x128xi32, #tpu.memory_space<vmem>>
          %dma_wait3A_288 = tpu.memref_squeeze %dma_wait3A_287 : memref<1x1x128xi32, #tpu.memory_space<vmem>> -> memref<1x128xi32, #tpu.memory_space<vmem>>
          %dma_wait3A_289 = arith.constant 0 : i32
          %dma_wait3A_290 = tpu.memref_slice %arg3[%dma_wait3A_289, %mul3A_283] : memref<1x262144xi32, #tpu.memory_space<hbm>> -> memref<1x128xi32, #tpu.memory_space<hbm>>
          %dma_wait3A_291 = tpu.memref_slice %run_scoped3A_9[%rem3A_285] : memref<2x!tpu.dma_semaphore, #tpu.memory_space<semaphore_mem>> -> memref<1x!tpu.dma_semaphore, #tpu.memory_space<semaphore_mem>>
          %dma_wait3A_292 = tpu.memref_squeeze %dma_wait3A_291 : memref<1x!tpu.dma_semaphore, #tpu.memory_space<semaphore_mem>> -> memref<!tpu.dma_semaphore, #tpu.memory_space<semaphore_mem>>
          %dma_wait3A_293 = arith.constant 0 : i32
          %dma_wait3A_294 = arith.constant 0 : i32
          %dma_wait3A_295 = tpu.memref_slice %run_scoped3A_8[%rem3A_285, %dma_wait3A_293, %dma_wait3A_294] : memref<2x1x128xi32, #tpu.memory_space<vmem>> -> memref<1x1x128xi32, #tpu.memory_space<vmem>>
          %dma_wait3A_296 = tpu.memref_squeeze %dma_wait3A_295 : memref<1x1x128xi32, #tpu.memory_space<vmem>> -> memref<1x128xi32, #tpu.memory_space<vmem>>
          %dma_wait3A_297 = arith.constant 0 : i32
          %dma_wait3A_298 = tpu.memref_slice %arg3[%dma_wait3A_297, %mul3A_283] : memref<1x262144xi32, #tpu.memory_space<hbm>> -> memref<1x128xi32, #tpu.memory_space<hbm>>
          tpu.wait_dma2 semaphore(%dma_wait3A_292 : memref<!tpu.dma_semaphore, #tpu.memory_space<semaphore_mem>>) src(%dma_wait3A_298 : memref<1x128xi32, #tpu.memory_space<hbm>>) dst(%dma_wait3A_296 : memref<1x128xi32, #tpu.memory_space<vmem>>)
          "tpu.trace_stop"() : () -> ()
        } else {
        }
        %rem3A_209 = arith.constant 2 : i32
        %rem3A_210 = arith.remui %scan3A_130, %rem3A_209 : i32
        %rem3A_211 = arith.constant 2 : i32
        %rem3A_212 = arith.remui %scan3A_132, %rem3A_211 : i32
        %run_scoped3A_213 = arith.constant 0 : i32
        "tpu.trace_start"() <{level = 10 : i32, message = "ep_run_kernel"}> : () -> ()
        "tpu.region"() ({
          %run_scoped3A_282 = tpu.sem_alloc : memref<!tpu.dma_semaphore, #tpu.memory_space<semaphore_mem>>
          %dma_start3A_283 = arith.constant 0 : i32
          %dma_start3A_284 = arith.constant 0 : i32
          %dma_start3A_285 = tpu.memref_slice %run_scoped3A[%rem3A_210, %dma_start3A_283, %dma_start3A_284] : memref<2x128x128xf32, #tpu.memory_space<vmem>> -> memref<1x128x128xf32, #tpu.memory_space<vmem>>
          %dma_start3A_286 = tpu.memref_squeeze %dma_start3A_285 : memref<1x128x128xf32, #tpu.memory_space<vmem>> -> memref<128x128xf32, #tpu.memory_space<vmem>>
          %dma_start3A_287 = arith.constant 0 : i32
          %dma_start3A_288 = arith.constant 0 : i32
          %dma_start3A_289 = tpu.memref_slice %run_scoped3A_8[%rem3A_212, %dma_start3A_287, %dma_start3A_288] : memref<2x1x128xi32, #tpu.memory_space<vmem>> -> memref<1x1x128xi32, #tpu.memory_space<vmem>>
          %dma_start3A_290 = tpu.memref_squeeze %dma_start3A_289 : memref<1x1x128xi32, #tpu.memory_space<vmem>> -> memref<1x128xi32, #tpu.memory_space<vmem>>
          %dma_start3A_291 = arith.constant 0 : i32
          %dma_start3A_292 = tpu.memref_slice %dma_start3A_290[%run_scoped3A_213, %dma_start3A_291] : memref<1x128xi32, #tpu.memory_space<vmem>> -> memref<1x128xi32, #tpu.memory_space<vmem>>
          %dma_start3A_293 = tpu.memref_squeeze %dma_start3A_292 : memref<1x128xi32, #tpu.memory_space<vmem>> -> memref<128xi32, #tpu.memory_space<vmem>>
          %dma_start3A_294 = arith.constant 0 : i32
          %dma_start3A_295 = arith.constant 0 : i32
          %dma_start3A_296 = tpu.memref_slice %arg4[%dma_start3A_294, %dma_start3A_295] : memref<262144x128xf32, #tpu.memory_space<hbm>> -> memref<262144x128xf32, #tpu.memory_space<hbm>>
          tpu.enqueue_indirect_dma source(%dma_start3A_286 : memref<128x128xf32, #tpu.memory_space<vmem>>) target(%dma_start3A_296 : memref<262144x128xf32, #tpu.memory_space<hbm>>) offsets(%dma_start3A_293 : memref<128xi32, #tpu.memory_space<vmem>>) semaphore(%run_scoped3A_282 : memref<!tpu.dma_semaphore, #tpu.memory_space<semaphore_mem>>)
          %dma_wait3A = arith.constant 0 : i32
          %dma_wait3A_297 = arith.constant 0 : i32
          %dma_wait3A_298 = tpu.memref_slice %run_scoped3A[%rem3A_210, %dma_wait3A, %dma_wait3A_297] : memref<2x128x128xf32, #tpu.memory_space<vmem>> -> memref<1x128x128xf32, #tpu.memory_space<vmem>>
          %dma_wait3A_299 = tpu.memref_squeeze %dma_wait3A_298 : memref<1x128x128xf32, #tpu.memory_space<vmem>> -> memref<128x128xf32, #tpu.memory_space<vmem>>
          %dma_wait3A_300 = arith.constant 0 : i32
          %dma_wait3A_301 = arith.constant 0 : i32
          %dma_wait3A_302 = tpu.memref_slice %run_scoped3A_8[%rem3A_212, %dma_wait3A_300, %dma_wait3A_301] : memref<2x1x128xi32, #tpu.memory_space<vmem>> -> memref<1x1x128xi32, #tpu.memory_space<vmem>>
          %dma_wait3A_303 = tpu.memref_squeeze %dma_wait3A_302 : memref<1x1x128xi32, #tpu.memory_space<vmem>> -> memref<1x128xi32, #tpu.memory_space<vmem>>
          %dma_wait3A_304 = arith.constant 0 : i32
          %dma_wait3A_305 = tpu.memref_slice %dma_wait3A_303[%run_scoped3A_213, %dma_wait3A_304] : memref<1x128xi32, #tpu.memory_space<vmem>> -> memref<1x128xi32, #tpu.memory_space<vmem>>
          %dma_wait3A_306 = tpu.memref_squeeze %dma_wait3A_305 : memref<1x128xi32, #tpu.memory_space<vmem>> -> memref<128xi32, #tpu.memory_space<vmem>>
          %dma_wait3A_307 = arith.constant 0 : i32
          %dma_wait3A_308 = arith.constant 0 : i32
          %dma_wait3A_309 = tpu.memref_slice %arg4[%dma_wait3A_307, %dma_wait3A_308] : memref<262144x128xf32, #tpu.memory_space<hbm>> -> memref<262144x128xf32, #tpu.memory_space<hbm>>
          tpu.wait_indirect_dma semaphore(%run_scoped3A_282 : memref<!tpu.dma_semaphore, #tpu.memory_space<semaphore_mem>>) src(%dma_wait3A_299 : memref<128x128xf32, #tpu.memory_space<vmem>>) dst(%dma_wait3A_309 : memref<262144x128xf32, #tpu.memory_space<hbm>>)
          tpu.yield
        }) : () -> ()
        "tpu.trace_stop"() : () -> ()
        %ne3A_214 = arith.cmpi ne, %add3A_138, %add3A_156 : i32
        %or3A_215 = arith.constant false
        %or3A_216 = arith.ori %or3A_215, %ne3A_214 : i1
        %or3A_217 = arith.constant false
        %or3A_218 = arith.ori %or3A_216, %or3A_217 : i1
        %or3A_219 = arith.ori %or3A_218, %eq3A_137 : i1
        %convert_element_type3A_220 = arith.extui %or3A_219 : i1 to i32
        %cond3A_221 = arith.constant 0 : i32
        %cond3A_222 = arith.cmpi ne, %convert_element_type3A_220, %cond3A_221 : i32
        scf.if %cond3A_222 {
        } else {
        }
        %and3A_223 = arith.constant false
        %and3A_224 = arith.andi %or3A_219, %and3A_223 : i1
        %ne3A_225 = arith.cmpi ne, %add3A_138, %add3A_156 : i32
        %or3A_226 = arith.constant false
        %or3A_227 = arith.ori %or3A_226, %ne3A_225 : i1
        %or3A_228 = arith.ori %or3A_227, %eq3A_137 : i1
        %convert_element_type3A_229 = arith.extui %or3A_228 : i1 to i32
        %cond3A_230 = arith.constant 0 : i32
        %cond3A_231 = arith.cmpi ne, %convert_element_type3A_229, %cond3A_230 : i32
        scf.if %cond3A_231 {
        } else {
        }
        %and3A_232 = arith.constant false
        %and3A_233 = arith.andi %or3A_228, %and3A_232 : i1
        %ne3A_234 = arith.cmpi ne, %add3A_138, %add3A_147 : i32
        %or3A_235 = arith.constant false
        %or3A_236 = arith.ori %or3A_235, %ne3A_234 : i1
        %or3A_237 = arith.constant false
        %or3A_238 = arith.ori %or3A_236, %or3A_237 : i1
        %not3A_239 = arith.constant true
        %not3A_240 = arith.xori %eq3A_135, %not3A_239 : i1
        %and3A_241 = arith.andi %or3A_238, %not3A_240 : i1
        %convert_element_type3A_242 = arith.extui %and3A_241 : i1 to i32
        %cond3A_243 = arith.constant 0 : i32
        %cond3A_244 = arith.cmpi ne, %convert_element_type3A_242, %cond3A_243 : i32
        scf.if %cond3A_244 {
        } else {
        }
        %and3A_245 = arith.constant false
        %and3A_246 = arith.andi %and3A_241, %and3A_245 : i1
        %ne3A_247 = arith.cmpi ne, %add3A_138, %add3A_147 : i32
        %or3A_248 = arith.constant false
        %or3A_249 = arith.ori %or3A_248, %ne3A_247 : i1
        %not3A_250 = arith.constant true
        %not3A_251 = arith.xori %eq3A_135, %not3A_250 : i1
        %and3A_252 = arith.andi %or3A_249, %not3A_251 : i1
        %convert_element_type3A_253 = arith.extui %and3A_252 : i1 to i32
        %cond3A_254 = arith.constant 0 : i32
        %cond3A_255 = arith.cmpi ne, %convert_element_type3A_253, %cond3A_254 : i32
        scf.if %cond3A_255 {
        } else {
        }
        %and3A_256 = arith.constant false
        %and3A_257 = arith.andi %and3A_252, %and3A_256 : i1
        %ne3A_258 = arith.cmpi ne, %add3A_138, %add3A_156 : i32
        %or3A_259 = arith.constant false
        %or3A_260 = arith.ori %or3A_259, %ne3A_258 : i1
        %or3A_261 = arith.constant false
        %or3A_262 = arith.ori %or3A_260, %or3A_261 : i1
        %or3A_263 = arith.ori %or3A_262, %eq3A_137 : i1
        %add3A_264 = arith.constant 1 : i32
        %add3A_265 = arith.addi %scan3A_130, %add3A_264 : i32
        %select_n3A_266 = arith.select %or3A_263, %add3A_265, %scan3A_130 : i32
        %ne3A_267 = arith.cmpi ne, %add3A_138, %add3A_156 : i32
        %or3A_268 = arith.constant false
        %or3A_269 = arith.ori %or3A_268, %ne3A_267 : i1
        %or3A_270 = arith.ori %or3A_269, %eq3A_137 : i1
        %add3A_271 = arith.constant 1 : i32
        %add3A_272 = arith.addi %scan3A_132, %add3A_271 : i32
        %select_n3A_273 = arith.select %or3A_270, %add3A_272, %scan3A_132 : i32
        %add3A_274 = arith.constant 1 : i32
        %add3A_275 = arith.addi %scan3A_133, %add3A_274 : i32
        %select_n3A_276 = arith.constant true
        %select_n3A_277 = arith.select %select_n3A_276, %add3A_275, %scan3A_133 : i32
        %eq3A_278 = arith.constant 64 : i32
        %eq3A_279 = arith.cmpi eq, %select_n3A_277, %eq3A_278 : i32
        %select_n3A_280 = arith.constant 0 : i32
        %select_n3A_281 = arith.select %eq3A_279, %select_n3A_280, %select_n3A_277 : i32
        scf.yield %select_n3A_176, %select_n3A_266, %select_n3A_192, %select_n3A_273, %select_n3A_281 : i32, i32, i32, i32, i32
      }
      %scan3A_92 = arith.constant 64 : i32
      %sub3A = arith.constant 1 : i32
      %sub3A_93 = arith.subi %scan3A_91#4, %sub3A : i32
      %select_n3A_94 = arith.constant true
      %select_n3A_95 = arith.select %select_n3A_94, %sub3A_93, %scan3A_91#4 : i32
      %eq3A_96 = arith.constant -1 : i32
      %eq3A_97 = arith.cmpi eq, %select_n3A_95, %eq3A_96 : i32
      %select_n3A_98 = arith.constant 63 : i32
      %select_n3A_99 = arith.select %eq3A_97, %select_n3A_98, %select_n3A_95 : i32
      %add3A_100 = arith.addi %select_n3A_99, %mul3A_6 : i32
      %sub3A_101 = arith.constant 1 : i32
      %sub3A_102 = arith.subi %select_n3A_99, %sub3A_101 : i32
      %select_n3A_103 = arith.constant true
      %select_n3A_104 = arith.select %select_n3A_103, %sub3A_102, %select_n3A_99 : i32
      %eq3A_105 = arith.constant -1 : i32
      %eq3A_106 = arith.cmpi eq, %select_n3A_104, %eq3A_105 : i32
      %select_n3A_107 = arith.constant 63 : i32
      %select_n3A_108 = arith.select %eq3A_106, %select_n3A_107, %select_n3A_104 : i32
      %add3A_109 = arith.addi %select_n3A_108, %mul3A_6 : i32
      %add3A_110 = arith.constant 1 : i32
      %add3A_111 = arith.addi %select_n3A_99, %add3A_110 : i32
      %select_n3A_112 = arith.constant true
      %select_n3A_113 = arith.select %select_n3A_112, %add3A_111, %select_n3A_99 : i32
      %eq3A_114 = arith.constant 64 : i32
      %eq3A_115 = arith.cmpi eq, %select_n3A_113, %eq3A_114 : i32
      %select_n3A_116 = arith.constant 0 : i32
      %select_n3A_117 = arith.select %eq3A_115, %select_n3A_116, %select_n3A_113 : i32
      %add3A_118 = arith.addi %select_n3A_117, %mul3A_6 : i32
      %add3A_119 = arith.constant 1 : i32
      %add3A_120 = arith.addi %select_n3A_117, %add3A_119 : i32
      %select_n3A_121 = arith.constant true
      %select_n3A_122 = arith.select %select_n3A_121, %add3A_120, %select_n3A_117 : i32
      %eq3A_123 = arith.constant 64 : i32
      %eq3A_124 = arith.cmpi eq, %select_n3A_122, %eq3A_123 : i32
      %select_n3A_125 = arith.constant 0 : i32
      %select_n3A_126 = arith.select %eq3A_124, %select_n3A_125, %select_n3A_122 : i32
      %add3A_127 = arith.addi %select_n3A_126, %mul3A_6 : i32
      tpu.yield
    }) : () -> ()
    return
  }
}

#map = affine_map<(d0, d1) -> (0, 0)>
module attributes {stable_mosaic.version = 14 : i64} {
  func.func @run(%arg0: i32, %arg1: i32, %arg2: memref<65536x128xf32, #tpu.memory_space<hbm>>, %arg3: memref<65536x128xf32, #tpu.memory_space<hbm>>, %arg4: memref<1x262144xi32, #tpu.memory_space<hbm>>, %arg5: memref<1x262144xi32, #tpu.memory_space<hbm>>, %arg6: memref<262144x128xf32, #tpu.memory_space<hbm>>, %arg7: memref<262144x128xf32, #tpu.memory_space<hbm>>, %arg8: memref<!tpu.dma_semaphore, #tpu.memory_space<semaphore_mem>>, %arg9: memref<!tpu.dma_semaphore, #tpu.memory_space<semaphore_mem>>) attributes {dimension_semantics = [#tpu.dimension_semantics<core_parallel>, #tpu.dimension_semantics<subcore_parallel>], iteration_bounds = array<i64: 2, 16>, scalar_prefetch = 0 : i64, scratch_operands = 2 : i64, tpu.core_type = #tpu.core_type<sc_vector_subcore>, window_params = [{transform_indices = #map}, {transform_indices = #map}, {transform_indices = #map}, {transform_indices = #map}, {transform_indices = #map}, {transform_indices = #map}]} {
    %mul3A = arith.constant 1 : i32
    %mul3A_0 = arith.muli %arg1, %mul3A : i32
    %add3A = arith.constant 0 : i32
    %add3A_1 = arith.addi %add3A, %mul3A_0 : i32
    %mul3A_2 = arith.constant 16 : i32
    %mul3A_3 = arith.muli %arg0, %mul3A_2 : i32
    %add3A_4 = arith.addi %add3A_1, %mul3A_3 : i32
    %mul3A_5 = arith.constant 64 : i32
    %mul3A_6 = arith.muli %add3A_4, %mul3A_5 : i32
    "tpu.region"() ({
      %run_scoped3A = memref.alloca() : memref<2x1x128xi32, #tpu.memory_space<vmem>>
      %run_scoped3A_7 = tpu.sem_alloc : memref<2x!tpu.dma_semaphore, #tpu.memory_space<semaphore_mem>>
      %run_scoped3A_8 = memref.alloca() : memref<2x1x128xi32, #tpu.memory_space<vmem>>
      %run_scoped3A_9 = tpu.sem_alloc : memref<2x!tpu.dma_semaphore, #tpu.memory_space<semaphore_mem>>
      %run_scoped3A_10 = memref.alloca() : memref<2x128x128xf32, #tpu.memory_space<vmem>>
      %run_scoped3A_11 = tpu.sem_alloc : memref<2x!tpu.dma_semaphore, #tpu.memory_space<semaphore_mem>>
      %run_scoped3A_12 = memref.alloca() : memref<2x128x128xf32, #tpu.memory_space<vmem>>
      %run_scoped3A_13 = tpu.sem_alloc : memref<2x!tpu.dma_semaphore, #tpu.memory_space<semaphore_mem>>
      %add3A_14 = arith.constant 0 : i32
      %add3A_15 = arith.addi %add3A_14, %mul3A_6 : i32
      %select_n3A = arith.constant true
      %select_n3A_16 = arith.constant 0 : i32
      %select_n3A_17 = arith.constant -1 : i32
      %select_n3A_18 = arith.select %select_n3A, %select_n3A_17, %select_n3A_16 : i32
      %eq3A = arith.constant -1 : i32
      %eq3A_19 = arith.cmpi eq, %select_n3A_18, %eq3A : i32
      %select_n3A_20 = arith.constant 63 : i32
      %select_n3A_21 = arith.select %eq3A_19, %select_n3A_20, %select_n3A_18 : i32
      %add3A_22 = arith.addi %select_n3A_21, %mul3A_6 : i32
      %select_n3A_23 = arith.constant true
      %select_n3A_24 = arith.constant 0 : i32
      %select_n3A_25 = arith.constant 1 : i32
      %select_n3A_26 = arith.select %select_n3A_23, %select_n3A_25, %select_n3A_24 : i32
      %eq3A_27 = arith.constant 64 : i32
      %eq3A_28 = arith.cmpi eq, %select_n3A_26, %eq3A_27 : i32
      %select_n3A_29 = arith.constant 0 : i32
      %select_n3A_30 = arith.select %eq3A_28, %select_n3A_29, %select_n3A_26 : i32
      %add3A_31 = arith.addi %select_n3A_30, %mul3A_6 : i32
      %add3A_32 = arith.constant 1 : i32
      %add3A_33 = arith.addi %select_n3A_30, %add3A_32 : i32
      %select_n3A_34 = arith.constant true
      %select_n3A_35 = arith.select %select_n3A_34, %add3A_33, %select_n3A_30 : i32
      %eq3A_36 = arith.constant 64 : i32
      %eq3A_37 = arith.cmpi eq, %select_n3A_35, %eq3A_36 : i32
      %select_n3A_38 = arith.constant 0 : i32
      %select_n3A_39 = arith.select %eq3A_37, %select_n3A_38, %select_n3A_35 : i32
      %add3A_40 = arith.addi %select_n3A_39, %mul3A_6 : i32
      "tpu.trace_start"() <{level = 10 : i32, message = "ep_initialize_0"}> : () -> ()
      %rem3A = arith.constant 0 : i32
      %rem3A_41 = arith.constant 2 : i32
      %rem3A_42 = arith.remui %rem3A, %rem3A_41 : i32
      %mul3A_43 = arith.constant 128 : i32
      %mul3A_44 = arith.muli %mul3A_43, %add3A_15 : i32
      %dma_start3A = arith.constant 0 : i32
      %dma_start3A_45 = arith.constant 0 : i32
      %dma_start3A_46 = tpu.memref_slice %run_scoped3A[%rem3A_42, %dma_start3A, %dma_start3A_45] : memref<2x1x128xi32, #tpu.memory_space<vmem>> -> memref<1x1x128xi32, #tpu.memory_space<vmem>>
      %dma_start3A_47 = tpu.memref_squeeze %dma_start3A_46 : memref<1x1x128xi32, #tpu.memory_space<vmem>> -> memref<1x128xi32, #tpu.memory_space<vmem>>
      %dma_start3A_48 = arith.constant 0 : i32
      %dma_start3A_49 = tpu.memref_slice %arg4[%dma_start3A_48, %mul3A_44] : memref<1x262144xi32, #tpu.memory_space<hbm>> -> memref<1x128xi32, #tpu.memory_space<hbm>>
      %dma_start3A_50 = tpu.memref_slice %run_scoped3A_7[%rem3A_42] : memref<2x!tpu.dma_semaphore, #tpu.memory_space<semaphore_mem>> -> memref<1x!tpu.dma_semaphore, #tpu.memory_space<semaphore_mem>>
      %dma_start3A_51 = tpu.memref_squeeze %dma_start3A_50 : memref<1x!tpu.dma_semaphore, #tpu.memory_space<semaphore_mem>> -> memref<!tpu.dma_semaphore, #tpu.memory_space<semaphore_mem>>
      %dma_start3A_52 = arith.constant 0 : i32
      %dma_start3A_53 = arith.constant 0 : i32
      %dma_start3A_54 = tpu.memref_slice %run_scoped3A[%rem3A_42, %dma_start3A_52, %dma_start3A_53] : memref<2x1x128xi32, #tpu.memory_space<vmem>> -> memref<1x1x128xi32, #tpu.memory_space<vmem>>
      %dma_start3A_55 = tpu.memref_squeeze %dma_start3A_54 : memref<1x1x128xi32, #tpu.memory_space<vmem>> -> memref<1x128xi32, #tpu.memory_space<vmem>>
      %dma_start3A_56 = arith.constant 0 : i32
      %dma_start3A_57 = tpu.memref_slice %arg4[%dma_start3A_56, %mul3A_44] : memref<1x262144xi32, #tpu.memory_space<hbm>> -> memref<1x128xi32, #tpu.memory_space<hbm>>
      tpu.enqueue_dma source(%dma_start3A_57 : memref<1x128xi32, #tpu.memory_space<hbm>>) target(%dma_start3A_55 : memref<1x128xi32, #tpu.memory_space<vmem>>) target_semaphore(%dma_start3A_51 : memref<!tpu.dma_semaphore, #tpu.memory_space<semaphore_mem>>)
      %add3A_58 = arith.constant 0 : i32
      %add3A_59 = arith.constant 1 : i32
      %add3A_60 = arith.addi %add3A_58, %add3A_59 : i32
      %select_n3A_61 = arith.constant true
      %select_n3A_62 = arith.constant 0 : i32
      %select_n3A_63 = arith.select %select_n3A_61, %add3A_60, %select_n3A_62 : i32
      %rem3A_64 = arith.constant 0 : i32
      %rem3A_65 = arith.constant 2 : i32
      %rem3A_66 = arith.remui %rem3A_64, %rem3A_65 : i32
      %mul3A_67 = arith.constant 128 : i32
      %mul3A_68 = arith.muli %mul3A_67, %add3A_15 : i32
      %dma_start3A_69 = arith.constant 0 : i32
      %dma_start3A_70 = arith.constant 0 : i32
      %dma_start3A_71 = tpu.memref_slice %run_scoped3A_8[%rem3A_66, %dma_start3A_69, %dma_start3A_70] : memref<2x1x128xi32, #tpu.memory_space<vmem>> -> memref<1x1x128xi32, #tpu.memory_space<vmem>>
      %dma_start3A_72 = tpu.memref_squeeze %dma_start3A_71 : memref<1x1x128xi32, #tpu.memory_space<vmem>> -> memref<1x128xi32, #tpu.memory_space<vmem>>
      %dma_start3A_73 = arith.constant 0 : i32
      %dma_start3A_74 = tpu.memref_slice %arg5[%dma_start3A_73, %mul3A_68] : memref<1x262144xi32, #tpu.memory_space<hbm>> -> memref<1x128xi32, #tpu.memory_space<hbm>>
      %dma_start3A_75 = tpu.memref_slice %run_scoped3A_9[%rem3A_66] : memref<2x!tpu.dma_semaphore, #tpu.memory_space<semaphore_mem>> -> memref<1x!tpu.dma_semaphore, #tpu.memory_space<semaphore_mem>>
      %dma_start3A_76 = tpu.memref_squeeze %dma_start3A_75 : memref<1x!tpu.dma_semaphore, #tpu.memory_space<semaphore_mem>> -> memref<!tpu.dma_semaphore, #tpu.memory_space<semaphore_mem>>
      %dma_start3A_77 = arith.constant 0 : i32
      %dma_start3A_78 = arith.constant 0 : i32
      %dma_start3A_79 = tpu.memref_slice %run_scoped3A_8[%rem3A_66, %dma_start3A_77, %dma_start3A_78] : memref<2x1x128xi32, #tpu.memory_space<vmem>> -> memref<1x1x128xi32, #tpu.memory_space<vmem>>
      %dma_start3A_80 = tpu.memref_squeeze %dma_start3A_79 : memref<1x1x128xi32, #tpu.memory_space<vmem>> -> memref<1x128xi32, #tpu.memory_space<vmem>>
      %dma_start3A_81 = arith.constant 0 : i32
      %dma_start3A_82 = tpu.memref_slice %arg5[%dma_start3A_81, %mul3A_68] : memref<1x262144xi32, #tpu.memory_space<hbm>> -> memref<1x128xi32, #tpu.memory_space<hbm>>
      tpu.enqueue_dma source(%dma_start3A_82 : memref<1x128xi32, #tpu.memory_space<hbm>>) target(%dma_start3A_80 : memref<1x128xi32, #tpu.memory_space<vmem>>) target_semaphore(%dma_start3A_76 : memref<!tpu.dma_semaphore, #tpu.memory_space<semaphore_mem>>)
      %add3A_83 = arith.constant 0 : i32
      %add3A_84 = arith.constant 1 : i32
      %add3A_85 = arith.addi %add3A_83, %add3A_84 : i32
      %select_n3A_86 = arith.constant true
      %select_n3A_87 = arith.constant 0 : i32
      %select_n3A_88 = arith.select %select_n3A_86, %add3A_85, %select_n3A_87 : i32
      "tpu.trace_stop"() : () -> ()
      %scan3A = arith.constant 0 : i32
      %scan3A_89 = arith.constant 0 : i32
      %scan3A_90 = arith.constant 0 : i32
      %scan3A_91 = arith.constant 0 : i32
      %scan3A_92 = arith.constant 0 : i32
      %scan3A_93 = arith.constant 0 : i32
      %scan3A_94 = arith.constant 0 : i32
      %scan3A_95 = arith.constant 0 : i32
      %scan3A_96 = arith.constant 64 : i32
      %scan3A_97 = arith.addi %scan3A_95, %scan3A_96 : i32
      %scan3A_98 = arith.constant 1 : i32
      %scan3A_99:9 = scf.for %scan3A_171 = %scan3A_95 to %scan3A_97 step %scan3A_98 iter_args(%scan3A_172 = %select_n3A_63, %scan3A_173 = %scan3A, %scan3A_174 = %select_n3A_88, %scan3A_175 = %scan3A_89, %scan3A_176 = %scan3A_90, %scan3A_177 = %scan3A_91, %scan3A_178 = %scan3A_92, %scan3A_179 = %scan3A_93, %scan3A_180 = %scan3A_94) -> (i32, i32, i32, i32, i32, i32, i32, i32, i32)  : i32 {
        %eq3A_181 = arith.constant 0 : i32
        %eq3A_182 = arith.cmpi eq, %scan3A_171, %eq3A_181 : i32
        %eq3A_183 = arith.constant 63 : i32
        %eq3A_184 = arith.cmpi eq, %scan3A_171, %eq3A_183 : i32
        %add3A_185 = arith.addi %scan3A_180, %mul3A_6 : i32
        %sub3A_186 = arith.constant 1 : i32
        %sub3A_187 = arith.subi %scan3A_180, %sub3A_186 : i32
        %select_n3A_188 = arith.constant true
        %select_n3A_189 = arith.select %select_n3A_188, %sub3A_187, %scan3A_180 : i32
        %eq3A_190 = arith.constant -1 : i32
        %eq3A_191 = arith.cmpi eq, %select_n3A_189, %eq3A_190 : i32
        %select_n3A_192 = arith.constant 63 : i32
        %select_n3A_193 = arith.select %eq3A_191, %select_n3A_192, %select_n3A_189 : i32
        %add3A_194 = arith.addi %select_n3A_193, %mul3A_6 : i32
        %add3A_195 = arith.constant 1 : i32
        %add3A_196 = arith.addi %scan3A_180, %add3A_195 : i32
        %select_n3A_197 = arith.constant true
        %select_n3A_198 = arith.select %select_n3A_197, %add3A_196, %scan3A_180 : i32
        %eq3A_199 = arith.constant 64 : i32
        %eq3A_200 = arith.cmpi eq, %select_n3A_198, %eq3A_199 : i32
        %select_n3A_201 = arith.constant 0 : i32
        %select_n3A_202 = arith.select %eq3A_200, %select_n3A_201, %select_n3A_198 : i32
        %add3A_203 = arith.addi %select_n3A_202, %mul3A_6 : i32
        %add3A_204 = arith.constant 1 : i32
        %add3A_205 = arith.addi %select_n3A_202, %add3A_204 : i32
        %select_n3A_206 = arith.constant true
        %select_n3A_207 = arith.select %select_n3A_206, %add3A_205, %select_n3A_202 : i32
        %eq3A_208 = arith.constant 64 : i32
        %eq3A_209 = arith.cmpi eq, %select_n3A_207, %eq3A_208 : i32
        %select_n3A_210 = arith.constant 0 : i32
        %select_n3A_211 = arith.select %eq3A_209, %select_n3A_210, %select_n3A_207 : i32
        %add3A_212 = arith.addi %select_n3A_211, %mul3A_6 : i32
        %ne3A = arith.cmpi ne, %add3A_185, %add3A_203 : i32
        %or3A = arith.constant false
        %or3A_213 = arith.ori %or3A, %ne3A : i1
        %ge3A = arith.constant 63 : i32
        %ge3A_214 = arith.cmpi sge, %scan3A_171, %ge3A : i32
        %not3A = arith.constant true
        %not3A_215 = arith.xori %ge3A_214, %not3A : i1
        %and3A = arith.andi %or3A_213, %not3A_215 : i1
        %convert_element_type3A = arith.extui %and3A : i1 to i32
        %cond3A = arith.constant 0 : i32
        %cond3A_216 = arith.cmpi ne, %convert_element_type3A, %cond3A : i32
        scf.if %cond3A_216 {
          "tpu.trace_start"() <{level = 10 : i32, message = "ep_copy_in"}> : () -> ()
          %rem3A_480 = arith.constant 2 : i32
          %rem3A_481 = arith.remui %scan3A_172, %rem3A_480 : i32
          %mul3A_482 = arith.constant 128 : i32
          %mul3A_483 = arith.muli %mul3A_482, %add3A_203 : i32
          %dma_start3A_484 = arith.constant 0 : i32
          %dma_start3A_485 = arith.constant 0 : i32
          %dma_start3A_486 = tpu.memref_slice %run_scoped3A[%rem3A_481, %dma_start3A_484, %dma_start3A_485] : memref<2x1x128xi32, #tpu.memory_space<vmem>> -> memref<1x1x128xi32, #tpu.memory_space<vmem>>
          %dma_start3A_487 = tpu.memref_squeeze %dma_start3A_486 : memref<1x1x128xi32, #tpu.memory_space<vmem>> -> memref<1x128xi32, #tpu.memory_space<vmem>>
          %dma_start3A_488 = arith.constant 0 : i32
          %dma_start3A_489 = tpu.memref_slice %arg4[%dma_start3A_488, %mul3A_483] : memref<1x262144xi32, #tpu.memory_space<hbm>> -> memref<1x128xi32, #tpu.memory_space<hbm>>
          %dma_start3A_490 = tpu.memref_slice %run_scoped3A_7[%rem3A_481] : memref<2x!tpu.dma_semaphore, #tpu.memory_space<semaphore_mem>> -> memref<1x!tpu.dma_semaphore, #tpu.memory_space<semaphore_mem>>
          %dma_start3A_491 = tpu.memref_squeeze %dma_start3A_490 : memref<1x!tpu.dma_semaphore, #tpu.memory_space<semaphore_mem>> -> memref<!tpu.dma_semaphore, #tpu.memory_space<semaphore_mem>>
          %dma_start3A_492 = arith.constant 0 : i32
          %dma_start3A_493 = arith.constant 0 : i32
          %dma_start3A_494 = tpu.memref_slice %run_scoped3A[%rem3A_481, %dma_start3A_492, %dma_start3A_493] : memref<2x1x128xi32, #tpu.memory_space<vmem>> -> memref<1x1x128xi32, #tpu.memory_space<vmem>>
          %dma_start3A_495 = tpu.memref_squeeze %dma_start3A_494 : memref<1x1x128xi32, #tpu.memory_space<vmem>> -> memref<1x128xi32, #tpu.memory_space<vmem>>
          %dma_start3A_496 = arith.constant 0 : i32
          %dma_start3A_497 = tpu.memref_slice %arg4[%dma_start3A_496, %mul3A_483] : memref<1x262144xi32, #tpu.memory_space<hbm>> -> memref<1x128xi32, #tpu.memory_space<hbm>>
          tpu.enqueue_dma source(%dma_start3A_497 : memref<1x128xi32, #tpu.memory_space<hbm>>) target(%dma_start3A_495 : memref<1x128xi32, #tpu.memory_space<vmem>>) target_semaphore(%dma_start3A_491 : memref<!tpu.dma_semaphore, #tpu.memory_space<semaphore_mem>>)
          "tpu.trace_stop"() : () -> ()
        } else {
        }
        %and3A_217 = arith.constant true
        %and3A_218 = arith.andi %and3A, %and3A_217 : i1
        %add3A_219 = arith.constant 1 : i32
        %add3A_220 = arith.addi %scan3A_172, %add3A_219 : i32
        %select_n3A_221 = arith.select %and3A_218, %add3A_220, %scan3A_172 : i32
        %ne3A_222 = arith.cmpi ne, %add3A_185, %add3A_203 : i32
        %or3A_223 = arith.constant false
        %or3A_224 = arith.ori %or3A_223, %ne3A_222 : i1
        %ge3A_225 = arith.constant 63 : i32
        %ge3A_226 = arith.cmpi sge, %scan3A_171, %ge3A_225 : i32
        %not3A_227 = arith.constant true
        %not3A_228 = arith.xori %ge3A_226, %not3A_227 : i1
        %and3A_229 = arith.andi %or3A_224, %not3A_228 : i1
        %convert_element_type3A_230 = arith.extui %and3A_229 : i1 to i32
        %cond3A_231 = arith.constant 0 : i32
        %cond3A_232 = arith.cmpi ne, %convert_element_type3A_230, %cond3A_231 : i32
        scf.if %cond3A_232 {
          "tpu.trace_start"() <{level = 10 : i32, message = "ep_copy_in"}> : () -> ()
          %rem3A_480 = arith.constant 2 : i32
          %rem3A_481 = arith.remui %scan3A_174, %rem3A_480 : i32
          %mul3A_482 = arith.constant 128 : i32
          %mul3A_483 = arith.muli %mul3A_482, %add3A_203 : i32
          %dma_start3A_484 = arith.constant 0 : i32
          %dma_start3A_485 = arith.constant 0 : i32
          %dma_start3A_486 = tpu.memref_slice %run_scoped3A_8[%rem3A_481, %dma_start3A_484, %dma_start3A_485] : memref<2x1x128xi32, #tpu.memory_space<vmem>> -> memref<1x1x128xi32, #tpu.memory_space<vmem>>
          %dma_start3A_487 = tpu.memref_squeeze %dma_start3A_486 : memref<1x1x128xi32, #tpu.memory_space<vmem>> -> memref<1x128xi32, #tpu.memory_space<vmem>>
          %dma_start3A_488 = arith.constant 0 : i32
          %dma_start3A_489 = tpu.memref_slice %arg5[%dma_start3A_488, %mul3A_483] : memref<1x262144xi32, #tpu.memory_space<hbm>> -> memref<1x128xi32, #tpu.memory_space<hbm>>
          %dma_start3A_490 = tpu.memref_slice %run_scoped3A_9[%rem3A_481] : memref<2x!tpu.dma_semaphore, #tpu.memory_space<semaphore_mem>> -> memref<1x!tpu.dma_semaphore, #tpu.memory_space<semaphore_mem>>
          %dma_start3A_491 = tpu.memref_squeeze %dma_start3A_490 : memref<1x!tpu.dma_semaphore, #tpu.memory_space<semaphore_mem>> -> memref<!tpu.dma_semaphore, #tpu.memory_space<semaphore_mem>>
          %dma_start3A_492 = arith.constant 0 : i32
          %dma_start3A_493 = arith.constant 0 : i32
          %dma_start3A_494 = tpu.memref_slice %run_scoped3A_8[%rem3A_481, %dma_start3A_492, %dma_start3A_493] : memref<2x1x128xi32, #tpu.memory_space<vmem>> -> memref<1x1x128xi32, #tpu.memory_space<vmem>>
          %dma_start3A_495 = tpu.memref_squeeze %dma_start3A_494 : memref<1x1x128xi32, #tpu.memory_space<vmem>> -> memref<1x128xi32, #tpu.memory_space<vmem>>
          %dma_start3A_496 = arith.constant 0 : i32
          %dma_start3A_497 = tpu.memref_slice %arg5[%dma_start3A_496, %mul3A_483] : memref<1x262144xi32, #tpu.memory_space<hbm>> -> memref<1x128xi32, #tpu.memory_space<hbm>>
          tpu.enqueue_dma source(%dma_start3A_497 : memref<1x128xi32, #tpu.memory_space<hbm>>) target(%dma_start3A_495 : memref<1x128xi32, #tpu.memory_space<vmem>>) target_semaphore(%dma_start3A_491 : memref<!tpu.dma_semaphore, #tpu.memory_space<semaphore_mem>>)
          "tpu.trace_stop"() : () -> ()
        } else {
        }
        %and3A_233 = arith.constant true
        %and3A_234 = arith.andi %and3A_229, %and3A_233 : i1
        %add3A_235 = arith.constant 1 : i32
        %add3A_236 = arith.addi %scan3A_174, %add3A_235 : i32
        %select_n3A_237 = arith.select %and3A_234, %add3A_236, %scan3A_174 : i32
        %ne3A_238 = arith.cmpi ne, %add3A_185, %add3A_203 : i32
        %or3A_239 = arith.constant false
        %or3A_240 = arith.ori %or3A_239, %ne3A_238 : i1
        %or3A_241 = arith.constant false
        %or3A_242 = arith.ori %or3A_240, %or3A_241 : i1
        %ge3A_243 = arith.constant 63 : i32
        %ge3A_244 = arith.cmpi sge, %scan3A_171, %ge3A_243 : i32
        %not3A_245 = arith.constant true
        %not3A_246 = arith.xori %ge3A_244, %not3A_245 : i1
        %and3A_247 = arith.andi %or3A_242, %not3A_246 : i1
        %ne3A_248 = arith.cmpi ne, %add3A_185, %add3A_203 : i32
        %or3A_249 = arith.constant false
        %or3A_250 = arith.ori %or3A_249, %ne3A_248 : i1
        %or3A_251 = arith.constant false
        %or3A_252 = arith.ori %or3A_250, %or3A_251 : i1
        %ge3A_253 = arith.constant 63 : i32
        %ge3A_254 = arith.cmpi sge, %scan3A_171, %ge3A_253 : i32
        %not3A_255 = arith.constant true
        %not3A_256 = arith.xori %ge3A_254, %not3A_255 : i1
        %and3A_257 = arith.andi %or3A_252, %not3A_256 : i1
        %ne3A_258 = arith.cmpi ne, %add3A_185, %add3A_194 : i32
        %or3A_259 = arith.constant false
        %or3A_260 = arith.ori %or3A_259, %ne3A_258 : i1
        %or3A_261 = arith.ori %or3A_260, %eq3A_182 : i1
        %convert_element_type3A_262 = arith.extui %or3A_261 : i1 to i32
        %cond3A_263 = arith.constant 0 : i32
        %cond3A_264 = arith.cmpi ne, %convert_element_type3A_262, %cond3A_263 : i32
        scf.if %cond3A_264 {
          "tpu.trace_start"() <{level = 10 : i32, message = "ep_wait_in"}> : () -> ()
          %mul3A_480 = arith.constant 128 : i32
          %mul3A_481 = arith.muli %mul3A_480, %add3A_185 : i32
          %rem3A_482 = arith.constant 2 : i32
          %rem3A_483 = arith.remui %scan3A_173, %rem3A_482 : i32
          %dma_wait3A_484 = arith.constant 0 : i32
          %dma_wait3A_485 = arith.constant 0 : i32
          %dma_wait3A_486 = tpu.memref_slice %run_scoped3A[%rem3A_483, %dma_wait3A_484, %dma_wait3A_485] : memref<2x1x128xi32, #tpu.memory_space<vmem>> -> memref<1x1x128xi32, #tpu.memory_space<vmem>>
          %dma_wait3A_487 = tpu.memref_squeeze %dma_wait3A_486 : memref<1x1x128xi32, #tpu.memory_space<vmem>> -> memref<1x128xi32, #tpu.memory_space<vmem>>
          %dma_wait3A_488 = arith.constant 0 : i32
          %dma_wait3A_489 = tpu.memref_slice %arg4[%dma_wait3A_488, %mul3A_481] : memref<1x262144xi32, #tpu.memory_space<hbm>> -> memref<1x128xi32, #tpu.memory_space<hbm>>
          %dma_wait3A_490 = tpu.memref_slice %run_scoped3A_7[%rem3A_483] : memref<2x!tpu.dma_semaphore, #tpu.memory_space<semaphore_mem>> -> memref<1x!tpu.dma_semaphore, #tpu.memory_space<semaphore_mem>>
          %dma_wait3A_491 = tpu.memref_squeeze %dma_wait3A_490 : memref<1x!tpu.dma_semaphore, #tpu.memory_space<semaphore_mem>> -> memref<!tpu.dma_semaphore, #tpu.memory_space<semaphore_mem>>
          %dma_wait3A_492 = arith.constant 0 : i32
          %dma_wait3A_493 = arith.constant 0 : i32
          %dma_wait3A_494 = tpu.memref_slice %run_scoped3A[%rem3A_483, %dma_wait3A_492, %dma_wait3A_493] : memref<2x1x128xi32, #tpu.memory_space<vmem>> -> memref<1x1x128xi32, #tpu.memory_space<vmem>>
          %dma_wait3A_495 = tpu.memref_squeeze %dma_wait3A_494 : memref<1x1x128xi32, #tpu.memory_space<vmem>> -> memref<1x128xi32, #tpu.memory_space<vmem>>
          %dma_wait3A_496 = arith.constant 0 : i32
          %dma_wait3A_497 = tpu.memref_slice %arg4[%dma_wait3A_496, %mul3A_481] : memref<1x262144xi32, #tpu.memory_space<hbm>> -> memref<1x128xi32, #tpu.memory_space<hbm>>
          tpu.wait_dma2 semaphore(%dma_wait3A_491 : memref<!tpu.dma_semaphore, #tpu.memory_space<semaphore_mem>>) src(%dma_wait3A_497 : memref<1x128xi32, #tpu.memory_space<hbm>>) dst(%dma_wait3A_495 : memref<1x128xi32, #tpu.memory_space<vmem>>)
          "tpu.trace_stop"() : () -> ()
        } else {
        }
        %ne3A_265 = arith.cmpi ne, %add3A_185, %add3A_194 : i32
        %or3A_266 = arith.constant false
        %or3A_267 = arith.ori %or3A_266, %ne3A_265 : i1
        %or3A_268 = arith.ori %or3A_267, %eq3A_182 : i1
        %convert_element_type3A_269 = arith.extui %or3A_268 : i1 to i32
        %cond3A_270 = arith.constant 0 : i32
        %cond3A_271 = arith.cmpi ne, %convert_element_type3A_269, %cond3A_270 : i32
        scf.if %cond3A_271 {
          "tpu.trace_start"() <{level = 10 : i32, message = "ep_wait_in"}> : () -> ()
          %mul3A_480 = arith.constant 128 : i32
          %mul3A_481 = arith.muli %mul3A_480, %add3A_185 : i32
          %rem3A_482 = arith.constant 2 : i32
          %rem3A_483 = arith.remui %scan3A_175, %rem3A_482 : i32
          %dma_wait3A_484 = arith.constant 0 : i32
          %dma_wait3A_485 = arith.constant 0 : i32
          %dma_wait3A_486 = tpu.memref_slice %run_scoped3A_8[%rem3A_483, %dma_wait3A_484, %dma_wait3A_485] : memref<2x1x128xi32, #tpu.memory_space<vmem>> -> memref<1x1x128xi32, #tpu.memory_space<vmem>>
          %dma_wait3A_487 = tpu.memref_squeeze %dma_wait3A_486 : memref<1x1x128xi32, #tpu.memory_space<vmem>> -> memref<1x128xi32, #tpu.memory_space<vmem>>
          %dma_wait3A_488 = arith.constant 0 : i32
          %dma_wait3A_489 = tpu.memref_slice %arg5[%dma_wait3A_488, %mul3A_481] : memref<1x262144xi32, #tpu.memory_space<hbm>> -> memref<1x128xi32, #tpu.memory_space<hbm>>
          %dma_wait3A_490 = tpu.memref_slice %run_scoped3A_9[%rem3A_483] : memref<2x!tpu.dma_semaphore, #tpu.memory_space<semaphore_mem>> -> memref<1x!tpu.dma_semaphore, #tpu.memory_space<semaphore_mem>>
          %dma_wait3A_491 = tpu.memref_squeeze %dma_wait3A_490 : memref<1x!tpu.dma_semaphore, #tpu.memory_space<semaphore_mem>> -> memref<!tpu.dma_semaphore, #tpu.memory_space<semaphore_mem>>
          %dma_wait3A_492 = arith.constant 0 : i32
          %dma_wait3A_493 = arith.constant 0 : i32
          %dma_wait3A_494 = tpu.memref_slice %run_scoped3A_8[%rem3A_483, %dma_wait3A_492, %dma_wait3A_493] : memref<2x1x128xi32, #tpu.memory_space<vmem>> -> memref<1x1x128xi32, #tpu.memory_space<vmem>>
          %dma_wait3A_495 = tpu.memref_squeeze %dma_wait3A_494 : memref<1x1x128xi32, #tpu.memory_space<vmem>> -> memref<1x128xi32, #tpu.memory_space<vmem>>
          %dma_wait3A_496 = arith.constant 0 : i32
          %dma_wait3A_497 = tpu.memref_slice %arg5[%dma_wait3A_496, %mul3A_481] : memref<1x262144xi32, #tpu.memory_space<hbm>> -> memref<1x128xi32, #tpu.memory_space<hbm>>
          tpu.wait_dma2 semaphore(%dma_wait3A_491 : memref<!tpu.dma_semaphore, #tpu.memory_space<semaphore_mem>>) src(%dma_wait3A_497 : memref<1x128xi32, #tpu.memory_space<hbm>>) dst(%dma_wait3A_495 : memref<1x128xi32, #tpu.memory_space<vmem>>)
          "tpu.trace_stop"() : () -> ()
        } else {
        }
        %ne3A_272 = arith.cmpi ne, %add3A_185, %add3A_194 : i32
        %or3A_273 = arith.constant false
        %or3A_274 = arith.ori %or3A_273, %ne3A_272 : i1
        %or3A_275 = arith.constant false
        %or3A_276 = arith.ori %or3A_274, %or3A_275 : i1
        %or3A_277 = arith.ori %or3A_276, %eq3A_182 : i1
        %convert_element_type3A_278 = arith.extui %or3A_277 : i1 to i32
        %cond3A_279 = arith.constant 0 : i32
        %cond3A_280 = arith.cmpi ne, %convert_element_type3A_278, %cond3A_279 : i32
        scf.if %cond3A_280 {
        } else {
        }
        %ne3A_281 = arith.cmpi ne, %add3A_185, %add3A_194 : i32
        %or3A_282 = arith.constant false
        %or3A_283 = arith.ori %or3A_282, %ne3A_281 : i1
        %or3A_284 = arith.constant false
        %or3A_285 = arith.ori %or3A_283, %or3A_284 : i1
        %or3A_286 = arith.ori %or3A_285, %eq3A_182 : i1
        %convert_element_type3A_287 = arith.extui %or3A_286 : i1 to i32
        %cond3A_288 = arith.constant 0 : i32
        %cond3A_289 = arith.cmpi ne, %convert_element_type3A_287, %cond3A_288 : i32
        scf.if %cond3A_289 {
        } else {
        }
        %rem3A_290 = arith.constant 2 : i32
        %rem3A_291 = arith.remui %scan3A_173, %rem3A_290 : i32
        %rem3A_292 = arith.constant 2 : i32
        %rem3A_293 = arith.remui %scan3A_175, %rem3A_292 : i32
        %rem3A_294 = arith.constant 2 : i32
        %rem3A_295 = arith.remui %scan3A_176, %rem3A_294 : i32
        %rem3A_296 = arith.constant 2 : i32
        %rem3A_297 = arith.remui %scan3A_178, %rem3A_296 : i32
        %dma_start3A_298 = arith.constant 0 : i32
        "tpu.trace_start"() <{level = 10 : i32, message = "ep_run_kernel"}> : () -> ()
        %dma_start3A_299 = arith.constant 0 : i32
        %dma_start3A_300 = arith.constant 0 : i32
        %dma_start3A_301 = tpu.memref_slice %run_scoped3A_10[%rem3A_295, %dma_start3A_299, %dma_start3A_300] : memref<2x128x128xf32, #tpu.memory_space<vmem>> -> memref<1x128x128xf32, #tpu.memory_space<vmem>>
        %dma_start3A_302 = tpu.memref_squeeze %dma_start3A_301 : memref<1x128x128xf32, #tpu.memory_space<vmem>> -> memref<128x128xf32, #tpu.memory_space<vmem>>
        %dma_start3A_303 = arith.constant 0 : i32
        %dma_start3A_304 = arith.constant 0 : i32
        %dma_start3A_305 = tpu.memref_slice %run_scoped3A[%rem3A_291, %dma_start3A_303, %dma_start3A_304] : memref<2x1x128xi32, #tpu.memory_space<vmem>> -> memref<1x1x128xi32, #tpu.memory_space<vmem>>
        %dma_start3A_306 = tpu.memref_squeeze %dma_start3A_305 : memref<1x1x128xi32, #tpu.memory_space<vmem>> -> memref<1x128xi32, #tpu.memory_space<vmem>>
        %dma_start3A_307 = arith.constant 0 : i32
        %dma_start3A_308 = tpu.memref_slice %dma_start3A_306[%dma_start3A_298, %dma_start3A_307] : memref<1x128xi32, #tpu.memory_space<vmem>> -> memref<1x128xi32, #tpu.memory_space<vmem>>
        %dma_start3A_309 = tpu.memref_squeeze %dma_start3A_308 : memref<1x128xi32, #tpu.memory_space<vmem>> -> memref<128xi32, #tpu.memory_space<vmem>>
        %dma_start3A_310 = arith.constant 0 : i32
        %dma_start3A_311 = arith.constant 0 : i32
        %dma_start3A_312 = tpu.memref_slice %arg2[%dma_start3A_310, %dma_start3A_311] : memref<65536x128xf32, #tpu.memory_space<hbm>> -> memref<65536x128xf32, #tpu.memory_space<hbm>>
        tpu.enqueue_indirect_dma source(%dma_start3A_312 : memref<65536x128xf32, #tpu.memory_space<hbm>>) target(%dma_start3A_302 : memref<128x128xf32, #tpu.memory_space<vmem>>) offsets(%dma_start3A_309 : memref<128xi32, #tpu.memory_space<vmem>>) semaphore(%arg8 : memref<!tpu.dma_semaphore, #tpu.memory_space<semaphore_mem>>)
        %dma_start3A_313 = arith.constant 0 : i32
        %dma_start3A_314 = arith.constant 0 : i32
        %dma_start3A_315 = arith.constant 0 : i32
        %dma_start3A_316 = tpu.memref_slice %run_scoped3A_12[%rem3A_297, %dma_start3A_314, %dma_start3A_315] : memref<2x128x128xf32, #tpu.memory_space<vmem>> -> memref<1x128x128xf32, #tpu.memory_space<vmem>>
        %dma_start3A_317 = tpu.memref_squeeze %dma_start3A_316 : memref<1x128x128xf32, #tpu.memory_space<vmem>> -> memref<128x128xf32, #tpu.memory_space<vmem>>
        %dma_start3A_318 = arith.constant 0 : i32
        %dma_start3A_319 = arith.constant 0 : i32
        %dma_start3A_320 = tpu.memref_slice %run_scoped3A_8[%rem3A_293, %dma_start3A_318, %dma_start3A_319] : memref<2x1x128xi32, #tpu.memory_space<vmem>> -> memref<1x1x128xi32, #tpu.memory_space<vmem>>
        %dma_start3A_321 = tpu.memref_squeeze %dma_start3A_320 : memref<1x1x128xi32, #tpu.memory_space<vmem>> -> memref<1x128xi32, #tpu.memory_space<vmem>>
        %dma_start3A_322 = arith.constant 0 : i32
        %dma_start3A_323 = tpu.memref_slice %dma_start3A_321[%dma_start3A_313, %dma_start3A_322] : memref<1x128xi32, #tpu.memory_space<vmem>> -> memref<1x128xi32, #tpu.memory_space<vmem>>
        %dma_start3A_324 = tpu.memref_squeeze %dma_start3A_323 : memref<1x128xi32, #tpu.memory_space<vmem>> -> memref<128xi32, #tpu.memory_space<vmem>>
        %dma_start3A_325 = arith.constant 0 : i32
        %dma_start3A_326 = arith.constant 0 : i32
        %dma_start3A_327 = tpu.memref_slice %arg3[%dma_start3A_325, %dma_start3A_326] : memref<65536x128xf32, #tpu.memory_space<hbm>> -> memref<65536x128xf32, #tpu.memory_space<hbm>>
        tpu.enqueue_indirect_dma source(%dma_start3A_327 : memref<65536x128xf32, #tpu.memory_space<hbm>>) target(%dma_start3A_317 : memref<128x128xf32, #tpu.memory_space<vmem>>) offsets(%dma_start3A_324 : memref<128xi32, #tpu.memory_space<vmem>>) semaphore(%arg9 : memref<!tpu.dma_semaphore, #tpu.memory_space<semaphore_mem>>)
        %dma_wait3A_328 = arith.constant 0 : i32
        %dma_wait3A_329 = arith.constant 0 : i32
        %dma_wait3A_330 = arith.constant 0 : i32
        %dma_wait3A_331 = tpu.memref_slice %run_scoped3A_10[%rem3A_295, %dma_wait3A_329, %dma_wait3A_330] : memref<2x128x128xf32, #tpu.memory_space<vmem>> -> memref<1x128x128xf32, #tpu.memory_space<vmem>>
        %dma_wait3A_332 = tpu.memref_squeeze %dma_wait3A_331 : memref<1x128x128xf32, #tpu.memory_space<vmem>> -> memref<128x128xf32, #tpu.memory_space<vmem>>
        %dma_wait3A_333 = arith.constant 0 : i32
        %dma_wait3A_334 = arith.constant 0 : i32
        %dma_wait3A_335 = tpu.memref_slice %run_scoped3A[%rem3A_291, %dma_wait3A_333, %dma_wait3A_334] : memref<2x1x128xi32, #tpu.memory_space<vmem>> -> memref<1x1x128xi32, #tpu.memory_space<vmem>>
        %dma_wait3A_336 = tpu.memref_squeeze %dma_wait3A_335 : memref<1x1x128xi32, #tpu.memory_space<vmem>> -> memref<1x128xi32, #tpu.memory_space<vmem>>
        %dma_wait3A_337 = arith.constant 0 : i32
        %dma_wait3A_338 = tpu.memref_slice %dma_wait3A_336[%dma_wait3A_328, %dma_wait3A_337] : memref<1x128xi32, #tpu.memory_space<vmem>> -> memref<1x128xi32, #tpu.memory_space<vmem>>
        %dma_wait3A_339 = tpu.memref_squeeze %dma_wait3A_338 : memref<1x128xi32, #tpu.memory_space<vmem>> -> memref<128xi32, #tpu.memory_space<vmem>>
        %dma_wait3A_340 = arith.constant 0 : i32
        %dma_wait3A_341 = arith.constant 0 : i32
        %dma_wait3A_342 = tpu.memref_slice %arg2[%dma_wait3A_340, %dma_wait3A_341] : memref<65536x128xf32, #tpu.memory_space<hbm>> -> memref<65536x128xf32, #tpu.memory_space<hbm>>
        tpu.wait_indirect_dma semaphore(%arg8 : memref<!tpu.dma_semaphore, #tpu.memory_space<semaphore_mem>>) src(%dma_wait3A_342 : memref<65536x128xf32, #tpu.memory_space<hbm>>) dst(%dma_wait3A_332 : memref<128x128xf32, #tpu.memory_space<vmem>>)
        %dma_wait3A_343 = arith.constant 0 : i32
        %dma_wait3A_344 = arith.constant 0 : i32
        %dma_wait3A_345 = arith.constant 0 : i32
        %dma_wait3A_346 = tpu.memref_slice %run_scoped3A_12[%rem3A_297, %dma_wait3A_344, %dma_wait3A_345] : memref<2x128x128xf32, #tpu.memory_space<vmem>> -> memref<1x128x128xf32, #tpu.memory_space<vmem>>
        %dma_wait3A_347 = tpu.memref_squeeze %dma_wait3A_346 : memref<1x128x128xf32, #tpu.memory_space<vmem>> -> memref<128x128xf32, #tpu.memory_space<vmem>>
        %dma_wait3A_348 = arith.constant 0 : i32
        %dma_wait3A_349 = arith.constant 0 : i32
        %dma_wait3A_350 = tpu.memref_slice %run_scoped3A_8[%rem3A_293, %dma_wait3A_348, %dma_wait3A_349] : memref<2x1x128xi32, #tpu.memory_space<vmem>> -> memref<1x1x128xi32, #tpu.memory_space<vmem>>
        %dma_wait3A_351 = tpu.memref_squeeze %dma_wait3A_350 : memref<1x1x128xi32, #tpu.memory_space<vmem>> -> memref<1x128xi32, #tpu.memory_space<vmem>>
        %dma_wait3A_352 = arith.constant 0 : i32
        %dma_wait3A_353 = tpu.memref_slice %dma_wait3A_351[%dma_wait3A_343, %dma_wait3A_352] : memref<1x128xi32, #tpu.memory_space<vmem>> -> memref<1x128xi32, #tpu.memory_space<vmem>>
        %dma_wait3A_354 = tpu.memref_squeeze %dma_wait3A_353 : memref<1x128xi32, #tpu.memory_space<vmem>> -> memref<128xi32, #tpu.memory_space<vmem>>
        %dma_wait3A_355 = arith.constant 0 : i32
        %dma_wait3A_356 = arith.constant 0 : i32
        %dma_wait3A_357 = tpu.memref_slice %arg3[%dma_wait3A_355, %dma_wait3A_356] : memref<65536x128xf32, #tpu.memory_space<hbm>> -> memref<65536x128xf32, #tpu.memory_space<hbm>>
        tpu.wait_indirect_dma semaphore(%arg9 : memref<!tpu.dma_semaphore, #tpu.memory_space<semaphore_mem>>) src(%dma_wait3A_357 : memref<65536x128xf32, #tpu.memory_space<hbm>>) dst(%dma_wait3A_347 : memref<128x128xf32, #tpu.memory_space<vmem>>)
        "tpu.trace_stop"() : () -> ()
        %ne3A_358 = arith.cmpi ne, %add3A_185, %add3A_203 : i32
        %or3A_359 = arith.constant false
        %or3A_360 = arith.ori %or3A_359, %ne3A_358 : i1
        %or3A_361 = arith.ori %or3A_360, %eq3A_184 : i1
        %convert_element_type3A_362 = arith.extui %or3A_361 : i1 to i32
        %cond3A_363 = arith.constant 0 : i32
        %cond3A_364 = arith.cmpi ne, %convert_element_type3A_362, %cond3A_363 : i32
        scf.if %cond3A_364 {
        } else {
        }
        %and3A_365 = arith.constant false
        %and3A_366 = arith.andi %or3A_361, %and3A_365 : i1
        %ne3A_367 = arith.cmpi ne, %add3A_185, %add3A_203 : i32
        %or3A_368 = arith.constant false
        %or3A_369 = arith.ori %or3A_368, %ne3A_367 : i1
        %or3A_370 = arith.ori %or3A_369, %eq3A_184 : i1
        %convert_element_type3A_371 = arith.extui %or3A_370 : i1 to i32
        %cond3A_372 = arith.constant 0 : i32
        %cond3A_373 = arith.cmpi ne, %convert_element_type3A_371, %cond3A_372 : i32
        scf.if %cond3A_373 {
        } else {
        }
        %and3A_374 = arith.constant false
        %and3A_375 = arith.andi %or3A_370, %and3A_374 : i1
        %ne3A_376 = arith.cmpi ne, %add3A_185, %add3A_203 : i32
        %or3A_377 = arith.constant false
        %or3A_378 = arith.ori %or3A_377, %ne3A_376 : i1
        %or3A_379 = arith.constant false
        %or3A_380 = arith.ori %or3A_378, %or3A_379 : i1
        %or3A_381 = arith.ori %or3A_380, %eq3A_184 : i1
        %convert_element_type3A_382 = arith.extui %or3A_381 : i1 to i32
        %cond3A_383 = arith.constant 0 : i32
        %cond3A_384 = arith.cmpi ne, %convert_element_type3A_382, %cond3A_383 : i32
        scf.if %cond3A_384 {
          "tpu.trace_start"() <{level = 10 : i32, message = "ep_copy_out"}> : () -> ()
          %rem3A_480 = arith.constant 2 : i32
          %rem3A_481 = arith.remui %scan3A_176, %rem3A_480 : i32
          %mul3A_482 = arith.constant 128 : i32
          %mul3A_483 = arith.muli %mul3A_482, %add3A_185 : i32
          %dma_start3A_484 = arith.constant 0 : i32
          %dma_start3A_485 = arith.constant 0 : i32
          %dma_start3A_486 = tpu.memref_slice %run_scoped3A_10[%rem3A_481, %dma_start3A_484, %dma_start3A_485] : memref<2x128x128xf32, #tpu.memory_space<vmem>> -> memref<1x128x128xf32, #tpu.memory_space<vmem>>
          %dma_start3A_487 = tpu.memref_squeeze %dma_start3A_486 : memref<1x128x128xf32, #tpu.memory_space<vmem>> -> memref<128x128xf32, #tpu.memory_space<vmem>>
          %dma_start3A_488 = arith.constant 0 : i32
          %dma_start3A_489 = tpu.memref_slice %arg6[%mul3A_483, %dma_start3A_488] : memref<262144x128xf32, #tpu.memory_space<hbm>> -> memref<128x128xf32, #tpu.memory_space<hbm>>
          %dma_start3A_490 = tpu.memref_slice %run_scoped3A_11[%rem3A_481] : memref<2x!tpu.dma_semaphore, #tpu.memory_space<semaphore_mem>> -> memref<1x!tpu.dma_semaphore, #tpu.memory_space<semaphore_mem>>
          %dma_start3A_491 = tpu.memref_squeeze %dma_start3A_490 : memref<1x!tpu.dma_semaphore, #tpu.memory_space<semaphore_mem>> -> memref<!tpu.dma_semaphore, #tpu.memory_space<semaphore_mem>>
          %dma_start3A_492 = arith.constant 0 : i32
          %dma_start3A_493 = tpu.memref_slice %arg6[%mul3A_483, %dma_start3A_492] : memref<262144x128xf32, #tpu.memory_space<hbm>> -> memref<128x128xf32, #tpu.memory_space<hbm>>
          %dma_start3A_494 = arith.constant 0 : i32
          %dma_start3A_495 = arith.constant 0 : i32
          %dma_start3A_496 = tpu.memref_slice %run_scoped3A_10[%rem3A_481, %dma_start3A_494, %dma_start3A_495] : memref<2x128x128xf32, #tpu.memory_space<vmem>> -> memref<1x128x128xf32, #tpu.memory_space<vmem>>
          %dma_start3A_497 = tpu.memref_squeeze %dma_start3A_496 : memref<1x128x128xf32, #tpu.memory_space<vmem>> -> memref<128x128xf32, #tpu.memory_space<vmem>>
          tpu.enqueue_dma source(%dma_start3A_497 : memref<128x128xf32, #tpu.memory_space<vmem>>) target(%dma_start3A_493 : memref<128x128xf32, #tpu.memory_space<hbm>>) target_semaphore(%dma_start3A_491 : memref<!tpu.dma_semaphore, #tpu.memory_space<semaphore_mem>>)
          "tpu.trace_stop"() : () -> ()
        } else {
        }
        %and3A_385 = arith.constant true
        %and3A_386 = arith.andi %or3A_381, %and3A_385 : i1
        %add3A_387 = arith.constant 1 : i32
        %add3A_388 = arith.addi %scan3A_176, %add3A_387 : i32
        %select_n3A_389 = arith.select %and3A_386, %add3A_388, %scan3A_176 : i32
        %ne3A_390 = arith.cmpi ne, %add3A_185, %add3A_203 : i32
        %or3A_391 = arith.constant false
        %or3A_392 = arith.ori %or3A_391, %ne3A_390 : i1
        %or3A_393 = arith.constant false
        %or3A_394 = arith.ori %or3A_392, %or3A_393 : i1
        %or3A_395 = arith.ori %or3A_394, %eq3A_184 : i1
        %convert_element_type3A_396 = arith.extui %or3A_395 : i1 to i32
        %cond3A_397 = arith.constant 0 : i32
        %cond3A_398 = arith.cmpi ne, %convert_element_type3A_396, %cond3A_397 : i32
        scf.if %cond3A_398 {
          "tpu.trace_start"() <{level = 10 : i32, message = "ep_copy_out"}> : () -> ()
          %rem3A_480 = arith.constant 2 : i32
          %rem3A_481 = arith.remui %scan3A_178, %rem3A_480 : i32
          %mul3A_482 = arith.constant 128 : i32
          %mul3A_483 = arith.muli %mul3A_482, %add3A_185 : i32
          %dma_start3A_484 = arith.constant 0 : i32
          %dma_start3A_485 = arith.constant 0 : i32
          %dma_start3A_486 = tpu.memref_slice %run_scoped3A_12[%rem3A_481, %dma_start3A_484, %dma_start3A_485] : memref<2x128x128xf32, #tpu.memory_space<vmem>> -> memref<1x128x128xf32, #tpu.memory_space<vmem>>
          %dma_start3A_487 = tpu.memref_squeeze %dma_start3A_486 : memref<1x128x128xf32, #tpu.memory_space<vmem>> -> memref<128x128xf32, #tpu.memory_space<vmem>>
          %dma_start3A_488 = arith.constant 0 : i32
          %dma_start3A_489 = tpu.memref_slice %arg7[%mul3A_483, %dma_start3A_488] : memref<262144x128xf32, #tpu.memory_space<hbm>> -> memref<128x128xf32, #tpu.memory_space<hbm>>
          %dma_start3A_490 = tpu.memref_slice %run_scoped3A_13[%rem3A_481] : memref<2x!tpu.dma_semaphore, #tpu.memory_space<semaphore_mem>> -> memref<1x!tpu.dma_semaphore, #tpu.memory_space<semaphore_mem>>
          %dma_start3A_491 = tpu.memref_squeeze %dma_start3A_490 : memref<1x!tpu.dma_semaphore, #tpu.memory_space<semaphore_mem>> -> memref<!tpu.dma_semaphore, #tpu.memory_space<semaphore_mem>>
          %dma_start3A_492 = arith.constant 0 : i32
          %dma_start3A_493 = tpu.memref_slice %arg7[%mul3A_483, %dma_start3A_492] : memref<262144x128xf32, #tpu.memory_space<hbm>> -> memref<128x128xf32, #tpu.memory_space<hbm>>
          %dma_start3A_494 = arith.constant 0 : i32
          %dma_start3A_495 = arith.constant 0 : i32
          %dma_start3A_496 = tpu.memref_slice %run_scoped3A_12[%rem3A_481, %dma_start3A_494, %dma_start3A_495] : memref<2x128x128xf32, #tpu.memory_space<vmem>> -> memref<1x128x128xf32, #tpu.memory_space<vmem>>
          %dma_start3A_497 = tpu.memref_squeeze %dma_start3A_496 : memref<1x128x128xf32, #tpu.memory_space<vmem>> -> memref<128x128xf32, #tpu.memory_space<vmem>>
          tpu.enqueue_dma source(%dma_start3A_497 : memref<128x128xf32, #tpu.memory_space<vmem>>) target(%dma_start3A_493 : memref<128x128xf32, #tpu.memory_space<hbm>>) target_semaphore(%dma_start3A_491 : memref<!tpu.dma_semaphore, #tpu.memory_space<semaphore_mem>>)
          "tpu.trace_stop"() : () -> ()
        } else {
        }
        %and3A_399 = arith.constant true
        %and3A_400 = arith.andi %or3A_395, %and3A_399 : i1
        %add3A_401 = arith.constant 1 : i32
        %add3A_402 = arith.addi %scan3A_178, %add3A_401 : i32
        %select_n3A_403 = arith.select %and3A_400, %add3A_402, %scan3A_178 : i32
        %ne3A_404 = arith.cmpi ne, %add3A_185, %add3A_194 : i32
        %or3A_405 = arith.constant false
        %or3A_406 = arith.ori %or3A_405, %ne3A_404 : i1
        %not3A_407 = arith.constant true
        %not3A_408 = arith.xori %eq3A_182, %not3A_407 : i1
        %and3A_409 = arith.andi %or3A_406, %not3A_408 : i1
        %convert_element_type3A_410 = arith.extui %and3A_409 : i1 to i32
        %cond3A_411 = arith.constant 0 : i32
        %cond3A_412 = arith.cmpi ne, %convert_element_type3A_410, %cond3A_411 : i32
        scf.if %cond3A_412 {
        } else {
        }
        %and3A_413 = arith.constant false
        %and3A_414 = arith.andi %and3A_409, %and3A_413 : i1
        %ne3A_415 = arith.cmpi ne, %add3A_185, %add3A_194 : i32
        %or3A_416 = arith.constant false
        %or3A_417 = arith.ori %or3A_416, %ne3A_415 : i1
        %not3A_418 = arith.constant true
        %not3A_419 = arith.xori %eq3A_182, %not3A_418 : i1
        %and3A_420 = arith.andi %or3A_417, %not3A_419 : i1
        %convert_element_type3A_421 = arith.extui %and3A_420 : i1 to i32
        %cond3A_422 = arith.constant 0 : i32
        %cond3A_423 = arith.cmpi ne, %convert_element_type3A_421, %cond3A_422 : i32
        scf.if %cond3A_423 {
        } else {
        }
        %and3A_424 = arith.constant false
        %and3A_425 = arith.andi %and3A_420, %and3A_424 : i1
        %ne3A_426 = arith.cmpi ne, %add3A_185, %add3A_194 : i32
        %or3A_427 = arith.constant false
        %or3A_428 = arith.ori %or3A_427, %ne3A_426 : i1
        %or3A_429 = arith.constant false
        %or3A_430 = arith.ori %or3A_428, %or3A_429 : i1
        %not3A_431 = arith.constant true
        %not3A_432 = arith.xori %eq3A_182, %not3A_431 : i1
        %and3A_433 = arith.andi %or3A_430, %not3A_432 : i1
        %convert_element_type3A_434 = arith.extui %and3A_433 : i1 to i32
        %cond3A_435 = arith.constant 0 : i32
        %cond3A_436 = arith.cmpi ne, %convert_element_type3A_434, %cond3A_435 : i32
        scf.if %cond3A_436 {
          "tpu.trace_start"() <{level = 10 : i32, message = "ep_wait_out"}> : () -> ()
          %rem3A_480 = arith.constant 2 : i32
          %rem3A_481 = arith.remui %scan3A_177, %rem3A_480 : i32
          %mul3A_482 = arith.constant 128 : i32
          %mul3A_483 = arith.muli %mul3A_482, %add3A_194 : i32
          %dma_wait3A_484 = arith.constant 0 : i32
          %dma_wait3A_485 = arith.constant 0 : i32
          %dma_wait3A_486 = tpu.memref_slice %run_scoped3A_10[%rem3A_481, %dma_wait3A_484, %dma_wait3A_485] : memref<2x128x128xf32, #tpu.memory_space<vmem>> -> memref<1x128x128xf32, #tpu.memory_space<vmem>>
          %dma_wait3A_487 = tpu.memref_squeeze %dma_wait3A_486 : memref<1x128x128xf32, #tpu.memory_space<vmem>> -> memref<128x128xf32, #tpu.memory_space<vmem>>
          %dma_wait3A_488 = arith.constant 0 : i32
          %dma_wait3A_489 = tpu.memref_slice %arg6[%mul3A_483, %dma_wait3A_488] : memref<262144x128xf32, #tpu.memory_space<hbm>> -> memref<128x128xf32, #tpu.memory_space<hbm>>
          %dma_wait3A_490 = tpu.memref_slice %run_scoped3A_11[%rem3A_481] : memref<2x!tpu.dma_semaphore, #tpu.memory_space<semaphore_mem>> -> memref<1x!tpu.dma_semaphore, #tpu.memory_space<semaphore_mem>>
          %dma_wait3A_491 = tpu.memref_squeeze %dma_wait3A_490 : memref<1x!tpu.dma_semaphore, #tpu.memory_space<semaphore_mem>> -> memref<!tpu.dma_semaphore, #tpu.memory_space<semaphore_mem>>
          %dma_wait3A_492 = arith.constant 0 : i32
          %dma_wait3A_493 = tpu.memref_slice %arg6[%mul3A_483, %dma_wait3A_492] : memref<262144x128xf32, #tpu.memory_space<hbm>> -> memref<128x128xf32, #tpu.memory_space<hbm>>
          %dma_wait3A_494 = arith.constant 0 : i32
          %dma_wait3A_495 = arith.constant 0 : i32
          %dma_wait3A_496 = tpu.memref_slice %run_scoped3A_10[%rem3A_481, %dma_wait3A_494, %dma_wait3A_495] : memref<2x128x128xf32, #tpu.memory_space<vmem>> -> memref<1x128x128xf32, #tpu.memory_space<vmem>>
          %dma_wait3A_497 = tpu.memref_squeeze %dma_wait3A_496 : memref<1x128x128xf32, #tpu.memory_space<vmem>> -> memref<128x128xf32, #tpu.memory_space<vmem>>
          tpu.wait_dma2 semaphore(%dma_wait3A_491 : memref<!tpu.dma_semaphore, #tpu.memory_space<semaphore_mem>>) src(%dma_wait3A_497 : memref<128x128xf32, #tpu.memory_space<vmem>>) dst(%dma_wait3A_493 : memref<128x128xf32, #tpu.memory_space<hbm>>)
          "tpu.trace_stop"() : () -> ()
        } else {
        }
        %and3A_437 = arith.constant true
        %and3A_438 = arith.andi %and3A_433, %and3A_437 : i1
        %add3A_439 = arith.constant 1 : i32
        %add3A_440 = arith.addi %scan3A_177, %add3A_439 : i32
        %select_n3A_441 = arith.select %and3A_438, %add3A_440, %scan3A_177 : i32
        %ne3A_442 = arith.cmpi ne, %add3A_185, %add3A_194 : i32
        %or3A_443 = arith.constant false
        %or3A_444 = arith.ori %or3A_443, %ne3A_442 : i1
        %or3A_445 = arith.constant false
        %or3A_446 = arith.ori %or3A_444, %or3A_445 : i1
        %not3A_447 = arith.constant true
        %not3A_448 = arith.xori %eq3A_182, %not3A_447 : i1
        %and3A_449 = arith.andi %or3A_446, %not3A_448 : i1
        %convert_element_type3A_450 = arith.extui %and3A_449 : i1 to i32
        %cond3A_451 = arith.constant 0 : i32
        %cond3A_452 = arith.cmpi ne, %convert_element_type3A_450, %cond3A_451 : i32
        scf.if %cond3A_452 {
          "tpu.trace_start"() <{level = 10 : i32, message = "ep_wait_out"}> : () -> ()
          %rem3A_480 = arith.constant 2 : i32
          %rem3A_481 = arith.remui %scan3A_179, %rem3A_480 : i32
          %mul3A_482 = arith.constant 128 : i32
          %mul3A_483 = arith.muli %mul3A_482, %add3A_194 : i32
          %dma_wait3A_484 = arith.constant 0 : i32
          %dma_wait3A_485 = arith.constant 0 : i32
          %dma_wait3A_486 = tpu.memref_slice %run_scoped3A_12[%rem3A_481, %dma_wait3A_484, %dma_wait3A_485] : memref<2x128x128xf32, #tpu.memory_space<vmem>> -> memref<1x128x128xf32, #tpu.memory_space<vmem>>
          %dma_wait3A_487 = tpu.memref_squeeze %dma_wait3A_486 : memref<1x128x128xf32, #tpu.memory_space<vmem>> -> memref<128x128xf32, #tpu.memory_space<vmem>>
          %dma_wait3A_488 = arith.constant 0 : i32
          %dma_wait3A_489 = tpu.memref_slice %arg7[%mul3A_483, %dma_wait3A_488] : memref<262144x128xf32, #tpu.memory_space<hbm>> -> memref<128x128xf32, #tpu.memory_space<hbm>>
          %dma_wait3A_490 = tpu.memref_slice %run_scoped3A_13[%rem3A_481] : memref<2x!tpu.dma_semaphore, #tpu.memory_space<semaphore_mem>> -> memref<1x!tpu.dma_semaphore, #tpu.memory_space<semaphore_mem>>
          %dma_wait3A_491 = tpu.memref_squeeze %dma_wait3A_490 : memref<1x!tpu.dma_semaphore, #tpu.memory_space<semaphore_mem>> -> memref<!tpu.dma_semaphore, #tpu.memory_space<semaphore_mem>>
          %dma_wait3A_492 = arith.constant 0 : i32
          %dma_wait3A_493 = tpu.memref_slice %arg7[%mul3A_483, %dma_wait3A_492] : memref<262144x128xf32, #tpu.memory_space<hbm>> -> memref<128x128xf32, #tpu.memory_space<hbm>>
          %dma_wait3A_494 = arith.constant 0 : i32
          %dma_wait3A_495 = arith.constant 0 : i32
          %dma_wait3A_496 = tpu.memref_slice %run_scoped3A_12[%rem3A_481, %dma_wait3A_494, %dma_wait3A_495] : memref<2x128x128xf32, #tpu.memory_space<vmem>> -> memref<1x128x128xf32, #tpu.memory_space<vmem>>
          %dma_wait3A_497 = tpu.memref_squeeze %dma_wait3A_496 : memref<1x128x128xf32, #tpu.memory_space<vmem>> -> memref<128x128xf32, #tpu.memory_space<vmem>>
          tpu.wait_dma2 semaphore(%dma_wait3A_491 : memref<!tpu.dma_semaphore, #tpu.memory_space<semaphore_mem>>) src(%dma_wait3A_497 : memref<128x128xf32, #tpu.memory_space<vmem>>) dst(%dma_wait3A_493 : memref<128x128xf32, #tpu.memory_space<hbm>>)
          "tpu.trace_stop"() : () -> ()
        } else {
        }
        %and3A_453 = arith.constant true
        %and3A_454 = arith.andi %and3A_449, %and3A_453 : i1
        %add3A_455 = arith.constant 1 : i32
        %add3A_456 = arith.addi %scan3A_179, %add3A_455 : i32
        %select_n3A_457 = arith.select %and3A_454, %add3A_456, %scan3A_179 : i32
        %ne3A_458 = arith.cmpi ne, %add3A_185, %add3A_203 : i32
        %or3A_459 = arith.constant false
        %or3A_460 = arith.ori %or3A_459, %ne3A_458 : i1
        %or3A_461 = arith.ori %or3A_460, %eq3A_184 : i1
        %add3A_462 = arith.constant 1 : i32
        %add3A_463 = arith.addi %scan3A_173, %add3A_462 : i32
        %select_n3A_464 = arith.select %or3A_461, %add3A_463, %scan3A_173 : i32
        %ne3A_465 = arith.cmpi ne, %add3A_185, %add3A_203 : i32
        %or3A_466 = arith.constant false
        %or3A_467 = arith.ori %or3A_466, %ne3A_465 : i1
        %or3A_468 = arith.ori %or3A_467, %eq3A_184 : i1
        %add3A_469 = arith.constant 1 : i32
        %add3A_470 = arith.addi %scan3A_175, %add3A_469 : i32
        %select_n3A_471 = arith.select %or3A_468, %add3A_470, %scan3A_175 : i32
        %add3A_472 = arith.constant 1 : i32
        %add3A_473 = arith.addi %scan3A_180, %add3A_472 : i32
        %select_n3A_474 = arith.constant true
        %select_n3A_475 = arith.select %select_n3A_474, %add3A_473, %scan3A_180 : i32
        %eq3A_476 = arith.constant 64 : i32
        %eq3A_477 = arith.cmpi eq, %select_n3A_475, %eq3A_476 : i32
        %select_n3A_478 = arith.constant 0 : i32
        %select_n3A_479 = arith.select %eq3A_477, %select_n3A_478, %select_n3A_475 : i32
        scf.yield %select_n3A_221, %select_n3A_464, %select_n3A_237, %select_n3A_471, %select_n3A_389, %select_n3A_441, %select_n3A_403, %select_n3A_457, %select_n3A_479 : i32, i32, i32, i32, i32, i32, i32, i32, i32
      }
      %scan3A_100 = arith.constant 64 : i32
      %sub3A = arith.constant 1 : i32
      %sub3A_101 = arith.subi %scan3A_99#8, %sub3A : i32
      %select_n3A_102 = arith.constant true
      %select_n3A_103 = arith.select %select_n3A_102, %sub3A_101, %scan3A_99#8 : i32
      %eq3A_104 = arith.constant -1 : i32
      %eq3A_105 = arith.cmpi eq, %select_n3A_103, %eq3A_104 : i32
      %select_n3A_106 = arith.constant 63 : i32
      %select_n3A_107 = arith.select %eq3A_105, %select_n3A_106, %select_n3A_103 : i32
      %add3A_108 = arith.addi %select_n3A_107, %mul3A_6 : i32
      %sub3A_109 = arith.constant 1 : i32
      %sub3A_110 = arith.subi %select_n3A_107, %sub3A_109 : i32
      %select_n3A_111 = arith.constant true
      %select_n3A_112 = arith.select %select_n3A_111, %sub3A_110, %select_n3A_107 : i32
      %eq3A_113 = arith.constant -1 : i32
      %eq3A_114 = arith.cmpi eq, %select_n3A_112, %eq3A_113 : i32
      %select_n3A_115 = arith.constant 63 : i32
      %select_n3A_116 = arith.select %eq3A_114, %select_n3A_115, %select_n3A_112 : i32
      %add3A_117 = arith.addi %select_n3A_116, %mul3A_6 : i32
      %add3A_118 = arith.constant 1 : i32
      %add3A_119 = arith.addi %select_n3A_107, %add3A_118 : i32
      %select_n3A_120 = arith.constant true
      %select_n3A_121 = arith.select %select_n3A_120, %add3A_119, %select_n3A_107 : i32
      %eq3A_122 = arith.constant 64 : i32
      %eq3A_123 = arith.cmpi eq, %select_n3A_121, %eq3A_122 : i32
      %select_n3A_124 = arith.constant 0 : i32
      %select_n3A_125 = arith.select %eq3A_123, %select_n3A_124, %select_n3A_121 : i32
      %add3A_126 = arith.addi %select_n3A_125, %mul3A_6 : i32
      %add3A_127 = arith.constant 1 : i32
      %add3A_128 = arith.addi %select_n3A_125, %add3A_127 : i32
      %select_n3A_129 = arith.constant true
      %select_n3A_130 = arith.select %select_n3A_129, %add3A_128, %select_n3A_125 : i32
      %eq3A_131 = arith.constant 64 : i32
      %eq3A_132 = arith.cmpi eq, %select_n3A_130, %eq3A_131 : i32
      %select_n3A_133 = arith.constant 0 : i32
      %select_n3A_134 = arith.select %eq3A_132, %select_n3A_133, %select_n3A_130 : i32
      %add3A_135 = arith.addi %select_n3A_134, %mul3A_6 : i32
      "tpu.trace_start"() <{level = 10 : i32, message = "ep_finalize"}> : () -> ()
      %rem3A_136 = arith.constant 2 : i32
      %rem3A_137 = arith.remui %scan3A_99#5, %rem3A_136 : i32
      %mul3A_138 = arith.constant 128 : i32
      %mul3A_139 = arith.muli %mul3A_138, %add3A_108 : i32
      %dma_wait3A = arith.constant 0 : i32
      %dma_wait3A_140 = arith.constant 0 : i32
      %dma_wait3A_141 = tpu.memref_slice %run_scoped3A_10[%rem3A_137, %dma_wait3A, %dma_wait3A_140] : memref<2x128x128xf32, #tpu.memory_space<vmem>> -> memref<1x128x128xf32, #tpu.memory_space<vmem>>
      %dma_wait3A_142 = tpu.memref_squeeze %dma_wait3A_141 : memref<1x128x128xf32, #tpu.memory_space<vmem>> -> memref<128x128xf32, #tpu.memory_space<vmem>>
      %dma_wait3A_143 = arith.constant 0 : i32
      %dma_wait3A_144 = tpu.memref_slice %arg6[%mul3A_139, %dma_wait3A_143] : memref<262144x128xf32, #tpu.memory_space<hbm>> -> memref<128x128xf32, #tpu.memory_space<hbm>>
      %dma_wait3A_145 = tpu.memref_slice %run_scoped3A_11[%rem3A_137] : memref<2x!tpu.dma_semaphore, #tpu.memory_space<semaphore_mem>> -> memref<1x!tpu.dma_semaphore, #tpu.memory_space<semaphore_mem>>
      %dma_wait3A_146 = tpu.memref_squeeze %dma_wait3A_145 : memref<1x!tpu.dma_semaphore, #tpu.memory_space<semaphore_mem>> -> memref<!tpu.dma_semaphore, #tpu.memory_space<semaphore_mem>>
      %dma_wait3A_147 = arith.constant 0 : i32
      %dma_wait3A_148 = tpu.memref_slice %arg6[%mul3A_139, %dma_wait3A_147] : memref<262144x128xf32, #tpu.memory_space<hbm>> -> memref<128x128xf32, #tpu.memory_space<hbm>>
      %dma_wait3A_149 = arith.constant 0 : i32
      %dma_wait3A_150 = arith.constant 0 : i32
      %dma_wait3A_151 = tpu.memref_slice %run_scoped3A_10[%rem3A_137, %dma_wait3A_149, %dma_wait3A_150] : memref<2x128x128xf32, #tpu.memory_space<vmem>> -> memref<1x128x128xf32, #tpu.memory_space<vmem>>
      %dma_wait3A_152 = tpu.memref_squeeze %dma_wait3A_151 : memref<1x128x128xf32, #tpu.memory_space<vmem>> -> memref<128x128xf32, #tpu.memory_space<vmem>>
      tpu.wait_dma2 semaphore(%dma_wait3A_146 : memref<!tpu.dma_semaphore, #tpu.memory_space<semaphore_mem>>) src(%dma_wait3A_152 : memref<128x128xf32, #tpu.memory_space<vmem>>) dst(%dma_wait3A_148 : memref<128x128xf32, #tpu.memory_space<hbm>>)
      %rem3A_153 = arith.constant 2 : i32
      %rem3A_154 = arith.remui %scan3A_99#7, %rem3A_153 : i32
      %mul3A_155 = arith.constant 128 : i32
      %mul3A_156 = arith.muli %mul3A_155, %add3A_108 : i32
      %dma_wait3A_157 = arith.constant 0 : i32
      %dma_wait3A_158 = arith.constant 0 : i32
      %dma_wait3A_159 = tpu.memref_slice %run_scoped3A_12[%rem3A_154, %dma_wait3A_157, %dma_wait3A_158] : memref<2x128x128xf32, #tpu.memory_space<vmem>> -> memref<1x128x128xf32, #tpu.memory_space<vmem>>
      %dma_wait3A_160 = tpu.memref_squeeze %dma_wait3A_159 : memref<1x128x128xf32, #tpu.memory_space<vmem>> -> memref<128x128xf32, #tpu.memory_space<vmem>>
      %dma_wait3A_161 = arith.constant 0 : i32
      %dma_wait3A_162 = tpu.memref_slice %arg7[%mul3A_156, %dma_wait3A_161] : memref<262144x128xf32, #tpu.memory_space<hbm>> -> memref<128x128xf32, #tpu.memory_space<hbm>>
      %dma_wait3A_163 = tpu.memref_slice %run_scoped3A_13[%rem3A_154] : memref<2x!tpu.dma_semaphore, #tpu.memory_space<semaphore_mem>> -> memref<1x!tpu.dma_semaphore, #tpu.memory_space<semaphore_mem>>
      %dma_wait3A_164 = tpu.memref_squeeze %dma_wait3A_163 : memref<1x!tpu.dma_semaphore, #tpu.memory_space<semaphore_mem>> -> memref<!tpu.dma_semaphore, #tpu.memory_space<semaphore_mem>>
      %dma_wait3A_165 = arith.constant 0 : i32
      %dma_wait3A_166 = tpu.memref_slice %arg7[%mul3A_156, %dma_wait3A_165] : memref<262144x128xf32, #tpu.memory_space<hbm>> -> memref<128x128xf32, #tpu.memory_space<hbm>>
      %dma_wait3A_167 = arith.constant 0 : i32
      %dma_wait3A_168 = arith.constant 0 : i32
      %dma_wait3A_169 = tpu.memref_slice %run_scoped3A_12[%rem3A_154, %dma_wait3A_167, %dma_wait3A_168] : memref<2x128x128xf32, #tpu.memory_space<vmem>> -> memref<1x128x128xf32, #tpu.memory_space<vmem>>
      %dma_wait3A_170 = tpu.memref_squeeze %dma_wait3A_169 : memref<1x128x128xf32, #tpu.memory_space<vmem>> -> memref<128x128xf32, #tpu.memory_space<vmem>>
      tpu.wait_dma2 semaphore(%dma_wait3A_164 : memref<!tpu.dma_semaphore, #tpu.memory_space<semaphore_mem>>) src(%dma_wait3A_170 : memref<128x128xf32, #tpu.memory_space<vmem>>) dst(%dma_wait3A_166 : memref<128x128xf32, #tpu.memory_space<hbm>>)
      "tpu.trace_stop"() : () -> ()
      tpu.yield
    }) : () -> ()
    return
  }
}

module attributes {stable_mosaic.version = 14 : i64} {
  func.func @_bitonic_argsort_kernel(%arg0: i32, %arg1: memref<32x2048xf32, #tpu.memory_space<vmem>>, %arg2: memref<32x2048xi32, #tpu.memory_space<vmem>>) attributes {dimension_semantics = [#tpu.dimension_semantics<arbitrary>], iteration_bounds = array<i64: 4>, scalar_prefetch = 0 : i64, scratch_operands = 0 : i64, tpu.core_type = #tpu.core_type<tc>, window_params = [{transform_indices = @transform_0, window_bounds = array<i64: 32, 2048>}, {transform_indices = @transform_1, window_bounds = array<i64: 32, 2048>}]} {
    %get3A = arith.constant 0 : index
    %get3A_0 = arith.constant 0 : index
    %get3A_1 = vector.load %arg1[%get3A, %get3A_0] : memref<32x2048xf32, #tpu.memory_space<vmem>>, vector<32x2048xf32>
    %iota3A = tpu.iota {dimensions = array<i32: 1>} : vector<32x2048xi32>
    %iota3A_2 = tpu.iota {dimensions = array<i32: 1>} : vector<32x2048xi32>
    %and3A = arith.constant 2 : i32
    %and3A_3 = vector.broadcast %and3A : i32 to vector<32x2048xi32>
    %and3A_4 = arith.andi %iota3A_2, %and3A_3 : vector<32x2048xi32>
    %eq3A = arith.constant 0 : i32
    %eq3A_5 = vector.broadcast %eq3A : i32 to vector<32x2048xi32>
    %eq3A_6 = arith.cmpi eq, %and3A_4, %eq3A_5 : vector<32x2048xi32>
    %and3A_7 = arith.constant 1 : i32
    %and3A_8 = vector.broadcast %and3A_7 : i32 to vector<32x2048xi32>
    %and3A_9 = arith.andi %iota3A_2, %and3A_8 : vector<32x2048xi32>
    %eq3A_10 = arith.constant 0 : i32
    %eq3A_11 = vector.broadcast %eq3A_10 : i32 to vector<32x2048xi32>
    %eq3A_12 = arith.cmpi eq, %and3A_9, %eq3A_11 : vector<32x2048xi32>
    %slice3A = vector.extract_strided_slice %get3A_1 {offsets = [0, 1], sizes = [32, 2047], strides = [1, 1]} : vector<32x2048xf32> to vector<32x2047xf32>
    %slice3A_13 = vector.extract_strided_slice %get3A_1 {offsets = [0, 0], sizes = [32, 1], strides = [1, 1]} : vector<32x2048xf32> to vector<32x1xf32>
    %concatenate3A = tpu.concatenate %slice3A, %slice3A_13 in 1 : vector<32x2047xf32>, vector<32x1xf32> -> vector<32x2048xf32>
    %slice3A_14 = vector.extract_strided_slice %get3A_1 {offsets = [0, 2047], sizes = [32, 1], strides = [1, 1]} : vector<32x2048xf32> to vector<32x1xf32>
    %slice3A_15 = vector.extract_strided_slice %get3A_1 {offsets = [0, 0], sizes = [32, 2047], strides = [1, 1]} : vector<32x2048xf32> to vector<32x2047xf32>
    %concatenate3A_16 = tpu.concatenate %slice3A_14, %slice3A_15 in 1 : vector<32x1xf32>, vector<32x2047xf32> -> vector<32x2048xf32>
    %slice3A_17 = vector.extract_strided_slice %iota3A {offsets = [0, 1], sizes = [32, 2047], strides = [1, 1]} : vector<32x2048xi32> to vector<32x2047xi32>
    %slice3A_18 = vector.extract_strided_slice %iota3A {offsets = [0, 0], sizes = [32, 1], strides = [1, 1]} : vector<32x2048xi32> to vector<32x1xi32>
    %concatenate3A_19 = tpu.concatenate %slice3A_17, %slice3A_18 in 1 : vector<32x2047xi32>, vector<32x1xi32> -> vector<32x2048xi32>
    %slice3A_20 = vector.extract_strided_slice %iota3A {offsets = [0, 2047], sizes = [32, 1], strides = [1, 1]} : vector<32x2048xi32> to vector<32x1xi32>
    %slice3A_21 = vector.extract_strided_slice %iota3A {offsets = [0, 0], sizes = [32, 2047], strides = [1, 1]} : vector<32x2048xi32> to vector<32x2047xi32>
    %concatenate3A_22 = tpu.concatenate %slice3A_20, %slice3A_21 in 1 : vector<32x1xi32>, vector<32x2047xi32> -> vector<32x2048xi32>
    %select_n3A = arith.select %eq3A_12, %concatenate3A, %concatenate3A_16 : vector<32x2048xi1>, vector<32x2048xf32>
    %select_n3A_23 = arith.select %eq3A_12, %concatenate3A_19, %concatenate3A_22 : vector<32x2048xi1>, vector<32x2048xi32>
    %lt3A = arith.cmpf olt, %get3A_1, %select_n3A : vector<32x2048xf32>
    %eq3A_24 = arith.cmpf oeq, %get3A_1, %select_n3A : vector<32x2048xf32>
    %lt3A_25 = arith.cmpi slt, %iota3A, %select_n3A_23 : vector<32x2048xi32>
    %and3A_26 = arith.andi %eq3A_24, %lt3A_25 : vector<32x2048xi1>
    %or3A = arith.ori %lt3A, %and3A_26 : vector<32x2048xi1>
    %xor3A = arith.xori %or3A, %eq3A_12 : vector<32x2048xi1>
    %xor3A_27 = arith.xori %xor3A, %eq3A_6 : vector<32x2048xi1>
    %select_n3A_28 = arith.select %xor3A_27, %get3A_1, %select_n3A : vector<32x2048xi1>, vector<32x2048xf32>
    %select_n3A_29 = arith.select %xor3A_27, %iota3A, %select_n3A_23 : vector<32x2048xi1>, vector<32x2048xi32>
    %and3A_30 = arith.constant 4 : i32
    %and3A_31 = vector.broadcast %and3A_30 : i32 to vector<32x2048xi32>
    %and3A_32 = arith.andi %iota3A_2, %and3A_31 : vector<32x2048xi32>
    %eq3A_33 = arith.constant 0 : i32
    %eq3A_34 = vector.broadcast %eq3A_33 : i32 to vector<32x2048xi32>
    %eq3A_35 = arith.cmpi eq, %and3A_32, %eq3A_34 : vector<32x2048xi32>
    %and3A_36 = arith.constant 2 : i32
    %and3A_37 = vector.broadcast %and3A_36 : i32 to vector<32x2048xi32>
    %and3A_38 = arith.andi %iota3A_2, %and3A_37 : vector<32x2048xi32>
    %eq3A_39 = arith.constant 0 : i32
    %eq3A_40 = vector.broadcast %eq3A_39 : i32 to vector<32x2048xi32>
    %eq3A_41 = arith.cmpi eq, %and3A_38, %eq3A_40 : vector<32x2048xi32>
    %slice3A_42 = vector.extract_strided_slice %select_n3A_28 {offsets = [0, 2], sizes = [32, 2046], strides = [1, 1]} : vector<32x2048xf32> to vector<32x2046xf32>
    %slice3A_43 = vector.extract_strided_slice %select_n3A_28 {offsets = [0, 0], sizes = [32, 2], strides = [1, 1]} : vector<32x2048xf32> to vector<32x2xf32>
    %concatenate3A_44 = tpu.concatenate %slice3A_42, %slice3A_43 in 1 : vector<32x2046xf32>, vector<32x2xf32> -> vector<32x2048xf32>
    %slice3A_45 = vector.extract_strided_slice %select_n3A_28 {offsets = [0, 2046], sizes = [32, 2], strides = [1, 1]} : vector<32x2048xf32> to vector<32x2xf32>
    %slice3A_46 = vector.extract_strided_slice %select_n3A_28 {offsets = [0, 0], sizes = [32, 2046], strides = [1, 1]} : vector<32x2048xf32> to vector<32x2046xf32>
    %concatenate3A_47 = tpu.concatenate %slice3A_45, %slice3A_46 in 1 : vector<32x2xf32>, vector<32x2046xf32> -> vector<32x2048xf32>
    %slice3A_48 = vector.extract_strided_slice %select_n3A_29 {offsets = [0, 2], sizes = [32, 2046], strides = [1, 1]} : vector<32x2048xi32> to vector<32x2046xi32>
    %slice3A_49 = vector.extract_strided_slice %select_n3A_29 {offsets = [0, 0], sizes = [32, 2], strides = [1, 1]} : vector<32x2048xi32> to vector<32x2xi32>
    %concatenate3A_50 = tpu.concatenate %slice3A_48, %slice3A_49 in 1 : vector<32x2046xi32>, vector<32x2xi32> -> vector<32x2048xi32>
    %slice3A_51 = vector.extract_strided_slice %select_n3A_29 {offsets = [0, 2046], sizes = [32, 2], strides = [1, 1]} : vector<32x2048xi32> to vector<32x2xi32>
    %slice3A_52 = vector.extract_strided_slice %select_n3A_29 {offsets = [0, 0], sizes = [32, 2046], strides = [1, 1]} : vector<32x2048xi32> to vector<32x2046xi32>
    %concatenate3A_53 = tpu.concatenate %slice3A_51, %slice3A_52 in 1 : vector<32x2xi32>, vector<32x2046xi32> -> vector<32x2048xi32>
    %select_n3A_54 = arith.select %eq3A_41, %concatenate3A_44, %concatenate3A_47 : vector<32x2048xi1>, vector<32x2048xf32>
    %select_n3A_55 = arith.select %eq3A_41, %concatenate3A_50, %concatenate3A_53 : vector<32x2048xi1>, vector<32x2048xi32>
    %lt3A_56 = arith.cmpf olt, %select_n3A_28, %select_n3A_54 : vector<32x2048xf32>
    %eq3A_57 = arith.cmpf oeq, %select_n3A_28, %select_n3A_54 : vector<32x2048xf32>
    %lt3A_58 = arith.cmpi slt, %select_n3A_29, %select_n3A_55 : vector<32x2048xi32>
    %and3A_59 = arith.andi %eq3A_57, %lt3A_58 : vector<32x2048xi1>
    %or3A_60 = arith.ori %lt3A_56, %and3A_59 : vector<32x2048xi1>
    %xor3A_61 = arith.xori %or3A_60, %eq3A_41 : vector<32x2048xi1>
    %xor3A_62 = arith.xori %xor3A_61, %eq3A_35 : vector<32x2048xi1>
    %select_n3A_63 = arith.select %xor3A_62, %select_n3A_28, %select_n3A_54 : vector<32x2048xi1>, vector<32x2048xf32>
    %select_n3A_64 = arith.select %xor3A_62, %select_n3A_29, %select_n3A_55 : vector<32x2048xi1>, vector<32x2048xi32>
    %and3A_65 = arith.constant 1 : i32
    %and3A_66 = vector.broadcast %and3A_65 : i32 to vector<32x2048xi32>
    %and3A_67 = arith.andi %iota3A_2, %and3A_66 : vector<32x2048xi32>
    %eq3A_68 = arith.constant 0 : i32
    %eq3A_69 = vector.broadcast %eq3A_68 : i32 to vector<32x2048xi32>
    %eq3A_70 = arith.cmpi eq, %and3A_67, %eq3A_69 : vector<32x2048xi32>
    %slice3A_71 = vector.extract_strided_slice %select_n3A_63 {offsets = [0, 1], sizes = [32, 2047], strides = [1, 1]} : vector<32x2048xf32> to vector<32x2047xf32>
    %slice3A_72 = vector.extract_strided_slice %select_n3A_63 {offsets = [0, 0], sizes = [32, 1], strides = [1, 1]} : vector<32x2048xf32> to vector<32x1xf32>
    %concatenate3A_73 = tpu.concatenate %slice3A_71, %slice3A_72 in 1 : vector<32x2047xf32>, vector<32x1xf32> -> vector<32x2048xf32>
    %slice3A_74 = vector.extract_strided_slice %select_n3A_63 {offsets = [0, 2047], sizes = [32, 1], strides = [1, 1]} : vector<32x2048xf32> to vector<32x1xf32>
    %slice3A_75 = vector.extract_strided_slice %select_n3A_63 {offsets = [0, 0], sizes = [32, 2047], strides = [1, 1]} : vector<32x2048xf32> to vector<32x2047xf32>
    %concatenate3A_76 = tpu.concatenate %slice3A_74, %slice3A_75 in 1 : vector<32x1xf32>, vector<32x2047xf32> -> vector<32x2048xf32>
    %slice3A_77 = vector.extract_strided_slice %select_n3A_64 {offsets = [0, 1], sizes = [32, 2047], strides = [1, 1]} : vector<32x2048xi32> to vector<32x2047xi32>
    %slice3A_78 = vector.extract_strided_slice %select_n3A_64 {offsets = [0, 0], sizes = [32, 1], strides = [1, 1]} : vector<32x2048xi32> to vector<32x1xi32>
    %concatenate3A_79 = tpu.concatenate %slice3A_77, %slice3A_78 in 1 : vector<32x2047xi32>, vector<32x1xi32> -> vector<32x2048xi32>
    %slice3A_80 = vector.extract_strided_slice %select_n3A_64 {offsets = [0, 2047], sizes = [32, 1], strides = [1, 1]} : vector<32x2048xi32> to vector<32x1xi32>
    %slice3A_81 = vector.extract_strided_slice %select_n3A_64 {offsets = [0, 0], sizes = [32, 2047], strides = [1, 1]} : vector<32x2048xi32> to vector<32x2047xi32>
    %concatenate3A_82 = tpu.concatenate %slice3A_80, %slice3A_81 in 1 : vector<32x1xi32>, vector<32x2047xi32> -> vector<32x2048xi32>
    %select_n3A_83 = arith.select %eq3A_70, %concatenate3A_73, %concatenate3A_76 : vector<32x2048xi1>, vector<32x2048xf32>
    %select_n3A_84 = arith.select %eq3A_70, %concatenate3A_79, %concatenate3A_82 : vector<32x2048xi1>, vector<32x2048xi32>
    %lt3A_85 = arith.cmpf olt, %select_n3A_63, %select_n3A_83 : vector<32x2048xf32>
    %eq3A_86 = arith.cmpf oeq, %select_n3A_63, %select_n3A_83 : vector<32x2048xf32>
    %lt3A_87 = arith.cmpi slt, %select_n3A_64, %select_n3A_84 : vector<32x2048xi32>
    %and3A_88 = arith.andi %eq3A_86, %lt3A_87 : vector<32x2048xi1>
    %or3A_89 = arith.ori %lt3A_85, %and3A_88 : vector<32x2048xi1>
    %xor3A_90 = arith.xori %or3A_89, %eq3A_70 : vector<32x2048xi1>
    %xor3A_91 = arith.xori %xor3A_90, %eq3A_35 : vector<32x2048xi1>
    %select_n3A_92 = arith.select %xor3A_91, %select_n3A_63, %select_n3A_83 : vector<32x2048xi1>, vector<32x2048xf32>
    %select_n3A_93 = arith.select %xor3A_91, %select_n3A_64, %select_n3A_84 : vector<32x2048xi1>, vector<32x2048xi32>
    %and3A_94 = arith.constant 8 : i32
    %and3A_95 = vector.broadcast %and3A_94 : i32 to vector<32x2048xi32>
    %and3A_96 = arith.andi %iota3A_2, %and3A_95 : vector<32x2048xi32>
    %eq3A_97 = arith.constant 0 : i32
    %eq3A_98 = vector.broadcast %eq3A_97 : i32 to vector<32x2048xi32>
    %eq3A_99 = arith.cmpi eq, %and3A_96, %eq3A_98 : vector<32x2048xi32>
    %and3A_100 = arith.constant 4 : i32
    %and3A_101 = vector.broadcast %and3A_100 : i32 to vector<32x2048xi32>
    %and3A_102 = arith.andi %iota3A_2, %and3A_101 : vector<32x2048xi32>
    %eq3A_103 = arith.constant 0 : i32
    %eq3A_104 = vector.broadcast %eq3A_103 : i32 to vector<32x2048xi32>
    %eq3A_105 = arith.cmpi eq, %and3A_102, %eq3A_104 : vector<32x2048xi32>
    %slice3A_106 = vector.extract_strided_slice %select_n3A_92 {offsets = [0, 4], sizes = [32, 2044], strides = [1, 1]} : vector<32x2048xf32> to vector<32x2044xf32>
    %slice3A_107 = vector.extract_strided_slice %select_n3A_92 {offsets = [0, 0], sizes = [32, 4], strides = [1, 1]} : vector<32x2048xf32> to vector<32x4xf32>
    %concatenate3A_108 = tpu.concatenate %slice3A_106, %slice3A_107 in 1 : vector<32x2044xf32>, vector<32x4xf32> -> vector<32x2048xf32>
    %slice3A_109 = vector.extract_strided_slice %select_n3A_92 {offsets = [0, 2044], sizes = [32, 4], strides = [1, 1]} : vector<32x2048xf32> to vector<32x4xf32>
    %slice3A_110 = vector.extract_strided_slice %select_n3A_92 {offsets = [0, 0], sizes = [32, 2044], strides = [1, 1]} : vector<32x2048xf32> to vector<32x2044xf32>
    %concatenate3A_111 = tpu.concatenate %slice3A_109, %slice3A_110 in 1 : vector<32x4xf32>, vector<32x2044xf32> -> vector<32x2048xf32>
    %slice3A_112 = vector.extract_strided_slice %select_n3A_93 {offsets = [0, 4], sizes = [32, 2044], strides = [1, 1]} : vector<32x2048xi32> to vector<32x2044xi32>
    %slice3A_113 = vector.extract_strided_slice %select_n3A_93 {offsets = [0, 0], sizes = [32, 4], strides = [1, 1]} : vector<32x2048xi32> to vector<32x4xi32>
    %concatenate3A_114 = tpu.concatenate %slice3A_112, %slice3A_113 in 1 : vector<32x2044xi32>, vector<32x4xi32> -> vector<32x2048xi32>
    %slice3A_115 = vector.extract_strided_slice %select_n3A_93 {offsets = [0, 2044], sizes = [32, 4], strides = [1, 1]} : vector<32x2048xi32> to vector<32x4xi32>
    %slice3A_116 = vector.extract_strided_slice %select_n3A_93 {offsets = [0, 0], sizes = [32, 2044], strides = [1, 1]} : vector<32x2048xi32> to vector<32x2044xi32>
    %concatenate3A_117 = tpu.concatenate %slice3A_115, %slice3A_116 in 1 : vector<32x4xi32>, vector<32x2044xi32> -> vector<32x2048xi32>
    %select_n3A_118 = arith.select %eq3A_105, %concatenate3A_108, %concatenate3A_111 : vector<32x2048xi1>, vector<32x2048xf32>
    %select_n3A_119 = arith.select %eq3A_105, %concatenate3A_114, %concatenate3A_117 : vector<32x2048xi1>, vector<32x2048xi32>
    %lt3A_120 = arith.cmpf olt, %select_n3A_92, %select_n3A_118 : vector<32x2048xf32>
    %eq3A_121 = arith.cmpf oeq, %select_n3A_92, %select_n3A_118 : vector<32x2048xf32>
    %lt3A_122 = arith.cmpi slt, %select_n3A_93, %select_n3A_119 : vector<32x2048xi32>
    %and3A_123 = arith.andi %eq3A_121, %lt3A_122 : vector<32x2048xi1>
    %or3A_124 = arith.ori %lt3A_120, %and3A_123 : vector<32x2048xi1>
    %xor3A_125 = arith.xori %or3A_124, %eq3A_105 : vector<32x2048xi1>
    %xor3A_126 = arith.xori %xor3A_125, %eq3A_99 : vector<32x2048xi1>
    %select_n3A_127 = arith.select %xor3A_126, %select_n3A_92, %select_n3A_118 : vector<32x2048xi1>, vector<32x2048xf32>
    %select_n3A_128 = arith.select %xor3A_126, %select_n3A_93, %select_n3A_119 : vector<32x2048xi1>, vector<32x2048xi32>
    %and3A_129 = arith.constant 2 : i32
    %and3A_130 = vector.broadcast %and3A_129 : i32 to vector<32x2048xi32>
    %and3A_131 = arith.andi %iota3A_2, %and3A_130 : vector<32x2048xi32>
    %eq3A_132 = arith.constant 0 : i32
    %eq3A_133 = vector.broadcast %eq3A_132 : i32 to vector<32x2048xi32>
    %eq3A_134 = arith.cmpi eq, %and3A_131, %eq3A_133 : vector<32x2048xi32>
    %slice3A_135 = vector.extract_strided_slice %select_n3A_127 {offsets = [0, 2], sizes = [32, 2046], strides = [1, 1]} : vector<32x2048xf32> to vector<32x2046xf32>
    %slice3A_136 = vector.extract_strided_slice %select_n3A_127 {offsets = [0, 0], sizes = [32, 2], strides = [1, 1]} : vector<32x2048xf32> to vector<32x2xf32>
    %concatenate3A_137 = tpu.concatenate %slice3A_135, %slice3A_136 in 1 : vector<32x2046xf32>, vector<32x2xf32> -> vector<32x2048xf32>
    %slice3A_138 = vector.extract_strided_slice %select_n3A_127 {offsets = [0, 2046], sizes = [32, 2], strides = [1, 1]} : vector<32x2048xf32> to vector<32x2xf32>
    %slice3A_139 = vector.extract_strided_slice %select_n3A_127 {offsets = [0, 0], sizes = [32, 2046], strides = [1, 1]} : vector<32x2048xf32> to vector<32x2046xf32>
    %concatenate3A_140 = tpu.concatenate %slice3A_138, %slice3A_139 in 1 : vector<32x2xf32>, vector<32x2046xf32> -> vector<32x2048xf32>
    %slice3A_141 = vector.extract_strided_slice %select_n3A_128 {offsets = [0, 2], sizes = [32, 2046], strides = [1, 1]} : vector<32x2048xi32> to vector<32x2046xi32>
    %slice3A_142 = vector.extract_strided_slice %select_n3A_128 {offsets = [0, 0], sizes = [32, 2], strides = [1, 1]} : vector<32x2048xi32> to vector<32x2xi32>
    %concatenate3A_143 = tpu.concatenate %slice3A_141, %slice3A_142 in 1 : vector<32x2046xi32>, vector<32x2xi32> -> vector<32x2048xi32>
    %slice3A_144 = vector.extract_strided_slice %select_n3A_128 {offsets = [0, 2046], sizes = [32, 2], strides = [1, 1]} : vector<32x2048xi32> to vector<32x2xi32>
    %slice3A_145 = vector.extract_strided_slice %select_n3A_128 {offsets = [0, 0], sizes = [32, 2046], strides = [1, 1]} : vector<32x2048xi32> to vector<32x2046xi32>
    %concatenate3A_146 = tpu.concatenate %slice3A_144, %slice3A_145 in 1 : vector<32x2xi32>, vector<32x2046xi32> -> vector<32x2048xi32>
    %select_n3A_147 = arith.select %eq3A_134, %concatenate3A_137, %concatenate3A_140 : vector<32x2048xi1>, vector<32x2048xf32>
    %select_n3A_148 = arith.select %eq3A_134, %concatenate3A_143, %concatenate3A_146 : vector<32x2048xi1>, vector<32x2048xi32>
    %lt3A_149 = arith.cmpf olt, %select_n3A_127, %select_n3A_147 : vector<32x2048xf32>
    %eq3A_150 = arith.cmpf oeq, %select_n3A_127, %select_n3A_147 : vector<32x2048xf32>
    %lt3A_151 = arith.cmpi slt, %select_n3A_128, %select_n3A_148 : vector<32x2048xi32>
    %and3A_152 = arith.andi %eq3A_150, %lt3A_151 : vector<32x2048xi1>
    %or3A_153 = arith.ori %lt3A_149, %and3A_152 : vector<32x2048xi1>
    %xor3A_154 = arith.xori %or3A_153, %eq3A_134 : vector<32x2048xi1>
    %xor3A_155 = arith.xori %xor3A_154, %eq3A_99 : vector<32x2048xi1>
    %select_n3A_156 = arith.select %xor3A_155, %select_n3A_127, %select_n3A_147 : vector<32x2048xi1>, vector<32x2048xf32>
    %select_n3A_157 = arith.select %xor3A_155, %select_n3A_128, %select_n3A_148 : vector<32x2048xi1>, vector<32x2048xi32>
    %and3A_158 = arith.constant 1 : i32
    %and3A_159 = vector.broadcast %and3A_158 : i32 to vector<32x2048xi32>
    %and3A_160 = arith.andi %iota3A_2, %and3A_159 : vector<32x2048xi32>
    %eq3A_161 = arith.constant 0 : i32
    %eq3A_162 = vector.broadcast %eq3A_161 : i32 to vector<32x2048xi32>
    %eq3A_163 = arith.cmpi eq, %and3A_160, %eq3A_162 : vector<32x2048xi32>
    %slice3A_164 = vector.extract_strided_slice %select_n3A_156 {offsets = [0, 1], sizes = [32, 2047], strides = [1, 1]} : vector<32x2048xf32> to vector<32x2047xf32>
    %slice3A_165 = vector.extract_strided_slice %select_n3A_156 {offsets = [0, 0], sizes = [32, 1], strides = [1, 1]} : vector<32x2048xf32> to vector<32x1xf32>
    %concatenate3A_166 = tpu.concatenate %slice3A_164, %slice3A_165 in 1 : vector<32x2047xf32>, vector<32x1xf32> -> vector<32x2048xf32>
    %slice3A_167 = vector.extract_strided_slice %select_n3A_156 {offsets = [0, 2047], sizes = [32, 1], strides = [1, 1]} : vector<32x2048xf32> to vector<32x1xf32>
    %slice3A_168 = vector.extract_strided_slice %select_n3A_156 {offsets = [0, 0], sizes = [32, 2047], strides = [1, 1]} : vector<32x2048xf32> to vector<32x2047xf32>
    %concatenate3A_169 = tpu.concatenate %slice3A_167, %slice3A_168 in 1 : vector<32x1xf32>, vector<32x2047xf32> -> vector<32x2048xf32>
    %slice3A_170 = vector.extract_strided_slice %select_n3A_157 {offsets = [0, 1], sizes = [32, 2047], strides = [1, 1]} : vector<32x2048xi32> to vector<32x2047xi32>
    %slice3A_171 = vector.extract_strided_slice %select_n3A_157 {offsets = [0, 0], sizes = [32, 1], strides = [1, 1]} : vector<32x2048xi32> to vector<32x1xi32>
    %concatenate3A_172 = tpu.concatenate %slice3A_170, %slice3A_171 in 1 : vector<32x2047xi32>, vector<32x1xi32> -> vector<32x2048xi32>
    %slice3A_173 = vector.extract_strided_slice %select_n3A_157 {offsets = [0, 2047], sizes = [32, 1], strides = [1, 1]} : vector<32x2048xi32> to vector<32x1xi32>
    %slice3A_174 = vector.extract_strided_slice %select_n3A_157 {offsets = [0, 0], sizes = [32, 2047], strides = [1, 1]} : vector<32x2048xi32> to vector<32x2047xi32>
    %concatenate3A_175 = tpu.concatenate %slice3A_173, %slice3A_174 in 1 : vector<32x1xi32>, vector<32x2047xi32> -> vector<32x2048xi32>
    %select_n3A_176 = arith.select %eq3A_163, %concatenate3A_166, %concatenate3A_169 : vector<32x2048xi1>, vector<32x2048xf32>
    %select_n3A_177 = arith.select %eq3A_163, %concatenate3A_172, %concatenate3A_175 : vector<32x2048xi1>, vector<32x2048xi32>
    %lt3A_178 = arith.cmpf olt, %select_n3A_156, %select_n3A_176 : vector<32x2048xf32>
    %eq3A_179 = arith.cmpf oeq, %select_n3A_156, %select_n3A_176 : vector<32x2048xf32>
    %lt3A_180 = arith.cmpi slt, %select_n3A_157, %select_n3A_177 : vector<32x2048xi32>
    %and3A_181 = arith.andi %eq3A_179, %lt3A_180 : vector<32x2048xi1>
    %or3A_182 = arith.ori %lt3A_178, %and3A_181 : vector<32x2048xi1>
    %xor3A_183 = arith.xori %or3A_182, %eq3A_163 : vector<32x2048xi1>
    %xor3A_184 = arith.xori %xor3A_183, %eq3A_99 : vector<32x2048xi1>
    %select_n3A_185 = arith.select %xor3A_184, %select_n3A_156, %select_n3A_176 : vector<32x2048xi1>, vector<32x2048xf32>
    %select_n3A_186 = arith.select %xor3A_184, %select_n3A_157, %select_n3A_177 : vector<32x2048xi1>, vector<32x2048xi32>
    %and3A_187 = arith.constant 16 : i32
    %and3A_188 = vector.broadcast %and3A_187 : i32 to vector<32x2048xi32>
    %and3A_189 = arith.andi %iota3A_2, %and3A_188 : vector<32x2048xi32>
    %eq3A_190 = arith.constant 0 : i32
    %eq3A_191 = vector.broadcast %eq3A_190 : i32 to vector<32x2048xi32>
    %eq3A_192 = arith.cmpi eq, %and3A_189, %eq3A_191 : vector<32x2048xi32>
    %and3A_193 = arith.constant 8 : i32
    %and3A_194 = vector.broadcast %and3A_193 : i32 to vector<32x2048xi32>
    %and3A_195 = arith.andi %iota3A_2, %and3A_194 : vector<32x2048xi32>
    %eq3A_196 = arith.constant 0 : i32
    %eq3A_197 = vector.broadcast %eq3A_196 : i32 to vector<32x2048xi32>
    %eq3A_198 = arith.cmpi eq, %and3A_195, %eq3A_197 : vector<32x2048xi32>
    %slice3A_199 = vector.extract_strided_slice %select_n3A_185 {offsets = [0, 8], sizes = [32, 2040], strides = [1, 1]} : vector<32x2048xf32> to vector<32x2040xf32>
    %slice3A_200 = vector.extract_strided_slice %select_n3A_185 {offsets = [0, 0], sizes = [32, 8], strides = [1, 1]} : vector<32x2048xf32> to vector<32x8xf32>
    %concatenate3A_201 = tpu.concatenate %slice3A_199, %slice3A_200 in 1 : vector<32x2040xf32>, vector<32x8xf32> -> vector<32x2048xf32>
    %slice3A_202 = vector.extract_strided_slice %select_n3A_185 {offsets = [0, 2040], sizes = [32, 8], strides = [1, 1]} : vector<32x2048xf32> to vector<32x8xf32>
    %slice3A_203 = vector.extract_strided_slice %select_n3A_185 {offsets = [0, 0], sizes = [32, 2040], strides = [1, 1]} : vector<32x2048xf32> to vector<32x2040xf32>
    %concatenate3A_204 = tpu.concatenate %slice3A_202, %slice3A_203 in 1 : vector<32x8xf32>, vector<32x2040xf32> -> vector<32x2048xf32>
    %slice3A_205 = vector.extract_strided_slice %select_n3A_186 {offsets = [0, 8], sizes = [32, 2040], strides = [1, 1]} : vector<32x2048xi32> to vector<32x2040xi32>
    %slice3A_206 = vector.extract_strided_slice %select_n3A_186 {offsets = [0, 0], sizes = [32, 8], strides = [1, 1]} : vector<32x2048xi32> to vector<32x8xi32>
    %concatenate3A_207 = tpu.concatenate %slice3A_205, %slice3A_206 in 1 : vector<32x2040xi32>, vector<32x8xi32> -> vector<32x2048xi32>
    %slice3A_208 = vector.extract_strided_slice %select_n3A_186 {offsets = [0, 2040], sizes = [32, 8], strides = [1, 1]} : vector<32x2048xi32> to vector<32x8xi32>
    %slice3A_209 = vector.extract_strided_slice %select_n3A_186 {offsets = [0, 0], sizes = [32, 2040], strides = [1, 1]} : vector<32x2048xi32> to vector<32x2040xi32>
    %concatenate3A_210 = tpu.concatenate %slice3A_208, %slice3A_209 in 1 : vector<32x8xi32>, vector<32x2040xi32> -> vector<32x2048xi32>
    %select_n3A_211 = arith.select %eq3A_198, %concatenate3A_201, %concatenate3A_204 : vector<32x2048xi1>, vector<32x2048xf32>
    %select_n3A_212 = arith.select %eq3A_198, %concatenate3A_207, %concatenate3A_210 : vector<32x2048xi1>, vector<32x2048xi32>
    %lt3A_213 = arith.cmpf olt, %select_n3A_185, %select_n3A_211 : vector<32x2048xf32>
    %eq3A_214 = arith.cmpf oeq, %select_n3A_185, %select_n3A_211 : vector<32x2048xf32>
    %lt3A_215 = arith.cmpi slt, %select_n3A_186, %select_n3A_212 : vector<32x2048xi32>
    %and3A_216 = arith.andi %eq3A_214, %lt3A_215 : vector<32x2048xi1>
    %or3A_217 = arith.ori %lt3A_213, %and3A_216 : vector<32x2048xi1>
    %xor3A_218 = arith.xori %or3A_217, %eq3A_198 : vector<32x2048xi1>
    %xor3A_219 = arith.xori %xor3A_218, %eq3A_192 : vector<32x2048xi1>
    %select_n3A_220 = arith.select %xor3A_219, %select_n3A_185, %select_n3A_211 : vector<32x2048xi1>, vector<32x2048xf32>
    %select_n3A_221 = arith.select %xor3A_219, %select_n3A_186, %select_n3A_212 : vector<32x2048xi1>, vector<32x2048xi32>
    %and3A_222 = arith.constant 4 : i32
    %and3A_223 = vector.broadcast %and3A_222 : i32 to vector<32x2048xi32>
    %and3A_224 = arith.andi %iota3A_2, %and3A_223 : vector<32x2048xi32>
    %eq3A_225 = arith.constant 0 : i32
    %eq3A_226 = vector.broadcast %eq3A_225 : i32 to vector<32x2048xi32>
    %eq3A_227 = arith.cmpi eq, %and3A_224, %eq3A_226 : vector<32x2048xi32>
    %slice3A_228 = vector.extract_strided_slice %select_n3A_220 {offsets = [0, 4], sizes = [32, 2044], strides = [1, 1]} : vector<32x2048xf32> to vector<32x2044xf32>
    %slice3A_229 = vector.extract_strided_slice %select_n3A_220 {offsets = [0, 0], sizes = [32, 4], strides = [1, 1]} : vector<32x2048xf32> to vector<32x4xf32>
    %concatenate3A_230 = tpu.concatenate %slice3A_228, %slice3A_229 in 1 : vector<32x2044xf32>, vector<32x4xf32> -> vector<32x2048xf32>
    %slice3A_231 = vector.extract_strided_slice %select_n3A_220 {offsets = [0, 2044], sizes = [32, 4], strides = [1, 1]} : vector<32x2048xf32> to vector<32x4xf32>
    %slice3A_232 = vector.extract_strided_slice %select_n3A_220 {offsets = [0, 0], sizes = [32, 2044], strides = [1, 1]} : vector<32x2048xf32> to vector<32x2044xf32>
    %concatenate3A_233 = tpu.concatenate %slice3A_231, %slice3A_232 in 1 : vector<32x4xf32>, vector<32x2044xf32> -> vector<32x2048xf32>
    %slice3A_234 = vector.extract_strided_slice %select_n3A_221 {offsets = [0, 4], sizes = [32, 2044], strides = [1, 1]} : vector<32x2048xi32> to vector<32x2044xi32>
    %slice3A_235 = vector.extract_strided_slice %select_n3A_221 {offsets = [0, 0], sizes = [32, 4], strides = [1, 1]} : vector<32x2048xi32> to vector<32x4xi32>
    %concatenate3A_236 = tpu.concatenate %slice3A_234, %slice3A_235 in 1 : vector<32x2044xi32>, vector<32x4xi32> -> vector<32x2048xi32>
    %slice3A_237 = vector.extract_strided_slice %select_n3A_221 {offsets = [0, 2044], sizes = [32, 4], strides = [1, 1]} : vector<32x2048xi32> to vector<32x4xi32>
    %slice3A_238 = vector.extract_strided_slice %select_n3A_221 {offsets = [0, 0], sizes = [32, 2044], strides = [1, 1]} : vector<32x2048xi32> to vector<32x2044xi32>
    %concatenate3A_239 = tpu.concatenate %slice3A_237, %slice3A_238 in 1 : vector<32x4xi32>, vector<32x2044xi32> -> vector<32x2048xi32>
    %select_n3A_240 = arith.select %eq3A_227, %concatenate3A_230, %concatenate3A_233 : vector<32x2048xi1>, vector<32x2048xf32>
    %select_n3A_241 = arith.select %eq3A_227, %concatenate3A_236, %concatenate3A_239 : vector<32x2048xi1>, vector<32x2048xi32>
    %lt3A_242 = arith.cmpf olt, %select_n3A_220, %select_n3A_240 : vector<32x2048xf32>
    %eq3A_243 = arith.cmpf oeq, %select_n3A_220, %select_n3A_240 : vector<32x2048xf32>
    %lt3A_244 = arith.cmpi slt, %select_n3A_221, %select_n3A_241 : vector<32x2048xi32>
    %and3A_245 = arith.andi %eq3A_243, %lt3A_244 : vector<32x2048xi1>
    %or3A_246 = arith.ori %lt3A_242, %and3A_245 : vector<32x2048xi1>
    %xor3A_247 = arith.xori %or3A_246, %eq3A_227 : vector<32x2048xi1>
    %xor3A_248 = arith.xori %xor3A_247, %eq3A_192 : vector<32x2048xi1>
    %select_n3A_249 = arith.select %xor3A_248, %select_n3A_220, %select_n3A_240 : vector<32x2048xi1>, vector<32x2048xf32>
    %select_n3A_250 = arith.select %xor3A_248, %select_n3A_221, %select_n3A_241 : vector<32x2048xi1>, vector<32x2048xi32>
    %and3A_251 = arith.constant 2 : i32
    %and3A_252 = vector.broadcast %and3A_251 : i32 to vector<32x2048xi32>
    %and3A_253 = arith.andi %iota3A_2, %and3A_252 : vector<32x2048xi32>
    %eq3A_254 = arith.constant 0 : i32
    %eq3A_255 = vector.broadcast %eq3A_254 : i32 to vector<32x2048xi32>
    %eq3A_256 = arith.cmpi eq, %and3A_253, %eq3A_255 : vector<32x2048xi32>
    %slice3A_257 = vector.extract_strided_slice %select_n3A_249 {offsets = [0, 2], sizes = [32, 2046], strides = [1, 1]} : vector<32x2048xf32> to vector<32x2046xf32>
    %slice3A_258 = vector.extract_strided_slice %select_n3A_249 {offsets = [0, 0], sizes = [32, 2], strides = [1, 1]} : vector<32x2048xf32> to vector<32x2xf32>
    %concatenate3A_259 = tpu.concatenate %slice3A_257, %slice3A_258 in 1 : vector<32x2046xf32>, vector<32x2xf32> -> vector<32x2048xf32>
    %slice3A_260 = vector.extract_strided_slice %select_n3A_249 {offsets = [0, 2046], sizes = [32, 2], strides = [1, 1]} : vector<32x2048xf32> to vector<32x2xf32>
    %slice3A_261 = vector.extract_strided_slice %select_n3A_249 {offsets = [0, 0], sizes = [32, 2046], strides = [1, 1]} : vector<32x2048xf32> to vector<32x2046xf32>
    %concatenate3A_262 = tpu.concatenate %slice3A_260, %slice3A_261 in 1 : vector<32x2xf32>, vector<32x2046xf32> -> vector<32x2048xf32>
    %slice3A_263 = vector.extract_strided_slice %select_n3A_250 {offsets = [0, 2], sizes = [32, 2046], strides = [1, 1]} : vector<32x2048xi32> to vector<32x2046xi32>
    %slice3A_264 = vector.extract_strided_slice %select_n3A_250 {offsets = [0, 0], sizes = [32, 2], strides = [1, 1]} : vector<32x2048xi32> to vector<32x2xi32>
    %concatenate3A_265 = tpu.concatenate %slice3A_263, %slice3A_264 in 1 : vector<32x2046xi32>, vector<32x2xi32> -> vector<32x2048xi32>
    %slice3A_266 = vector.extract_strided_slice %select_n3A_250 {offsets = [0, 2046], sizes = [32, 2], strides = [1, 1]} : vector<32x2048xi32> to vector<32x2xi32>
    %slice3A_267 = vector.extract_strided_slice %select_n3A_250 {offsets = [0, 0], sizes = [32, 2046], strides = [1, 1]} : vector<32x2048xi32> to vector<32x2046xi32>
    %concatenate3A_268 = tpu.concatenate %slice3A_266, %slice3A_267 in 1 : vector<32x2xi32>, vector<32x2046xi32> -> vector<32x2048xi32>
    %select_n3A_269 = arith.select %eq3A_256, %concatenate3A_259, %concatenate3A_262 : vector<32x2048xi1>, vector<32x2048xf32>
    %select_n3A_270 = arith.select %eq3A_256, %concatenate3A_265, %concatenate3A_268 : vector<32x2048xi1>, vector<32x2048xi32>
    %lt3A_271 = arith.cmpf olt, %select_n3A_249, %select_n3A_269 : vector<32x2048xf32>
    %eq3A_272 = arith.cmpf oeq, %select_n3A_249, %select_n3A_269 : vector<32x2048xf32>
    %lt3A_273 = arith.cmpi slt, %select_n3A_250, %select_n3A_270 : vector<32x2048xi32>
    %and3A_274 = arith.andi %eq3A_272, %lt3A_273 : vector<32x2048xi1>
    %or3A_275 = arith.ori %lt3A_271, %and3A_274 : vector<32x2048xi1>
    %xor3A_276 = arith.xori %or3A_275, %eq3A_256 : vector<32x2048xi1>
    %xor3A_277 = arith.xori %xor3A_276, %eq3A_192 : vector<32x2048xi1>
    %select_n3A_278 = arith.select %xor3A_277, %select_n3A_249, %select_n3A_269 : vector<32x2048xi1>, vector<32x2048xf32>
    %select_n3A_279 = arith.select %xor3A_277, %select_n3A_250, %select_n3A_270 : vector<32x2048xi1>, vector<32x2048xi32>
    %and3A_280 = arith.constant 1 : i32
    %and3A_281 = vector.broadcast %and3A_280 : i32 to vector<32x2048xi32>
    %and3A_282 = arith.andi %iota3A_2, %and3A_281 : vector<32x2048xi32>
    %eq3A_283 = arith.constant 0 : i32
    %eq3A_284 = vector.broadcast %eq3A_283 : i32 to vector<32x2048xi32>
    %eq3A_285 = arith.cmpi eq, %and3A_282, %eq3A_284 : vector<32x2048xi32>
    %slice3A_286 = vector.extract_strided_slice %select_n3A_278 {offsets = [0, 1], sizes = [32, 2047], strides = [1, 1]} : vector<32x2048xf32> to vector<32x2047xf32>
    %slice3A_287 = vector.extract_strided_slice %select_n3A_278 {offsets = [0, 0], sizes = [32, 1], strides = [1, 1]} : vector<32x2048xf32> to vector<32x1xf32>
    %concatenate3A_288 = tpu.concatenate %slice3A_286, %slice3A_287 in 1 : vector<32x2047xf32>, vector<32x1xf32> -> vector<32x2048xf32>
    %slice3A_289 = vector.extract_strided_slice %select_n3A_278 {offsets = [0, 2047], sizes = [32, 1], strides = [1, 1]} : vector<32x2048xf32> to vector<32x1xf32>
    %slice3A_290 = vector.extract_strided_slice %select_n3A_278 {offsets = [0, 0], sizes = [32, 2047], strides = [1, 1]} : vector<32x2048xf32> to vector<32x2047xf32>
    %concatenate3A_291 = tpu.concatenate %slice3A_289, %slice3A_290 in 1 : vector<32x1xf32>, vector<32x2047xf32> -> vector<32x2048xf32>
    %slice3A_292 = vector.extract_strided_slice %select_n3A_279 {offsets = [0, 1], sizes = [32, 2047], strides = [1, 1]} : vector<32x2048xi32> to vector<32x2047xi32>
    %slice3A_293 = vector.extract_strided_slice %select_n3A_279 {offsets = [0, 0], sizes = [32, 1], strides = [1, 1]} : vector<32x2048xi32> to vector<32x1xi32>
    %concatenate3A_294 = tpu.concatenate %slice3A_292, %slice3A_293 in 1 : vector<32x2047xi32>, vector<32x1xi32> -> vector<32x2048xi32>
    %slice3A_295 = vector.extract_strided_slice %select_n3A_279 {offsets = [0, 2047], sizes = [32, 1], strides = [1, 1]} : vector<32x2048xi32> to vector<32x1xi32>
    %slice3A_296 = vector.extract_strided_slice %select_n3A_279 {offsets = [0, 0], sizes = [32, 2047], strides = [1, 1]} : vector<32x2048xi32> to vector<32x2047xi32>
    %concatenate3A_297 = tpu.concatenate %slice3A_295, %slice3A_296 in 1 : vector<32x1xi32>, vector<32x2047xi32> -> vector<32x2048xi32>
    %select_n3A_298 = arith.select %eq3A_285, %concatenate3A_288, %concatenate3A_291 : vector<32x2048xi1>, vector<32x2048xf32>
    %select_n3A_299 = arith.select %eq3A_285, %concatenate3A_294, %concatenate3A_297 : vector<32x2048xi1>, vector<32x2048xi32>
    %lt3A_300 = arith.cmpf olt, %select_n3A_278, %select_n3A_298 : vector<32x2048xf32>
    %eq3A_301 = arith.cmpf oeq, %select_n3A_278, %select_n3A_298 : vector<32x2048xf32>
    %lt3A_302 = arith.cmpi slt, %select_n3A_279, %select_n3A_299 : vector<32x2048xi32>
    %and3A_303 = arith.andi %eq3A_301, %lt3A_302 : vector<32x2048xi1>
    %or3A_304 = arith.ori %lt3A_300, %and3A_303 : vector<32x2048xi1>
    %xor3A_305 = arith.xori %or3A_304, %eq3A_285 : vector<32x2048xi1>
    %xor3A_306 = arith.xori %xor3A_305, %eq3A_192 : vector<32x2048xi1>
    %select_n3A_307 = arith.select %xor3A_306, %select_n3A_278, %select_n3A_298 : vector<32x2048xi1>, vector<32x2048xf32>
    %select_n3A_308 = arith.select %xor3A_306, %select_n3A_279, %select_n3A_299 : vector<32x2048xi1>, vector<32x2048xi32>
    %and3A_309 = arith.constant 32 : i32
    %and3A_310 = vector.broadcast %and3A_309 : i32 to vector<32x2048xi32>
    %and3A_311 = arith.andi %iota3A_2, %and3A_310 : vector<32x2048xi32>
    %eq3A_312 = arith.constant 0 : i32
    %eq3A_313 = vector.broadcast %eq3A_312 : i32 to vector<32x2048xi32>
    %eq3A_314 = arith.cmpi eq, %and3A_311, %eq3A_313 : vector<32x2048xi32>
    %and3A_315 = arith.constant 16 : i32
    %and3A_316 = vector.broadcast %and3A_315 : i32 to vector<32x2048xi32>
    %and3A_317 = arith.andi %iota3A_2, %and3A_316 : vector<32x2048xi32>
    %eq3A_318 = arith.constant 0 : i32
    %eq3A_319 = vector.broadcast %eq3A_318 : i32 to vector<32x2048xi32>
    %eq3A_320 = arith.cmpi eq, %and3A_317, %eq3A_319 : vector<32x2048xi32>
    %slice3A_321 = vector.extract_strided_slice %select_n3A_307 {offsets = [0, 16], sizes = [32, 2032], strides = [1, 1]} : vector<32x2048xf32> to vector<32x2032xf32>
    %slice3A_322 = vector.extract_strided_slice %select_n3A_307 {offsets = [0, 0], sizes = [32, 16], strides = [1, 1]} : vector<32x2048xf32> to vector<32x16xf32>
    %concatenate3A_323 = tpu.concatenate %slice3A_321, %slice3A_322 in 1 : vector<32x2032xf32>, vector<32x16xf32> -> vector<32x2048xf32>
    %slice3A_324 = vector.extract_strided_slice %select_n3A_307 {offsets = [0, 2032], sizes = [32, 16], strides = [1, 1]} : vector<32x2048xf32> to vector<32x16xf32>
    %slice3A_325 = vector.extract_strided_slice %select_n3A_307 {offsets = [0, 0], sizes = [32, 2032], strides = [1, 1]} : vector<32x2048xf32> to vector<32x2032xf32>
    %concatenate3A_326 = tpu.concatenate %slice3A_324, %slice3A_325 in 1 : vector<32x16xf32>, vector<32x2032xf32> -> vector<32x2048xf32>
    %slice3A_327 = vector.extract_strided_slice %select_n3A_308 {offsets = [0, 16], sizes = [32, 2032], strides = [1, 1]} : vector<32x2048xi32> to vector<32x2032xi32>
    %slice3A_328 = vector.extract_strided_slice %select_n3A_308 {offsets = [0, 0], sizes = [32, 16], strides = [1, 1]} : vector<32x2048xi32> to vector<32x16xi32>
    %concatenate3A_329 = tpu.concatenate %slice3A_327, %slice3A_328 in 1 : vector<32x2032xi32>, vector<32x16xi32> -> vector<32x2048xi32>
    %slice3A_330 = vector.extract_strided_slice %select_n3A_308 {offsets = [0, 2032], sizes = [32, 16], strides = [1, 1]} : vector<32x2048xi32> to vector<32x16xi32>
    %slice3A_331 = vector.extract_strided_slice %select_n3A_308 {offsets = [0, 0], sizes = [32, 2032], strides = [1, 1]} : vector<32x2048xi32> to vector<32x2032xi32>
    %concatenate3A_332 = tpu.concatenate %slice3A_330, %slice3A_331 in 1 : vector<32x16xi32>, vector<32x2032xi32> -> vector<32x2048xi32>
    %select_n3A_333 = arith.select %eq3A_320, %concatenate3A_323, %concatenate3A_326 : vector<32x2048xi1>, vector<32x2048xf32>
    %select_n3A_334 = arith.select %eq3A_320, %concatenate3A_329, %concatenate3A_332 : vector<32x2048xi1>, vector<32x2048xi32>
    %lt3A_335 = arith.cmpf olt, %select_n3A_307, %select_n3A_333 : vector<32x2048xf32>
    %eq3A_336 = arith.cmpf oeq, %select_n3A_307, %select_n3A_333 : vector<32x2048xf32>
    %lt3A_337 = arith.cmpi slt, %select_n3A_308, %select_n3A_334 : vector<32x2048xi32>
    %and3A_338 = arith.andi %eq3A_336, %lt3A_337 : vector<32x2048xi1>
    %or3A_339 = arith.ori %lt3A_335, %and3A_338 : vector<32x2048xi1>
    %xor3A_340 = arith.xori %or3A_339, %eq3A_320 : vector<32x2048xi1>
    %xor3A_341 = arith.xori %xor3A_340, %eq3A_314 : vector<32x2048xi1>
    %select_n3A_342 = arith.select %xor3A_341, %select_n3A_307, %select_n3A_333 : vector<32x2048xi1>, vector<32x2048xf32>
    %select_n3A_343 = arith.select %xor3A_341, %select_n3A_308, %select_n3A_334 : vector<32x2048xi1>, vector<32x2048xi32>
    %and3A_344 = arith.constant 8 : i32
    %and3A_345 = vector.broadcast %and3A_344 : i32 to vector<32x2048xi32>
    %and3A_346 = arith.andi %iota3A_2, %and3A_345 : vector<32x2048xi32>
    %eq3A_347 = arith.constant 0 : i32
    %eq3A_348 = vector.broadcast %eq3A_347 : i32 to vector<32x2048xi32>
    %eq3A_349 = arith.cmpi eq, %and3A_346, %eq3A_348 : vector<32x2048xi32>
    %slice3A_350 = vector.extract_strided_slice %select_n3A_342 {offsets = [0, 8], sizes = [32, 2040], strides = [1, 1]} : vector<32x2048xf32> to vector<32x2040xf32>
    %slice3A_351 = vector.extract_strided_slice %select_n3A_342 {offsets = [0, 0], sizes = [32, 8], strides = [1, 1]} : vector<32x2048xf32> to vector<32x8xf32>
    %concatenate3A_352 = tpu.concatenate %slice3A_350, %slice3A_351 in 1 : vector<32x2040xf32>, vector<32x8xf32> -> vector<32x2048xf32>
    %slice3A_353 = vector.extract_strided_slice %select_n3A_342 {offsets = [0, 2040], sizes = [32, 8], strides = [1, 1]} : vector<32x2048xf32> to vector<32x8xf32>
    %slice3A_354 = vector.extract_strided_slice %select_n3A_342 {offsets = [0, 0], sizes = [32, 2040], strides = [1, 1]} : vector<32x2048xf32> to vector<32x2040xf32>
    %concatenate3A_355 = tpu.concatenate %slice3A_353, %slice3A_354 in 1 : vector<32x8xf32>, vector<32x2040xf32> -> vector<32x2048xf32>
    %slice3A_356 = vector.extract_strided_slice %select_n3A_343 {offsets = [0, 8], sizes = [32, 2040], strides = [1, 1]} : vector<32x2048xi32> to vector<32x2040xi32>
    %slice3A_357 = vector.extract_strided_slice %select_n3A_343 {offsets = [0, 0], sizes = [32, 8], strides = [1, 1]} : vector<32x2048xi32> to vector<32x8xi32>
    %concatenate3A_358 = tpu.concatenate %slice3A_356, %slice3A_357 in 1 : vector<32x2040xi32>, vector<32x8xi32> -> vector<32x2048xi32>
    %slice3A_359 = vector.extract_strided_slice %select_n3A_343 {offsets = [0, 2040], sizes = [32, 8], strides = [1, 1]} : vector<32x2048xi32> to vector<32x8xi32>
    %slice3A_360 = vector.extract_strided_slice %select_n3A_343 {offsets = [0, 0], sizes = [32, 2040], strides = [1, 1]} : vector<32x2048xi32> to vector<32x2040xi32>
    %concatenate3A_361 = tpu.concatenate %slice3A_359, %slice3A_360 in 1 : vector<32x8xi32>, vector<32x2040xi32> -> vector<32x2048xi32>
    %select_n3A_362 = arith.select %eq3A_349, %concatenate3A_352, %concatenate3A_355 : vector<32x2048xi1>, vector<32x2048xf32>
    %select_n3A_363 = arith.select %eq3A_349, %concatenate3A_358, %concatenate3A_361 : vector<32x2048xi1>, vector<32x2048xi32>
    %lt3A_364 = arith.cmpf olt, %select_n3A_342, %select_n3A_362 : vector<32x2048xf32>
    %eq3A_365 = arith.cmpf oeq, %select_n3A_342, %select_n3A_362 : vector<32x2048xf32>
    %lt3A_366 = arith.cmpi slt, %select_n3A_343, %select_n3A_363 : vector<32x2048xi32>
    %and3A_367 = arith.andi %eq3A_365, %lt3A_366 : vector<32x2048xi1>
    %or3A_368 = arith.ori %lt3A_364, %and3A_367 : vector<32x2048xi1>
    %xor3A_369 = arith.xori %or3A_368, %eq3A_349 : vector<32x2048xi1>
    %xor3A_370 = arith.xori %xor3A_369, %eq3A_314 : vector<32x2048xi1>
    %select_n3A_371 = arith.select %xor3A_370, %select_n3A_342, %select_n3A_362 : vector<32x2048xi1>, vector<32x2048xf32>
    %select_n3A_372 = arith.select %xor3A_370, %select_n3A_343, %select_n3A_363 : vector<32x2048xi1>, vector<32x2048xi32>
    %and3A_373 = arith.constant 4 : i32
    %and3A_374 = vector.broadcast %and3A_373 : i32 to vector<32x2048xi32>
    %and3A_375 = arith.andi %iota3A_2, %and3A_374 : vector<32x2048xi32>
    %eq3A_376 = arith.constant 0 : i32
    %eq3A_377 = vector.broadcast %eq3A_376 : i32 to vector<32x2048xi32>
    %eq3A_378 = arith.cmpi eq, %and3A_375, %eq3A_377 : vector<32x2048xi32>
    %slice3A_379 = vector.extract_strided_slice %select_n3A_371 {offsets = [0, 4], sizes = [32, 2044], strides = [1, 1]} : vector<32x2048xf32> to vector<32x2044xf32>
    %slice3A_380 = vector.extract_strided_slice %select_n3A_371 {offsets = [0, 0], sizes = [32, 4], strides = [1, 1]} : vector<32x2048xf32> to vector<32x4xf32>
    %concatenate3A_381 = tpu.concatenate %slice3A_379, %slice3A_380 in 1 : vector<32x2044xf32>, vector<32x4xf32> -> vector<32x2048xf32>
    %slice3A_382 = vector.extract_strided_slice %select_n3A_371 {offsets = [0, 2044], sizes = [32, 4], strides = [1, 1]} : vector<32x2048xf32> to vector<32x4xf32>
    %slice3A_383 = vector.extract_strided_slice %select_n3A_371 {offsets = [0, 0], sizes = [32, 2044], strides = [1, 1]} : vector<32x2048xf32> to vector<32x2044xf32>
    %concatenate3A_384 = tpu.concatenate %slice3A_382, %slice3A_383 in 1 : vector<32x4xf32>, vector<32x2044xf32> -> vector<32x2048xf32>
    %slice3A_385 = vector.extract_strided_slice %select_n3A_372 {offsets = [0, 4], sizes = [32, 2044], strides = [1, 1]} : vector<32x2048xi32> to vector<32x2044xi32>
    %slice3A_386 = vector.extract_strided_slice %select_n3A_372 {offsets = [0, 0], sizes = [32, 4], strides = [1, 1]} : vector<32x2048xi32> to vector<32x4xi32>
    %concatenate3A_387 = tpu.concatenate %slice3A_385, %slice3A_386 in 1 : vector<32x2044xi32>, vector<32x4xi32> -> vector<32x2048xi32>
    %slice3A_388 = vector.extract_strided_slice %select_n3A_372 {offsets = [0, 2044], sizes = [32, 4], strides = [1, 1]} : vector<32x2048xi32> to vector<32x4xi32>
    %slice3A_389 = vector.extract_strided_slice %select_n3A_372 {offsets = [0, 0], sizes = [32, 2044], strides = [1, 1]} : vector<32x2048xi32> to vector<32x2044xi32>
    %concatenate3A_390 = tpu.concatenate %slice3A_388, %slice3A_389 in 1 : vector<32x4xi32>, vector<32x2044xi32> -> vector<32x2048xi32>
    %select_n3A_391 = arith.select %eq3A_378, %concatenate3A_381, %concatenate3A_384 : vector<32x2048xi1>, vector<32x2048xf32>
    %select_n3A_392 = arith.select %eq3A_378, %concatenate3A_387, %concatenate3A_390 : vector<32x2048xi1>, vector<32x2048xi32>
    %lt3A_393 = arith.cmpf olt, %select_n3A_371, %select_n3A_391 : vector<32x2048xf32>
    %eq3A_394 = arith.cmpf oeq, %select_n3A_371, %select_n3A_391 : vector<32x2048xf32>
    %lt3A_395 = arith.cmpi slt, %select_n3A_372, %select_n3A_392 : vector<32x2048xi32>
    %and3A_396 = arith.andi %eq3A_394, %lt3A_395 : vector<32x2048xi1>
    %or3A_397 = arith.ori %lt3A_393, %and3A_396 : vector<32x2048xi1>
    %xor3A_398 = arith.xori %or3A_397, %eq3A_378 : vector<32x2048xi1>
    %xor3A_399 = arith.xori %xor3A_398, %eq3A_314 : vector<32x2048xi1>
    %select_n3A_400 = arith.select %xor3A_399, %select_n3A_371, %select_n3A_391 : vector<32x2048xi1>, vector<32x2048xf32>
    %select_n3A_401 = arith.select %xor3A_399, %select_n3A_372, %select_n3A_392 : vector<32x2048xi1>, vector<32x2048xi32>
    %and3A_402 = arith.constant 2 : i32
    %and3A_403 = vector.broadcast %and3A_402 : i32 to vector<32x2048xi32>
    %and3A_404 = arith.andi %iota3A_2, %and3A_403 : vector<32x2048xi32>
    %eq3A_405 = arith.constant 0 : i32
    %eq3A_406 = vector.broadcast %eq3A_405 : i32 to vector<32x2048xi32>
    %eq3A_407 = arith.cmpi eq, %and3A_404, %eq3A_406 : vector<32x2048xi32>
    %slice3A_408 = vector.extract_strided_slice %select_n3A_400 {offsets = [0, 2], sizes = [32, 2046], strides = [1, 1]} : vector<32x2048xf32> to vector<32x2046xf32>
    %slice3A_409 = vector.extract_strided_slice %select_n3A_400 {offsets = [0, 0], sizes = [32, 2], strides = [1, 1]} : vector<32x2048xf32> to vector<32x2xf32>
    %concatenate3A_410 = tpu.concatenate %slice3A_408, %slice3A_409 in 1 : vector<32x2046xf32>, vector<32x2xf32> -> vector<32x2048xf32>
    %slice3A_411 = vector.extract_strided_slice %select_n3A_400 {offsets = [0, 2046], sizes = [32, 2], strides = [1, 1]} : vector<32x2048xf32> to vector<32x2xf32>
    %slice3A_412 = vector.extract_strided_slice %select_n3A_400 {offsets = [0, 0], sizes = [32, 2046], strides = [1, 1]} : vector<32x2048xf32> to vector<32x2046xf32>
    %concatenate3A_413 = tpu.concatenate %slice3A_411, %slice3A_412 in 1 : vector<32x2xf32>, vector<32x2046xf32> -> vector<32x2048xf32>
    %slice3A_414 = vector.extract_strided_slice %select_n3A_401 {offsets = [0, 2], sizes = [32, 2046], strides = [1, 1]} : vector<32x2048xi32> to vector<32x2046xi32>
    %slice3A_415 = vector.extract_strided_slice %select_n3A_401 {offsets = [0, 0], sizes = [32, 2], strides = [1, 1]} : vector<32x2048xi32> to vector<32x2xi32>
    %concatenate3A_416 = tpu.concatenate %slice3A_414, %slice3A_415 in 1 : vector<32x2046xi32>, vector<32x2xi32> -> vector<32x2048xi32>
    %slice3A_417 = vector.extract_strided_slice %select_n3A_401 {offsets = [0, 2046], sizes = [32, 2], strides = [1, 1]} : vector<32x2048xi32> to vector<32x2xi32>
    %slice3A_418 = vector.extract_strided_slice %select_n3A_401 {offsets = [0, 0], sizes = [32, 2046], strides = [1, 1]} : vector<32x2048xi32> to vector<32x2046xi32>
    %concatenate3A_419 = tpu.concatenate %slice3A_417, %slice3A_418 in 1 : vector<32x2xi32>, vector<32x2046xi32> -> vector<32x2048xi32>
    %select_n3A_420 = arith.select %eq3A_407, %concatenate3A_410, %concatenate3A_413 : vector<32x2048xi1>, vector<32x2048xf32>
    %select_n3A_421 = arith.select %eq3A_407, %concatenate3A_416, %concatenate3A_419 : vector<32x2048xi1>, vector<32x2048xi32>
    %lt3A_422 = arith.cmpf olt, %select_n3A_400, %select_n3A_420 : vector<32x2048xf32>
    %eq3A_423 = arith.cmpf oeq, %select_n3A_400, %select_n3A_420 : vector<32x2048xf32>
    %lt3A_424 = arith.cmpi slt, %select_n3A_401, %select_n3A_421 : vector<32x2048xi32>
    %and3A_425 = arith.andi %eq3A_423, %lt3A_424 : vector<32x2048xi1>
    %or3A_426 = arith.ori %lt3A_422, %and3A_425 : vector<32x2048xi1>
    %xor3A_427 = arith.xori %or3A_426, %eq3A_407 : vector<32x2048xi1>
    %xor3A_428 = arith.xori %xor3A_427, %eq3A_314 : vector<32x2048xi1>
    %select_n3A_429 = arith.select %xor3A_428, %select_n3A_400, %select_n3A_420 : vector<32x2048xi1>, vector<32x2048xf32>
    %select_n3A_430 = arith.select %xor3A_428, %select_n3A_401, %select_n3A_421 : vector<32x2048xi1>, vector<32x2048xi32>
    %and3A_431 = arith.constant 1 : i32
    %and3A_432 = vector.broadcast %and3A_431 : i32 to vector<32x2048xi32>
    %and3A_433 = arith.andi %iota3A_2, %and3A_432 : vector<32x2048xi32>
    %eq3A_434 = arith.constant 0 : i32
    %eq3A_435 = vector.broadcast %eq3A_434 : i32 to vector<32x2048xi32>
    %eq3A_436 = arith.cmpi eq, %and3A_433, %eq3A_435 : vector<32x2048xi32>
    %slice3A_437 = vector.extract_strided_slice %select_n3A_429 {offsets = [0, 1], sizes = [32, 2047], strides = [1, 1]} : vector<32x2048xf32> to vector<32x2047xf32>
    %slice3A_438 = vector.extract_strided_slice %select_n3A_429 {offsets = [0, 0], sizes = [32, 1], strides = [1, 1]} : vector<32x2048xf32> to vector<32x1xf32>
    %concatenate3A_439 = tpu.concatenate %slice3A_437, %slice3A_438 in 1 : vector<32x2047xf32>, vector<32x1xf32> -> vector<32x2048xf32>
    %slice3A_440 = vector.extract_strided_slice %select_n3A_429 {offsets = [0, 2047], sizes = [32, 1], strides = [1, 1]} : vector<32x2048xf32> to vector<32x1xf32>
    %slice3A_441 = vector.extract_strided_slice %select_n3A_429 {offsets = [0, 0], sizes = [32, 2047], strides = [1, 1]} : vector<32x2048xf32> to vector<32x2047xf32>
    %concatenate3A_442 = tpu.concatenate %slice3A_440, %slice3A_441 in 1 : vector<32x1xf32>, vector<32x2047xf32> -> vector<32x2048xf32>
    %slice3A_443 = vector.extract_strided_slice %select_n3A_430 {offsets = [0, 1], sizes = [32, 2047], strides = [1, 1]} : vector<32x2048xi32> to vector<32x2047xi32>
    %slice3A_444 = vector.extract_strided_slice %select_n3A_430 {offsets = [0, 0], sizes = [32, 1], strides = [1, 1]} : vector<32x2048xi32> to vector<32x1xi32>
    %concatenate3A_445 = tpu.concatenate %slice3A_443, %slice3A_444 in 1 : vector<32x2047xi32>, vector<32x1xi32> -> vector<32x2048xi32>
    %slice3A_446 = vector.extract_strided_slice %select_n3A_430 {offsets = [0, 2047], sizes = [32, 1], strides = [1, 1]} : vector<32x2048xi32> to vector<32x1xi32>
    %slice3A_447 = vector.extract_strided_slice %select_n3A_430 {offsets = [0, 0], sizes = [32, 2047], strides = [1, 1]} : vector<32x2048xi32> to vector<32x2047xi32>
    %concatenate3A_448 = tpu.concatenate %slice3A_446, %slice3A_447 in 1 : vector<32x1xi32>, vector<32x2047xi32> -> vector<32x2048xi32>
    %select_n3A_449 = arith.select %eq3A_436, %concatenate3A_439, %concatenate3A_442 : vector<32x2048xi1>, vector<32x2048xf32>
    %select_n3A_450 = arith.select %eq3A_436, %concatenate3A_445, %concatenate3A_448 : vector<32x2048xi1>, vector<32x2048xi32>
    %lt3A_451 = arith.cmpf olt, %select_n3A_429, %select_n3A_449 : vector<32x2048xf32>
    %eq3A_452 = arith.cmpf oeq, %select_n3A_429, %select_n3A_449 : vector<32x2048xf32>
    %lt3A_453 = arith.cmpi slt, %select_n3A_430, %select_n3A_450 : vector<32x2048xi32>
    %and3A_454 = arith.andi %eq3A_452, %lt3A_453 : vector<32x2048xi1>
    %or3A_455 = arith.ori %lt3A_451, %and3A_454 : vector<32x2048xi1>
    %xor3A_456 = arith.xori %or3A_455, %eq3A_436 : vector<32x2048xi1>
    %xor3A_457 = arith.xori %xor3A_456, %eq3A_314 : vector<32x2048xi1>
    %select_n3A_458 = arith.select %xor3A_457, %select_n3A_429, %select_n3A_449 : vector<32x2048xi1>, vector<32x2048xf32>
    %select_n3A_459 = arith.select %xor3A_457, %select_n3A_430, %select_n3A_450 : vector<32x2048xi1>, vector<32x2048xi32>
    %and3A_460 = arith.constant 64 : i32
    %and3A_461 = vector.broadcast %and3A_460 : i32 to vector<32x2048xi32>
    %and3A_462 = arith.andi %iota3A_2, %and3A_461 : vector<32x2048xi32>
    %eq3A_463 = arith.constant 0 : i32
    %eq3A_464 = vector.broadcast %eq3A_463 : i32 to vector<32x2048xi32>
    %eq3A_465 = arith.cmpi eq, %and3A_462, %eq3A_464 : vector<32x2048xi32>
    %and3A_466 = arith.constant 32 : i32
    %and3A_467 = vector.broadcast %and3A_466 : i32 to vector<32x2048xi32>
    %and3A_468 = arith.andi %iota3A_2, %and3A_467 : vector<32x2048xi32>
    %eq3A_469 = arith.constant 0 : i32
    %eq3A_470 = vector.broadcast %eq3A_469 : i32 to vector<32x2048xi32>
    %eq3A_471 = arith.cmpi eq, %and3A_468, %eq3A_470 : vector<32x2048xi32>
    %slice3A_472 = vector.extract_strided_slice %select_n3A_458 {offsets = [0, 32], sizes = [32, 2016], strides = [1, 1]} : vector<32x2048xf32> to vector<32x2016xf32>
    %slice3A_473 = vector.extract_strided_slice %select_n3A_458 {offsets = [0, 0], sizes = [32, 32], strides = [1, 1]} : vector<32x2048xf32> to vector<32x32xf32>
    %concatenate3A_474 = tpu.concatenate %slice3A_472, %slice3A_473 in 1 : vector<32x2016xf32>, vector<32x32xf32> -> vector<32x2048xf32>
    %slice3A_475 = vector.extract_strided_slice %select_n3A_458 {offsets = [0, 2016], sizes = [32, 32], strides = [1, 1]} : vector<32x2048xf32> to vector<32x32xf32>
    %slice3A_476 = vector.extract_strided_slice %select_n3A_458 {offsets = [0, 0], sizes = [32, 2016], strides = [1, 1]} : vector<32x2048xf32> to vector<32x2016xf32>
    %concatenate3A_477 = tpu.concatenate %slice3A_475, %slice3A_476 in 1 : vector<32x32xf32>, vector<32x2016xf32> -> vector<32x2048xf32>
    %slice3A_478 = vector.extract_strided_slice %select_n3A_459 {offsets = [0, 32], sizes = [32, 2016], strides = [1, 1]} : vector<32x2048xi32> to vector<32x2016xi32>
    %slice3A_479 = vector.extract_strided_slice %select_n3A_459 {offsets = [0, 0], sizes = [32, 32], strides = [1, 1]} : vector<32x2048xi32> to vector<32x32xi32>
    %concatenate3A_480 = tpu.concatenate %slice3A_478, %slice3A_479 in 1 : vector<32x2016xi32>, vector<32x32xi32> -> vector<32x2048xi32>
    %slice3A_481 = vector.extract_strided_slice %select_n3A_459 {offsets = [0, 2016], sizes = [32, 32], strides = [1, 1]} : vector<32x2048xi32> to vector<32x32xi32>
    %slice3A_482 = vector.extract_strided_slice %select_n3A_459 {offsets = [0, 0], sizes = [32, 2016], strides = [1, 1]} : vector<32x2048xi32> to vector<32x2016xi32>
    %concatenate3A_483 = tpu.concatenate %slice3A_481, %slice3A_482 in 1 : vector<32x32xi32>, vector<32x2016xi32> -> vector<32x2048xi32>
    %select_n3A_484 = arith.select %eq3A_471, %concatenate3A_474, %concatenate3A_477 : vector<32x2048xi1>, vector<32x2048xf32>
    %select_n3A_485 = arith.select %eq3A_471, %concatenate3A_480, %concatenate3A_483 : vector<32x2048xi1>, vector<32x2048xi32>
    %lt3A_486 = arith.cmpf olt, %select_n3A_458, %select_n3A_484 : vector<32x2048xf32>
    %eq3A_487 = arith.cmpf oeq, %select_n3A_458, %select_n3A_484 : vector<32x2048xf32>
    %lt3A_488 = arith.cmpi slt, %select_n3A_459, %select_n3A_485 : vector<32x2048xi32>
    %and3A_489 = arith.andi %eq3A_487, %lt3A_488 : vector<32x2048xi1>
    %or3A_490 = arith.ori %lt3A_486, %and3A_489 : vector<32x2048xi1>
    %xor3A_491 = arith.xori %or3A_490, %eq3A_471 : vector<32x2048xi1>
    %xor3A_492 = arith.xori %xor3A_491, %eq3A_465 : vector<32x2048xi1>
    %select_n3A_493 = arith.select %xor3A_492, %select_n3A_458, %select_n3A_484 : vector<32x2048xi1>, vector<32x2048xf32>
    %select_n3A_494 = arith.select %xor3A_492, %select_n3A_459, %select_n3A_485 : vector<32x2048xi1>, vector<32x2048xi32>
    %and3A_495 = arith.constant 16 : i32
    %and3A_496 = vector.broadcast %and3A_495 : i32 to vector<32x2048xi32>
    %and3A_497 = arith.andi %iota3A_2, %and3A_496 : vector<32x2048xi32>
    %eq3A_498 = arith.constant 0 : i32
    %eq3A_499 = vector.broadcast %eq3A_498 : i32 to vector<32x2048xi32>
    %eq3A_500 = arith.cmpi eq, %and3A_497, %eq3A_499 : vector<32x2048xi32>
    %slice3A_501 = vector.extract_strided_slice %select_n3A_493 {offsets = [0, 16], sizes = [32, 2032], strides = [1, 1]} : vector<32x2048xf32> to vector<32x2032xf32>
    %slice3A_502 = vector.extract_strided_slice %select_n3A_493 {offsets = [0, 0], sizes = [32, 16], strides = [1, 1]} : vector<32x2048xf32> to vector<32x16xf32>
    %concatenate3A_503 = tpu.concatenate %slice3A_501, %slice3A_502 in 1 : vector<32x2032xf32>, vector<32x16xf32> -> vector<32x2048xf32>
    %slice3A_504 = vector.extract_strided_slice %select_n3A_493 {offsets = [0, 2032], sizes = [32, 16], strides = [1, 1]} : vector<32x2048xf32> to vector<32x16xf32>
    %slice3A_505 = vector.extract_strided_slice %select_n3A_493 {offsets = [0, 0], sizes = [32, 2032], strides = [1, 1]} : vector<32x2048xf32> to vector<32x2032xf32>
    %concatenate3A_506 = tpu.concatenate %slice3A_504, %slice3A_505 in 1 : vector<32x16xf32>, vector<32x2032xf32> -> vector<32x2048xf32>
    %slice3A_507 = vector.extract_strided_slice %select_n3A_494 {offsets = [0, 16], sizes = [32, 2032], strides = [1, 1]} : vector<32x2048xi32> to vector<32x2032xi32>
    %slice3A_508 = vector.extract_strided_slice %select_n3A_494 {offsets = [0, 0], sizes = [32, 16], strides = [1, 1]} : vector<32x2048xi32> to vector<32x16xi32>
    %concatenate3A_509 = tpu.concatenate %slice3A_507, %slice3A_508 in 1 : vector<32x2032xi32>, vector<32x16xi32> -> vector<32x2048xi32>
    %slice3A_510 = vector.extract_strided_slice %select_n3A_494 {offsets = [0, 2032], sizes = [32, 16], strides = [1, 1]} : vector<32x2048xi32> to vector<32x16xi32>
    %slice3A_511 = vector.extract_strided_slice %select_n3A_494 {offsets = [0, 0], sizes = [32, 2032], strides = [1, 1]} : vector<32x2048xi32> to vector<32x2032xi32>
    %concatenate3A_512 = tpu.concatenate %slice3A_510, %slice3A_511 in 1 : vector<32x16xi32>, vector<32x2032xi32> -> vector<32x2048xi32>
    %select_n3A_513 = arith.select %eq3A_500, %concatenate3A_503, %concatenate3A_506 : vector<32x2048xi1>, vector<32x2048xf32>
    %select_n3A_514 = arith.select %eq3A_500, %concatenate3A_509, %concatenate3A_512 : vector<32x2048xi1>, vector<32x2048xi32>
    %lt3A_515 = arith.cmpf olt, %select_n3A_493, %select_n3A_513 : vector<32x2048xf32>
    %eq3A_516 = arith.cmpf oeq, %select_n3A_493, %select_n3A_513 : vector<32x2048xf32>
    %lt3A_517 = arith.cmpi slt, %select_n3A_494, %select_n3A_514 : vector<32x2048xi32>
    %and3A_518 = arith.andi %eq3A_516, %lt3A_517 : vector<32x2048xi1>
    %or3A_519 = arith.ori %lt3A_515, %and3A_518 : vector<32x2048xi1>
    %xor3A_520 = arith.xori %or3A_519, %eq3A_500 : vector<32x2048xi1>
    %xor3A_521 = arith.xori %xor3A_520, %eq3A_465 : vector<32x2048xi1>
    %select_n3A_522 = arith.select %xor3A_521, %select_n3A_493, %select_n3A_513 : vector<32x2048xi1>, vector<32x2048xf32>
    %select_n3A_523 = arith.select %xor3A_521, %select_n3A_494, %select_n3A_514 : vector<32x2048xi1>, vector<32x2048xi32>
    %and3A_524 = arith.constant 8 : i32
    %and3A_525 = vector.broadcast %and3A_524 : i32 to vector<32x2048xi32>
    %and3A_526 = arith.andi %iota3A_2, %and3A_525 : vector<32x2048xi32>
    %eq3A_527 = arith.constant 0 : i32
    %eq3A_528 = vector.broadcast %eq3A_527 : i32 to vector<32x2048xi32>
    %eq3A_529 = arith.cmpi eq, %and3A_526, %eq3A_528 : vector<32x2048xi32>
    %slice3A_530 = vector.extract_strided_slice %select_n3A_522 {offsets = [0, 8], sizes = [32, 2040], strides = [1, 1]} : vector<32x2048xf32> to vector<32x2040xf32>
    %slice3A_531 = vector.extract_strided_slice %select_n3A_522 {offsets = [0, 0], sizes = [32, 8], strides = [1, 1]} : vector<32x2048xf32> to vector<32x8xf32>
    %concatenate3A_532 = tpu.concatenate %slice3A_530, %slice3A_531 in 1 : vector<32x2040xf32>, vector<32x8xf32> -> vector<32x2048xf32>
    %slice3A_533 = vector.extract_strided_slice %select_n3A_522 {offsets = [0, 2040], sizes = [32, 8], strides = [1, 1]} : vector<32x2048xf32> to vector<32x8xf32>
    %slice3A_534 = vector.extract_strided_slice %select_n3A_522 {offsets = [0, 0], sizes = [32, 2040], strides = [1, 1]} : vector<32x2048xf32> to vector<32x2040xf32>
    %concatenate3A_535 = tpu.concatenate %slice3A_533, %slice3A_534 in 1 : vector<32x8xf32>, vector<32x2040xf32> -> vector<32x2048xf32>
    %slice3A_536 = vector.extract_strided_slice %select_n3A_523 {offsets = [0, 8], sizes = [32, 2040], strides = [1, 1]} : vector<32x2048xi32> to vector<32x2040xi32>
    %slice3A_537 = vector.extract_strided_slice %select_n3A_523 {offsets = [0, 0], sizes = [32, 8], strides = [1, 1]} : vector<32x2048xi32> to vector<32x8xi32>
    %concatenate3A_538 = tpu.concatenate %slice3A_536, %slice3A_537 in 1 : vector<32x2040xi32>, vector<32x8xi32> -> vector<32x2048xi32>
    %slice3A_539 = vector.extract_strided_slice %select_n3A_523 {offsets = [0, 2040], sizes = [32, 8], strides = [1, 1]} : vector<32x2048xi32> to vector<32x8xi32>
    %slice3A_540 = vector.extract_strided_slice %select_n3A_523 {offsets = [0, 0], sizes = [32, 2040], strides = [1, 1]} : vector<32x2048xi32> to vector<32x2040xi32>
    %concatenate3A_541 = tpu.concatenate %slice3A_539, %slice3A_540 in 1 : vector<32x8xi32>, vector<32x2040xi32> -> vector<32x2048xi32>
    %select_n3A_542 = arith.select %eq3A_529, %concatenate3A_532, %concatenate3A_535 : vector<32x2048xi1>, vector<32x2048xf32>
    %select_n3A_543 = arith.select %eq3A_529, %concatenate3A_538, %concatenate3A_541 : vector<32x2048xi1>, vector<32x2048xi32>
    %lt3A_544 = arith.cmpf olt, %select_n3A_522, %select_n3A_542 : vector<32x2048xf32>
    %eq3A_545 = arith.cmpf oeq, %select_n3A_522, %select_n3A_542 : vector<32x2048xf32>
    %lt3A_546 = arith.cmpi slt, %select_n3A_523, %select_n3A_543 : vector<32x2048xi32>
    %and3A_547 = arith.andi %eq3A_545, %lt3A_546 : vector<32x2048xi1>
    %or3A_548 = arith.ori %lt3A_544, %and3A_547 : vector<32x2048xi1>
    %xor3A_549 = arith.xori %or3A_548, %eq3A_529 : vector<32x2048xi1>
    %xor3A_550 = arith.xori %xor3A_549, %eq3A_465 : vector<32x2048xi1>
    %select_n3A_551 = arith.select %xor3A_550, %select_n3A_522, %select_n3A_542 : vector<32x2048xi1>, vector<32x2048xf32>
    %select_n3A_552 = arith.select %xor3A_550, %select_n3A_523, %select_n3A_543 : vector<32x2048xi1>, vector<32x2048xi32>
    %and3A_553 = arith.constant 4 : i32
    %and3A_554 = vector.broadcast %and3A_553 : i32 to vector<32x2048xi32>
    %and3A_555 = arith.andi %iota3A_2, %and3A_554 : vector<32x2048xi32>
    %eq3A_556 = arith.constant 0 : i32
    %eq3A_557 = vector.broadcast %eq3A_556 : i32 to vector<32x2048xi32>
    %eq3A_558 = arith.cmpi eq, %and3A_555, %eq3A_557 : vector<32x2048xi32>
    %slice3A_559 = vector.extract_strided_slice %select_n3A_551 {offsets = [0, 4], sizes = [32, 2044], strides = [1, 1]} : vector<32x2048xf32> to vector<32x2044xf32>
    %slice3A_560 = vector.extract_strided_slice %select_n3A_551 {offsets = [0, 0], sizes = [32, 4], strides = [1, 1]} : vector<32x2048xf32> to vector<32x4xf32>
    %concatenate3A_561 = tpu.concatenate %slice3A_559, %slice3A_560 in 1 : vector<32x2044xf32>, vector<32x4xf32> -> vector<32x2048xf32>
    %slice3A_562 = vector.extract_strided_slice %select_n3A_551 {offsets = [0, 2044], sizes = [32, 4], strides = [1, 1]} : vector<32x2048xf32> to vector<32x4xf32>
    %slice3A_563 = vector.extract_strided_slice %select_n3A_551 {offsets = [0, 0], sizes = [32, 2044], strides = [1, 1]} : vector<32x2048xf32> to vector<32x2044xf32>
    %concatenate3A_564 = tpu.concatenate %slice3A_562, %slice3A_563 in 1 : vector<32x4xf32>, vector<32x2044xf32> -> vector<32x2048xf32>
    %slice3A_565 = vector.extract_strided_slice %select_n3A_552 {offsets = [0, 4], sizes = [32, 2044], strides = [1, 1]} : vector<32x2048xi32> to vector<32x2044xi32>
    %slice3A_566 = vector.extract_strided_slice %select_n3A_552 {offsets = [0, 0], sizes = [32, 4], strides = [1, 1]} : vector<32x2048xi32> to vector<32x4xi32>
    %concatenate3A_567 = tpu.concatenate %slice3A_565, %slice3A_566 in 1 : vector<32x2044xi32>, vector<32x4xi32> -> vector<32x2048xi32>
    %slice3A_568 = vector.extract_strided_slice %select_n3A_552 {offsets = [0, 2044], sizes = [32, 4], strides = [1, 1]} : vector<32x2048xi32> to vector<32x4xi32>
    %slice3A_569 = vector.extract_strided_slice %select_n3A_552 {offsets = [0, 0], sizes = [32, 2044], strides = [1, 1]} : vector<32x2048xi32> to vector<32x2044xi32>
    %concatenate3A_570 = tpu.concatenate %slice3A_568, %slice3A_569 in 1 : vector<32x4xi32>, vector<32x2044xi32> -> vector<32x2048xi32>
    %select_n3A_571 = arith.select %eq3A_558, %concatenate3A_561, %concatenate3A_564 : vector<32x2048xi1>, vector<32x2048xf32>
    %select_n3A_572 = arith.select %eq3A_558, %concatenate3A_567, %concatenate3A_570 : vector<32x2048xi1>, vector<32x2048xi32>
    %lt3A_573 = arith.cmpf olt, %select_n3A_551, %select_n3A_571 : vector<32x2048xf32>
    %eq3A_574 = arith.cmpf oeq, %select_n3A_551, %select_n3A_571 : vector<32x2048xf32>
    %lt3A_575 = arith.cmpi slt, %select_n3A_552, %select_n3A_572 : vector<32x2048xi32>
    %and3A_576 = arith.andi %eq3A_574, %lt3A_575 : vector<32x2048xi1>
    %or3A_577 = arith.ori %lt3A_573, %and3A_576 : vector<32x2048xi1>
    %xor3A_578 = arith.xori %or3A_577, %eq3A_558 : vector<32x2048xi1>
    %xor3A_579 = arith.xori %xor3A_578, %eq3A_465 : vector<32x2048xi1>
    %select_n3A_580 = arith.select %xor3A_579, %select_n3A_551, %select_n3A_571 : vector<32x2048xi1>, vector<32x2048xf32>
    %select_n3A_581 = arith.select %xor3A_579, %select_n3A_552, %select_n3A_572 : vector<32x2048xi1>, vector<32x2048xi32>
    %and3A_582 = arith.constant 2 : i32
    %and3A_583 = vector.broadcast %and3A_582 : i32 to vector<32x2048xi32>
    %and3A_584 = arith.andi %iota3A_2, %and3A_583 : vector<32x2048xi32>
    %eq3A_585 = arith.constant 0 : i32
    %eq3A_586 = vector.broadcast %eq3A_585 : i32 to vector<32x2048xi32>
    %eq3A_587 = arith.cmpi eq, %and3A_584, %eq3A_586 : vector<32x2048xi32>
    %slice3A_588 = vector.extract_strided_slice %select_n3A_580 {offsets = [0, 2], sizes = [32, 2046], strides = [1, 1]} : vector<32x2048xf32> to vector<32x2046xf32>
    %slice3A_589 = vector.extract_strided_slice %select_n3A_580 {offsets = [0, 0], sizes = [32, 2], strides = [1, 1]} : vector<32x2048xf32> to vector<32x2xf32>
    %concatenate3A_590 = tpu.concatenate %slice3A_588, %slice3A_589 in 1 : vector<32x2046xf32>, vector<32x2xf32> -> vector<32x2048xf32>
    %slice3A_591 = vector.extract_strided_slice %select_n3A_580 {offsets = [0, 2046], sizes = [32, 2], strides = [1, 1]} : vector<32x2048xf32> to vector<32x2xf32>
    %slice3A_592 = vector.extract_strided_slice %select_n3A_580 {offsets = [0, 0], sizes = [32, 2046], strides = [1, 1]} : vector<32x2048xf32> to vector<32x2046xf32>
    %concatenate3A_593 = tpu.concatenate %slice3A_591, %slice3A_592 in 1 : vector<32x2xf32>, vector<32x2046xf32> -> vector<32x2048xf32>
    %slice3A_594 = vector.extract_strided_slice %select_n3A_581 {offsets = [0, 2], sizes = [32, 2046], strides = [1, 1]} : vector<32x2048xi32> to vector<32x2046xi32>
    %slice3A_595 = vector.extract_strided_slice %select_n3A_581 {offsets = [0, 0], sizes = [32, 2], strides = [1, 1]} : vector<32x2048xi32> to vector<32x2xi32>
    %concatenate3A_596 = tpu.concatenate %slice3A_594, %slice3A_595 in 1 : vector<32x2046xi32>, vector<32x2xi32> -> vector<32x2048xi32>
    %slice3A_597 = vector.extract_strided_slice %select_n3A_581 {offsets = [0, 2046], sizes = [32, 2], strides = [1, 1]} : vector<32x2048xi32> to vector<32x2xi32>
    %slice3A_598 = vector.extract_strided_slice %select_n3A_581 {offsets = [0, 0], sizes = [32, 2046], strides = [1, 1]} : vector<32x2048xi32> to vector<32x2046xi32>
    %concatenate3A_599 = tpu.concatenate %slice3A_597, %slice3A_598 in 1 : vector<32x2xi32>, vector<32x2046xi32> -> vector<32x2048xi32>
    %select_n3A_600 = arith.select %eq3A_587, %concatenate3A_590, %concatenate3A_593 : vector<32x2048xi1>, vector<32x2048xf32>
    %select_n3A_601 = arith.select %eq3A_587, %concatenate3A_596, %concatenate3A_599 : vector<32x2048xi1>, vector<32x2048xi32>
    %lt3A_602 = arith.cmpf olt, %select_n3A_580, %select_n3A_600 : vector<32x2048xf32>
    %eq3A_603 = arith.cmpf oeq, %select_n3A_580, %select_n3A_600 : vector<32x2048xf32>
    %lt3A_604 = arith.cmpi slt, %select_n3A_581, %select_n3A_601 : vector<32x2048xi32>
    %and3A_605 = arith.andi %eq3A_603, %lt3A_604 : vector<32x2048xi1>
    %or3A_606 = arith.ori %lt3A_602, %and3A_605 : vector<32x2048xi1>
    %xor3A_607 = arith.xori %or3A_606, %eq3A_587 : vector<32x2048xi1>
    %xor3A_608 = arith.xori %xor3A_607, %eq3A_465 : vector<32x2048xi1>
    %select_n3A_609 = arith.select %xor3A_608, %select_n3A_580, %select_n3A_600 : vector<32x2048xi1>, vector<32x2048xf32>
    %select_n3A_610 = arith.select %xor3A_608, %select_n3A_581, %select_n3A_601 : vector<32x2048xi1>, vector<32x2048xi32>
    %and3A_611 = arith.constant 1 : i32
    %and3A_612 = vector.broadcast %and3A_611 : i32 to vector<32x2048xi32>
    %and3A_613 = arith.andi %iota3A_2, %and3A_612 : vector<32x2048xi32>
    %eq3A_614 = arith.constant 0 : i32
    %eq3A_615 = vector.broadcast %eq3A_614 : i32 to vector<32x2048xi32>
    %eq3A_616 = arith.cmpi eq, %and3A_613, %eq3A_615 : vector<32x2048xi32>
    %slice3A_617 = vector.extract_strided_slice %select_n3A_609 {offsets = [0, 1], sizes = [32, 2047], strides = [1, 1]} : vector<32x2048xf32> to vector<32x2047xf32>
    %slice3A_618 = vector.extract_strided_slice %select_n3A_609 {offsets = [0, 0], sizes = [32, 1], strides = [1, 1]} : vector<32x2048xf32> to vector<32x1xf32>
    %concatenate3A_619 = tpu.concatenate %slice3A_617, %slice3A_618 in 1 : vector<32x2047xf32>, vector<32x1xf32> -> vector<32x2048xf32>
    %slice3A_620 = vector.extract_strided_slice %select_n3A_609 {offsets = [0, 2047], sizes = [32, 1], strides = [1, 1]} : vector<32x2048xf32> to vector<32x1xf32>
    %slice3A_621 = vector.extract_strided_slice %select_n3A_609 {offsets = [0, 0], sizes = [32, 2047], strides = [1, 1]} : vector<32x2048xf32> to vector<32x2047xf32>
    %concatenate3A_622 = tpu.concatenate %slice3A_620, %slice3A_621 in 1 : vector<32x1xf32>, vector<32x2047xf32> -> vector<32x2048xf32>
    %slice3A_623 = vector.extract_strided_slice %select_n3A_610 {offsets = [0, 1], sizes = [32, 2047], strides = [1, 1]} : vector<32x2048xi32> to vector<32x2047xi32>
    %slice3A_624 = vector.extract_strided_slice %select_n3A_610 {offsets = [0, 0], sizes = [32, 1], strides = [1, 1]} : vector<32x2048xi32> to vector<32x1xi32>
    %concatenate3A_625 = tpu.concatenate %slice3A_623, %slice3A_624 in 1 : vector<32x2047xi32>, vector<32x1xi32> -> vector<32x2048xi32>
    %slice3A_626 = vector.extract_strided_slice %select_n3A_610 {offsets = [0, 2047], sizes = [32, 1], strides = [1, 1]} : vector<32x2048xi32> to vector<32x1xi32>
    %slice3A_627 = vector.extract_strided_slice %select_n3A_610 {offsets = [0, 0], sizes = [32, 2047], strides = [1, 1]} : vector<32x2048xi32> to vector<32x2047xi32>
    %concatenate3A_628 = tpu.concatenate %slice3A_626, %slice3A_627 in 1 : vector<32x1xi32>, vector<32x2047xi32> -> vector<32x2048xi32>
    %select_n3A_629 = arith.select %eq3A_616, %concatenate3A_619, %concatenate3A_622 : vector<32x2048xi1>, vector<32x2048xf32>
    %select_n3A_630 = arith.select %eq3A_616, %concatenate3A_625, %concatenate3A_628 : vector<32x2048xi1>, vector<32x2048xi32>
    %lt3A_631 = arith.cmpf olt, %select_n3A_609, %select_n3A_629 : vector<32x2048xf32>
    %eq3A_632 = arith.cmpf oeq, %select_n3A_609, %select_n3A_629 : vector<32x2048xf32>
    %lt3A_633 = arith.cmpi slt, %select_n3A_610, %select_n3A_630 : vector<32x2048xi32>
    %and3A_634 = arith.andi %eq3A_632, %lt3A_633 : vector<32x2048xi1>
    %or3A_635 = arith.ori %lt3A_631, %and3A_634 : vector<32x2048xi1>
    %xor3A_636 = arith.xori %or3A_635, %eq3A_616 : vector<32x2048xi1>
    %xor3A_637 = arith.xori %xor3A_636, %eq3A_465 : vector<32x2048xi1>
    %select_n3A_638 = arith.select %xor3A_637, %select_n3A_609, %select_n3A_629 : vector<32x2048xi1>, vector<32x2048xf32>
    %select_n3A_639 = arith.select %xor3A_637, %select_n3A_610, %select_n3A_630 : vector<32x2048xi1>, vector<32x2048xi32>
    %and3A_640 = arith.constant 128 : i32
    %and3A_641 = vector.broadcast %and3A_640 : i32 to vector<32x2048xi32>
    %and3A_642 = arith.andi %iota3A_2, %and3A_641 : vector<32x2048xi32>
    %eq3A_643 = arith.constant 0 : i32
    %eq3A_644 = vector.broadcast %eq3A_643 : i32 to vector<32x2048xi32>
    %eq3A_645 = arith.cmpi eq, %and3A_642, %eq3A_644 : vector<32x2048xi32>
    %and3A_646 = arith.constant 64 : i32
    %and3A_647 = vector.broadcast %and3A_646 : i32 to vector<32x2048xi32>
    %and3A_648 = arith.andi %iota3A_2, %and3A_647 : vector<32x2048xi32>
    %eq3A_649 = arith.constant 0 : i32
    %eq3A_650 = vector.broadcast %eq3A_649 : i32 to vector<32x2048xi32>
    %eq3A_651 = arith.cmpi eq, %and3A_648, %eq3A_650 : vector<32x2048xi32>
    %slice3A_652 = vector.extract_strided_slice %select_n3A_638 {offsets = [0, 64], sizes = [32, 1984], strides = [1, 1]} : vector<32x2048xf32> to vector<32x1984xf32>
    %slice3A_653 = vector.extract_strided_slice %select_n3A_638 {offsets = [0, 0], sizes = [32, 64], strides = [1, 1]} : vector<32x2048xf32> to vector<32x64xf32>
    %concatenate3A_654 = tpu.concatenate %slice3A_652, %slice3A_653 in 1 : vector<32x1984xf32>, vector<32x64xf32> -> vector<32x2048xf32>
    %slice3A_655 = vector.extract_strided_slice %select_n3A_638 {offsets = [0, 1984], sizes = [32, 64], strides = [1, 1]} : vector<32x2048xf32> to vector<32x64xf32>
    %slice3A_656 = vector.extract_strided_slice %select_n3A_638 {offsets = [0, 0], sizes = [32, 1984], strides = [1, 1]} : vector<32x2048xf32> to vector<32x1984xf32>
    %concatenate3A_657 = tpu.concatenate %slice3A_655, %slice3A_656 in 1 : vector<32x64xf32>, vector<32x1984xf32> -> vector<32x2048xf32>
    %slice3A_658 = vector.extract_strided_slice %select_n3A_639 {offsets = [0, 64], sizes = [32, 1984], strides = [1, 1]} : vector<32x2048xi32> to vector<32x1984xi32>
    %slice3A_659 = vector.extract_strided_slice %select_n3A_639 {offsets = [0, 0], sizes = [32, 64], strides = [1, 1]} : vector<32x2048xi32> to vector<32x64xi32>
    %concatenate3A_660 = tpu.concatenate %slice3A_658, %slice3A_659 in 1 : vector<32x1984xi32>, vector<32x64xi32> -> vector<32x2048xi32>
    %slice3A_661 = vector.extract_strided_slice %select_n3A_639 {offsets = [0, 1984], sizes = [32, 64], strides = [1, 1]} : vector<32x2048xi32> to vector<32x64xi32>
    %slice3A_662 = vector.extract_strided_slice %select_n3A_639 {offsets = [0, 0], sizes = [32, 1984], strides = [1, 1]} : vector<32x2048xi32> to vector<32x1984xi32>
    %concatenate3A_663 = tpu.concatenate %slice3A_661, %slice3A_662 in 1 : vector<32x64xi32>, vector<32x1984xi32> -> vector<32x2048xi32>
    %select_n3A_664 = arith.select %eq3A_651, %concatenate3A_654, %concatenate3A_657 : vector<32x2048xi1>, vector<32x2048xf32>
    %select_n3A_665 = arith.select %eq3A_651, %concatenate3A_660, %concatenate3A_663 : vector<32x2048xi1>, vector<32x2048xi32>
    %lt3A_666 = arith.cmpf olt, %select_n3A_638, %select_n3A_664 : vector<32x2048xf32>
    %eq3A_667 = arith.cmpf oeq, %select_n3A_638, %select_n3A_664 : vector<32x2048xf32>
    %lt3A_668 = arith.cmpi slt, %select_n3A_639, %select_n3A_665 : vector<32x2048xi32>
    %and3A_669 = arith.andi %eq3A_667, %lt3A_668 : vector<32x2048xi1>
    %or3A_670 = arith.ori %lt3A_666, %and3A_669 : vector<32x2048xi1>
    %xor3A_671 = arith.xori %or3A_670, %eq3A_651 : vector<32x2048xi1>
    %xor3A_672 = arith.xori %xor3A_671, %eq3A_645 : vector<32x2048xi1>
    %select_n3A_673 = arith.select %xor3A_672, %select_n3A_638, %select_n3A_664 : vector<32x2048xi1>, vector<32x2048xf32>
    %select_n3A_674 = arith.select %xor3A_672, %select_n3A_639, %select_n3A_665 : vector<32x2048xi1>, vector<32x2048xi32>
    %and3A_675 = arith.constant 32 : i32
    %and3A_676 = vector.broadcast %and3A_675 : i32 to vector<32x2048xi32>
    %and3A_677 = arith.andi %iota3A_2, %and3A_676 : vector<32x2048xi32>
    %eq3A_678 = arith.constant 0 : i32
    %eq3A_679 = vector.broadcast %eq3A_678 : i32 to vector<32x2048xi32>
    %eq3A_680 = arith.cmpi eq, %and3A_677, %eq3A_679 : vector<32x2048xi32>
    %slice3A_681 = vector.extract_strided_slice %select_n3A_673 {offsets = [0, 32], sizes = [32, 2016], strides = [1, 1]} : vector<32x2048xf32> to vector<32x2016xf32>
    %slice3A_682 = vector.extract_strided_slice %select_n3A_673 {offsets = [0, 0], sizes = [32, 32], strides = [1, 1]} : vector<32x2048xf32> to vector<32x32xf32>
    %concatenate3A_683 = tpu.concatenate %slice3A_681, %slice3A_682 in 1 : vector<32x2016xf32>, vector<32x32xf32> -> vector<32x2048xf32>
    %slice3A_684 = vector.extract_strided_slice %select_n3A_673 {offsets = [0, 2016], sizes = [32, 32], strides = [1, 1]} : vector<32x2048xf32> to vector<32x32xf32>
    %slice3A_685 = vector.extract_strided_slice %select_n3A_673 {offsets = [0, 0], sizes = [32, 2016], strides = [1, 1]} : vector<32x2048xf32> to vector<32x2016xf32>
    %concatenate3A_686 = tpu.concatenate %slice3A_684, %slice3A_685 in 1 : vector<32x32xf32>, vector<32x2016xf32> -> vector<32x2048xf32>
    %slice3A_687 = vector.extract_strided_slice %select_n3A_674 {offsets = [0, 32], sizes = [32, 2016], strides = [1, 1]} : vector<32x2048xi32> to vector<32x2016xi32>
    %slice3A_688 = vector.extract_strided_slice %select_n3A_674 {offsets = [0, 0], sizes = [32, 32], strides = [1, 1]} : vector<32x2048xi32> to vector<32x32xi32>
    %concatenate3A_689 = tpu.concatenate %slice3A_687, %slice3A_688 in 1 : vector<32x2016xi32>, vector<32x32xi32> -> vector<32x2048xi32>
    %slice3A_690 = vector.extract_strided_slice %select_n3A_674 {offsets = [0, 2016], sizes = [32, 32], strides = [1, 1]} : vector<32x2048xi32> to vector<32x32xi32>
    %slice3A_691 = vector.extract_strided_slice %select_n3A_674 {offsets = [0, 0], sizes = [32, 2016], strides = [1, 1]} : vector<32x2048xi32> to vector<32x2016xi32>
    %concatenate3A_692 = tpu.concatenate %slice3A_690, %slice3A_691 in 1 : vector<32x32xi32>, vector<32x2016xi32> -> vector<32x2048xi32>
    %select_n3A_693 = arith.select %eq3A_680, %concatenate3A_683, %concatenate3A_686 : vector<32x2048xi1>, vector<32x2048xf32>
    %select_n3A_694 = arith.select %eq3A_680, %concatenate3A_689, %concatenate3A_692 : vector<32x2048xi1>, vector<32x2048xi32>
    %lt3A_695 = arith.cmpf olt, %select_n3A_673, %select_n3A_693 : vector<32x2048xf32>
    %eq3A_696 = arith.cmpf oeq, %select_n3A_673, %select_n3A_693 : vector<32x2048xf32>
    %lt3A_697 = arith.cmpi slt, %select_n3A_674, %select_n3A_694 : vector<32x2048xi32>
    %and3A_698 = arith.andi %eq3A_696, %lt3A_697 : vector<32x2048xi1>
    %or3A_699 = arith.ori %lt3A_695, %and3A_698 : vector<32x2048xi1>
    %xor3A_700 = arith.xori %or3A_699, %eq3A_680 : vector<32x2048xi1>
    %xor3A_701 = arith.xori %xor3A_700, %eq3A_645 : vector<32x2048xi1>
    %select_n3A_702 = arith.select %xor3A_701, %select_n3A_673, %select_n3A_693 : vector<32x2048xi1>, vector<32x2048xf32>
    %select_n3A_703 = arith.select %xor3A_701, %select_n3A_674, %select_n3A_694 : vector<32x2048xi1>, vector<32x2048xi32>
    %and3A_704 = arith.constant 16 : i32
    %and3A_705 = vector.broadcast %and3A_704 : i32 to vector<32x2048xi32>
    %and3A_706 = arith.andi %iota3A_2, %and3A_705 : vector<32x2048xi32>
    %eq3A_707 = arith.constant 0 : i32
    %eq3A_708 = vector.broadcast %eq3A_707 : i32 to vector<32x2048xi32>
    %eq3A_709 = arith.cmpi eq, %and3A_706, %eq3A_708 : vector<32x2048xi32>
    %slice3A_710 = vector.extract_strided_slice %select_n3A_702 {offsets = [0, 16], sizes = [32, 2032], strides = [1, 1]} : vector<32x2048xf32> to vector<32x2032xf32>
    %slice3A_711 = vector.extract_strided_slice %select_n3A_702 {offsets = [0, 0], sizes = [32, 16], strides = [1, 1]} : vector<32x2048xf32> to vector<32x16xf32>
    %concatenate3A_712 = tpu.concatenate %slice3A_710, %slice3A_711 in 1 : vector<32x2032xf32>, vector<32x16xf32> -> vector<32x2048xf32>
    %slice3A_713 = vector.extract_strided_slice %select_n3A_702 {offsets = [0, 2032], sizes = [32, 16], strides = [1, 1]} : vector<32x2048xf32> to vector<32x16xf32>
    %slice3A_714 = vector.extract_strided_slice %select_n3A_702 {offsets = [0, 0], sizes = [32, 2032], strides = [1, 1]} : vector<32x2048xf32> to vector<32x2032xf32>
    %concatenate3A_715 = tpu.concatenate %slice3A_713, %slice3A_714 in 1 : vector<32x16xf32>, vector<32x2032xf32> -> vector<32x2048xf32>
    %slice3A_716 = vector.extract_strided_slice %select_n3A_703 {offsets = [0, 16], sizes = [32, 2032], strides = [1, 1]} : vector<32x2048xi32> to vector<32x2032xi32>
    %slice3A_717 = vector.extract_strided_slice %select_n3A_703 {offsets = [0, 0], sizes = [32, 16], strides = [1, 1]} : vector<32x2048xi32> to vector<32x16xi32>
    %concatenate3A_718 = tpu.concatenate %slice3A_716, %slice3A_717 in 1 : vector<32x2032xi32>, vector<32x16xi32> -> vector<32x2048xi32>
    %slice3A_719 = vector.extract_strided_slice %select_n3A_703 {offsets = [0, 2032], sizes = [32, 16], strides = [1, 1]} : vector<32x2048xi32> to vector<32x16xi32>
    %slice3A_720 = vector.extract_strided_slice %select_n3A_703 {offsets = [0, 0], sizes = [32, 2032], strides = [1, 1]} : vector<32x2048xi32> to vector<32x2032xi32>
    %concatenate3A_721 = tpu.concatenate %slice3A_719, %slice3A_720 in 1 : vector<32x16xi32>, vector<32x2032xi32> -> vector<32x2048xi32>
    %select_n3A_722 = arith.select %eq3A_709, %concatenate3A_712, %concatenate3A_715 : vector<32x2048xi1>, vector<32x2048xf32>
    %select_n3A_723 = arith.select %eq3A_709, %concatenate3A_718, %concatenate3A_721 : vector<32x2048xi1>, vector<32x2048xi32>
    %lt3A_724 = arith.cmpf olt, %select_n3A_702, %select_n3A_722 : vector<32x2048xf32>
    %eq3A_725 = arith.cmpf oeq, %select_n3A_702, %select_n3A_722 : vector<32x2048xf32>
    %lt3A_726 = arith.cmpi slt, %select_n3A_703, %select_n3A_723 : vector<32x2048xi32>
    %and3A_727 = arith.andi %eq3A_725, %lt3A_726 : vector<32x2048xi1>
    %or3A_728 = arith.ori %lt3A_724, %and3A_727 : vector<32x2048xi1>
    %xor3A_729 = arith.xori %or3A_728, %eq3A_709 : vector<32x2048xi1>
    %xor3A_730 = arith.xori %xor3A_729, %eq3A_645 : vector<32x2048xi1>
    %select_n3A_731 = arith.select %xor3A_730, %select_n3A_702, %select_n3A_722 : vector<32x2048xi1>, vector<32x2048xf32>
    %select_n3A_732 = arith.select %xor3A_730, %select_n3A_703, %select_n3A_723 : vector<32x2048xi1>, vector<32x2048xi32>
    %and3A_733 = arith.constant 8 : i32
    %and3A_734 = vector.broadcast %and3A_733 : i32 to vector<32x2048xi32>
    %and3A_735 = arith.andi %iota3A_2, %and3A_734 : vector<32x2048xi32>
    %eq3A_736 = arith.constant 0 : i32
    %eq3A_737 = vector.broadcast %eq3A_736 : i32 to vector<32x2048xi32>
    %eq3A_738 = arith.cmpi eq, %and3A_735, %eq3A_737 : vector<32x2048xi32>
    %slice3A_739 = vector.extract_strided_slice %select_n3A_731 {offsets = [0, 8], sizes = [32, 2040], strides = [1, 1]} : vector<32x2048xf32> to vector<32x2040xf32>
    %slice3A_740 = vector.extract_strided_slice %select_n3A_731 {offsets = [0, 0], sizes = [32, 8], strides = [1, 1]} : vector<32x2048xf32> to vector<32x8xf32>
    %concatenate3A_741 = tpu.concatenate %slice3A_739, %slice3A_740 in 1 : vector<32x2040xf32>, vector<32x8xf32> -> vector<32x2048xf32>
    %slice3A_742 = vector.extract_strided_slice %select_n3A_731 {offsets = [0, 2040], sizes = [32, 8], strides = [1, 1]} : vector<32x2048xf32> to vector<32x8xf32>
    %slice3A_743 = vector.extract_strided_slice %select_n3A_731 {offsets = [0, 0], sizes = [32, 2040], strides = [1, 1]} : vector<32x2048xf32> to vector<32x2040xf32>
    %concatenate3A_744 = tpu.concatenate %slice3A_742, %slice3A_743 in 1 : vector<32x8xf32>, vector<32x2040xf32> -> vector<32x2048xf32>
    %slice3A_745 = vector.extract_strided_slice %select_n3A_732 {offsets = [0, 8], sizes = [32, 2040], strides = [1, 1]} : vector<32x2048xi32> to vector<32x2040xi32>
    %slice3A_746 = vector.extract_strided_slice %select_n3A_732 {offsets = [0, 0], sizes = [32, 8], strides = [1, 1]} : vector<32x2048xi32> to vector<32x8xi32>
    %concatenate3A_747 = tpu.concatenate %slice3A_745, %slice3A_746 in 1 : vector<32x2040xi32>, vector<32x8xi32> -> vector<32x2048xi32>
    %slice3A_748 = vector.extract_strided_slice %select_n3A_732 {offsets = [0, 2040], sizes = [32, 8], strides = [1, 1]} : vector<32x2048xi32> to vector<32x8xi32>
    %slice3A_749 = vector.extract_strided_slice %select_n3A_732 {offsets = [0, 0], sizes = [32, 2040], strides = [1, 1]} : vector<32x2048xi32> to vector<32x2040xi32>
    %concatenate3A_750 = tpu.concatenate %slice3A_748, %slice3A_749 in 1 : vector<32x8xi32>, vector<32x2040xi32> -> vector<32x2048xi32>
    %select_n3A_751 = arith.select %eq3A_738, %concatenate3A_741, %concatenate3A_744 : vector<32x2048xi1>, vector<32x2048xf32>
    %select_n3A_752 = arith.select %eq3A_738, %concatenate3A_747, %concatenate3A_750 : vector<32x2048xi1>, vector<32x2048xi32>
    %lt3A_753 = arith.cmpf olt, %select_n3A_731, %select_n3A_751 : vector<32x2048xf32>
    %eq3A_754 = arith.cmpf oeq, %select_n3A_731, %select_n3A_751 : vector<32x2048xf32>
    %lt3A_755 = arith.cmpi slt, %select_n3A_732, %select_n3A_752 : vector<32x2048xi32>
    %and3A_756 = arith.andi %eq3A_754, %lt3A_755 : vector<32x2048xi1>
    %or3A_757 = arith.ori %lt3A_753, %and3A_756 : vector<32x2048xi1>
    %xor3A_758 = arith.xori %or3A_757, %eq3A_738 : vector<32x2048xi1>
    %xor3A_759 = arith.xori %xor3A_758, %eq3A_645 : vector<32x2048xi1>
    %select_n3A_760 = arith.select %xor3A_759, %select_n3A_731, %select_n3A_751 : vector<32x2048xi1>, vector<32x2048xf32>
    %select_n3A_761 = arith.select %xor3A_759, %select_n3A_732, %select_n3A_752 : vector<32x2048xi1>, vector<32x2048xi32>
    %and3A_762 = arith.constant 4 : i32
    %and3A_763 = vector.broadcast %and3A_762 : i32 to vector<32x2048xi32>
    %and3A_764 = arith.andi %iota3A_2, %and3A_763 : vector<32x2048xi32>
    %eq3A_765 = arith.constant 0 : i32
    %eq3A_766 = vector.broadcast %eq3A_765 : i32 to vector<32x2048xi32>
    %eq3A_767 = arith.cmpi eq, %and3A_764, %eq3A_766 : vector<32x2048xi32>
    %slice3A_768 = vector.extract_strided_slice %select_n3A_760 {offsets = [0, 4], sizes = [32, 2044], strides = [1, 1]} : vector<32x2048xf32> to vector<32x2044xf32>
    %slice3A_769 = vector.extract_strided_slice %select_n3A_760 {offsets = [0, 0], sizes = [32, 4], strides = [1, 1]} : vector<32x2048xf32> to vector<32x4xf32>
    %concatenate3A_770 = tpu.concatenate %slice3A_768, %slice3A_769 in 1 : vector<32x2044xf32>, vector<32x4xf32> -> vector<32x2048xf32>
    %slice3A_771 = vector.extract_strided_slice %select_n3A_760 {offsets = [0, 2044], sizes = [32, 4], strides = [1, 1]} : vector<32x2048xf32> to vector<32x4xf32>
    %slice3A_772 = vector.extract_strided_slice %select_n3A_760 {offsets = [0, 0], sizes = [32, 2044], strides = [1, 1]} : vector<32x2048xf32> to vector<32x2044xf32>
    %concatenate3A_773 = tpu.concatenate %slice3A_771, %slice3A_772 in 1 : vector<32x4xf32>, vector<32x2044xf32> -> vector<32x2048xf32>
    %slice3A_774 = vector.extract_strided_slice %select_n3A_761 {offsets = [0, 4], sizes = [32, 2044], strides = [1, 1]} : vector<32x2048xi32> to vector<32x2044xi32>
    %slice3A_775 = vector.extract_strided_slice %select_n3A_761 {offsets = [0, 0], sizes = [32, 4], strides = [1, 1]} : vector<32x2048xi32> to vector<32x4xi32>
    %concatenate3A_776 = tpu.concatenate %slice3A_774, %slice3A_775 in 1 : vector<32x2044xi32>, vector<32x4xi32> -> vector<32x2048xi32>
    %slice3A_777 = vector.extract_strided_slice %select_n3A_761 {offsets = [0, 2044], sizes = [32, 4], strides = [1, 1]} : vector<32x2048xi32> to vector<32x4xi32>
    %slice3A_778 = vector.extract_strided_slice %select_n3A_761 {offsets = [0, 0], sizes = [32, 2044], strides = [1, 1]} : vector<32x2048xi32> to vector<32x2044xi32>
    %concatenate3A_779 = tpu.concatenate %slice3A_777, %slice3A_778 in 1 : vector<32x4xi32>, vector<32x2044xi32> -> vector<32x2048xi32>
    %select_n3A_780 = arith.select %eq3A_767, %concatenate3A_770, %concatenate3A_773 : vector<32x2048xi1>, vector<32x2048xf32>
    %select_n3A_781 = arith.select %eq3A_767, %concatenate3A_776, %concatenate3A_779 : vector<32x2048xi1>, vector<32x2048xi32>
    %lt3A_782 = arith.cmpf olt, %select_n3A_760, %select_n3A_780 : vector<32x2048xf32>
    %eq3A_783 = arith.cmpf oeq, %select_n3A_760, %select_n3A_780 : vector<32x2048xf32>
    %lt3A_784 = arith.cmpi slt, %select_n3A_761, %select_n3A_781 : vector<32x2048xi32>
    %and3A_785 = arith.andi %eq3A_783, %lt3A_784 : vector<32x2048xi1>
    %or3A_786 = arith.ori %lt3A_782, %and3A_785 : vector<32x2048xi1>
    %xor3A_787 = arith.xori %or3A_786, %eq3A_767 : vector<32x2048xi1>
    %xor3A_788 = arith.xori %xor3A_787, %eq3A_645 : vector<32x2048xi1>
    %select_n3A_789 = arith.select %xor3A_788, %select_n3A_760, %select_n3A_780 : vector<32x2048xi1>, vector<32x2048xf32>
    %select_n3A_790 = arith.select %xor3A_788, %select_n3A_761, %select_n3A_781 : vector<32x2048xi1>, vector<32x2048xi32>
    %and3A_791 = arith.constant 2 : i32
    %and3A_792 = vector.broadcast %and3A_791 : i32 to vector<32x2048xi32>
    %and3A_793 = arith.andi %iota3A_2, %and3A_792 : vector<32x2048xi32>
    %eq3A_794 = arith.constant 0 : i32
    %eq3A_795 = vector.broadcast %eq3A_794 : i32 to vector<32x2048xi32>
    %eq3A_796 = arith.cmpi eq, %and3A_793, %eq3A_795 : vector<32x2048xi32>
    %slice3A_797 = vector.extract_strided_slice %select_n3A_789 {offsets = [0, 2], sizes = [32, 2046], strides = [1, 1]} : vector<32x2048xf32> to vector<32x2046xf32>
    %slice3A_798 = vector.extract_strided_slice %select_n3A_789 {offsets = [0, 0], sizes = [32, 2], strides = [1, 1]} : vector<32x2048xf32> to vector<32x2xf32>
    %concatenate3A_799 = tpu.concatenate %slice3A_797, %slice3A_798 in 1 : vector<32x2046xf32>, vector<32x2xf32> -> vector<32x2048xf32>
    %slice3A_800 = vector.extract_strided_slice %select_n3A_789 {offsets = [0, 2046], sizes = [32, 2], strides = [1, 1]} : vector<32x2048xf32> to vector<32x2xf32>
    %slice3A_801 = vector.extract_strided_slice %select_n3A_789 {offsets = [0, 0], sizes = [32, 2046], strides = [1, 1]} : vector<32x2048xf32> to vector<32x2046xf32>
    %concatenate3A_802 = tpu.concatenate %slice3A_800, %slice3A_801 in 1 : vector<32x2xf32>, vector<32x2046xf32> -> vector<32x2048xf32>
    %slice3A_803 = vector.extract_strided_slice %select_n3A_790 {offsets = [0, 2], sizes = [32, 2046], strides = [1, 1]} : vector<32x2048xi32> to vector<32x2046xi32>
    %slice3A_804 = vector.extract_strided_slice %select_n3A_790 {offsets = [0, 0], sizes = [32, 2], strides = [1, 1]} : vector<32x2048xi32> to vector<32x2xi32>
    %concatenate3A_805 = tpu.concatenate %slice3A_803, %slice3A_804 in 1 : vector<32x2046xi32>, vector<32x2xi32> -> vector<32x2048xi32>
    %slice3A_806 = vector.extract_strided_slice %select_n3A_790 {offsets = [0, 2046], sizes = [32, 2], strides = [1, 1]} : vector<32x2048xi32> to vector<32x2xi32>
    %slice3A_807 = vector.extract_strided_slice %select_n3A_790 {offsets = [0, 0], sizes = [32, 2046], strides = [1, 1]} : vector<32x2048xi32> to vector<32x2046xi32>
    %concatenate3A_808 = tpu.concatenate %slice3A_806, %slice3A_807 in 1 : vector<32x2xi32>, vector<32x2046xi32> -> vector<32x2048xi32>
    %select_n3A_809 = arith.select %eq3A_796, %concatenate3A_799, %concatenate3A_802 : vector<32x2048xi1>, vector<32x2048xf32>
    %select_n3A_810 = arith.select %eq3A_796, %concatenate3A_805, %concatenate3A_808 : vector<32x2048xi1>, vector<32x2048xi32>
    %lt3A_811 = arith.cmpf olt, %select_n3A_789, %select_n3A_809 : vector<32x2048xf32>
    %eq3A_812 = arith.cmpf oeq, %select_n3A_789, %select_n3A_809 : vector<32x2048xf32>
    %lt3A_813 = arith.cmpi slt, %select_n3A_790, %select_n3A_810 : vector<32x2048xi32>
    %and3A_814 = arith.andi %eq3A_812, %lt3A_813 : vector<32x2048xi1>
    %or3A_815 = arith.ori %lt3A_811, %and3A_814 : vector<32x2048xi1>
    %xor3A_816 = arith.xori %or3A_815, %eq3A_796 : vector<32x2048xi1>
    %xor3A_817 = arith.xori %xor3A_816, %eq3A_645 : vector<32x2048xi1>
    %select_n3A_818 = arith.select %xor3A_817, %select_n3A_789, %select_n3A_809 : vector<32x2048xi1>, vector<32x2048xf32>
    %select_n3A_819 = arith.select %xor3A_817, %select_n3A_790, %select_n3A_810 : vector<32x2048xi1>, vector<32x2048xi32>
    %and3A_820 = arith.constant 1 : i32
    %and3A_821 = vector.broadcast %and3A_820 : i32 to vector<32x2048xi32>
    %and3A_822 = arith.andi %iota3A_2, %and3A_821 : vector<32x2048xi32>
    %eq3A_823 = arith.constant 0 : i32
    %eq3A_824 = vector.broadcast %eq3A_823 : i32 to vector<32x2048xi32>
    %eq3A_825 = arith.cmpi eq, %and3A_822, %eq3A_824 : vector<32x2048xi32>
    %slice3A_826 = vector.extract_strided_slice %select_n3A_818 {offsets = [0, 1], sizes = [32, 2047], strides = [1, 1]} : vector<32x2048xf32> to vector<32x2047xf32>
    %slice3A_827 = vector.extract_strided_slice %select_n3A_818 {offsets = [0, 0], sizes = [32, 1], strides = [1, 1]} : vector<32x2048xf32> to vector<32x1xf32>
    %concatenate3A_828 = tpu.concatenate %slice3A_826, %slice3A_827 in 1 : vector<32x2047xf32>, vector<32x1xf32> -> vector<32x2048xf32>
    %slice3A_829 = vector.extract_strided_slice %select_n3A_818 {offsets = [0, 2047], sizes = [32, 1], strides = [1, 1]} : vector<32x2048xf32> to vector<32x1xf32>
    %slice3A_830 = vector.extract_strided_slice %select_n3A_818 {offsets = [0, 0], sizes = [32, 2047], strides = [1, 1]} : vector<32x2048xf32> to vector<32x2047xf32>
    %concatenate3A_831 = tpu.concatenate %slice3A_829, %slice3A_830 in 1 : vector<32x1xf32>, vector<32x2047xf32> -> vector<32x2048xf32>
    %slice3A_832 = vector.extract_strided_slice %select_n3A_819 {offsets = [0, 1], sizes = [32, 2047], strides = [1, 1]} : vector<32x2048xi32> to vector<32x2047xi32>
    %slice3A_833 = vector.extract_strided_slice %select_n3A_819 {offsets = [0, 0], sizes = [32, 1], strides = [1, 1]} : vector<32x2048xi32> to vector<32x1xi32>
    %concatenate3A_834 = tpu.concatenate %slice3A_832, %slice3A_833 in 1 : vector<32x2047xi32>, vector<32x1xi32> -> vector<32x2048xi32>
    %slice3A_835 = vector.extract_strided_slice %select_n3A_819 {offsets = [0, 2047], sizes = [32, 1], strides = [1, 1]} : vector<32x2048xi32> to vector<32x1xi32>
    %slice3A_836 = vector.extract_strided_slice %select_n3A_819 {offsets = [0, 0], sizes = [32, 2047], strides = [1, 1]} : vector<32x2048xi32> to vector<32x2047xi32>
    %concatenate3A_837 = tpu.concatenate %slice3A_835, %slice3A_836 in 1 : vector<32x1xi32>, vector<32x2047xi32> -> vector<32x2048xi32>
    %select_n3A_838 = arith.select %eq3A_825, %concatenate3A_828, %concatenate3A_831 : vector<32x2048xi1>, vector<32x2048xf32>
    %select_n3A_839 = arith.select %eq3A_825, %concatenate3A_834, %concatenate3A_837 : vector<32x2048xi1>, vector<32x2048xi32>
    %lt3A_840 = arith.cmpf olt, %select_n3A_818, %select_n3A_838 : vector<32x2048xf32>
    %eq3A_841 = arith.cmpf oeq, %select_n3A_818, %select_n3A_838 : vector<32x2048xf32>
    %lt3A_842 = arith.cmpi slt, %select_n3A_819, %select_n3A_839 : vector<32x2048xi32>
    %and3A_843 = arith.andi %eq3A_841, %lt3A_842 : vector<32x2048xi1>
    %or3A_844 = arith.ori %lt3A_840, %and3A_843 : vector<32x2048xi1>
    %xor3A_845 = arith.xori %or3A_844, %eq3A_825 : vector<32x2048xi1>
    %xor3A_846 = arith.xori %xor3A_845, %eq3A_645 : vector<32x2048xi1>
    %select_n3A_847 = arith.select %xor3A_846, %select_n3A_818, %select_n3A_838 : vector<32x2048xi1>, vector<32x2048xf32>
    %select_n3A_848 = arith.select %xor3A_846, %select_n3A_819, %select_n3A_839 : vector<32x2048xi1>, vector<32x2048xi32>
    %and3A_849 = arith.constant 256 : i32
    %and3A_850 = vector.broadcast %and3A_849 : i32 to vector<32x2048xi32>
    %and3A_851 = arith.andi %iota3A_2, %and3A_850 : vector<32x2048xi32>
    %eq3A_852 = arith.constant 0 : i32
    %eq3A_853 = vector.broadcast %eq3A_852 : i32 to vector<32x2048xi32>
    %eq3A_854 = arith.cmpi eq, %and3A_851, %eq3A_853 : vector<32x2048xi32>
    %and3A_855 = arith.constant 128 : i32
    %and3A_856 = vector.broadcast %and3A_855 : i32 to vector<32x2048xi32>
    %and3A_857 = arith.andi %iota3A_2, %and3A_856 : vector<32x2048xi32>
    %eq3A_858 = arith.constant 0 : i32
    %eq3A_859 = vector.broadcast %eq3A_858 : i32 to vector<32x2048xi32>
    %eq3A_860 = arith.cmpi eq, %and3A_857, %eq3A_859 : vector<32x2048xi32>
    %slice3A_861 = vector.extract_strided_slice %select_n3A_847 {offsets = [0, 128], sizes = [32, 1920], strides = [1, 1]} : vector<32x2048xf32> to vector<32x1920xf32>
    %slice3A_862 = vector.extract_strided_slice %select_n3A_847 {offsets = [0, 0], sizes = [32, 128], strides = [1, 1]} : vector<32x2048xf32> to vector<32x128xf32>
    %concatenate3A_863 = tpu.concatenate %slice3A_861, %slice3A_862 in 1 : vector<32x1920xf32>, vector<32x128xf32> -> vector<32x2048xf32>
    %slice3A_864 = vector.extract_strided_slice %select_n3A_847 {offsets = [0, 1920], sizes = [32, 128], strides = [1, 1]} : vector<32x2048xf32> to vector<32x128xf32>
    %slice3A_865 = vector.extract_strided_slice %select_n3A_847 {offsets = [0, 0], sizes = [32, 1920], strides = [1, 1]} : vector<32x2048xf32> to vector<32x1920xf32>
    %concatenate3A_866 = tpu.concatenate %slice3A_864, %slice3A_865 in 1 : vector<32x128xf32>, vector<32x1920xf32> -> vector<32x2048xf32>
    %slice3A_867 = vector.extract_strided_slice %select_n3A_848 {offsets = [0, 128], sizes = [32, 1920], strides = [1, 1]} : vector<32x2048xi32> to vector<32x1920xi32>
    %slice3A_868 = vector.extract_strided_slice %select_n3A_848 {offsets = [0, 0], sizes = [32, 128], strides = [1, 1]} : vector<32x2048xi32> to vector<32x128xi32>
    %concatenate3A_869 = tpu.concatenate %slice3A_867, %slice3A_868 in 1 : vector<32x1920xi32>, vector<32x128xi32> -> vector<32x2048xi32>
    %slice3A_870 = vector.extract_strided_slice %select_n3A_848 {offsets = [0, 1920], sizes = [32, 128], strides = [1, 1]} : vector<32x2048xi32> to vector<32x128xi32>
    %slice3A_871 = vector.extract_strided_slice %select_n3A_848 {offsets = [0, 0], sizes = [32, 1920], strides = [1, 1]} : vector<32x2048xi32> to vector<32x1920xi32>
    %concatenate3A_872 = tpu.concatenate %slice3A_870, %slice3A_871 in 1 : vector<32x128xi32>, vector<32x1920xi32> -> vector<32x2048xi32>
    %select_n3A_873 = arith.select %eq3A_860, %concatenate3A_863, %concatenate3A_866 : vector<32x2048xi1>, vector<32x2048xf32>
    %select_n3A_874 = arith.select %eq3A_860, %concatenate3A_869, %concatenate3A_872 : vector<32x2048xi1>, vector<32x2048xi32>
    %lt3A_875 = arith.cmpf olt, %select_n3A_847, %select_n3A_873 : vector<32x2048xf32>
    %eq3A_876 = arith.cmpf oeq, %select_n3A_847, %select_n3A_873 : vector<32x2048xf32>
    %lt3A_877 = arith.cmpi slt, %select_n3A_848, %select_n3A_874 : vector<32x2048xi32>
    %and3A_878 = arith.andi %eq3A_876, %lt3A_877 : vector<32x2048xi1>
    %or3A_879 = arith.ori %lt3A_875, %and3A_878 : vector<32x2048xi1>
    %xor3A_880 = arith.xori %or3A_879, %eq3A_860 : vector<32x2048xi1>
    %xor3A_881 = arith.xori %xor3A_880, %eq3A_854 : vector<32x2048xi1>
    %select_n3A_882 = arith.select %xor3A_881, %select_n3A_847, %select_n3A_873 : vector<32x2048xi1>, vector<32x2048xf32>
    %select_n3A_883 = arith.select %xor3A_881, %select_n3A_848, %select_n3A_874 : vector<32x2048xi1>, vector<32x2048xi32>
    %and3A_884 = arith.constant 64 : i32
    %and3A_885 = vector.broadcast %and3A_884 : i32 to vector<32x2048xi32>
    %and3A_886 = arith.andi %iota3A_2, %and3A_885 : vector<32x2048xi32>
    %eq3A_887 = arith.constant 0 : i32
    %eq3A_888 = vector.broadcast %eq3A_887 : i32 to vector<32x2048xi32>
    %eq3A_889 = arith.cmpi eq, %and3A_886, %eq3A_888 : vector<32x2048xi32>
    %slice3A_890 = vector.extract_strided_slice %select_n3A_882 {offsets = [0, 64], sizes = [32, 1984], strides = [1, 1]} : vector<32x2048xf32> to vector<32x1984xf32>
    %slice3A_891 = vector.extract_strided_slice %select_n3A_882 {offsets = [0, 0], sizes = [32, 64], strides = [1, 1]} : vector<32x2048xf32> to vector<32x64xf32>
    %concatenate3A_892 = tpu.concatenate %slice3A_890, %slice3A_891 in 1 : vector<32x1984xf32>, vector<32x64xf32> -> vector<32x2048xf32>
    %slice3A_893 = vector.extract_strided_slice %select_n3A_882 {offsets = [0, 1984], sizes = [32, 64], strides = [1, 1]} : vector<32x2048xf32> to vector<32x64xf32>
    %slice3A_894 = vector.extract_strided_slice %select_n3A_882 {offsets = [0, 0], sizes = [32, 1984], strides = [1, 1]} : vector<32x2048xf32> to vector<32x1984xf32>
    %concatenate3A_895 = tpu.concatenate %slice3A_893, %slice3A_894 in 1 : vector<32x64xf32>, vector<32x1984xf32> -> vector<32x2048xf32>
    %slice3A_896 = vector.extract_strided_slice %select_n3A_883 {offsets = [0, 64], sizes = [32, 1984], strides = [1, 1]} : vector<32x2048xi32> to vector<32x1984xi32>
    %slice3A_897 = vector.extract_strided_slice %select_n3A_883 {offsets = [0, 0], sizes = [32, 64], strides = [1, 1]} : vector<32x2048xi32> to vector<32x64xi32>
    %concatenate3A_898 = tpu.concatenate %slice3A_896, %slice3A_897 in 1 : vector<32x1984xi32>, vector<32x64xi32> -> vector<32x2048xi32>
    %slice3A_899 = vector.extract_strided_slice %select_n3A_883 {offsets = [0, 1984], sizes = [32, 64], strides = [1, 1]} : vector<32x2048xi32> to vector<32x64xi32>
    %slice3A_900 = vector.extract_strided_slice %select_n3A_883 {offsets = [0, 0], sizes = [32, 1984], strides = [1, 1]} : vector<32x2048xi32> to vector<32x1984xi32>
    %concatenate3A_901 = tpu.concatenate %slice3A_899, %slice3A_900 in 1 : vector<32x64xi32>, vector<32x1984xi32> -> vector<32x2048xi32>
    %select_n3A_902 = arith.select %eq3A_889, %concatenate3A_892, %concatenate3A_895 : vector<32x2048xi1>, vector<32x2048xf32>
    %select_n3A_903 = arith.select %eq3A_889, %concatenate3A_898, %concatenate3A_901 : vector<32x2048xi1>, vector<32x2048xi32>
    %lt3A_904 = arith.cmpf olt, %select_n3A_882, %select_n3A_902 : vector<32x2048xf32>
    %eq3A_905 = arith.cmpf oeq, %select_n3A_882, %select_n3A_902 : vector<32x2048xf32>
    %lt3A_906 = arith.cmpi slt, %select_n3A_883, %select_n3A_903 : vector<32x2048xi32>
    %and3A_907 = arith.andi %eq3A_905, %lt3A_906 : vector<32x2048xi1>
    %or3A_908 = arith.ori %lt3A_904, %and3A_907 : vector<32x2048xi1>
    %xor3A_909 = arith.xori %or3A_908, %eq3A_889 : vector<32x2048xi1>
    %xor3A_910 = arith.xori %xor3A_909, %eq3A_854 : vector<32x2048xi1>
    %select_n3A_911 = arith.select %xor3A_910, %select_n3A_882, %select_n3A_902 : vector<32x2048xi1>, vector<32x2048xf32>
    %select_n3A_912 = arith.select %xor3A_910, %select_n3A_883, %select_n3A_903 : vector<32x2048xi1>, vector<32x2048xi32>
    %and3A_913 = arith.constant 32 : i32
    %and3A_914 = vector.broadcast %and3A_913 : i32 to vector<32x2048xi32>
    %and3A_915 = arith.andi %iota3A_2, %and3A_914 : vector<32x2048xi32>
    %eq3A_916 = arith.constant 0 : i32
    %eq3A_917 = vector.broadcast %eq3A_916 : i32 to vector<32x2048xi32>
    %eq3A_918 = arith.cmpi eq, %and3A_915, %eq3A_917 : vector<32x2048xi32>
    %slice3A_919 = vector.extract_strided_slice %select_n3A_911 {offsets = [0, 32], sizes = [32, 2016], strides = [1, 1]} : vector<32x2048xf32> to vector<32x2016xf32>
    %slice3A_920 = vector.extract_strided_slice %select_n3A_911 {offsets = [0, 0], sizes = [32, 32], strides = [1, 1]} : vector<32x2048xf32> to vector<32x32xf32>
    %concatenate3A_921 = tpu.concatenate %slice3A_919, %slice3A_920 in 1 : vector<32x2016xf32>, vector<32x32xf32> -> vector<32x2048xf32>
    %slice3A_922 = vector.extract_strided_slice %select_n3A_911 {offsets = [0, 2016], sizes = [32, 32], strides = [1, 1]} : vector<32x2048xf32> to vector<32x32xf32>
    %slice3A_923 = vector.extract_strided_slice %select_n3A_911 {offsets = [0, 0], sizes = [32, 2016], strides = [1, 1]} : vector<32x2048xf32> to vector<32x2016xf32>
    %concatenate3A_924 = tpu.concatenate %slice3A_922, %slice3A_923 in 1 : vector<32x32xf32>, vector<32x2016xf32> -> vector<32x2048xf32>
    %slice3A_925 = vector.extract_strided_slice %select_n3A_912 {offsets = [0, 32], sizes = [32, 2016], strides = [1, 1]} : vector<32x2048xi32> to vector<32x2016xi32>
    %slice3A_926 = vector.extract_strided_slice %select_n3A_912 {offsets = [0, 0], sizes = [32, 32], strides = [1, 1]} : vector<32x2048xi32> to vector<32x32xi32>
    %concatenate3A_927 = tpu.concatenate %slice3A_925, %slice3A_926 in 1 : vector<32x2016xi32>, vector<32x32xi32> -> vector<32x2048xi32>
    %slice3A_928 = vector.extract_strided_slice %select_n3A_912 {offsets = [0, 2016], sizes = [32, 32], strides = [1, 1]} : vector<32x2048xi32> to vector<32x32xi32>
    %slice3A_929 = vector.extract_strided_slice %select_n3A_912 {offsets = [0, 0], sizes = [32, 2016], strides = [1, 1]} : vector<32x2048xi32> to vector<32x2016xi32>
    %concatenate3A_930 = tpu.concatenate %slice3A_928, %slice3A_929 in 1 : vector<32x32xi32>, vector<32x2016xi32> -> vector<32x2048xi32>
    %select_n3A_931 = arith.select %eq3A_918, %concatenate3A_921, %concatenate3A_924 : vector<32x2048xi1>, vector<32x2048xf32>
    %select_n3A_932 = arith.select %eq3A_918, %concatenate3A_927, %concatenate3A_930 : vector<32x2048xi1>, vector<32x2048xi32>
    %lt3A_933 = arith.cmpf olt, %select_n3A_911, %select_n3A_931 : vector<32x2048xf32>
    %eq3A_934 = arith.cmpf oeq, %select_n3A_911, %select_n3A_931 : vector<32x2048xf32>
    %lt3A_935 = arith.cmpi slt, %select_n3A_912, %select_n3A_932 : vector<32x2048xi32>
    %and3A_936 = arith.andi %eq3A_934, %lt3A_935 : vector<32x2048xi1>
    %or3A_937 = arith.ori %lt3A_933, %and3A_936 : vector<32x2048xi1>
    %xor3A_938 = arith.xori %or3A_937, %eq3A_918 : vector<32x2048xi1>
    %xor3A_939 = arith.xori %xor3A_938, %eq3A_854 : vector<32x2048xi1>
    %select_n3A_940 = arith.select %xor3A_939, %select_n3A_911, %select_n3A_931 : vector<32x2048xi1>, vector<32x2048xf32>
    %select_n3A_941 = arith.select %xor3A_939, %select_n3A_912, %select_n3A_932 : vector<32x2048xi1>, vector<32x2048xi32>
    %and3A_942 = arith.constant 16 : i32
    %and3A_943 = vector.broadcast %and3A_942 : i32 to vector<32x2048xi32>
    %and3A_944 = arith.andi %iota3A_2, %and3A_943 : vector<32x2048xi32>
    %eq3A_945 = arith.constant 0 : i32
    %eq3A_946 = vector.broadcast %eq3A_945 : i32 to vector<32x2048xi32>
    %eq3A_947 = arith.cmpi eq, %and3A_944, %eq3A_946 : vector<32x2048xi32>
    %slice3A_948 = vector.extract_strided_slice %select_n3A_940 {offsets = [0, 16], sizes = [32, 2032], strides = [1, 1]} : vector<32x2048xf32> to vector<32x2032xf32>
    %slice3A_949 = vector.extract_strided_slice %select_n3A_940 {offsets = [0, 0], sizes = [32, 16], strides = [1, 1]} : vector<32x2048xf32> to vector<32x16xf32>
    %concatenate3A_950 = tpu.concatenate %slice3A_948, %slice3A_949 in 1 : vector<32x2032xf32>, vector<32x16xf32> -> vector<32x2048xf32>
    %slice3A_951 = vector.extract_strided_slice %select_n3A_940 {offsets = [0, 2032], sizes = [32, 16], strides = [1, 1]} : vector<32x2048xf32> to vector<32x16xf32>
    %slice3A_952 = vector.extract_strided_slice %select_n3A_940 {offsets = [0, 0], sizes = [32, 2032], strides = [1, 1]} : vector<32x2048xf32> to vector<32x2032xf32>
    %concatenate3A_953 = tpu.concatenate %slice3A_951, %slice3A_952 in 1 : vector<32x16xf32>, vector<32x2032xf32> -> vector<32x2048xf32>
    %slice3A_954 = vector.extract_strided_slice %select_n3A_941 {offsets = [0, 16], sizes = [32, 2032], strides = [1, 1]} : vector<32x2048xi32> to vector<32x2032xi32>
    %slice3A_955 = vector.extract_strided_slice %select_n3A_941 {offsets = [0, 0], sizes = [32, 16], strides = [1, 1]} : vector<32x2048xi32> to vector<32x16xi32>
    %concatenate3A_956 = tpu.concatenate %slice3A_954, %slice3A_955 in 1 : vector<32x2032xi32>, vector<32x16xi32> -> vector<32x2048xi32>
    %slice3A_957 = vector.extract_strided_slice %select_n3A_941 {offsets = [0, 2032], sizes = [32, 16], strides = [1, 1]} : vector<32x2048xi32> to vector<32x16xi32>
    %slice3A_958 = vector.extract_strided_slice %select_n3A_941 {offsets = [0, 0], sizes = [32, 2032], strides = [1, 1]} : vector<32x2048xi32> to vector<32x2032xi32>
    %concatenate3A_959 = tpu.concatenate %slice3A_957, %slice3A_958 in 1 : vector<32x16xi32>, vector<32x2032xi32> -> vector<32x2048xi32>
    %select_n3A_960 = arith.select %eq3A_947, %concatenate3A_950, %concatenate3A_953 : vector<32x2048xi1>, vector<32x2048xf32>
    %select_n3A_961 = arith.select %eq3A_947, %concatenate3A_956, %concatenate3A_959 : vector<32x2048xi1>, vector<32x2048xi32>
    %lt3A_962 = arith.cmpf olt, %select_n3A_940, %select_n3A_960 : vector<32x2048xf32>
    %eq3A_963 = arith.cmpf oeq, %select_n3A_940, %select_n3A_960 : vector<32x2048xf32>
    %lt3A_964 = arith.cmpi slt, %select_n3A_941, %select_n3A_961 : vector<32x2048xi32>
    %and3A_965 = arith.andi %eq3A_963, %lt3A_964 : vector<32x2048xi1>
    %or3A_966 = arith.ori %lt3A_962, %and3A_965 : vector<32x2048xi1>
    %xor3A_967 = arith.xori %or3A_966, %eq3A_947 : vector<32x2048xi1>
    %xor3A_968 = arith.xori %xor3A_967, %eq3A_854 : vector<32x2048xi1>
    %select_n3A_969 = arith.select %xor3A_968, %select_n3A_940, %select_n3A_960 : vector<32x2048xi1>, vector<32x2048xf32>
    %select_n3A_970 = arith.select %xor3A_968, %select_n3A_941, %select_n3A_961 : vector<32x2048xi1>, vector<32x2048xi32>
    %and3A_971 = arith.constant 8 : i32
    %and3A_972 = vector.broadcast %and3A_971 : i32 to vector<32x2048xi32>
    %and3A_973 = arith.andi %iota3A_2, %and3A_972 : vector<32x2048xi32>
    %eq3A_974 = arith.constant 0 : i32
    %eq3A_975 = vector.broadcast %eq3A_974 : i32 to vector<32x2048xi32>
    %eq3A_976 = arith.cmpi eq, %and3A_973, %eq3A_975 : vector<32x2048xi32>
    %slice3A_977 = vector.extract_strided_slice %select_n3A_969 {offsets = [0, 8], sizes = [32, 2040], strides = [1, 1]} : vector<32x2048xf32> to vector<32x2040xf32>
    %slice3A_978 = vector.extract_strided_slice %select_n3A_969 {offsets = [0, 0], sizes = [32, 8], strides = [1, 1]} : vector<32x2048xf32> to vector<32x8xf32>
    %concatenate3A_979 = tpu.concatenate %slice3A_977, %slice3A_978 in 1 : vector<32x2040xf32>, vector<32x8xf32> -> vector<32x2048xf32>
    %slice3A_980 = vector.extract_strided_slice %select_n3A_969 {offsets = [0, 2040], sizes = [32, 8], strides = [1, 1]} : vector<32x2048xf32> to vector<32x8xf32>
    %slice3A_981 = vector.extract_strided_slice %select_n3A_969 {offsets = [0, 0], sizes = [32, 2040], strides = [1, 1]} : vector<32x2048xf32> to vector<32x2040xf32>
    %concatenate3A_982 = tpu.concatenate %slice3A_980, %slice3A_981 in 1 : vector<32x8xf32>, vector<32x2040xf32> -> vector<32x2048xf32>
    %slice3A_983 = vector.extract_strided_slice %select_n3A_970 {offsets = [0, 8], sizes = [32, 2040], strides = [1, 1]} : vector<32x2048xi32> to vector<32x2040xi32>
    %slice3A_984 = vector.extract_strided_slice %select_n3A_970 {offsets = [0, 0], sizes = [32, 8], strides = [1, 1]} : vector<32x2048xi32> to vector<32x8xi32>
    %concatenate3A_985 = tpu.concatenate %slice3A_983, %slice3A_984 in 1 : vector<32x2040xi32>, vector<32x8xi32> -> vector<32x2048xi32>
    %slice3A_986 = vector.extract_strided_slice %select_n3A_970 {offsets = [0, 2040], sizes = [32, 8], strides = [1, 1]} : vector<32x2048xi32> to vector<32x8xi32>
    %slice3A_987 = vector.extract_strided_slice %select_n3A_970 {offsets = [0, 0], sizes = [32, 2040], strides = [1, 1]} : vector<32x2048xi32> to vector<32x2040xi32>
    %concatenate3A_988 = tpu.concatenate %slice3A_986, %slice3A_987 in 1 : vector<32x8xi32>, vector<32x2040xi32> -> vector<32x2048xi32>
    %select_n3A_989 = arith.select %eq3A_976, %concatenate3A_979, %concatenate3A_982 : vector<32x2048xi1>, vector<32x2048xf32>
    %select_n3A_990 = arith.select %eq3A_976, %concatenate3A_985, %concatenate3A_988 : vector<32x2048xi1>, vector<32x2048xi32>
    %lt3A_991 = arith.cmpf olt, %select_n3A_969, %select_n3A_989 : vector<32x2048xf32>
    %eq3A_992 = arith.cmpf oeq, %select_n3A_969, %select_n3A_989 : vector<32x2048xf32>
    %lt3A_993 = arith.cmpi slt, %select_n3A_970, %select_n3A_990 : vector<32x2048xi32>
    %and3A_994 = arith.andi %eq3A_992, %lt3A_993 : vector<32x2048xi1>
    %or3A_995 = arith.ori %lt3A_991, %and3A_994 : vector<32x2048xi1>
    %xor3A_996 = arith.xori %or3A_995, %eq3A_976 : vector<32x2048xi1>
    %xor3A_997 = arith.xori %xor3A_996, %eq3A_854 : vector<32x2048xi1>
    %select_n3A_998 = arith.select %xor3A_997, %select_n3A_969, %select_n3A_989 : vector<32x2048xi1>, vector<32x2048xf32>
    %select_n3A_999 = arith.select %xor3A_997, %select_n3A_970, %select_n3A_990 : vector<32x2048xi1>, vector<32x2048xi32>
    %and3A_1000 = arith.constant 4 : i32
    %and3A_1001 = vector.broadcast %and3A_1000 : i32 to vector<32x2048xi32>
    %and3A_1002 = arith.andi %iota3A_2, %and3A_1001 : vector<32x2048xi32>
    %eq3A_1003 = arith.constant 0 : i32
    %eq3A_1004 = vector.broadcast %eq3A_1003 : i32 to vector<32x2048xi32>
    %eq3A_1005 = arith.cmpi eq, %and3A_1002, %eq3A_1004 : vector<32x2048xi32>
    %slice3A_1006 = vector.extract_strided_slice %select_n3A_998 {offsets = [0, 4], sizes = [32, 2044], strides = [1, 1]} : vector<32x2048xf32> to vector<32x2044xf32>
    %slice3A_1007 = vector.extract_strided_slice %select_n3A_998 {offsets = [0, 0], sizes = [32, 4], strides = [1, 1]} : vector<32x2048xf32> to vector<32x4xf32>
    %concatenate3A_1008 = tpu.concatenate %slice3A_1006, %slice3A_1007 in 1 : vector<32x2044xf32>, vector<32x4xf32> -> vector<32x2048xf32>
    %slice3A_1009 = vector.extract_strided_slice %select_n3A_998 {offsets = [0, 2044], sizes = [32, 4], strides = [1, 1]} : vector<32x2048xf32> to vector<32x4xf32>
    %slice3A_1010 = vector.extract_strided_slice %select_n3A_998 {offsets = [0, 0], sizes = [32, 2044], strides = [1, 1]} : vector<32x2048xf32> to vector<32x2044xf32>
    %concatenate3A_1011 = tpu.concatenate %slice3A_1009, %slice3A_1010 in 1 : vector<32x4xf32>, vector<32x2044xf32> -> vector<32x2048xf32>
    %slice3A_1012 = vector.extract_strided_slice %select_n3A_999 {offsets = [0, 4], sizes = [32, 2044], strides = [1, 1]} : vector<32x2048xi32> to vector<32x2044xi32>
    %slice3A_1013 = vector.extract_strided_slice %select_n3A_999 {offsets = [0, 0], sizes = [32, 4], strides = [1, 1]} : vector<32x2048xi32> to vector<32x4xi32>
    %concatenate3A_1014 = tpu.concatenate %slice3A_1012, %slice3A_1013 in 1 : vector<32x2044xi32>, vector<32x4xi32> -> vector<32x2048xi32>
    %slice3A_1015 = vector.extract_strided_slice %select_n3A_999 {offsets = [0, 2044], sizes = [32, 4], strides = [1, 1]} : vector<32x2048xi32> to vector<32x4xi32>
    %slice3A_1016 = vector.extract_strided_slice %select_n3A_999 {offsets = [0, 0], sizes = [32, 2044], strides = [1, 1]} : vector<32x2048xi32> to vector<32x2044xi32>
    %concatenate3A_1017 = tpu.concatenate %slice3A_1015, %slice3A_1016 in 1 : vector<32x4xi32>, vector<32x2044xi32> -> vector<32x2048xi32>
    %select_n3A_1018 = arith.select %eq3A_1005, %concatenate3A_1008, %concatenate3A_1011 : vector<32x2048xi1>, vector<32x2048xf32>
    %select_n3A_1019 = arith.select %eq3A_1005, %concatenate3A_1014, %concatenate3A_1017 : vector<32x2048xi1>, vector<32x2048xi32>
    %lt3A_1020 = arith.cmpf olt, %select_n3A_998, %select_n3A_1018 : vector<32x2048xf32>
    %eq3A_1021 = arith.cmpf oeq, %select_n3A_998, %select_n3A_1018 : vector<32x2048xf32>
    %lt3A_1022 = arith.cmpi slt, %select_n3A_999, %select_n3A_1019 : vector<32x2048xi32>
    %and3A_1023 = arith.andi %eq3A_1021, %lt3A_1022 : vector<32x2048xi1>
    %or3A_1024 = arith.ori %lt3A_1020, %and3A_1023 : vector<32x2048xi1>
    %xor3A_1025 = arith.xori %or3A_1024, %eq3A_1005 : vector<32x2048xi1>
    %xor3A_1026 = arith.xori %xor3A_1025, %eq3A_854 : vector<32x2048xi1>
    %select_n3A_1027 = arith.select %xor3A_1026, %select_n3A_998, %select_n3A_1018 : vector<32x2048xi1>, vector<32x2048xf32>
    %select_n3A_1028 = arith.select %xor3A_1026, %select_n3A_999, %select_n3A_1019 : vector<32x2048xi1>, vector<32x2048xi32>
    %and3A_1029 = arith.constant 2 : i32
    %and3A_1030 = vector.broadcast %and3A_1029 : i32 to vector<32x2048xi32>
    %and3A_1031 = arith.andi %iota3A_2, %and3A_1030 : vector<32x2048xi32>
    %eq3A_1032 = arith.constant 0 : i32
    %eq3A_1033 = vector.broadcast %eq3A_1032 : i32 to vector<32x2048xi32>
    %eq3A_1034 = arith.cmpi eq, %and3A_1031, %eq3A_1033 : vector<32x2048xi32>
    %slice3A_1035 = vector.extract_strided_slice %select_n3A_1027 {offsets = [0, 2], sizes = [32, 2046], strides = [1, 1]} : vector<32x2048xf32> to vector<32x2046xf32>
    %slice3A_1036 = vector.extract_strided_slice %select_n3A_1027 {offsets = [0, 0], sizes = [32, 2], strides = [1, 1]} : vector<32x2048xf32> to vector<32x2xf32>
    %concatenate3A_1037 = tpu.concatenate %slice3A_1035, %slice3A_1036 in 1 : vector<32x2046xf32>, vector<32x2xf32> -> vector<32x2048xf32>
    %slice3A_1038 = vector.extract_strided_slice %select_n3A_1027 {offsets = [0, 2046], sizes = [32, 2], strides = [1, 1]} : vector<32x2048xf32> to vector<32x2xf32>
    %slice3A_1039 = vector.extract_strided_slice %select_n3A_1027 {offsets = [0, 0], sizes = [32, 2046], strides = [1, 1]} : vector<32x2048xf32> to vector<32x2046xf32>
    %concatenate3A_1040 = tpu.concatenate %slice3A_1038, %slice3A_1039 in 1 : vector<32x2xf32>, vector<32x2046xf32> -> vector<32x2048xf32>
    %slice3A_1041 = vector.extract_strided_slice %select_n3A_1028 {offsets = [0, 2], sizes = [32, 2046], strides = [1, 1]} : vector<32x2048xi32> to vector<32x2046xi32>
    %slice3A_1042 = vector.extract_strided_slice %select_n3A_1028 {offsets = [0, 0], sizes = [32, 2], strides = [1, 1]} : vector<32x2048xi32> to vector<32x2xi32>
    %concatenate3A_1043 = tpu.concatenate %slice3A_1041, %slice3A_1042 in 1 : vector<32x2046xi32>, vector<32x2xi32> -> vector<32x2048xi32>
    %slice3A_1044 = vector.extract_strided_slice %select_n3A_1028 {offsets = [0, 2046], sizes = [32, 2], strides = [1, 1]} : vector<32x2048xi32> to vector<32x2xi32>
    %slice3A_1045 = vector.extract_strided_slice %select_n3A_1028 {offsets = [0, 0], sizes = [32, 2046], strides = [1, 1]} : vector<32x2048xi32> to vector<32x2046xi32>
    %concatenate3A_1046 = tpu.concatenate %slice3A_1044, %slice3A_1045 in 1 : vector<32x2xi32>, vector<32x2046xi32> -> vector<32x2048xi32>
    %select_n3A_1047 = arith.select %eq3A_1034, %concatenate3A_1037, %concatenate3A_1040 : vector<32x2048xi1>, vector<32x2048xf32>
    %select_n3A_1048 = arith.select %eq3A_1034, %concatenate3A_1043, %concatenate3A_1046 : vector<32x2048xi1>, vector<32x2048xi32>
    %lt3A_1049 = arith.cmpf olt, %select_n3A_1027, %select_n3A_1047 : vector<32x2048xf32>
    %eq3A_1050 = arith.cmpf oeq, %select_n3A_1027, %select_n3A_1047 : vector<32x2048xf32>
    %lt3A_1051 = arith.cmpi slt, %select_n3A_1028, %select_n3A_1048 : vector<32x2048xi32>
    %and3A_1052 = arith.andi %eq3A_1050, %lt3A_1051 : vector<32x2048xi1>
    %or3A_1053 = arith.ori %lt3A_1049, %and3A_1052 : vector<32x2048xi1>
    %xor3A_1054 = arith.xori %or3A_1053, %eq3A_1034 : vector<32x2048xi1>
    %xor3A_1055 = arith.xori %xor3A_1054, %eq3A_854 : vector<32x2048xi1>
    %select_n3A_1056 = arith.select %xor3A_1055, %select_n3A_1027, %select_n3A_1047 : vector<32x2048xi1>, vector<32x2048xf32>
    %select_n3A_1057 = arith.select %xor3A_1055, %select_n3A_1028, %select_n3A_1048 : vector<32x2048xi1>, vector<32x2048xi32>
    %and3A_1058 = arith.constant 1 : i32
    %and3A_1059 = vector.broadcast %and3A_1058 : i32 to vector<32x2048xi32>
    %and3A_1060 = arith.andi %iota3A_2, %and3A_1059 : vector<32x2048xi32>
    %eq3A_1061 = arith.constant 0 : i32
    %eq3A_1062 = vector.broadcast %eq3A_1061 : i32 to vector<32x2048xi32>
    %eq3A_1063 = arith.cmpi eq, %and3A_1060, %eq3A_1062 : vector<32x2048xi32>
    %slice3A_1064 = vector.extract_strided_slice %select_n3A_1056 {offsets = [0, 1], sizes = [32, 2047], strides = [1, 1]} : vector<32x2048xf32> to vector<32x2047xf32>
    %slice3A_1065 = vector.extract_strided_slice %select_n3A_1056 {offsets = [0, 0], sizes = [32, 1], strides = [1, 1]} : vector<32x2048xf32> to vector<32x1xf32>
    %concatenate3A_1066 = tpu.concatenate %slice3A_1064, %slice3A_1065 in 1 : vector<32x2047xf32>, vector<32x1xf32> -> vector<32x2048xf32>
    %slice3A_1067 = vector.extract_strided_slice %select_n3A_1056 {offsets = [0, 2047], sizes = [32, 1], strides = [1, 1]} : vector<32x2048xf32> to vector<32x1xf32>
    %slice3A_1068 = vector.extract_strided_slice %select_n3A_1056 {offsets = [0, 0], sizes = [32, 2047], strides = [1, 1]} : vector<32x2048xf32> to vector<32x2047xf32>
    %concatenate3A_1069 = tpu.concatenate %slice3A_1067, %slice3A_1068 in 1 : vector<32x1xf32>, vector<32x2047xf32> -> vector<32x2048xf32>
    %slice3A_1070 = vector.extract_strided_slice %select_n3A_1057 {offsets = [0, 1], sizes = [32, 2047], strides = [1, 1]} : vector<32x2048xi32> to vector<32x2047xi32>
    %slice3A_1071 = vector.extract_strided_slice %select_n3A_1057 {offsets = [0, 0], sizes = [32, 1], strides = [1, 1]} : vector<32x2048xi32> to vector<32x1xi32>
    %concatenate3A_1072 = tpu.concatenate %slice3A_1070, %slice3A_1071 in 1 : vector<32x2047xi32>, vector<32x1xi32> -> vector<32x2048xi32>
    %slice3A_1073 = vector.extract_strided_slice %select_n3A_1057 {offsets = [0, 2047], sizes = [32, 1], strides = [1, 1]} : vector<32x2048xi32> to vector<32x1xi32>
    %slice3A_1074 = vector.extract_strided_slice %select_n3A_1057 {offsets = [0, 0], sizes = [32, 2047], strides = [1, 1]} : vector<32x2048xi32> to vector<32x2047xi32>
    %concatenate3A_1075 = tpu.concatenate %slice3A_1073, %slice3A_1074 in 1 : vector<32x1xi32>, vector<32x2047xi32> -> vector<32x2048xi32>
    %select_n3A_1076 = arith.select %eq3A_1063, %concatenate3A_1066, %concatenate3A_1069 : vector<32x2048xi1>, vector<32x2048xf32>
    %select_n3A_1077 = arith.select %eq3A_1063, %concatenate3A_1072, %concatenate3A_1075 : vector<32x2048xi1>, vector<32x2048xi32>
    %lt3A_1078 = arith.cmpf olt, %select_n3A_1056, %select_n3A_1076 : vector<32x2048xf32>
    %eq3A_1079 = arith.cmpf oeq, %select_n3A_1056, %select_n3A_1076 : vector<32x2048xf32>
    %lt3A_1080 = arith.cmpi slt, %select_n3A_1057, %select_n3A_1077 : vector<32x2048xi32>
    %and3A_1081 = arith.andi %eq3A_1079, %lt3A_1080 : vector<32x2048xi1>
    %or3A_1082 = arith.ori %lt3A_1078, %and3A_1081 : vector<32x2048xi1>
    %xor3A_1083 = arith.xori %or3A_1082, %eq3A_1063 : vector<32x2048xi1>
    %xor3A_1084 = arith.xori %xor3A_1083, %eq3A_854 : vector<32x2048xi1>
    %select_n3A_1085 = arith.select %xor3A_1084, %select_n3A_1056, %select_n3A_1076 : vector<32x2048xi1>, vector<32x2048xf32>
    %select_n3A_1086 = arith.select %xor3A_1084, %select_n3A_1057, %select_n3A_1077 : vector<32x2048xi1>, vector<32x2048xi32>
    %and3A_1087 = arith.constant 512 : i32
    %and3A_1088 = vector.broadcast %and3A_1087 : i32 to vector<32x2048xi32>
    %and3A_1089 = arith.andi %iota3A_2, %and3A_1088 : vector<32x2048xi32>
    %eq3A_1090 = arith.constant 0 : i32
    %eq3A_1091 = vector.broadcast %eq3A_1090 : i32 to vector<32x2048xi32>
    %eq3A_1092 = arith.cmpi eq, %and3A_1089, %eq3A_1091 : vector<32x2048xi32>
    %and3A_1093 = arith.constant 256 : i32
    %and3A_1094 = vector.broadcast %and3A_1093 : i32 to vector<32x2048xi32>
    %and3A_1095 = arith.andi %iota3A_2, %and3A_1094 : vector<32x2048xi32>
    %eq3A_1096 = arith.constant 0 : i32
    %eq3A_1097 = vector.broadcast %eq3A_1096 : i32 to vector<32x2048xi32>
    %eq3A_1098 = arith.cmpi eq, %and3A_1095, %eq3A_1097 : vector<32x2048xi32>
    %slice3A_1099 = vector.extract_strided_slice %select_n3A_1085 {offsets = [0, 256], sizes = [32, 1792], strides = [1, 1]} : vector<32x2048xf32> to vector<32x1792xf32>
    %slice3A_1100 = vector.extract_strided_slice %select_n3A_1085 {offsets = [0, 0], sizes = [32, 256], strides = [1, 1]} : vector<32x2048xf32> to vector<32x256xf32>
    %concatenate3A_1101 = tpu.concatenate %slice3A_1099, %slice3A_1100 in 1 : vector<32x1792xf32>, vector<32x256xf32> -> vector<32x2048xf32>
    %slice3A_1102 = vector.extract_strided_slice %select_n3A_1085 {offsets = [0, 1792], sizes = [32, 256], strides = [1, 1]} : vector<32x2048xf32> to vector<32x256xf32>
    %slice3A_1103 = vector.extract_strided_slice %select_n3A_1085 {offsets = [0, 0], sizes = [32, 1792], strides = [1, 1]} : vector<32x2048xf32> to vector<32x1792xf32>
    %concatenate3A_1104 = tpu.concatenate %slice3A_1102, %slice3A_1103 in 1 : vector<32x256xf32>, vector<32x1792xf32> -> vector<32x2048xf32>
    %slice3A_1105 = vector.extract_strided_slice %select_n3A_1086 {offsets = [0, 256], sizes = [32, 1792], strides = [1, 1]} : vector<32x2048xi32> to vector<32x1792xi32>
    %slice3A_1106 = vector.extract_strided_slice %select_n3A_1086 {offsets = [0, 0], sizes = [32, 256], strides = [1, 1]} : vector<32x2048xi32> to vector<32x256xi32>
    %concatenate3A_1107 = tpu.concatenate %slice3A_1105, %slice3A_1106 in 1 : vector<32x1792xi32>, vector<32x256xi32> -> vector<32x2048xi32>
    %slice3A_1108 = vector.extract_strided_slice %select_n3A_1086 {offsets = [0, 1792], sizes = [32, 256], strides = [1, 1]} : vector<32x2048xi32> to vector<32x256xi32>
    %slice3A_1109 = vector.extract_strided_slice %select_n3A_1086 {offsets = [0, 0], sizes = [32, 1792], strides = [1, 1]} : vector<32x2048xi32> to vector<32x1792xi32>
    %concatenate3A_1110 = tpu.concatenate %slice3A_1108, %slice3A_1109 in 1 : vector<32x256xi32>, vector<32x1792xi32> -> vector<32x2048xi32>
    %select_n3A_1111 = arith.select %eq3A_1098, %concatenate3A_1101, %concatenate3A_1104 : vector<32x2048xi1>, vector<32x2048xf32>
    %select_n3A_1112 = arith.select %eq3A_1098, %concatenate3A_1107, %concatenate3A_1110 : vector<32x2048xi1>, vector<32x2048xi32>
    %lt3A_1113 = arith.cmpf olt, %select_n3A_1085, %select_n3A_1111 : vector<32x2048xf32>
    %eq3A_1114 = arith.cmpf oeq, %select_n3A_1085, %select_n3A_1111 : vector<32x2048xf32>
    %lt3A_1115 = arith.cmpi slt, %select_n3A_1086, %select_n3A_1112 : vector<32x2048xi32>
    %and3A_1116 = arith.andi %eq3A_1114, %lt3A_1115 : vector<32x2048xi1>
    %or3A_1117 = arith.ori %lt3A_1113, %and3A_1116 : vector<32x2048xi1>
    %xor3A_1118 = arith.xori %or3A_1117, %eq3A_1098 : vector<32x2048xi1>
    %xor3A_1119 = arith.xori %xor3A_1118, %eq3A_1092 : vector<32x2048xi1>
    %select_n3A_1120 = arith.select %xor3A_1119, %select_n3A_1085, %select_n3A_1111 : vector<32x2048xi1>, vector<32x2048xf32>
    %select_n3A_1121 = arith.select %xor3A_1119, %select_n3A_1086, %select_n3A_1112 : vector<32x2048xi1>, vector<32x2048xi32>
    %and3A_1122 = arith.constant 128 : i32
    %and3A_1123 = vector.broadcast %and3A_1122 : i32 to vector<32x2048xi32>
    %and3A_1124 = arith.andi %iota3A_2, %and3A_1123 : vector<32x2048xi32>
    %eq3A_1125 = arith.constant 0 : i32
    %eq3A_1126 = vector.broadcast %eq3A_1125 : i32 to vector<32x2048xi32>
    %eq3A_1127 = arith.cmpi eq, %and3A_1124, %eq3A_1126 : vector<32x2048xi32>
    %slice3A_1128 = vector.extract_strided_slice %select_n3A_1120 {offsets = [0, 128], sizes = [32, 1920], strides = [1, 1]} : vector<32x2048xf32> to vector<32x1920xf32>
    %slice3A_1129 = vector.extract_strided_slice %select_n3A_1120 {offsets = [0, 0], sizes = [32, 128], strides = [1, 1]} : vector<32x2048xf32> to vector<32x128xf32>
    %concatenate3A_1130 = tpu.concatenate %slice3A_1128, %slice3A_1129 in 1 : vector<32x1920xf32>, vector<32x128xf32> -> vector<32x2048xf32>
    %slice3A_1131 = vector.extract_strided_slice %select_n3A_1120 {offsets = [0, 1920], sizes = [32, 128], strides = [1, 1]} : vector<32x2048xf32> to vector<32x128xf32>
    %slice3A_1132 = vector.extract_strided_slice %select_n3A_1120 {offsets = [0, 0], sizes = [32, 1920], strides = [1, 1]} : vector<32x2048xf32> to vector<32x1920xf32>
    %concatenate3A_1133 = tpu.concatenate %slice3A_1131, %slice3A_1132 in 1 : vector<32x128xf32>, vector<32x1920xf32> -> vector<32x2048xf32>
    %slice3A_1134 = vector.extract_strided_slice %select_n3A_1121 {offsets = [0, 128], sizes = [32, 1920], strides = [1, 1]} : vector<32x2048xi32> to vector<32x1920xi32>
    %slice3A_1135 = vector.extract_strided_slice %select_n3A_1121 {offsets = [0, 0], sizes = [32, 128], strides = [1, 1]} : vector<32x2048xi32> to vector<32x128xi32>
    %concatenate3A_1136 = tpu.concatenate %slice3A_1134, %slice3A_1135 in 1 : vector<32x1920xi32>, vector<32x128xi32> -> vector<32x2048xi32>
    %slice3A_1137 = vector.extract_strided_slice %select_n3A_1121 {offsets = [0, 1920], sizes = [32, 128], strides = [1, 1]} : vector<32x2048xi32> to vector<32x128xi32>
    %slice3A_1138 = vector.extract_strided_slice %select_n3A_1121 {offsets = [0, 0], sizes = [32, 1920], strides = [1, 1]} : vector<32x2048xi32> to vector<32x1920xi32>
    %concatenate3A_1139 = tpu.concatenate %slice3A_1137, %slice3A_1138 in 1 : vector<32x128xi32>, vector<32x1920xi32> -> vector<32x2048xi32>
    %select_n3A_1140 = arith.select %eq3A_1127, %concatenate3A_1130, %concatenate3A_1133 : vector<32x2048xi1>, vector<32x2048xf32>
    %select_n3A_1141 = arith.select %eq3A_1127, %concatenate3A_1136, %concatenate3A_1139 : vector<32x2048xi1>, vector<32x2048xi32>
    %lt3A_1142 = arith.cmpf olt, %select_n3A_1120, %select_n3A_1140 : vector<32x2048xf32>
    %eq3A_1143 = arith.cmpf oeq, %select_n3A_1120, %select_n3A_1140 : vector<32x2048xf32>
    %lt3A_1144 = arith.cmpi slt, %select_n3A_1121, %select_n3A_1141 : vector<32x2048xi32>
    %and3A_1145 = arith.andi %eq3A_1143, %lt3A_1144 : vector<32x2048xi1>
    %or3A_1146 = arith.ori %lt3A_1142, %and3A_1145 : vector<32x2048xi1>
    %xor3A_1147 = arith.xori %or3A_1146, %eq3A_1127 : vector<32x2048xi1>
    %xor3A_1148 = arith.xori %xor3A_1147, %eq3A_1092 : vector<32x2048xi1>
    %select_n3A_1149 = arith.select %xor3A_1148, %select_n3A_1120, %select_n3A_1140 : vector<32x2048xi1>, vector<32x2048xf32>
    %select_n3A_1150 = arith.select %xor3A_1148, %select_n3A_1121, %select_n3A_1141 : vector<32x2048xi1>, vector<32x2048xi32>
    %and3A_1151 = arith.constant 64 : i32
    %and3A_1152 = vector.broadcast %and3A_1151 : i32 to vector<32x2048xi32>
    %and3A_1153 = arith.andi %iota3A_2, %and3A_1152 : vector<32x2048xi32>
    %eq3A_1154 = arith.constant 0 : i32
    %eq3A_1155 = vector.broadcast %eq3A_1154 : i32 to vector<32x2048xi32>
    %eq3A_1156 = arith.cmpi eq, %and3A_1153, %eq3A_1155 : vector<32x2048xi32>
    %slice3A_1157 = vector.extract_strided_slice %select_n3A_1149 {offsets = [0, 64], sizes = [32, 1984], strides = [1, 1]} : vector<32x2048xf32> to vector<32x1984xf32>
    %slice3A_1158 = vector.extract_strided_slice %select_n3A_1149 {offsets = [0, 0], sizes = [32, 64], strides = [1, 1]} : vector<32x2048xf32> to vector<32x64xf32>
    %concatenate3A_1159 = tpu.concatenate %slice3A_1157, %slice3A_1158 in 1 : vector<32x1984xf32>, vector<32x64xf32> -> vector<32x2048xf32>
    %slice3A_1160 = vector.extract_strided_slice %select_n3A_1149 {offsets = [0, 1984], sizes = [32, 64], strides = [1, 1]} : vector<32x2048xf32> to vector<32x64xf32>
    %slice3A_1161 = vector.extract_strided_slice %select_n3A_1149 {offsets = [0, 0], sizes = [32, 1984], strides = [1, 1]} : vector<32x2048xf32> to vector<32x1984xf32>
    %concatenate3A_1162 = tpu.concatenate %slice3A_1160, %slice3A_1161 in 1 : vector<32x64xf32>, vector<32x1984xf32> -> vector<32x2048xf32>
    %slice3A_1163 = vector.extract_strided_slice %select_n3A_1150 {offsets = [0, 64], sizes = [32, 1984], strides = [1, 1]} : vector<32x2048xi32> to vector<32x1984xi32>
    %slice3A_1164 = vector.extract_strided_slice %select_n3A_1150 {offsets = [0, 0], sizes = [32, 64], strides = [1, 1]} : vector<32x2048xi32> to vector<32x64xi32>
    %concatenate3A_1165 = tpu.concatenate %slice3A_1163, %slice3A_1164 in 1 : vector<32x1984xi32>, vector<32x64xi32> -> vector<32x2048xi32>
    %slice3A_1166 = vector.extract_strided_slice %select_n3A_1150 {offsets = [0, 1984], sizes = [32, 64], strides = [1, 1]} : vector<32x2048xi32> to vector<32x64xi32>
    %slice3A_1167 = vector.extract_strided_slice %select_n3A_1150 {offsets = [0, 0], sizes = [32, 1984], strides = [1, 1]} : vector<32x2048xi32> to vector<32x1984xi32>
    %concatenate3A_1168 = tpu.concatenate %slice3A_1166, %slice3A_1167 in 1 : vector<32x64xi32>, vector<32x1984xi32> -> vector<32x2048xi32>
    %select_n3A_1169 = arith.select %eq3A_1156, %concatenate3A_1159, %concatenate3A_1162 : vector<32x2048xi1>, vector<32x2048xf32>
    %select_n3A_1170 = arith.select %eq3A_1156, %concatenate3A_1165, %concatenate3A_1168 : vector<32x2048xi1>, vector<32x2048xi32>
    %lt3A_1171 = arith.cmpf olt, %select_n3A_1149, %select_n3A_1169 : vector<32x2048xf32>
    %eq3A_1172 = arith.cmpf oeq, %select_n3A_1149, %select_n3A_1169 : vector<32x2048xf32>
    %lt3A_1173 = arith.cmpi slt, %select_n3A_1150, %select_n3A_1170 : vector<32x2048xi32>
    %and3A_1174 = arith.andi %eq3A_1172, %lt3A_1173 : vector<32x2048xi1>
    %or3A_1175 = arith.ori %lt3A_1171, %and3A_1174 : vector<32x2048xi1>
    %xor3A_1176 = arith.xori %or3A_1175, %eq3A_1156 : vector<32x2048xi1>
    %xor3A_1177 = arith.xori %xor3A_1176, %eq3A_1092 : vector<32x2048xi1>
    %select_n3A_1178 = arith.select %xor3A_1177, %select_n3A_1149, %select_n3A_1169 : vector<32x2048xi1>, vector<32x2048xf32>
    %select_n3A_1179 = arith.select %xor3A_1177, %select_n3A_1150, %select_n3A_1170 : vector<32x2048xi1>, vector<32x2048xi32>
    %and3A_1180 = arith.constant 32 : i32
    %and3A_1181 = vector.broadcast %and3A_1180 : i32 to vector<32x2048xi32>
    %and3A_1182 = arith.andi %iota3A_2, %and3A_1181 : vector<32x2048xi32>
    %eq3A_1183 = arith.constant 0 : i32
    %eq3A_1184 = vector.broadcast %eq3A_1183 : i32 to vector<32x2048xi32>
    %eq3A_1185 = arith.cmpi eq, %and3A_1182, %eq3A_1184 : vector<32x2048xi32>
    %slice3A_1186 = vector.extract_strided_slice %select_n3A_1178 {offsets = [0, 32], sizes = [32, 2016], strides = [1, 1]} : vector<32x2048xf32> to vector<32x2016xf32>
    %slice3A_1187 = vector.extract_strided_slice %select_n3A_1178 {offsets = [0, 0], sizes = [32, 32], strides = [1, 1]} : vector<32x2048xf32> to vector<32x32xf32>
    %concatenate3A_1188 = tpu.concatenate %slice3A_1186, %slice3A_1187 in 1 : vector<32x2016xf32>, vector<32x32xf32> -> vector<32x2048xf32>
    %slice3A_1189 = vector.extract_strided_slice %select_n3A_1178 {offsets = [0, 2016], sizes = [32, 32], strides = [1, 1]} : vector<32x2048xf32> to vector<32x32xf32>
    %slice3A_1190 = vector.extract_strided_slice %select_n3A_1178 {offsets = [0, 0], sizes = [32, 2016], strides = [1, 1]} : vector<32x2048xf32> to vector<32x2016xf32>
    %concatenate3A_1191 = tpu.concatenate %slice3A_1189, %slice3A_1190 in 1 : vector<32x32xf32>, vector<32x2016xf32> -> vector<32x2048xf32>
    %slice3A_1192 = vector.extract_strided_slice %select_n3A_1179 {offsets = [0, 32], sizes = [32, 2016], strides = [1, 1]} : vector<32x2048xi32> to vector<32x2016xi32>
    %slice3A_1193 = vector.extract_strided_slice %select_n3A_1179 {offsets = [0, 0], sizes = [32, 32], strides = [1, 1]} : vector<32x2048xi32> to vector<32x32xi32>
    %concatenate3A_1194 = tpu.concatenate %slice3A_1192, %slice3A_1193 in 1 : vector<32x2016xi32>, vector<32x32xi32> -> vector<32x2048xi32>
    %slice3A_1195 = vector.extract_strided_slice %select_n3A_1179 {offsets = [0, 2016], sizes = [32, 32], strides = [1, 1]} : vector<32x2048xi32> to vector<32x32xi32>
    %slice3A_1196 = vector.extract_strided_slice %select_n3A_1179 {offsets = [0, 0], sizes = [32, 2016], strides = [1, 1]} : vector<32x2048xi32> to vector<32x2016xi32>
    %concatenate3A_1197 = tpu.concatenate %slice3A_1195, %slice3A_1196 in 1 : vector<32x32xi32>, vector<32x2016xi32> -> vector<32x2048xi32>
    %select_n3A_1198 = arith.select %eq3A_1185, %concatenate3A_1188, %concatenate3A_1191 : vector<32x2048xi1>, vector<32x2048xf32>
    %select_n3A_1199 = arith.select %eq3A_1185, %concatenate3A_1194, %concatenate3A_1197 : vector<32x2048xi1>, vector<32x2048xi32>
    %lt3A_1200 = arith.cmpf olt, %select_n3A_1178, %select_n3A_1198 : vector<32x2048xf32>
    %eq3A_1201 = arith.cmpf oeq, %select_n3A_1178, %select_n3A_1198 : vector<32x2048xf32>
    %lt3A_1202 = arith.cmpi slt, %select_n3A_1179, %select_n3A_1199 : vector<32x2048xi32>
    %and3A_1203 = arith.andi %eq3A_1201, %lt3A_1202 : vector<32x2048xi1>
    %or3A_1204 = arith.ori %lt3A_1200, %and3A_1203 : vector<32x2048xi1>
    %xor3A_1205 = arith.xori %or3A_1204, %eq3A_1185 : vector<32x2048xi1>
    %xor3A_1206 = arith.xori %xor3A_1205, %eq3A_1092 : vector<32x2048xi1>
    %select_n3A_1207 = arith.select %xor3A_1206, %select_n3A_1178, %select_n3A_1198 : vector<32x2048xi1>, vector<32x2048xf32>
    %select_n3A_1208 = arith.select %xor3A_1206, %select_n3A_1179, %select_n3A_1199 : vector<32x2048xi1>, vector<32x2048xi32>
    %and3A_1209 = arith.constant 16 : i32
    %and3A_1210 = vector.broadcast %and3A_1209 : i32 to vector<32x2048xi32>
    %and3A_1211 = arith.andi %iota3A_2, %and3A_1210 : vector<32x2048xi32>
    %eq3A_1212 = arith.constant 0 : i32
    %eq3A_1213 = vector.broadcast %eq3A_1212 : i32 to vector<32x2048xi32>
    %eq3A_1214 = arith.cmpi eq, %and3A_1211, %eq3A_1213 : vector<32x2048xi32>
    %slice3A_1215 = vector.extract_strided_slice %select_n3A_1207 {offsets = [0, 16], sizes = [32, 2032], strides = [1, 1]} : vector<32x2048xf32> to vector<32x2032xf32>
    %slice3A_1216 = vector.extract_strided_slice %select_n3A_1207 {offsets = [0, 0], sizes = [32, 16], strides = [1, 1]} : vector<32x2048xf32> to vector<32x16xf32>
    %concatenate3A_1217 = tpu.concatenate %slice3A_1215, %slice3A_1216 in 1 : vector<32x2032xf32>, vector<32x16xf32> -> vector<32x2048xf32>
    %slice3A_1218 = vector.extract_strided_slice %select_n3A_1207 {offsets = [0, 2032], sizes = [32, 16], strides = [1, 1]} : vector<32x2048xf32> to vector<32x16xf32>
    %slice3A_1219 = vector.extract_strided_slice %select_n3A_1207 {offsets = [0, 0], sizes = [32, 2032], strides = [1, 1]} : vector<32x2048xf32> to vector<32x2032xf32>
    %concatenate3A_1220 = tpu.concatenate %slice3A_1218, %slice3A_1219 in 1 : vector<32x16xf32>, vector<32x2032xf32> -> vector<32x2048xf32>
    %slice3A_1221 = vector.extract_strided_slice %select_n3A_1208 {offsets = [0, 16], sizes = [32, 2032], strides = [1, 1]} : vector<32x2048xi32> to vector<32x2032xi32>
    %slice3A_1222 = vector.extract_strided_slice %select_n3A_1208 {offsets = [0, 0], sizes = [32, 16], strides = [1, 1]} : vector<32x2048xi32> to vector<32x16xi32>
    %concatenate3A_1223 = tpu.concatenate %slice3A_1221, %slice3A_1222 in 1 : vector<32x2032xi32>, vector<32x16xi32> -> vector<32x2048xi32>
    %slice3A_1224 = vector.extract_strided_slice %select_n3A_1208 {offsets = [0, 2032], sizes = [32, 16], strides = [1, 1]} : vector<32x2048xi32> to vector<32x16xi32>
    %slice3A_1225 = vector.extract_strided_slice %select_n3A_1208 {offsets = [0, 0], sizes = [32, 2032], strides = [1, 1]} : vector<32x2048xi32> to vector<32x2032xi32>
    %concatenate3A_1226 = tpu.concatenate %slice3A_1224, %slice3A_1225 in 1 : vector<32x16xi32>, vector<32x2032xi32> -> vector<32x2048xi32>
    %select_n3A_1227 = arith.select %eq3A_1214, %concatenate3A_1217, %concatenate3A_1220 : vector<32x2048xi1>, vector<32x2048xf32>
    %select_n3A_1228 = arith.select %eq3A_1214, %concatenate3A_1223, %concatenate3A_1226 : vector<32x2048xi1>, vector<32x2048xi32>
    %lt3A_1229 = arith.cmpf olt, %select_n3A_1207, %select_n3A_1227 : vector<32x2048xf32>
    %eq3A_1230 = arith.cmpf oeq, %select_n3A_1207, %select_n3A_1227 : vector<32x2048xf32>
    %lt3A_1231 = arith.cmpi slt, %select_n3A_1208, %select_n3A_1228 : vector<32x2048xi32>
    %and3A_1232 = arith.andi %eq3A_1230, %lt3A_1231 : vector<32x2048xi1>
    %or3A_1233 = arith.ori %lt3A_1229, %and3A_1232 : vector<32x2048xi1>
    %xor3A_1234 = arith.xori %or3A_1233, %eq3A_1214 : vector<32x2048xi1>
    %xor3A_1235 = arith.xori %xor3A_1234, %eq3A_1092 : vector<32x2048xi1>
    %select_n3A_1236 = arith.select %xor3A_1235, %select_n3A_1207, %select_n3A_1227 : vector<32x2048xi1>, vector<32x2048xf32>
    %select_n3A_1237 = arith.select %xor3A_1235, %select_n3A_1208, %select_n3A_1228 : vector<32x2048xi1>, vector<32x2048xi32>
    %and3A_1238 = arith.constant 8 : i32
    %and3A_1239 = vector.broadcast %and3A_1238 : i32 to vector<32x2048xi32>
    %and3A_1240 = arith.andi %iota3A_2, %and3A_1239 : vector<32x2048xi32>
    %eq3A_1241 = arith.constant 0 : i32
    %eq3A_1242 = vector.broadcast %eq3A_1241 : i32 to vector<32x2048xi32>
    %eq3A_1243 = arith.cmpi eq, %and3A_1240, %eq3A_1242 : vector<32x2048xi32>
    %slice3A_1244 = vector.extract_strided_slice %select_n3A_1236 {offsets = [0, 8], sizes = [32, 2040], strides = [1, 1]} : vector<32x2048xf32> to vector<32x2040xf32>
    %slice3A_1245 = vector.extract_strided_slice %select_n3A_1236 {offsets = [0, 0], sizes = [32, 8], strides = [1, 1]} : vector<32x2048xf32> to vector<32x8xf32>
    %concatenate3A_1246 = tpu.concatenate %slice3A_1244, %slice3A_1245 in 1 : vector<32x2040xf32>, vector<32x8xf32> -> vector<32x2048xf32>
    %slice3A_1247 = vector.extract_strided_slice %select_n3A_1236 {offsets = [0, 2040], sizes = [32, 8], strides = [1, 1]} : vector<32x2048xf32> to vector<32x8xf32>
    %slice3A_1248 = vector.extract_strided_slice %select_n3A_1236 {offsets = [0, 0], sizes = [32, 2040], strides = [1, 1]} : vector<32x2048xf32> to vector<32x2040xf32>
    %concatenate3A_1249 = tpu.concatenate %slice3A_1247, %slice3A_1248 in 1 : vector<32x8xf32>, vector<32x2040xf32> -> vector<32x2048xf32>
    %slice3A_1250 = vector.extract_strided_slice %select_n3A_1237 {offsets = [0, 8], sizes = [32, 2040], strides = [1, 1]} : vector<32x2048xi32> to vector<32x2040xi32>
    %slice3A_1251 = vector.extract_strided_slice %select_n3A_1237 {offsets = [0, 0], sizes = [32, 8], strides = [1, 1]} : vector<32x2048xi32> to vector<32x8xi32>
    %concatenate3A_1252 = tpu.concatenate %slice3A_1250, %slice3A_1251 in 1 : vector<32x2040xi32>, vector<32x8xi32> -> vector<32x2048xi32>
    %slice3A_1253 = vector.extract_strided_slice %select_n3A_1237 {offsets = [0, 2040], sizes = [32, 8], strides = [1, 1]} : vector<32x2048xi32> to vector<32x8xi32>
    %slice3A_1254 = vector.extract_strided_slice %select_n3A_1237 {offsets = [0, 0], sizes = [32, 2040], strides = [1, 1]} : vector<32x2048xi32> to vector<32x2040xi32>
    %concatenate3A_1255 = tpu.concatenate %slice3A_1253, %slice3A_1254 in 1 : vector<32x8xi32>, vector<32x2040xi32> -> vector<32x2048xi32>
    %select_n3A_1256 = arith.select %eq3A_1243, %concatenate3A_1246, %concatenate3A_1249 : vector<32x2048xi1>, vector<32x2048xf32>
    %select_n3A_1257 = arith.select %eq3A_1243, %concatenate3A_1252, %concatenate3A_1255 : vector<32x2048xi1>, vector<32x2048xi32>
    %lt3A_1258 = arith.cmpf olt, %select_n3A_1236, %select_n3A_1256 : vector<32x2048xf32>
    %eq3A_1259 = arith.cmpf oeq, %select_n3A_1236, %select_n3A_1256 : vector<32x2048xf32>
    %lt3A_1260 = arith.cmpi slt, %select_n3A_1237, %select_n3A_1257 : vector<32x2048xi32>
    %and3A_1261 = arith.andi %eq3A_1259, %lt3A_1260 : vector<32x2048xi1>
    %or3A_1262 = arith.ori %lt3A_1258, %and3A_1261 : vector<32x2048xi1>
    %xor3A_1263 = arith.xori %or3A_1262, %eq3A_1243 : vector<32x2048xi1>
    %xor3A_1264 = arith.xori %xor3A_1263, %eq3A_1092 : vector<32x2048xi1>
    %select_n3A_1265 = arith.select %xor3A_1264, %select_n3A_1236, %select_n3A_1256 : vector<32x2048xi1>, vector<32x2048xf32>
    %select_n3A_1266 = arith.select %xor3A_1264, %select_n3A_1237, %select_n3A_1257 : vector<32x2048xi1>, vector<32x2048xi32>
    %and3A_1267 = arith.constant 4 : i32
    %and3A_1268 = vector.broadcast %and3A_1267 : i32 to vector<32x2048xi32>
    %and3A_1269 = arith.andi %iota3A_2, %and3A_1268 : vector<32x2048xi32>
    %eq3A_1270 = arith.constant 0 : i32
    %eq3A_1271 = vector.broadcast %eq3A_1270 : i32 to vector<32x2048xi32>
    %eq3A_1272 = arith.cmpi eq, %and3A_1269, %eq3A_1271 : vector<32x2048xi32>
    %slice3A_1273 = vector.extract_strided_slice %select_n3A_1265 {offsets = [0, 4], sizes = [32, 2044], strides = [1, 1]} : vector<32x2048xf32> to vector<32x2044xf32>
    %slice3A_1274 = vector.extract_strided_slice %select_n3A_1265 {offsets = [0, 0], sizes = [32, 4], strides = [1, 1]} : vector<32x2048xf32> to vector<32x4xf32>
    %concatenate3A_1275 = tpu.concatenate %slice3A_1273, %slice3A_1274 in 1 : vector<32x2044xf32>, vector<32x4xf32> -> vector<32x2048xf32>
    %slice3A_1276 = vector.extract_strided_slice %select_n3A_1265 {offsets = [0, 2044], sizes = [32, 4], strides = [1, 1]} : vector<32x2048xf32> to vector<32x4xf32>
    %slice3A_1277 = vector.extract_strided_slice %select_n3A_1265 {offsets = [0, 0], sizes = [32, 2044], strides = [1, 1]} : vector<32x2048xf32> to vector<32x2044xf32>
    %concatenate3A_1278 = tpu.concatenate %slice3A_1276, %slice3A_1277 in 1 : vector<32x4xf32>, vector<32x2044xf32> -> vector<32x2048xf32>
    %slice3A_1279 = vector.extract_strided_slice %select_n3A_1266 {offsets = [0, 4], sizes = [32, 2044], strides = [1, 1]} : vector<32x2048xi32> to vector<32x2044xi32>
    %slice3A_1280 = vector.extract_strided_slice %select_n3A_1266 {offsets = [0, 0], sizes = [32, 4], strides = [1, 1]} : vector<32x2048xi32> to vector<32x4xi32>
    %concatenate3A_1281 = tpu.concatenate %slice3A_1279, %slice3A_1280 in 1 : vector<32x2044xi32>, vector<32x4xi32> -> vector<32x2048xi32>
    %slice3A_1282 = vector.extract_strided_slice %select_n3A_1266 {offsets = [0, 2044], sizes = [32, 4], strides = [1, 1]} : vector<32x2048xi32> to vector<32x4xi32>
    %slice3A_1283 = vector.extract_strided_slice %select_n3A_1266 {offsets = [0, 0], sizes = [32, 2044], strides = [1, 1]} : vector<32x2048xi32> to vector<32x2044xi32>
    %concatenate3A_1284 = tpu.concatenate %slice3A_1282, %slice3A_1283 in 1 : vector<32x4xi32>, vector<32x2044xi32> -> vector<32x2048xi32>
    %select_n3A_1285 = arith.select %eq3A_1272, %concatenate3A_1275, %concatenate3A_1278 : vector<32x2048xi1>, vector<32x2048xf32>
    %select_n3A_1286 = arith.select %eq3A_1272, %concatenate3A_1281, %concatenate3A_1284 : vector<32x2048xi1>, vector<32x2048xi32>
    %lt3A_1287 = arith.cmpf olt, %select_n3A_1265, %select_n3A_1285 : vector<32x2048xf32>
    %eq3A_1288 = arith.cmpf oeq, %select_n3A_1265, %select_n3A_1285 : vector<32x2048xf32>
    %lt3A_1289 = arith.cmpi slt, %select_n3A_1266, %select_n3A_1286 : vector<32x2048xi32>
    %and3A_1290 = arith.andi %eq3A_1288, %lt3A_1289 : vector<32x2048xi1>
    %or3A_1291 = arith.ori %lt3A_1287, %and3A_1290 : vector<32x2048xi1>
    %xor3A_1292 = arith.xori %or3A_1291, %eq3A_1272 : vector<32x2048xi1>
    %xor3A_1293 = arith.xori %xor3A_1292, %eq3A_1092 : vector<32x2048xi1>
    %select_n3A_1294 = arith.select %xor3A_1293, %select_n3A_1265, %select_n3A_1285 : vector<32x2048xi1>, vector<32x2048xf32>
    %select_n3A_1295 = arith.select %xor3A_1293, %select_n3A_1266, %select_n3A_1286 : vector<32x2048xi1>, vector<32x2048xi32>
    %and3A_1296 = arith.constant 2 : i32
    %and3A_1297 = vector.broadcast %and3A_1296 : i32 to vector<32x2048xi32>
    %and3A_1298 = arith.andi %iota3A_2, %and3A_1297 : vector<32x2048xi32>
    %eq3A_1299 = arith.constant 0 : i32
    %eq3A_1300 = vector.broadcast %eq3A_1299 : i32 to vector<32x2048xi32>
    %eq3A_1301 = arith.cmpi eq, %and3A_1298, %eq3A_1300 : vector<32x2048xi32>
    %slice3A_1302 = vector.extract_strided_slice %select_n3A_1294 {offsets = [0, 2], sizes = [32, 2046], strides = [1, 1]} : vector<32x2048xf32> to vector<32x2046xf32>
    %slice3A_1303 = vector.extract_strided_slice %select_n3A_1294 {offsets = [0, 0], sizes = [32, 2], strides = [1, 1]} : vector<32x2048xf32> to vector<32x2xf32>
    %concatenate3A_1304 = tpu.concatenate %slice3A_1302, %slice3A_1303 in 1 : vector<32x2046xf32>, vector<32x2xf32> -> vector<32x2048xf32>
    %slice3A_1305 = vector.extract_strided_slice %select_n3A_1294 {offsets = [0, 2046], sizes = [32, 2], strides = [1, 1]} : vector<32x2048xf32> to vector<32x2xf32>
    %slice3A_1306 = vector.extract_strided_slice %select_n3A_1294 {offsets = [0, 0], sizes = [32, 2046], strides = [1, 1]} : vector<32x2048xf32> to vector<32x2046xf32>
    %concatenate3A_1307 = tpu.concatenate %slice3A_1305, %slice3A_1306 in 1 : vector<32x2xf32>, vector<32x2046xf32> -> vector<32x2048xf32>
    %slice3A_1308 = vector.extract_strided_slice %select_n3A_1295 {offsets = [0, 2], sizes = [32, 2046], strides = [1, 1]} : vector<32x2048xi32> to vector<32x2046xi32>
    %slice3A_1309 = vector.extract_strided_slice %select_n3A_1295 {offsets = [0, 0], sizes = [32, 2], strides = [1, 1]} : vector<32x2048xi32> to vector<32x2xi32>
    %concatenate3A_1310 = tpu.concatenate %slice3A_1308, %slice3A_1309 in 1 : vector<32x2046xi32>, vector<32x2xi32> -> vector<32x2048xi32>
    %slice3A_1311 = vector.extract_strided_slice %select_n3A_1295 {offsets = [0, 2046], sizes = [32, 2], strides = [1, 1]} : vector<32x2048xi32> to vector<32x2xi32>
    %slice3A_1312 = vector.extract_strided_slice %select_n3A_1295 {offsets = [0, 0], sizes = [32, 2046], strides = [1, 1]} : vector<32x2048xi32> to vector<32x2046xi32>
    %concatenate3A_1313 = tpu.concatenate %slice3A_1311, %slice3A_1312 in 1 : vector<32x2xi32>, vector<32x2046xi32> -> vector<32x2048xi32>
    %select_n3A_1314 = arith.select %eq3A_1301, %concatenate3A_1304, %concatenate3A_1307 : vector<32x2048xi1>, vector<32x2048xf32>
    %select_n3A_1315 = arith.select %eq3A_1301, %concatenate3A_1310, %concatenate3A_1313 : vector<32x2048xi1>, vector<32x2048xi32>
    %lt3A_1316 = arith.cmpf olt, %select_n3A_1294, %select_n3A_1314 : vector<32x2048xf32>
    %eq3A_1317 = arith.cmpf oeq, %select_n3A_1294, %select_n3A_1314 : vector<32x2048xf32>
    %lt3A_1318 = arith.cmpi slt, %select_n3A_1295, %select_n3A_1315 : vector<32x2048xi32>
    %and3A_1319 = arith.andi %eq3A_1317, %lt3A_1318 : vector<32x2048xi1>
    %or3A_1320 = arith.ori %lt3A_1316, %and3A_1319 : vector<32x2048xi1>
    %xor3A_1321 = arith.xori %or3A_1320, %eq3A_1301 : vector<32x2048xi1>
    %xor3A_1322 = arith.xori %xor3A_1321, %eq3A_1092 : vector<32x2048xi1>
    %select_n3A_1323 = arith.select %xor3A_1322, %select_n3A_1294, %select_n3A_1314 : vector<32x2048xi1>, vector<32x2048xf32>
    %select_n3A_1324 = arith.select %xor3A_1322, %select_n3A_1295, %select_n3A_1315 : vector<32x2048xi1>, vector<32x2048xi32>
    %and3A_1325 = arith.constant 1 : i32
    %and3A_1326 = vector.broadcast %and3A_1325 : i32 to vector<32x2048xi32>
    %and3A_1327 = arith.andi %iota3A_2, %and3A_1326 : vector<32x2048xi32>
    %eq3A_1328 = arith.constant 0 : i32
    %eq3A_1329 = vector.broadcast %eq3A_1328 : i32 to vector<32x2048xi32>
    %eq3A_1330 = arith.cmpi eq, %and3A_1327, %eq3A_1329 : vector<32x2048xi32>
    %slice3A_1331 = vector.extract_strided_slice %select_n3A_1323 {offsets = [0, 1], sizes = [32, 2047], strides = [1, 1]} : vector<32x2048xf32> to vector<32x2047xf32>
    %slice3A_1332 = vector.extract_strided_slice %select_n3A_1323 {offsets = [0, 0], sizes = [32, 1], strides = [1, 1]} : vector<32x2048xf32> to vector<32x1xf32>
    %concatenate3A_1333 = tpu.concatenate %slice3A_1331, %slice3A_1332 in 1 : vector<32x2047xf32>, vector<32x1xf32> -> vector<32x2048xf32>
    %slice3A_1334 = vector.extract_strided_slice %select_n3A_1323 {offsets = [0, 2047], sizes = [32, 1], strides = [1, 1]} : vector<32x2048xf32> to vector<32x1xf32>
    %slice3A_1335 = vector.extract_strided_slice %select_n3A_1323 {offsets = [0, 0], sizes = [32, 2047], strides = [1, 1]} : vector<32x2048xf32> to vector<32x2047xf32>
    %concatenate3A_1336 = tpu.concatenate %slice3A_1334, %slice3A_1335 in 1 : vector<32x1xf32>, vector<32x2047xf32> -> vector<32x2048xf32>
    %slice3A_1337 = vector.extract_strided_slice %select_n3A_1324 {offsets = [0, 1], sizes = [32, 2047], strides = [1, 1]} : vector<32x2048xi32> to vector<32x2047xi32>
    %slice3A_1338 = vector.extract_strided_slice %select_n3A_1324 {offsets = [0, 0], sizes = [32, 1], strides = [1, 1]} : vector<32x2048xi32> to vector<32x1xi32>
    %concatenate3A_1339 = tpu.concatenate %slice3A_1337, %slice3A_1338 in 1 : vector<32x2047xi32>, vector<32x1xi32> -> vector<32x2048xi32>
    %slice3A_1340 = vector.extract_strided_slice %select_n3A_1324 {offsets = [0, 2047], sizes = [32, 1], strides = [1, 1]} : vector<32x2048xi32> to vector<32x1xi32>
    %slice3A_1341 = vector.extract_strided_slice %select_n3A_1324 {offsets = [0, 0], sizes = [32, 2047], strides = [1, 1]} : vector<32x2048xi32> to vector<32x2047xi32>
    %concatenate3A_1342 = tpu.concatenate %slice3A_1340, %slice3A_1341 in 1 : vector<32x1xi32>, vector<32x2047xi32> -> vector<32x2048xi32>
    %select_n3A_1343 = arith.select %eq3A_1330, %concatenate3A_1333, %concatenate3A_1336 : vector<32x2048xi1>, vector<32x2048xf32>
    %select_n3A_1344 = arith.select %eq3A_1330, %concatenate3A_1339, %concatenate3A_1342 : vector<32x2048xi1>, vector<32x2048xi32>
    %lt3A_1345 = arith.cmpf olt, %select_n3A_1323, %select_n3A_1343 : vector<32x2048xf32>
    %eq3A_1346 = arith.cmpf oeq, %select_n3A_1323, %select_n3A_1343 : vector<32x2048xf32>
    %lt3A_1347 = arith.cmpi slt, %select_n3A_1324, %select_n3A_1344 : vector<32x2048xi32>
    %and3A_1348 = arith.andi %eq3A_1346, %lt3A_1347 : vector<32x2048xi1>
    %or3A_1349 = arith.ori %lt3A_1345, %and3A_1348 : vector<32x2048xi1>
    %xor3A_1350 = arith.xori %or3A_1349, %eq3A_1330 : vector<32x2048xi1>
    %xor3A_1351 = arith.xori %xor3A_1350, %eq3A_1092 : vector<32x2048xi1>
    %select_n3A_1352 = arith.select %xor3A_1351, %select_n3A_1323, %select_n3A_1343 : vector<32x2048xi1>, vector<32x2048xf32>
    %select_n3A_1353 = arith.select %xor3A_1351, %select_n3A_1324, %select_n3A_1344 : vector<32x2048xi1>, vector<32x2048xi32>
    %and3A_1354 = arith.constant 1024 : i32
    %and3A_1355 = vector.broadcast %and3A_1354 : i32 to vector<32x2048xi32>
    %and3A_1356 = arith.andi %iota3A_2, %and3A_1355 : vector<32x2048xi32>
    %eq3A_1357 = arith.constant 0 : i32
    %eq3A_1358 = vector.broadcast %eq3A_1357 : i32 to vector<32x2048xi32>
    %eq3A_1359 = arith.cmpi eq, %and3A_1356, %eq3A_1358 : vector<32x2048xi32>
    %and3A_1360 = arith.constant 512 : i32
    %and3A_1361 = vector.broadcast %and3A_1360 : i32 to vector<32x2048xi32>
    %and3A_1362 = arith.andi %iota3A_2, %and3A_1361 : vector<32x2048xi32>
    %eq3A_1363 = arith.constant 0 : i32
    %eq3A_1364 = vector.broadcast %eq3A_1363 : i32 to vector<32x2048xi32>
    %eq3A_1365 = arith.cmpi eq, %and3A_1362, %eq3A_1364 : vector<32x2048xi32>
    %slice3A_1366 = vector.extract_strided_slice %select_n3A_1352 {offsets = [0, 512], sizes = [32, 1536], strides = [1, 1]} : vector<32x2048xf32> to vector<32x1536xf32>
    %slice3A_1367 = vector.extract_strided_slice %select_n3A_1352 {offsets = [0, 0], sizes = [32, 512], strides = [1, 1]} : vector<32x2048xf32> to vector<32x512xf32>
    %concatenate3A_1368 = tpu.concatenate %slice3A_1366, %slice3A_1367 in 1 : vector<32x1536xf32>, vector<32x512xf32> -> vector<32x2048xf32>
    %slice3A_1369 = vector.extract_strided_slice %select_n3A_1352 {offsets = [0, 1536], sizes = [32, 512], strides = [1, 1]} : vector<32x2048xf32> to vector<32x512xf32>
    %slice3A_1370 = vector.extract_strided_slice %select_n3A_1352 {offsets = [0, 0], sizes = [32, 1536], strides = [1, 1]} : vector<32x2048xf32> to vector<32x1536xf32>
    %concatenate3A_1371 = tpu.concatenate %slice3A_1369, %slice3A_1370 in 1 : vector<32x512xf32>, vector<32x1536xf32> -> vector<32x2048xf32>
    %slice3A_1372 = vector.extract_strided_slice %select_n3A_1353 {offsets = [0, 512], sizes = [32, 1536], strides = [1, 1]} : vector<32x2048xi32> to vector<32x1536xi32>
    %slice3A_1373 = vector.extract_strided_slice %select_n3A_1353 {offsets = [0, 0], sizes = [32, 512], strides = [1, 1]} : vector<32x2048xi32> to vector<32x512xi32>
    %concatenate3A_1374 = tpu.concatenate %slice3A_1372, %slice3A_1373 in 1 : vector<32x1536xi32>, vector<32x512xi32> -> vector<32x2048xi32>
    %slice3A_1375 = vector.extract_strided_slice %select_n3A_1353 {offsets = [0, 1536], sizes = [32, 512], strides = [1, 1]} : vector<32x2048xi32> to vector<32x512xi32>
    %slice3A_1376 = vector.extract_strided_slice %select_n3A_1353 {offsets = [0, 0], sizes = [32, 1536], strides = [1, 1]} : vector<32x2048xi32> to vector<32x1536xi32>
    %concatenate3A_1377 = tpu.concatenate %slice3A_1375, %slice3A_1376 in 1 : vector<32x512xi32>, vector<32x1536xi32> -> vector<32x2048xi32>
    %select_n3A_1378 = arith.select %eq3A_1365, %concatenate3A_1368, %concatenate3A_1371 : vector<32x2048xi1>, vector<32x2048xf32>
    %select_n3A_1379 = arith.select %eq3A_1365, %concatenate3A_1374, %concatenate3A_1377 : vector<32x2048xi1>, vector<32x2048xi32>
    %lt3A_1380 = arith.cmpf olt, %select_n3A_1352, %select_n3A_1378 : vector<32x2048xf32>
    %eq3A_1381 = arith.cmpf oeq, %select_n3A_1352, %select_n3A_1378 : vector<32x2048xf32>
    %lt3A_1382 = arith.cmpi slt, %select_n3A_1353, %select_n3A_1379 : vector<32x2048xi32>
    %and3A_1383 = arith.andi %eq3A_1381, %lt3A_1382 : vector<32x2048xi1>
    %or3A_1384 = arith.ori %lt3A_1380, %and3A_1383 : vector<32x2048xi1>
    %xor3A_1385 = arith.xori %or3A_1384, %eq3A_1365 : vector<32x2048xi1>
    %xor3A_1386 = arith.xori %xor3A_1385, %eq3A_1359 : vector<32x2048xi1>
    %select_n3A_1387 = arith.select %xor3A_1386, %select_n3A_1352, %select_n3A_1378 : vector<32x2048xi1>, vector<32x2048xf32>
    %select_n3A_1388 = arith.select %xor3A_1386, %select_n3A_1353, %select_n3A_1379 : vector<32x2048xi1>, vector<32x2048xi32>
    %and3A_1389 = arith.constant 256 : i32
    %and3A_1390 = vector.broadcast %and3A_1389 : i32 to vector<32x2048xi32>
    %and3A_1391 = arith.andi %iota3A_2, %and3A_1390 : vector<32x2048xi32>
    %eq3A_1392 = arith.constant 0 : i32
    %eq3A_1393 = vector.broadcast %eq3A_1392 : i32 to vector<32x2048xi32>
    %eq3A_1394 = arith.cmpi eq, %and3A_1391, %eq3A_1393 : vector<32x2048xi32>
    %slice3A_1395 = vector.extract_strided_slice %select_n3A_1387 {offsets = [0, 256], sizes = [32, 1792], strides = [1, 1]} : vector<32x2048xf32> to vector<32x1792xf32>
    %slice3A_1396 = vector.extract_strided_slice %select_n3A_1387 {offsets = [0, 0], sizes = [32, 256], strides = [1, 1]} : vector<32x2048xf32> to vector<32x256xf32>
    %concatenate3A_1397 = tpu.concatenate %slice3A_1395, %slice3A_1396 in 1 : vector<32x1792xf32>, vector<32x256xf32> -> vector<32x2048xf32>
    %slice3A_1398 = vector.extract_strided_slice %select_n3A_1387 {offsets = [0, 1792], sizes = [32, 256], strides = [1, 1]} : vector<32x2048xf32> to vector<32x256xf32>
    %slice3A_1399 = vector.extract_strided_slice %select_n3A_1387 {offsets = [0, 0], sizes = [32, 1792], strides = [1, 1]} : vector<32x2048xf32> to vector<32x1792xf32>
    %concatenate3A_1400 = tpu.concatenate %slice3A_1398, %slice3A_1399 in 1 : vector<32x256xf32>, vector<32x1792xf32> -> vector<32x2048xf32>
    %slice3A_1401 = vector.extract_strided_slice %select_n3A_1388 {offsets = [0, 256], sizes = [32, 1792], strides = [1, 1]} : vector<32x2048xi32> to vector<32x1792xi32>
    %slice3A_1402 = vector.extract_strided_slice %select_n3A_1388 {offsets = [0, 0], sizes = [32, 256], strides = [1, 1]} : vector<32x2048xi32> to vector<32x256xi32>
    %concatenate3A_1403 = tpu.concatenate %slice3A_1401, %slice3A_1402 in 1 : vector<32x1792xi32>, vector<32x256xi32> -> vector<32x2048xi32>
    %slice3A_1404 = vector.extract_strided_slice %select_n3A_1388 {offsets = [0, 1792], sizes = [32, 256], strides = [1, 1]} : vector<32x2048xi32> to vector<32x256xi32>
    %slice3A_1405 = vector.extract_strided_slice %select_n3A_1388 {offsets = [0, 0], sizes = [32, 1792], strides = [1, 1]} : vector<32x2048xi32> to vector<32x1792xi32>
    %concatenate3A_1406 = tpu.concatenate %slice3A_1404, %slice3A_1405 in 1 : vector<32x256xi32>, vector<32x1792xi32> -> vector<32x2048xi32>
    %select_n3A_1407 = arith.select %eq3A_1394, %concatenate3A_1397, %concatenate3A_1400 : vector<32x2048xi1>, vector<32x2048xf32>
    %select_n3A_1408 = arith.select %eq3A_1394, %concatenate3A_1403, %concatenate3A_1406 : vector<32x2048xi1>, vector<32x2048xi32>
    %lt3A_1409 = arith.cmpf olt, %select_n3A_1387, %select_n3A_1407 : vector<32x2048xf32>
    %eq3A_1410 = arith.cmpf oeq, %select_n3A_1387, %select_n3A_1407 : vector<32x2048xf32>
    %lt3A_1411 = arith.cmpi slt, %select_n3A_1388, %select_n3A_1408 : vector<32x2048xi32>
    %and3A_1412 = arith.andi %eq3A_1410, %lt3A_1411 : vector<32x2048xi1>
    %or3A_1413 = arith.ori %lt3A_1409, %and3A_1412 : vector<32x2048xi1>
    %xor3A_1414 = arith.xori %or3A_1413, %eq3A_1394 : vector<32x2048xi1>
    %xor3A_1415 = arith.xori %xor3A_1414, %eq3A_1359 : vector<32x2048xi1>
    %select_n3A_1416 = arith.select %xor3A_1415, %select_n3A_1387, %select_n3A_1407 : vector<32x2048xi1>, vector<32x2048xf32>
    %select_n3A_1417 = arith.select %xor3A_1415, %select_n3A_1388, %select_n3A_1408 : vector<32x2048xi1>, vector<32x2048xi32>
    %and3A_1418 = arith.constant 128 : i32
    %and3A_1419 = vector.broadcast %and3A_1418 : i32 to vector<32x2048xi32>
    %and3A_1420 = arith.andi %iota3A_2, %and3A_1419 : vector<32x2048xi32>
    %eq3A_1421 = arith.constant 0 : i32
    %eq3A_1422 = vector.broadcast %eq3A_1421 : i32 to vector<32x2048xi32>
    %eq3A_1423 = arith.cmpi eq, %and3A_1420, %eq3A_1422 : vector<32x2048xi32>
    %slice3A_1424 = vector.extract_strided_slice %select_n3A_1416 {offsets = [0, 128], sizes = [32, 1920], strides = [1, 1]} : vector<32x2048xf32> to vector<32x1920xf32>
    %slice3A_1425 = vector.extract_strided_slice %select_n3A_1416 {offsets = [0, 0], sizes = [32, 128], strides = [1, 1]} : vector<32x2048xf32> to vector<32x128xf32>
    %concatenate3A_1426 = tpu.concatenate %slice3A_1424, %slice3A_1425 in 1 : vector<32x1920xf32>, vector<32x128xf32> -> vector<32x2048xf32>
    %slice3A_1427 = vector.extract_strided_slice %select_n3A_1416 {offsets = [0, 1920], sizes = [32, 128], strides = [1, 1]} : vector<32x2048xf32> to vector<32x128xf32>
    %slice3A_1428 = vector.extract_strided_slice %select_n3A_1416 {offsets = [0, 0], sizes = [32, 1920], strides = [1, 1]} : vector<32x2048xf32> to vector<32x1920xf32>
    %concatenate3A_1429 = tpu.concatenate %slice3A_1427, %slice3A_1428 in 1 : vector<32x128xf32>, vector<32x1920xf32> -> vector<32x2048xf32>
    %slice3A_1430 = vector.extract_strided_slice %select_n3A_1417 {offsets = [0, 128], sizes = [32, 1920], strides = [1, 1]} : vector<32x2048xi32> to vector<32x1920xi32>
    %slice3A_1431 = vector.extract_strided_slice %select_n3A_1417 {offsets = [0, 0], sizes = [32, 128], strides = [1, 1]} : vector<32x2048xi32> to vector<32x128xi32>
    %concatenate3A_1432 = tpu.concatenate %slice3A_1430, %slice3A_1431 in 1 : vector<32x1920xi32>, vector<32x128xi32> -> vector<32x2048xi32>
    %slice3A_1433 = vector.extract_strided_slice %select_n3A_1417 {offsets = [0, 1920], sizes = [32, 128], strides = [1, 1]} : vector<32x2048xi32> to vector<32x128xi32>
    %slice3A_1434 = vector.extract_strided_slice %select_n3A_1417 {offsets = [0, 0], sizes = [32, 1920], strides = [1, 1]} : vector<32x2048xi32> to vector<32x1920xi32>
    %concatenate3A_1435 = tpu.concatenate %slice3A_1433, %slice3A_1434 in 1 : vector<32x128xi32>, vector<32x1920xi32> -> vector<32x2048xi32>
    %select_n3A_1436 = arith.select %eq3A_1423, %concatenate3A_1426, %concatenate3A_1429 : vector<32x2048xi1>, vector<32x2048xf32>
    %select_n3A_1437 = arith.select %eq3A_1423, %concatenate3A_1432, %concatenate3A_1435 : vector<32x2048xi1>, vector<32x2048xi32>
    %lt3A_1438 = arith.cmpf olt, %select_n3A_1416, %select_n3A_1436 : vector<32x2048xf32>
    %eq3A_1439 = arith.cmpf oeq, %select_n3A_1416, %select_n3A_1436 : vector<32x2048xf32>
    %lt3A_1440 = arith.cmpi slt, %select_n3A_1417, %select_n3A_1437 : vector<32x2048xi32>
    %and3A_1441 = arith.andi %eq3A_1439, %lt3A_1440 : vector<32x2048xi1>
    %or3A_1442 = arith.ori %lt3A_1438, %and3A_1441 : vector<32x2048xi1>
    %xor3A_1443 = arith.xori %or3A_1442, %eq3A_1423 : vector<32x2048xi1>
    %xor3A_1444 = arith.xori %xor3A_1443, %eq3A_1359 : vector<32x2048xi1>
    %select_n3A_1445 = arith.select %xor3A_1444, %select_n3A_1416, %select_n3A_1436 : vector<32x2048xi1>, vector<32x2048xf32>
    %select_n3A_1446 = arith.select %xor3A_1444, %select_n3A_1417, %select_n3A_1437 : vector<32x2048xi1>, vector<32x2048xi32>
    %and3A_1447 = arith.constant 64 : i32
    %and3A_1448 = vector.broadcast %and3A_1447 : i32 to vector<32x2048xi32>
    %and3A_1449 = arith.andi %iota3A_2, %and3A_1448 : vector<32x2048xi32>
    %eq3A_1450 = arith.constant 0 : i32
    %eq3A_1451 = vector.broadcast %eq3A_1450 : i32 to vector<32x2048xi32>
    %eq3A_1452 = arith.cmpi eq, %and3A_1449, %eq3A_1451 : vector<32x2048xi32>
    %slice3A_1453 = vector.extract_strided_slice %select_n3A_1445 {offsets = [0, 64], sizes = [32, 1984], strides = [1, 1]} : vector<32x2048xf32> to vector<32x1984xf32>
    %slice3A_1454 = vector.extract_strided_slice %select_n3A_1445 {offsets = [0, 0], sizes = [32, 64], strides = [1, 1]} : vector<32x2048xf32> to vector<32x64xf32>
    %concatenate3A_1455 = tpu.concatenate %slice3A_1453, %slice3A_1454 in 1 : vector<32x1984xf32>, vector<32x64xf32> -> vector<32x2048xf32>
    %slice3A_1456 = vector.extract_strided_slice %select_n3A_1445 {offsets = [0, 1984], sizes = [32, 64], strides = [1, 1]} : vector<32x2048xf32> to vector<32x64xf32>
    %slice3A_1457 = vector.extract_strided_slice %select_n3A_1445 {offsets = [0, 0], sizes = [32, 1984], strides = [1, 1]} : vector<32x2048xf32> to vector<32x1984xf32>
    %concatenate3A_1458 = tpu.concatenate %slice3A_1456, %slice3A_1457 in 1 : vector<32x64xf32>, vector<32x1984xf32> -> vector<32x2048xf32>
    %slice3A_1459 = vector.extract_strided_slice %select_n3A_1446 {offsets = [0, 64], sizes = [32, 1984], strides = [1, 1]} : vector<32x2048xi32> to vector<32x1984xi32>
    %slice3A_1460 = vector.extract_strided_slice %select_n3A_1446 {offsets = [0, 0], sizes = [32, 64], strides = [1, 1]} : vector<32x2048xi32> to vector<32x64xi32>
    %concatenate3A_1461 = tpu.concatenate %slice3A_1459, %slice3A_1460 in 1 : vector<32x1984xi32>, vector<32x64xi32> -> vector<32x2048xi32>
    %slice3A_1462 = vector.extract_strided_slice %select_n3A_1446 {offsets = [0, 1984], sizes = [32, 64], strides = [1, 1]} : vector<32x2048xi32> to vector<32x64xi32>
    %slice3A_1463 = vector.extract_strided_slice %select_n3A_1446 {offsets = [0, 0], sizes = [32, 1984], strides = [1, 1]} : vector<32x2048xi32> to vector<32x1984xi32>
    %concatenate3A_1464 = tpu.concatenate %slice3A_1462, %slice3A_1463 in 1 : vector<32x64xi32>, vector<32x1984xi32> -> vector<32x2048xi32>
    %select_n3A_1465 = arith.select %eq3A_1452, %concatenate3A_1455, %concatenate3A_1458 : vector<32x2048xi1>, vector<32x2048xf32>
    %select_n3A_1466 = arith.select %eq3A_1452, %concatenate3A_1461, %concatenate3A_1464 : vector<32x2048xi1>, vector<32x2048xi32>
    %lt3A_1467 = arith.cmpf olt, %select_n3A_1445, %select_n3A_1465 : vector<32x2048xf32>
    %eq3A_1468 = arith.cmpf oeq, %select_n3A_1445, %select_n3A_1465 : vector<32x2048xf32>
    %lt3A_1469 = arith.cmpi slt, %select_n3A_1446, %select_n3A_1466 : vector<32x2048xi32>
    %and3A_1470 = arith.andi %eq3A_1468, %lt3A_1469 : vector<32x2048xi1>
    %or3A_1471 = arith.ori %lt3A_1467, %and3A_1470 : vector<32x2048xi1>
    %xor3A_1472 = arith.xori %or3A_1471, %eq3A_1452 : vector<32x2048xi1>
    %xor3A_1473 = arith.xori %xor3A_1472, %eq3A_1359 : vector<32x2048xi1>
    %select_n3A_1474 = arith.select %xor3A_1473, %select_n3A_1445, %select_n3A_1465 : vector<32x2048xi1>, vector<32x2048xf32>
    %select_n3A_1475 = arith.select %xor3A_1473, %select_n3A_1446, %select_n3A_1466 : vector<32x2048xi1>, vector<32x2048xi32>
    %and3A_1476 = arith.constant 32 : i32
    %and3A_1477 = vector.broadcast %and3A_1476 : i32 to vector<32x2048xi32>
    %and3A_1478 = arith.andi %iota3A_2, %and3A_1477 : vector<32x2048xi32>
    %eq3A_1479 = arith.constant 0 : i32
    %eq3A_1480 = vector.broadcast %eq3A_1479 : i32 to vector<32x2048xi32>
    %eq3A_1481 = arith.cmpi eq, %and3A_1478, %eq3A_1480 : vector<32x2048xi32>
    %slice3A_1482 = vector.extract_strided_slice %select_n3A_1474 {offsets = [0, 32], sizes = [32, 2016], strides = [1, 1]} : vector<32x2048xf32> to vector<32x2016xf32>
    %slice3A_1483 = vector.extract_strided_slice %select_n3A_1474 {offsets = [0, 0], sizes = [32, 32], strides = [1, 1]} : vector<32x2048xf32> to vector<32x32xf32>
    %concatenate3A_1484 = tpu.concatenate %slice3A_1482, %slice3A_1483 in 1 : vector<32x2016xf32>, vector<32x32xf32> -> vector<32x2048xf32>
    %slice3A_1485 = vector.extract_strided_slice %select_n3A_1474 {offsets = [0, 2016], sizes = [32, 32], strides = [1, 1]} : vector<32x2048xf32> to vector<32x32xf32>
    %slice3A_1486 = vector.extract_strided_slice %select_n3A_1474 {offsets = [0, 0], sizes = [32, 2016], strides = [1, 1]} : vector<32x2048xf32> to vector<32x2016xf32>
    %concatenate3A_1487 = tpu.concatenate %slice3A_1485, %slice3A_1486 in 1 : vector<32x32xf32>, vector<32x2016xf32> -> vector<32x2048xf32>
    %slice3A_1488 = vector.extract_strided_slice %select_n3A_1475 {offsets = [0, 32], sizes = [32, 2016], strides = [1, 1]} : vector<32x2048xi32> to vector<32x2016xi32>
    %slice3A_1489 = vector.extract_strided_slice %select_n3A_1475 {offsets = [0, 0], sizes = [32, 32], strides = [1, 1]} : vector<32x2048xi32> to vector<32x32xi32>
    %concatenate3A_1490 = tpu.concatenate %slice3A_1488, %slice3A_1489 in 1 : vector<32x2016xi32>, vector<32x32xi32> -> vector<32x2048xi32>
    %slice3A_1491 = vector.extract_strided_slice %select_n3A_1475 {offsets = [0, 2016], sizes = [32, 32], strides = [1, 1]} : vector<32x2048xi32> to vector<32x32xi32>
    %slice3A_1492 = vector.extract_strided_slice %select_n3A_1475 {offsets = [0, 0], sizes = [32, 2016], strides = [1, 1]} : vector<32x2048xi32> to vector<32x2016xi32>
    %concatenate3A_1493 = tpu.concatenate %slice3A_1491, %slice3A_1492 in 1 : vector<32x32xi32>, vector<32x2016xi32> -> vector<32x2048xi32>
    %select_n3A_1494 = arith.select %eq3A_1481, %concatenate3A_1484, %concatenate3A_1487 : vector<32x2048xi1>, vector<32x2048xf32>
    %select_n3A_1495 = arith.select %eq3A_1481, %concatenate3A_1490, %concatenate3A_1493 : vector<32x2048xi1>, vector<32x2048xi32>
    %lt3A_1496 = arith.cmpf olt, %select_n3A_1474, %select_n3A_1494 : vector<32x2048xf32>
    %eq3A_1497 = arith.cmpf oeq, %select_n3A_1474, %select_n3A_1494 : vector<32x2048xf32>
    %lt3A_1498 = arith.cmpi slt, %select_n3A_1475, %select_n3A_1495 : vector<32x2048xi32>
    %and3A_1499 = arith.andi %eq3A_1497, %lt3A_1498 : vector<32x2048xi1>
    %or3A_1500 = arith.ori %lt3A_1496, %and3A_1499 : vector<32x2048xi1>
    %xor3A_1501 = arith.xori %or3A_1500, %eq3A_1481 : vector<32x2048xi1>
    %xor3A_1502 = arith.xori %xor3A_1501, %eq3A_1359 : vector<32x2048xi1>
    %select_n3A_1503 = arith.select %xor3A_1502, %select_n3A_1474, %select_n3A_1494 : vector<32x2048xi1>, vector<32x2048xf32>
    %select_n3A_1504 = arith.select %xor3A_1502, %select_n3A_1475, %select_n3A_1495 : vector<32x2048xi1>, vector<32x2048xi32>
    %and3A_1505 = arith.constant 16 : i32
    %and3A_1506 = vector.broadcast %and3A_1505 : i32 to vector<32x2048xi32>
    %and3A_1507 = arith.andi %iota3A_2, %and3A_1506 : vector<32x2048xi32>
    %eq3A_1508 = arith.constant 0 : i32
    %eq3A_1509 = vector.broadcast %eq3A_1508 : i32 to vector<32x2048xi32>
    %eq3A_1510 = arith.cmpi eq, %and3A_1507, %eq3A_1509 : vector<32x2048xi32>
    %slice3A_1511 = vector.extract_strided_slice %select_n3A_1503 {offsets = [0, 16], sizes = [32, 2032], strides = [1, 1]} : vector<32x2048xf32> to vector<32x2032xf32>
    %slice3A_1512 = vector.extract_strided_slice %select_n3A_1503 {offsets = [0, 0], sizes = [32, 16], strides = [1, 1]} : vector<32x2048xf32> to vector<32x16xf32>
    %concatenate3A_1513 = tpu.concatenate %slice3A_1511, %slice3A_1512 in 1 : vector<32x2032xf32>, vector<32x16xf32> -> vector<32x2048xf32>
    %slice3A_1514 = vector.extract_strided_slice %select_n3A_1503 {offsets = [0, 2032], sizes = [32, 16], strides = [1, 1]} : vector<32x2048xf32> to vector<32x16xf32>
    %slice3A_1515 = vector.extract_strided_slice %select_n3A_1503 {offsets = [0, 0], sizes = [32, 2032], strides = [1, 1]} : vector<32x2048xf32> to vector<32x2032xf32>
    %concatenate3A_1516 = tpu.concatenate %slice3A_1514, %slice3A_1515 in 1 : vector<32x16xf32>, vector<32x2032xf32> -> vector<32x2048xf32>
    %slice3A_1517 = vector.extract_strided_slice %select_n3A_1504 {offsets = [0, 16], sizes = [32, 2032], strides = [1, 1]} : vector<32x2048xi32> to vector<32x2032xi32>
    %slice3A_1518 = vector.extract_strided_slice %select_n3A_1504 {offsets = [0, 0], sizes = [32, 16], strides = [1, 1]} : vector<32x2048xi32> to vector<32x16xi32>
    %concatenate3A_1519 = tpu.concatenate %slice3A_1517, %slice3A_1518 in 1 : vector<32x2032xi32>, vector<32x16xi32> -> vector<32x2048xi32>
    %slice3A_1520 = vector.extract_strided_slice %select_n3A_1504 {offsets = [0, 2032], sizes = [32, 16], strides = [1, 1]} : vector<32x2048xi32> to vector<32x16xi32>
    %slice3A_1521 = vector.extract_strided_slice %select_n3A_1504 {offsets = [0, 0], sizes = [32, 2032], strides = [1, 1]} : vector<32x2048xi32> to vector<32x2032xi32>
    %concatenate3A_1522 = tpu.concatenate %slice3A_1520, %slice3A_1521 in 1 : vector<32x16xi32>, vector<32x2032xi32> -> vector<32x2048xi32>
    %select_n3A_1523 = arith.select %eq3A_1510, %concatenate3A_1513, %concatenate3A_1516 : vector<32x2048xi1>, vector<32x2048xf32>
    %select_n3A_1524 = arith.select %eq3A_1510, %concatenate3A_1519, %concatenate3A_1522 : vector<32x2048xi1>, vector<32x2048xi32>
    %lt3A_1525 = arith.cmpf olt, %select_n3A_1503, %select_n3A_1523 : vector<32x2048xf32>
    %eq3A_1526 = arith.cmpf oeq, %select_n3A_1503, %select_n3A_1523 : vector<32x2048xf32>
    %lt3A_1527 = arith.cmpi slt, %select_n3A_1504, %select_n3A_1524 : vector<32x2048xi32>
    %and3A_1528 = arith.andi %eq3A_1526, %lt3A_1527 : vector<32x2048xi1>
    %or3A_1529 = arith.ori %lt3A_1525, %and3A_1528 : vector<32x2048xi1>
    %xor3A_1530 = arith.xori %or3A_1529, %eq3A_1510 : vector<32x2048xi1>
    %xor3A_1531 = arith.xori %xor3A_1530, %eq3A_1359 : vector<32x2048xi1>
    %select_n3A_1532 = arith.select %xor3A_1531, %select_n3A_1503, %select_n3A_1523 : vector<32x2048xi1>, vector<32x2048xf32>
    %select_n3A_1533 = arith.select %xor3A_1531, %select_n3A_1504, %select_n3A_1524 : vector<32x2048xi1>, vector<32x2048xi32>
    %and3A_1534 = arith.constant 8 : i32
    %and3A_1535 = vector.broadcast %and3A_1534 : i32 to vector<32x2048xi32>
    %and3A_1536 = arith.andi %iota3A_2, %and3A_1535 : vector<32x2048xi32>
    %eq3A_1537 = arith.constant 0 : i32
    %eq3A_1538 = vector.broadcast %eq3A_1537 : i32 to vector<32x2048xi32>
    %eq3A_1539 = arith.cmpi eq, %and3A_1536, %eq3A_1538 : vector<32x2048xi32>
    %slice3A_1540 = vector.extract_strided_slice %select_n3A_1532 {offsets = [0, 8], sizes = [32, 2040], strides = [1, 1]} : vector<32x2048xf32> to vector<32x2040xf32>
    %slice3A_1541 = vector.extract_strided_slice %select_n3A_1532 {offsets = [0, 0], sizes = [32, 8], strides = [1, 1]} : vector<32x2048xf32> to vector<32x8xf32>
    %concatenate3A_1542 = tpu.concatenate %slice3A_1540, %slice3A_1541 in 1 : vector<32x2040xf32>, vector<32x8xf32> -> vector<32x2048xf32>
    %slice3A_1543 = vector.extract_strided_slice %select_n3A_1532 {offsets = [0, 2040], sizes = [32, 8], strides = [1, 1]} : vector<32x2048xf32> to vector<32x8xf32>
    %slice3A_1544 = vector.extract_strided_slice %select_n3A_1532 {offsets = [0, 0], sizes = [32, 2040], strides = [1, 1]} : vector<32x2048xf32> to vector<32x2040xf32>
    %concatenate3A_1545 = tpu.concatenate %slice3A_1543, %slice3A_1544 in 1 : vector<32x8xf32>, vector<32x2040xf32> -> vector<32x2048xf32>
    %slice3A_1546 = vector.extract_strided_slice %select_n3A_1533 {offsets = [0, 8], sizes = [32, 2040], strides = [1, 1]} : vector<32x2048xi32> to vector<32x2040xi32>
    %slice3A_1547 = vector.extract_strided_slice %select_n3A_1533 {offsets = [0, 0], sizes = [32, 8], strides = [1, 1]} : vector<32x2048xi32> to vector<32x8xi32>
    %concatenate3A_1548 = tpu.concatenate %slice3A_1546, %slice3A_1547 in 1 : vector<32x2040xi32>, vector<32x8xi32> -> vector<32x2048xi32>
    %slice3A_1549 = vector.extract_strided_slice %select_n3A_1533 {offsets = [0, 2040], sizes = [32, 8], strides = [1, 1]} : vector<32x2048xi32> to vector<32x8xi32>
    %slice3A_1550 = vector.extract_strided_slice %select_n3A_1533 {offsets = [0, 0], sizes = [32, 2040], strides = [1, 1]} : vector<32x2048xi32> to vector<32x2040xi32>
    %concatenate3A_1551 = tpu.concatenate %slice3A_1549, %slice3A_1550 in 1 : vector<32x8xi32>, vector<32x2040xi32> -> vector<32x2048xi32>
    %select_n3A_1552 = arith.select %eq3A_1539, %concatenate3A_1542, %concatenate3A_1545 : vector<32x2048xi1>, vector<32x2048xf32>
    %select_n3A_1553 = arith.select %eq3A_1539, %concatenate3A_1548, %concatenate3A_1551 : vector<32x2048xi1>, vector<32x2048xi32>
    %lt3A_1554 = arith.cmpf olt, %select_n3A_1532, %select_n3A_1552 : vector<32x2048xf32>
    %eq3A_1555 = arith.cmpf oeq, %select_n3A_1532, %select_n3A_1552 : vector<32x2048xf32>
    %lt3A_1556 = arith.cmpi slt, %select_n3A_1533, %select_n3A_1553 : vector<32x2048xi32>
    %and3A_1557 = arith.andi %eq3A_1555, %lt3A_1556 : vector<32x2048xi1>
    %or3A_1558 = arith.ori %lt3A_1554, %and3A_1557 : vector<32x2048xi1>
    %xor3A_1559 = arith.xori %or3A_1558, %eq3A_1539 : vector<32x2048xi1>
    %xor3A_1560 = arith.xori %xor3A_1559, %eq3A_1359 : vector<32x2048xi1>
    %select_n3A_1561 = arith.select %xor3A_1560, %select_n3A_1532, %select_n3A_1552 : vector<32x2048xi1>, vector<32x2048xf32>
    %select_n3A_1562 = arith.select %xor3A_1560, %select_n3A_1533, %select_n3A_1553 : vector<32x2048xi1>, vector<32x2048xi32>
    %and3A_1563 = arith.constant 4 : i32
    %and3A_1564 = vector.broadcast %and3A_1563 : i32 to vector<32x2048xi32>
    %and3A_1565 = arith.andi %iota3A_2, %and3A_1564 : vector<32x2048xi32>
    %eq3A_1566 = arith.constant 0 : i32
    %eq3A_1567 = vector.broadcast %eq3A_1566 : i32 to vector<32x2048xi32>
    %eq3A_1568 = arith.cmpi eq, %and3A_1565, %eq3A_1567 : vector<32x2048xi32>
    %slice3A_1569 = vector.extract_strided_slice %select_n3A_1561 {offsets = [0, 4], sizes = [32, 2044], strides = [1, 1]} : vector<32x2048xf32> to vector<32x2044xf32>
    %slice3A_1570 = vector.extract_strided_slice %select_n3A_1561 {offsets = [0, 0], sizes = [32, 4], strides = [1, 1]} : vector<32x2048xf32> to vector<32x4xf32>
    %concatenate3A_1571 = tpu.concatenate %slice3A_1569, %slice3A_1570 in 1 : vector<32x2044xf32>, vector<32x4xf32> -> vector<32x2048xf32>
    %slice3A_1572 = vector.extract_strided_slice %select_n3A_1561 {offsets = [0, 2044], sizes = [32, 4], strides = [1, 1]} : vector<32x2048xf32> to vector<32x4xf32>
    %slice3A_1573 = vector.extract_strided_slice %select_n3A_1561 {offsets = [0, 0], sizes = [32, 2044], strides = [1, 1]} : vector<32x2048xf32> to vector<32x2044xf32>
    %concatenate3A_1574 = tpu.concatenate %slice3A_1572, %slice3A_1573 in 1 : vector<32x4xf32>, vector<32x2044xf32> -> vector<32x2048xf32>
    %slice3A_1575 = vector.extract_strided_slice %select_n3A_1562 {offsets = [0, 4], sizes = [32, 2044], strides = [1, 1]} : vector<32x2048xi32> to vector<32x2044xi32>
    %slice3A_1576 = vector.extract_strided_slice %select_n3A_1562 {offsets = [0, 0], sizes = [32, 4], strides = [1, 1]} : vector<32x2048xi32> to vector<32x4xi32>
    %concatenate3A_1577 = tpu.concatenate %slice3A_1575, %slice3A_1576 in 1 : vector<32x2044xi32>, vector<32x4xi32> -> vector<32x2048xi32>
    %slice3A_1578 = vector.extract_strided_slice %select_n3A_1562 {offsets = [0, 2044], sizes = [32, 4], strides = [1, 1]} : vector<32x2048xi32> to vector<32x4xi32>
    %slice3A_1579 = vector.extract_strided_slice %select_n3A_1562 {offsets = [0, 0], sizes = [32, 2044], strides = [1, 1]} : vector<32x2048xi32> to vector<32x2044xi32>
    %concatenate3A_1580 = tpu.concatenate %slice3A_1578, %slice3A_1579 in 1 : vector<32x4xi32>, vector<32x2044xi32> -> vector<32x2048xi32>
    %select_n3A_1581 = arith.select %eq3A_1568, %concatenate3A_1571, %concatenate3A_1574 : vector<32x2048xi1>, vector<32x2048xf32>
    %select_n3A_1582 = arith.select %eq3A_1568, %concatenate3A_1577, %concatenate3A_1580 : vector<32x2048xi1>, vector<32x2048xi32>
    %lt3A_1583 = arith.cmpf olt, %select_n3A_1561, %select_n3A_1581 : vector<32x2048xf32>
    %eq3A_1584 = arith.cmpf oeq, %select_n3A_1561, %select_n3A_1581 : vector<32x2048xf32>
    %lt3A_1585 = arith.cmpi slt, %select_n3A_1562, %select_n3A_1582 : vector<32x2048xi32>
    %and3A_1586 = arith.andi %eq3A_1584, %lt3A_1585 : vector<32x2048xi1>
    %or3A_1587 = arith.ori %lt3A_1583, %and3A_1586 : vector<32x2048xi1>
    %xor3A_1588 = arith.xori %or3A_1587, %eq3A_1568 : vector<32x2048xi1>
    %xor3A_1589 = arith.xori %xor3A_1588, %eq3A_1359 : vector<32x2048xi1>
    %select_n3A_1590 = arith.select %xor3A_1589, %select_n3A_1561, %select_n3A_1581 : vector<32x2048xi1>, vector<32x2048xf32>
    %select_n3A_1591 = arith.select %xor3A_1589, %select_n3A_1562, %select_n3A_1582 : vector<32x2048xi1>, vector<32x2048xi32>
    %and3A_1592 = arith.constant 2 : i32
    %and3A_1593 = vector.broadcast %and3A_1592 : i32 to vector<32x2048xi32>
    %and3A_1594 = arith.andi %iota3A_2, %and3A_1593 : vector<32x2048xi32>
    %eq3A_1595 = arith.constant 0 : i32
    %eq3A_1596 = vector.broadcast %eq3A_1595 : i32 to vector<32x2048xi32>
    %eq3A_1597 = arith.cmpi eq, %and3A_1594, %eq3A_1596 : vector<32x2048xi32>
    %slice3A_1598 = vector.extract_strided_slice %select_n3A_1590 {offsets = [0, 2], sizes = [32, 2046], strides = [1, 1]} : vector<32x2048xf32> to vector<32x2046xf32>
    %slice3A_1599 = vector.extract_strided_slice %select_n3A_1590 {offsets = [0, 0], sizes = [32, 2], strides = [1, 1]} : vector<32x2048xf32> to vector<32x2xf32>
    %concatenate3A_1600 = tpu.concatenate %slice3A_1598, %slice3A_1599 in 1 : vector<32x2046xf32>, vector<32x2xf32> -> vector<32x2048xf32>
    %slice3A_1601 = vector.extract_strided_slice %select_n3A_1590 {offsets = [0, 2046], sizes = [32, 2], strides = [1, 1]} : vector<32x2048xf32> to vector<32x2xf32>
    %slice3A_1602 = vector.extract_strided_slice %select_n3A_1590 {offsets = [0, 0], sizes = [32, 2046], strides = [1, 1]} : vector<32x2048xf32> to vector<32x2046xf32>
    %concatenate3A_1603 = tpu.concatenate %slice3A_1601, %slice3A_1602 in 1 : vector<32x2xf32>, vector<32x2046xf32> -> vector<32x2048xf32>
    %slice3A_1604 = vector.extract_strided_slice %select_n3A_1591 {offsets = [0, 2], sizes = [32, 2046], strides = [1, 1]} : vector<32x2048xi32> to vector<32x2046xi32>
    %slice3A_1605 = vector.extract_strided_slice %select_n3A_1591 {offsets = [0, 0], sizes = [32, 2], strides = [1, 1]} : vector<32x2048xi32> to vector<32x2xi32>
    %concatenate3A_1606 = tpu.concatenate %slice3A_1604, %slice3A_1605 in 1 : vector<32x2046xi32>, vector<32x2xi32> -> vector<32x2048xi32>
    %slice3A_1607 = vector.extract_strided_slice %select_n3A_1591 {offsets = [0, 2046], sizes = [32, 2], strides = [1, 1]} : vector<32x2048xi32> to vector<32x2xi32>
    %slice3A_1608 = vector.extract_strided_slice %select_n3A_1591 {offsets = [0, 0], sizes = [32, 2046], strides = [1, 1]} : vector<32x2048xi32> to vector<32x2046xi32>
    %concatenate3A_1609 = tpu.concatenate %slice3A_1607, %slice3A_1608 in 1 : vector<32x2xi32>, vector<32x2046xi32> -> vector<32x2048xi32>
    %select_n3A_1610 = arith.select %eq3A_1597, %concatenate3A_1600, %concatenate3A_1603 : vector<32x2048xi1>, vector<32x2048xf32>
    %select_n3A_1611 = arith.select %eq3A_1597, %concatenate3A_1606, %concatenate3A_1609 : vector<32x2048xi1>, vector<32x2048xi32>
    %lt3A_1612 = arith.cmpf olt, %select_n3A_1590, %select_n3A_1610 : vector<32x2048xf32>
    %eq3A_1613 = arith.cmpf oeq, %select_n3A_1590, %select_n3A_1610 : vector<32x2048xf32>
    %lt3A_1614 = arith.cmpi slt, %select_n3A_1591, %select_n3A_1611 : vector<32x2048xi32>
    %and3A_1615 = arith.andi %eq3A_1613, %lt3A_1614 : vector<32x2048xi1>
    %or3A_1616 = arith.ori %lt3A_1612, %and3A_1615 : vector<32x2048xi1>
    %xor3A_1617 = arith.xori %or3A_1616, %eq3A_1597 : vector<32x2048xi1>
    %xor3A_1618 = arith.xori %xor3A_1617, %eq3A_1359 : vector<32x2048xi1>
    %select_n3A_1619 = arith.select %xor3A_1618, %select_n3A_1590, %select_n3A_1610 : vector<32x2048xi1>, vector<32x2048xf32>
    %select_n3A_1620 = arith.select %xor3A_1618, %select_n3A_1591, %select_n3A_1611 : vector<32x2048xi1>, vector<32x2048xi32>
    %and3A_1621 = arith.constant 1 : i32
    %and3A_1622 = vector.broadcast %and3A_1621 : i32 to vector<32x2048xi32>
    %and3A_1623 = arith.andi %iota3A_2, %and3A_1622 : vector<32x2048xi32>
    %eq3A_1624 = arith.constant 0 : i32
    %eq3A_1625 = vector.broadcast %eq3A_1624 : i32 to vector<32x2048xi32>
    %eq3A_1626 = arith.cmpi eq, %and3A_1623, %eq3A_1625 : vector<32x2048xi32>
    %slice3A_1627 = vector.extract_strided_slice %select_n3A_1619 {offsets = [0, 1], sizes = [32, 2047], strides = [1, 1]} : vector<32x2048xf32> to vector<32x2047xf32>
    %slice3A_1628 = vector.extract_strided_slice %select_n3A_1619 {offsets = [0, 0], sizes = [32, 1], strides = [1, 1]} : vector<32x2048xf32> to vector<32x1xf32>
    %concatenate3A_1629 = tpu.concatenate %slice3A_1627, %slice3A_1628 in 1 : vector<32x2047xf32>, vector<32x1xf32> -> vector<32x2048xf32>
    %slice3A_1630 = vector.extract_strided_slice %select_n3A_1619 {offsets = [0, 2047], sizes = [32, 1], strides = [1, 1]} : vector<32x2048xf32> to vector<32x1xf32>
    %slice3A_1631 = vector.extract_strided_slice %select_n3A_1619 {offsets = [0, 0], sizes = [32, 2047], strides = [1, 1]} : vector<32x2048xf32> to vector<32x2047xf32>
    %concatenate3A_1632 = tpu.concatenate %slice3A_1630, %slice3A_1631 in 1 : vector<32x1xf32>, vector<32x2047xf32> -> vector<32x2048xf32>
    %slice3A_1633 = vector.extract_strided_slice %select_n3A_1620 {offsets = [0, 1], sizes = [32, 2047], strides = [1, 1]} : vector<32x2048xi32> to vector<32x2047xi32>
    %slice3A_1634 = vector.extract_strided_slice %select_n3A_1620 {offsets = [0, 0], sizes = [32, 1], strides = [1, 1]} : vector<32x2048xi32> to vector<32x1xi32>
    %concatenate3A_1635 = tpu.concatenate %slice3A_1633, %slice3A_1634 in 1 : vector<32x2047xi32>, vector<32x1xi32> -> vector<32x2048xi32>
    %slice3A_1636 = vector.extract_strided_slice %select_n3A_1620 {offsets = [0, 2047], sizes = [32, 1], strides = [1, 1]} : vector<32x2048xi32> to vector<32x1xi32>
    %slice3A_1637 = vector.extract_strided_slice %select_n3A_1620 {offsets = [0, 0], sizes = [32, 2047], strides = [1, 1]} : vector<32x2048xi32> to vector<32x2047xi32>
    %concatenate3A_1638 = tpu.concatenate %slice3A_1636, %slice3A_1637 in 1 : vector<32x1xi32>, vector<32x2047xi32> -> vector<32x2048xi32>
    %select_n3A_1639 = arith.select %eq3A_1626, %concatenate3A_1629, %concatenate3A_1632 : vector<32x2048xi1>, vector<32x2048xf32>
    %select_n3A_1640 = arith.select %eq3A_1626, %concatenate3A_1635, %concatenate3A_1638 : vector<32x2048xi1>, vector<32x2048xi32>
    %lt3A_1641 = arith.cmpf olt, %select_n3A_1619, %select_n3A_1639 : vector<32x2048xf32>
    %eq3A_1642 = arith.cmpf oeq, %select_n3A_1619, %select_n3A_1639 : vector<32x2048xf32>
    %lt3A_1643 = arith.cmpi slt, %select_n3A_1620, %select_n3A_1640 : vector<32x2048xi32>
    %and3A_1644 = arith.andi %eq3A_1642, %lt3A_1643 : vector<32x2048xi1>
    %or3A_1645 = arith.ori %lt3A_1641, %and3A_1644 : vector<32x2048xi1>
    %xor3A_1646 = arith.xori %or3A_1645, %eq3A_1626 : vector<32x2048xi1>
    %xor3A_1647 = arith.xori %xor3A_1646, %eq3A_1359 : vector<32x2048xi1>
    %select_n3A_1648 = arith.select %xor3A_1647, %select_n3A_1619, %select_n3A_1639 : vector<32x2048xi1>, vector<32x2048xf32>
    %select_n3A_1649 = arith.select %xor3A_1647, %select_n3A_1620, %select_n3A_1640 : vector<32x2048xi1>, vector<32x2048xi32>
    %and3A_1650 = arith.constant 2048 : i32
    %and3A_1651 = vector.broadcast %and3A_1650 : i32 to vector<32x2048xi32>
    %and3A_1652 = arith.andi %iota3A_2, %and3A_1651 : vector<32x2048xi32>
    %eq3A_1653 = arith.constant 0 : i32
    %eq3A_1654 = vector.broadcast %eq3A_1653 : i32 to vector<32x2048xi32>
    %eq3A_1655 = arith.cmpi eq, %and3A_1652, %eq3A_1654 : vector<32x2048xi32>
    %and3A_1656 = arith.constant 1024 : i32
    %and3A_1657 = vector.broadcast %and3A_1656 : i32 to vector<32x2048xi32>
    %and3A_1658 = arith.andi %iota3A_2, %and3A_1657 : vector<32x2048xi32>
    %eq3A_1659 = arith.constant 0 : i32
    %eq3A_1660 = vector.broadcast %eq3A_1659 : i32 to vector<32x2048xi32>
    %eq3A_1661 = arith.cmpi eq, %and3A_1658, %eq3A_1660 : vector<32x2048xi32>
    %slice3A_1662 = vector.extract_strided_slice %select_n3A_1648 {offsets = [0, 1024], sizes = [32, 1024], strides = [1, 1]} : vector<32x2048xf32> to vector<32x1024xf32>
    %slice3A_1663 = vector.extract_strided_slice %select_n3A_1648 {offsets = [0, 0], sizes = [32, 1024], strides = [1, 1]} : vector<32x2048xf32> to vector<32x1024xf32>
    %concatenate3A_1664 = tpu.concatenate %slice3A_1662, %slice3A_1663 in 1 : vector<32x1024xf32>, vector<32x1024xf32> -> vector<32x2048xf32>
    %slice3A_1665 = vector.extract_strided_slice %select_n3A_1648 {offsets = [0, 1024], sizes = [32, 1024], strides = [1, 1]} : vector<32x2048xf32> to vector<32x1024xf32>
    %slice3A_1666 = vector.extract_strided_slice %select_n3A_1648 {offsets = [0, 0], sizes = [32, 1024], strides = [1, 1]} : vector<32x2048xf32> to vector<32x1024xf32>
    %concatenate3A_1667 = tpu.concatenate %slice3A_1665, %slice3A_1666 in 1 : vector<32x1024xf32>, vector<32x1024xf32> -> vector<32x2048xf32>
    %slice3A_1668 = vector.extract_strided_slice %select_n3A_1649 {offsets = [0, 1024], sizes = [32, 1024], strides = [1, 1]} : vector<32x2048xi32> to vector<32x1024xi32>
    %slice3A_1669 = vector.extract_strided_slice %select_n3A_1649 {offsets = [0, 0], sizes = [32, 1024], strides = [1, 1]} : vector<32x2048xi32> to vector<32x1024xi32>
    %concatenate3A_1670 = tpu.concatenate %slice3A_1668, %slice3A_1669 in 1 : vector<32x1024xi32>, vector<32x1024xi32> -> vector<32x2048xi32>
    %slice3A_1671 = vector.extract_strided_slice %select_n3A_1649 {offsets = [0, 1024], sizes = [32, 1024], strides = [1, 1]} : vector<32x2048xi32> to vector<32x1024xi32>
    %slice3A_1672 = vector.extract_strided_slice %select_n3A_1649 {offsets = [0, 0], sizes = [32, 1024], strides = [1, 1]} : vector<32x2048xi32> to vector<32x1024xi32>
    %concatenate3A_1673 = tpu.concatenate %slice3A_1671, %slice3A_1672 in 1 : vector<32x1024xi32>, vector<32x1024xi32> -> vector<32x2048xi32>
    %select_n3A_1674 = arith.select %eq3A_1661, %concatenate3A_1664, %concatenate3A_1667 : vector<32x2048xi1>, vector<32x2048xf32>
    %select_n3A_1675 = arith.select %eq3A_1661, %concatenate3A_1670, %concatenate3A_1673 : vector<32x2048xi1>, vector<32x2048xi32>
    %lt3A_1676 = arith.cmpf olt, %select_n3A_1648, %select_n3A_1674 : vector<32x2048xf32>
    %eq3A_1677 = arith.cmpf oeq, %select_n3A_1648, %select_n3A_1674 : vector<32x2048xf32>
    %lt3A_1678 = arith.cmpi slt, %select_n3A_1649, %select_n3A_1675 : vector<32x2048xi32>
    %and3A_1679 = arith.andi %eq3A_1677, %lt3A_1678 : vector<32x2048xi1>
    %or3A_1680 = arith.ori %lt3A_1676, %and3A_1679 : vector<32x2048xi1>
    %xor3A_1681 = arith.xori %or3A_1680, %eq3A_1661 : vector<32x2048xi1>
    %xor3A_1682 = arith.xori %xor3A_1681, %eq3A_1655 : vector<32x2048xi1>
    %select_n3A_1683 = arith.select %xor3A_1682, %select_n3A_1648, %select_n3A_1674 : vector<32x2048xi1>, vector<32x2048xf32>
    %select_n3A_1684 = arith.select %xor3A_1682, %select_n3A_1649, %select_n3A_1675 : vector<32x2048xi1>, vector<32x2048xi32>
    %and3A_1685 = arith.constant 512 : i32
    %and3A_1686 = vector.broadcast %and3A_1685 : i32 to vector<32x2048xi32>
    %and3A_1687 = arith.andi %iota3A_2, %and3A_1686 : vector<32x2048xi32>
    %eq3A_1688 = arith.constant 0 : i32
    %eq3A_1689 = vector.broadcast %eq3A_1688 : i32 to vector<32x2048xi32>
    %eq3A_1690 = arith.cmpi eq, %and3A_1687, %eq3A_1689 : vector<32x2048xi32>
    %slice3A_1691 = vector.extract_strided_slice %select_n3A_1683 {offsets = [0, 512], sizes = [32, 1536], strides = [1, 1]} : vector<32x2048xf32> to vector<32x1536xf32>
    %slice3A_1692 = vector.extract_strided_slice %select_n3A_1683 {offsets = [0, 0], sizes = [32, 512], strides = [1, 1]} : vector<32x2048xf32> to vector<32x512xf32>
    %concatenate3A_1693 = tpu.concatenate %slice3A_1691, %slice3A_1692 in 1 : vector<32x1536xf32>, vector<32x512xf32> -> vector<32x2048xf32>
    %slice3A_1694 = vector.extract_strided_slice %select_n3A_1683 {offsets = [0, 1536], sizes = [32, 512], strides = [1, 1]} : vector<32x2048xf32> to vector<32x512xf32>
    %slice3A_1695 = vector.extract_strided_slice %select_n3A_1683 {offsets = [0, 0], sizes = [32, 1536], strides = [1, 1]} : vector<32x2048xf32> to vector<32x1536xf32>
    %concatenate3A_1696 = tpu.concatenate %slice3A_1694, %slice3A_1695 in 1 : vector<32x512xf32>, vector<32x1536xf32> -> vector<32x2048xf32>
    %slice3A_1697 = vector.extract_strided_slice %select_n3A_1684 {offsets = [0, 512], sizes = [32, 1536], strides = [1, 1]} : vector<32x2048xi32> to vector<32x1536xi32>
    %slice3A_1698 = vector.extract_strided_slice %select_n3A_1684 {offsets = [0, 0], sizes = [32, 512], strides = [1, 1]} : vector<32x2048xi32> to vector<32x512xi32>
    %concatenate3A_1699 = tpu.concatenate %slice3A_1697, %slice3A_1698 in 1 : vector<32x1536xi32>, vector<32x512xi32> -> vector<32x2048xi32>
    %slice3A_1700 = vector.extract_strided_slice %select_n3A_1684 {offsets = [0, 1536], sizes = [32, 512], strides = [1, 1]} : vector<32x2048xi32> to vector<32x512xi32>
    %slice3A_1701 = vector.extract_strided_slice %select_n3A_1684 {offsets = [0, 0], sizes = [32, 1536], strides = [1, 1]} : vector<32x2048xi32> to vector<32x1536xi32>
    %concatenate3A_1702 = tpu.concatenate %slice3A_1700, %slice3A_1701 in 1 : vector<32x512xi32>, vector<32x1536xi32> -> vector<32x2048xi32>
    %select_n3A_1703 = arith.select %eq3A_1690, %concatenate3A_1693, %concatenate3A_1696 : vector<32x2048xi1>, vector<32x2048xf32>
    %select_n3A_1704 = arith.select %eq3A_1690, %concatenate3A_1699, %concatenate3A_1702 : vector<32x2048xi1>, vector<32x2048xi32>
    %lt3A_1705 = arith.cmpf olt, %select_n3A_1683, %select_n3A_1703 : vector<32x2048xf32>
    %eq3A_1706 = arith.cmpf oeq, %select_n3A_1683, %select_n3A_1703 : vector<32x2048xf32>
    %lt3A_1707 = arith.cmpi slt, %select_n3A_1684, %select_n3A_1704 : vector<32x2048xi32>
    %and3A_1708 = arith.andi %eq3A_1706, %lt3A_1707 : vector<32x2048xi1>
    %or3A_1709 = arith.ori %lt3A_1705, %and3A_1708 : vector<32x2048xi1>
    %xor3A_1710 = arith.xori %or3A_1709, %eq3A_1690 : vector<32x2048xi1>
    %xor3A_1711 = arith.xori %xor3A_1710, %eq3A_1655 : vector<32x2048xi1>
    %select_n3A_1712 = arith.select %xor3A_1711, %select_n3A_1683, %select_n3A_1703 : vector<32x2048xi1>, vector<32x2048xf32>
    %select_n3A_1713 = arith.select %xor3A_1711, %select_n3A_1684, %select_n3A_1704 : vector<32x2048xi1>, vector<32x2048xi32>
    %and3A_1714 = arith.constant 256 : i32
    %and3A_1715 = vector.broadcast %and3A_1714 : i32 to vector<32x2048xi32>
    %and3A_1716 = arith.andi %iota3A_2, %and3A_1715 : vector<32x2048xi32>
    %eq3A_1717 = arith.constant 0 : i32
    %eq3A_1718 = vector.broadcast %eq3A_1717 : i32 to vector<32x2048xi32>
    %eq3A_1719 = arith.cmpi eq, %and3A_1716, %eq3A_1718 : vector<32x2048xi32>
    %slice3A_1720 = vector.extract_strided_slice %select_n3A_1712 {offsets = [0, 256], sizes = [32, 1792], strides = [1, 1]} : vector<32x2048xf32> to vector<32x1792xf32>
    %slice3A_1721 = vector.extract_strided_slice %select_n3A_1712 {offsets = [0, 0], sizes = [32, 256], strides = [1, 1]} : vector<32x2048xf32> to vector<32x256xf32>
    %concatenate3A_1722 = tpu.concatenate %slice3A_1720, %slice3A_1721 in 1 : vector<32x1792xf32>, vector<32x256xf32> -> vector<32x2048xf32>
    %slice3A_1723 = vector.extract_strided_slice %select_n3A_1712 {offsets = [0, 1792], sizes = [32, 256], strides = [1, 1]} : vector<32x2048xf32> to vector<32x256xf32>
    %slice3A_1724 = vector.extract_strided_slice %select_n3A_1712 {offsets = [0, 0], sizes = [32, 1792], strides = [1, 1]} : vector<32x2048xf32> to vector<32x1792xf32>
    %concatenate3A_1725 = tpu.concatenate %slice3A_1723, %slice3A_1724 in 1 : vector<32x256xf32>, vector<32x1792xf32> -> vector<32x2048xf32>
    %slice3A_1726 = vector.extract_strided_slice %select_n3A_1713 {offsets = [0, 256], sizes = [32, 1792], strides = [1, 1]} : vector<32x2048xi32> to vector<32x1792xi32>
    %slice3A_1727 = vector.extract_strided_slice %select_n3A_1713 {offsets = [0, 0], sizes = [32, 256], strides = [1, 1]} : vector<32x2048xi32> to vector<32x256xi32>
    %concatenate3A_1728 = tpu.concatenate %slice3A_1726, %slice3A_1727 in 1 : vector<32x1792xi32>, vector<32x256xi32> -> vector<32x2048xi32>
    %slice3A_1729 = vector.extract_strided_slice %select_n3A_1713 {offsets = [0, 1792], sizes = [32, 256], strides = [1, 1]} : vector<32x2048xi32> to vector<32x256xi32>
    %slice3A_1730 = vector.extract_strided_slice %select_n3A_1713 {offsets = [0, 0], sizes = [32, 1792], strides = [1, 1]} : vector<32x2048xi32> to vector<32x1792xi32>
    %concatenate3A_1731 = tpu.concatenate %slice3A_1729, %slice3A_1730 in 1 : vector<32x256xi32>, vector<32x1792xi32> -> vector<32x2048xi32>
    %select_n3A_1732 = arith.select %eq3A_1719, %concatenate3A_1722, %concatenate3A_1725 : vector<32x2048xi1>, vector<32x2048xf32>
    %select_n3A_1733 = arith.select %eq3A_1719, %concatenate3A_1728, %concatenate3A_1731 : vector<32x2048xi1>, vector<32x2048xi32>
    %lt3A_1734 = arith.cmpf olt, %select_n3A_1712, %select_n3A_1732 : vector<32x2048xf32>
    %eq3A_1735 = arith.cmpf oeq, %select_n3A_1712, %select_n3A_1732 : vector<32x2048xf32>
    %lt3A_1736 = arith.cmpi slt, %select_n3A_1713, %select_n3A_1733 : vector<32x2048xi32>
    %and3A_1737 = arith.andi %eq3A_1735, %lt3A_1736 : vector<32x2048xi1>
    %or3A_1738 = arith.ori %lt3A_1734, %and3A_1737 : vector<32x2048xi1>
    %xor3A_1739 = arith.xori %or3A_1738, %eq3A_1719 : vector<32x2048xi1>
    %xor3A_1740 = arith.xori %xor3A_1739, %eq3A_1655 : vector<32x2048xi1>
    %select_n3A_1741 = arith.select %xor3A_1740, %select_n3A_1712, %select_n3A_1732 : vector<32x2048xi1>, vector<32x2048xf32>
    %select_n3A_1742 = arith.select %xor3A_1740, %select_n3A_1713, %select_n3A_1733 : vector<32x2048xi1>, vector<32x2048xi32>
    %and3A_1743 = arith.constant 128 : i32
    %and3A_1744 = vector.broadcast %and3A_1743 : i32 to vector<32x2048xi32>
    %and3A_1745 = arith.andi %iota3A_2, %and3A_1744 : vector<32x2048xi32>
    %eq3A_1746 = arith.constant 0 : i32
    %eq3A_1747 = vector.broadcast %eq3A_1746 : i32 to vector<32x2048xi32>
    %eq3A_1748 = arith.cmpi eq, %and3A_1745, %eq3A_1747 : vector<32x2048xi32>
    %slice3A_1749 = vector.extract_strided_slice %select_n3A_1741 {offsets = [0, 128], sizes = [32, 1920], strides = [1, 1]} : vector<32x2048xf32> to vector<32x1920xf32>
    %slice3A_1750 = vector.extract_strided_slice %select_n3A_1741 {offsets = [0, 0], sizes = [32, 128], strides = [1, 1]} : vector<32x2048xf32> to vector<32x128xf32>
    %concatenate3A_1751 = tpu.concatenate %slice3A_1749, %slice3A_1750 in 1 : vector<32x1920xf32>, vector<32x128xf32> -> vector<32x2048xf32>
    %slice3A_1752 = vector.extract_strided_slice %select_n3A_1741 {offsets = [0, 1920], sizes = [32, 128], strides = [1, 1]} : vector<32x2048xf32> to vector<32x128xf32>
    %slice3A_1753 = vector.extract_strided_slice %select_n3A_1741 {offsets = [0, 0], sizes = [32, 1920], strides = [1, 1]} : vector<32x2048xf32> to vector<32x1920xf32>
    %concatenate3A_1754 = tpu.concatenate %slice3A_1752, %slice3A_1753 in 1 : vector<32x128xf32>, vector<32x1920xf32> -> vector<32x2048xf32>
    %slice3A_1755 = vector.extract_strided_slice %select_n3A_1742 {offsets = [0, 128], sizes = [32, 1920], strides = [1, 1]} : vector<32x2048xi32> to vector<32x1920xi32>
    %slice3A_1756 = vector.extract_strided_slice %select_n3A_1742 {offsets = [0, 0], sizes = [32, 128], strides = [1, 1]} : vector<32x2048xi32> to vector<32x128xi32>
    %concatenate3A_1757 = tpu.concatenate %slice3A_1755, %slice3A_1756 in 1 : vector<32x1920xi32>, vector<32x128xi32> -> vector<32x2048xi32>
    %slice3A_1758 = vector.extract_strided_slice %select_n3A_1742 {offsets = [0, 1920], sizes = [32, 128], strides = [1, 1]} : vector<32x2048xi32> to vector<32x128xi32>
    %slice3A_1759 = vector.extract_strided_slice %select_n3A_1742 {offsets = [0, 0], sizes = [32, 1920], strides = [1, 1]} : vector<32x2048xi32> to vector<32x1920xi32>
    %concatenate3A_1760 = tpu.concatenate %slice3A_1758, %slice3A_1759 in 1 : vector<32x128xi32>, vector<32x1920xi32> -> vector<32x2048xi32>
    %select_n3A_1761 = arith.select %eq3A_1748, %concatenate3A_1751, %concatenate3A_1754 : vector<32x2048xi1>, vector<32x2048xf32>
    %select_n3A_1762 = arith.select %eq3A_1748, %concatenate3A_1757, %concatenate3A_1760 : vector<32x2048xi1>, vector<32x2048xi32>
    %lt3A_1763 = arith.cmpf olt, %select_n3A_1741, %select_n3A_1761 : vector<32x2048xf32>
    %eq3A_1764 = arith.cmpf oeq, %select_n3A_1741, %select_n3A_1761 : vector<32x2048xf32>
    %lt3A_1765 = arith.cmpi slt, %select_n3A_1742, %select_n3A_1762 : vector<32x2048xi32>
    %and3A_1766 = arith.andi %eq3A_1764, %lt3A_1765 : vector<32x2048xi1>
    %or3A_1767 = arith.ori %lt3A_1763, %and3A_1766 : vector<32x2048xi1>
    %xor3A_1768 = arith.xori %or3A_1767, %eq3A_1748 : vector<32x2048xi1>
    %xor3A_1769 = arith.xori %xor3A_1768, %eq3A_1655 : vector<32x2048xi1>
    %select_n3A_1770 = arith.select %xor3A_1769, %select_n3A_1741, %select_n3A_1761 : vector<32x2048xi1>, vector<32x2048xf32>
    %select_n3A_1771 = arith.select %xor3A_1769, %select_n3A_1742, %select_n3A_1762 : vector<32x2048xi1>, vector<32x2048xi32>
    %and3A_1772 = arith.constant 64 : i32
    %and3A_1773 = vector.broadcast %and3A_1772 : i32 to vector<32x2048xi32>
    %and3A_1774 = arith.andi %iota3A_2, %and3A_1773 : vector<32x2048xi32>
    %eq3A_1775 = arith.constant 0 : i32
    %eq3A_1776 = vector.broadcast %eq3A_1775 : i32 to vector<32x2048xi32>
    %eq3A_1777 = arith.cmpi eq, %and3A_1774, %eq3A_1776 : vector<32x2048xi32>
    %slice3A_1778 = vector.extract_strided_slice %select_n3A_1770 {offsets = [0, 64], sizes = [32, 1984], strides = [1, 1]} : vector<32x2048xf32> to vector<32x1984xf32>
    %slice3A_1779 = vector.extract_strided_slice %select_n3A_1770 {offsets = [0, 0], sizes = [32, 64], strides = [1, 1]} : vector<32x2048xf32> to vector<32x64xf32>
    %concatenate3A_1780 = tpu.concatenate %slice3A_1778, %slice3A_1779 in 1 : vector<32x1984xf32>, vector<32x64xf32> -> vector<32x2048xf32>
    %slice3A_1781 = vector.extract_strided_slice %select_n3A_1770 {offsets = [0, 1984], sizes = [32, 64], strides = [1, 1]} : vector<32x2048xf32> to vector<32x64xf32>
    %slice3A_1782 = vector.extract_strided_slice %select_n3A_1770 {offsets = [0, 0], sizes = [32, 1984], strides = [1, 1]} : vector<32x2048xf32> to vector<32x1984xf32>
    %concatenate3A_1783 = tpu.concatenate %slice3A_1781, %slice3A_1782 in 1 : vector<32x64xf32>, vector<32x1984xf32> -> vector<32x2048xf32>
    %slice3A_1784 = vector.extract_strided_slice %select_n3A_1771 {offsets = [0, 64], sizes = [32, 1984], strides = [1, 1]} : vector<32x2048xi32> to vector<32x1984xi32>
    %slice3A_1785 = vector.extract_strided_slice %select_n3A_1771 {offsets = [0, 0], sizes = [32, 64], strides = [1, 1]} : vector<32x2048xi32> to vector<32x64xi32>
    %concatenate3A_1786 = tpu.concatenate %slice3A_1784, %slice3A_1785 in 1 : vector<32x1984xi32>, vector<32x64xi32> -> vector<32x2048xi32>
    %slice3A_1787 = vector.extract_strided_slice %select_n3A_1771 {offsets = [0, 1984], sizes = [32, 64], strides = [1, 1]} : vector<32x2048xi32> to vector<32x64xi32>
    %slice3A_1788 = vector.extract_strided_slice %select_n3A_1771 {offsets = [0, 0], sizes = [32, 1984], strides = [1, 1]} : vector<32x2048xi32> to vector<32x1984xi32>
    %concatenate3A_1789 = tpu.concatenate %slice3A_1787, %slice3A_1788 in 1 : vector<32x64xi32>, vector<32x1984xi32> -> vector<32x2048xi32>
    %select_n3A_1790 = arith.select %eq3A_1777, %concatenate3A_1780, %concatenate3A_1783 : vector<32x2048xi1>, vector<32x2048xf32>
    %select_n3A_1791 = arith.select %eq3A_1777, %concatenate3A_1786, %concatenate3A_1789 : vector<32x2048xi1>, vector<32x2048xi32>
    %lt3A_1792 = arith.cmpf olt, %select_n3A_1770, %select_n3A_1790 : vector<32x2048xf32>
    %eq3A_1793 = arith.cmpf oeq, %select_n3A_1770, %select_n3A_1790 : vector<32x2048xf32>
    %lt3A_1794 = arith.cmpi slt, %select_n3A_1771, %select_n3A_1791 : vector<32x2048xi32>
    %and3A_1795 = arith.andi %eq3A_1793, %lt3A_1794 : vector<32x2048xi1>
    %or3A_1796 = arith.ori %lt3A_1792, %and3A_1795 : vector<32x2048xi1>
    %xor3A_1797 = arith.xori %or3A_1796, %eq3A_1777 : vector<32x2048xi1>
    %xor3A_1798 = arith.xori %xor3A_1797, %eq3A_1655 : vector<32x2048xi1>
    %select_n3A_1799 = arith.select %xor3A_1798, %select_n3A_1770, %select_n3A_1790 : vector<32x2048xi1>, vector<32x2048xf32>
    %select_n3A_1800 = arith.select %xor3A_1798, %select_n3A_1771, %select_n3A_1791 : vector<32x2048xi1>, vector<32x2048xi32>
    %and3A_1801 = arith.constant 32 : i32
    %and3A_1802 = vector.broadcast %and3A_1801 : i32 to vector<32x2048xi32>
    %and3A_1803 = arith.andi %iota3A_2, %and3A_1802 : vector<32x2048xi32>
    %eq3A_1804 = arith.constant 0 : i32
    %eq3A_1805 = vector.broadcast %eq3A_1804 : i32 to vector<32x2048xi32>
    %eq3A_1806 = arith.cmpi eq, %and3A_1803, %eq3A_1805 : vector<32x2048xi32>
    %slice3A_1807 = vector.extract_strided_slice %select_n3A_1799 {offsets = [0, 32], sizes = [32, 2016], strides = [1, 1]} : vector<32x2048xf32> to vector<32x2016xf32>
    %slice3A_1808 = vector.extract_strided_slice %select_n3A_1799 {offsets = [0, 0], sizes = [32, 32], strides = [1, 1]} : vector<32x2048xf32> to vector<32x32xf32>
    %concatenate3A_1809 = tpu.concatenate %slice3A_1807, %slice3A_1808 in 1 : vector<32x2016xf32>, vector<32x32xf32> -> vector<32x2048xf32>
    %slice3A_1810 = vector.extract_strided_slice %select_n3A_1799 {offsets = [0, 2016], sizes = [32, 32], strides = [1, 1]} : vector<32x2048xf32> to vector<32x32xf32>
    %slice3A_1811 = vector.extract_strided_slice %select_n3A_1799 {offsets = [0, 0], sizes = [32, 2016], strides = [1, 1]} : vector<32x2048xf32> to vector<32x2016xf32>
    %concatenate3A_1812 = tpu.concatenate %slice3A_1810, %slice3A_1811 in 1 : vector<32x32xf32>, vector<32x2016xf32> -> vector<32x2048xf32>
    %slice3A_1813 = vector.extract_strided_slice %select_n3A_1800 {offsets = [0, 32], sizes = [32, 2016], strides = [1, 1]} : vector<32x2048xi32> to vector<32x2016xi32>
    %slice3A_1814 = vector.extract_strided_slice %select_n3A_1800 {offsets = [0, 0], sizes = [32, 32], strides = [1, 1]} : vector<32x2048xi32> to vector<32x32xi32>
    %concatenate3A_1815 = tpu.concatenate %slice3A_1813, %slice3A_1814 in 1 : vector<32x2016xi32>, vector<32x32xi32> -> vector<32x2048xi32>
    %slice3A_1816 = vector.extract_strided_slice %select_n3A_1800 {offsets = [0, 2016], sizes = [32, 32], strides = [1, 1]} : vector<32x2048xi32> to vector<32x32xi32>
    %slice3A_1817 = vector.extract_strided_slice %select_n3A_1800 {offsets = [0, 0], sizes = [32, 2016], strides = [1, 1]} : vector<32x2048xi32> to vector<32x2016xi32>
    %concatenate3A_1818 = tpu.concatenate %slice3A_1816, %slice3A_1817 in 1 : vector<32x32xi32>, vector<32x2016xi32> -> vector<32x2048xi32>
    %select_n3A_1819 = arith.select %eq3A_1806, %concatenate3A_1809, %concatenate3A_1812 : vector<32x2048xi1>, vector<32x2048xf32>
    %select_n3A_1820 = arith.select %eq3A_1806, %concatenate3A_1815, %concatenate3A_1818 : vector<32x2048xi1>, vector<32x2048xi32>
    %lt3A_1821 = arith.cmpf olt, %select_n3A_1799, %select_n3A_1819 : vector<32x2048xf32>
    %eq3A_1822 = arith.cmpf oeq, %select_n3A_1799, %select_n3A_1819 : vector<32x2048xf32>
    %lt3A_1823 = arith.cmpi slt, %select_n3A_1800, %select_n3A_1820 : vector<32x2048xi32>
    %and3A_1824 = arith.andi %eq3A_1822, %lt3A_1823 : vector<32x2048xi1>
    %or3A_1825 = arith.ori %lt3A_1821, %and3A_1824 : vector<32x2048xi1>
    %xor3A_1826 = arith.xori %or3A_1825, %eq3A_1806 : vector<32x2048xi1>
    %xor3A_1827 = arith.xori %xor3A_1826, %eq3A_1655 : vector<32x2048xi1>
    %select_n3A_1828 = arith.select %xor3A_1827, %select_n3A_1799, %select_n3A_1819 : vector<32x2048xi1>, vector<32x2048xf32>
    %select_n3A_1829 = arith.select %xor3A_1827, %select_n3A_1800, %select_n3A_1820 : vector<32x2048xi1>, vector<32x2048xi32>
    %and3A_1830 = arith.constant 16 : i32
    %and3A_1831 = vector.broadcast %and3A_1830 : i32 to vector<32x2048xi32>
    %and3A_1832 = arith.andi %iota3A_2, %and3A_1831 : vector<32x2048xi32>
    %eq3A_1833 = arith.constant 0 : i32
    %eq3A_1834 = vector.broadcast %eq3A_1833 : i32 to vector<32x2048xi32>
    %eq3A_1835 = arith.cmpi eq, %and3A_1832, %eq3A_1834 : vector<32x2048xi32>
    %slice3A_1836 = vector.extract_strided_slice %select_n3A_1828 {offsets = [0, 16], sizes = [32, 2032], strides = [1, 1]} : vector<32x2048xf32> to vector<32x2032xf32>
    %slice3A_1837 = vector.extract_strided_slice %select_n3A_1828 {offsets = [0, 0], sizes = [32, 16], strides = [1, 1]} : vector<32x2048xf32> to vector<32x16xf32>
    %concatenate3A_1838 = tpu.concatenate %slice3A_1836, %slice3A_1837 in 1 : vector<32x2032xf32>, vector<32x16xf32> -> vector<32x2048xf32>
    %slice3A_1839 = vector.extract_strided_slice %select_n3A_1828 {offsets = [0, 2032], sizes = [32, 16], strides = [1, 1]} : vector<32x2048xf32> to vector<32x16xf32>
    %slice3A_1840 = vector.extract_strided_slice %select_n3A_1828 {offsets = [0, 0], sizes = [32, 2032], strides = [1, 1]} : vector<32x2048xf32> to vector<32x2032xf32>
    %concatenate3A_1841 = tpu.concatenate %slice3A_1839, %slice3A_1840 in 1 : vector<32x16xf32>, vector<32x2032xf32> -> vector<32x2048xf32>
    %slice3A_1842 = vector.extract_strided_slice %select_n3A_1829 {offsets = [0, 16], sizes = [32, 2032], strides = [1, 1]} : vector<32x2048xi32> to vector<32x2032xi32>
    %slice3A_1843 = vector.extract_strided_slice %select_n3A_1829 {offsets = [0, 0], sizes = [32, 16], strides = [1, 1]} : vector<32x2048xi32> to vector<32x16xi32>
    %concatenate3A_1844 = tpu.concatenate %slice3A_1842, %slice3A_1843 in 1 : vector<32x2032xi32>, vector<32x16xi32> -> vector<32x2048xi32>
    %slice3A_1845 = vector.extract_strided_slice %select_n3A_1829 {offsets = [0, 2032], sizes = [32, 16], strides = [1, 1]} : vector<32x2048xi32> to vector<32x16xi32>
    %slice3A_1846 = vector.extract_strided_slice %select_n3A_1829 {offsets = [0, 0], sizes = [32, 2032], strides = [1, 1]} : vector<32x2048xi32> to vector<32x2032xi32>
    %concatenate3A_1847 = tpu.concatenate %slice3A_1845, %slice3A_1846 in 1 : vector<32x16xi32>, vector<32x2032xi32> -> vector<32x2048xi32>
    %select_n3A_1848 = arith.select %eq3A_1835, %concatenate3A_1838, %concatenate3A_1841 : vector<32x2048xi1>, vector<32x2048xf32>
    %select_n3A_1849 = arith.select %eq3A_1835, %concatenate3A_1844, %concatenate3A_1847 : vector<32x2048xi1>, vector<32x2048xi32>
    %lt3A_1850 = arith.cmpf olt, %select_n3A_1828, %select_n3A_1848 : vector<32x2048xf32>
    %eq3A_1851 = arith.cmpf oeq, %select_n3A_1828, %select_n3A_1848 : vector<32x2048xf32>
    %lt3A_1852 = arith.cmpi slt, %select_n3A_1829, %select_n3A_1849 : vector<32x2048xi32>
    %and3A_1853 = arith.andi %eq3A_1851, %lt3A_1852 : vector<32x2048xi1>
    %or3A_1854 = arith.ori %lt3A_1850, %and3A_1853 : vector<32x2048xi1>
    %xor3A_1855 = arith.xori %or3A_1854, %eq3A_1835 : vector<32x2048xi1>
    %xor3A_1856 = arith.xori %xor3A_1855, %eq3A_1655 : vector<32x2048xi1>
    %select_n3A_1857 = arith.select %xor3A_1856, %select_n3A_1828, %select_n3A_1848 : vector<32x2048xi1>, vector<32x2048xf32>
    %select_n3A_1858 = arith.select %xor3A_1856, %select_n3A_1829, %select_n3A_1849 : vector<32x2048xi1>, vector<32x2048xi32>
    %and3A_1859 = arith.constant 8 : i32
    %and3A_1860 = vector.broadcast %and3A_1859 : i32 to vector<32x2048xi32>
    %and3A_1861 = arith.andi %iota3A_2, %and3A_1860 : vector<32x2048xi32>
    %eq3A_1862 = arith.constant 0 : i32
    %eq3A_1863 = vector.broadcast %eq3A_1862 : i32 to vector<32x2048xi32>
    %eq3A_1864 = arith.cmpi eq, %and3A_1861, %eq3A_1863 : vector<32x2048xi32>
    %slice3A_1865 = vector.extract_strided_slice %select_n3A_1857 {offsets = [0, 8], sizes = [32, 2040], strides = [1, 1]} : vector<32x2048xf32> to vector<32x2040xf32>
    %slice3A_1866 = vector.extract_strided_slice %select_n3A_1857 {offsets = [0, 0], sizes = [32, 8], strides = [1, 1]} : vector<32x2048xf32> to vector<32x8xf32>
    %concatenate3A_1867 = tpu.concatenate %slice3A_1865, %slice3A_1866 in 1 : vector<32x2040xf32>, vector<32x8xf32> -> vector<32x2048xf32>
    %slice3A_1868 = vector.extract_strided_slice %select_n3A_1857 {offsets = [0, 2040], sizes = [32, 8], strides = [1, 1]} : vector<32x2048xf32> to vector<32x8xf32>
    %slice3A_1869 = vector.extract_strided_slice %select_n3A_1857 {offsets = [0, 0], sizes = [32, 2040], strides = [1, 1]} : vector<32x2048xf32> to vector<32x2040xf32>
    %concatenate3A_1870 = tpu.concatenate %slice3A_1868, %slice3A_1869 in 1 : vector<32x8xf32>, vector<32x2040xf32> -> vector<32x2048xf32>
    %slice3A_1871 = vector.extract_strided_slice %select_n3A_1858 {offsets = [0, 8], sizes = [32, 2040], strides = [1, 1]} : vector<32x2048xi32> to vector<32x2040xi32>
    %slice3A_1872 = vector.extract_strided_slice %select_n3A_1858 {offsets = [0, 0], sizes = [32, 8], strides = [1, 1]} : vector<32x2048xi32> to vector<32x8xi32>
    %concatenate3A_1873 = tpu.concatenate %slice3A_1871, %slice3A_1872 in 1 : vector<32x2040xi32>, vector<32x8xi32> -> vector<32x2048xi32>
    %slice3A_1874 = vector.extract_strided_slice %select_n3A_1858 {offsets = [0, 2040], sizes = [32, 8], strides = [1, 1]} : vector<32x2048xi32> to vector<32x8xi32>
    %slice3A_1875 = vector.extract_strided_slice %select_n3A_1858 {offsets = [0, 0], sizes = [32, 2040], strides = [1, 1]} : vector<32x2048xi32> to vector<32x2040xi32>
    %concatenate3A_1876 = tpu.concatenate %slice3A_1874, %slice3A_1875 in 1 : vector<32x8xi32>, vector<32x2040xi32> -> vector<32x2048xi32>
    %select_n3A_1877 = arith.select %eq3A_1864, %concatenate3A_1867, %concatenate3A_1870 : vector<32x2048xi1>, vector<32x2048xf32>
    %select_n3A_1878 = arith.select %eq3A_1864, %concatenate3A_1873, %concatenate3A_1876 : vector<32x2048xi1>, vector<32x2048xi32>
    %lt3A_1879 = arith.cmpf olt, %select_n3A_1857, %select_n3A_1877 : vector<32x2048xf32>
    %eq3A_1880 = arith.cmpf oeq, %select_n3A_1857, %select_n3A_1877 : vector<32x2048xf32>
    %lt3A_1881 = arith.cmpi slt, %select_n3A_1858, %select_n3A_1878 : vector<32x2048xi32>
    %and3A_1882 = arith.andi %eq3A_1880, %lt3A_1881 : vector<32x2048xi1>
    %or3A_1883 = arith.ori %lt3A_1879, %and3A_1882 : vector<32x2048xi1>
    %xor3A_1884 = arith.xori %or3A_1883, %eq3A_1864 : vector<32x2048xi1>
    %xor3A_1885 = arith.xori %xor3A_1884, %eq3A_1655 : vector<32x2048xi1>
    %select_n3A_1886 = arith.select %xor3A_1885, %select_n3A_1857, %select_n3A_1877 : vector<32x2048xi1>, vector<32x2048xf32>
    %select_n3A_1887 = arith.select %xor3A_1885, %select_n3A_1858, %select_n3A_1878 : vector<32x2048xi1>, vector<32x2048xi32>
    %and3A_1888 = arith.constant 4 : i32
    %and3A_1889 = vector.broadcast %and3A_1888 : i32 to vector<32x2048xi32>
    %and3A_1890 = arith.andi %iota3A_2, %and3A_1889 : vector<32x2048xi32>
    %eq3A_1891 = arith.constant 0 : i32
    %eq3A_1892 = vector.broadcast %eq3A_1891 : i32 to vector<32x2048xi32>
    %eq3A_1893 = arith.cmpi eq, %and3A_1890, %eq3A_1892 : vector<32x2048xi32>
    %slice3A_1894 = vector.extract_strided_slice %select_n3A_1886 {offsets = [0, 4], sizes = [32, 2044], strides = [1, 1]} : vector<32x2048xf32> to vector<32x2044xf32>
    %slice3A_1895 = vector.extract_strided_slice %select_n3A_1886 {offsets = [0, 0], sizes = [32, 4], strides = [1, 1]} : vector<32x2048xf32> to vector<32x4xf32>
    %concatenate3A_1896 = tpu.concatenate %slice3A_1894, %slice3A_1895 in 1 : vector<32x2044xf32>, vector<32x4xf32> -> vector<32x2048xf32>
    %slice3A_1897 = vector.extract_strided_slice %select_n3A_1886 {offsets = [0, 2044], sizes = [32, 4], strides = [1, 1]} : vector<32x2048xf32> to vector<32x4xf32>
    %slice3A_1898 = vector.extract_strided_slice %select_n3A_1886 {offsets = [0, 0], sizes = [32, 2044], strides = [1, 1]} : vector<32x2048xf32> to vector<32x2044xf32>
    %concatenate3A_1899 = tpu.concatenate %slice3A_1897, %slice3A_1898 in 1 : vector<32x4xf32>, vector<32x2044xf32> -> vector<32x2048xf32>
    %slice3A_1900 = vector.extract_strided_slice %select_n3A_1887 {offsets = [0, 4], sizes = [32, 2044], strides = [1, 1]} : vector<32x2048xi32> to vector<32x2044xi32>
    %slice3A_1901 = vector.extract_strided_slice %select_n3A_1887 {offsets = [0, 0], sizes = [32, 4], strides = [1, 1]} : vector<32x2048xi32> to vector<32x4xi32>
    %concatenate3A_1902 = tpu.concatenate %slice3A_1900, %slice3A_1901 in 1 : vector<32x2044xi32>, vector<32x4xi32> -> vector<32x2048xi32>
    %slice3A_1903 = vector.extract_strided_slice %select_n3A_1887 {offsets = [0, 2044], sizes = [32, 4], strides = [1, 1]} : vector<32x2048xi32> to vector<32x4xi32>
    %slice3A_1904 = vector.extract_strided_slice %select_n3A_1887 {offsets = [0, 0], sizes = [32, 2044], strides = [1, 1]} : vector<32x2048xi32> to vector<32x2044xi32>
    %concatenate3A_1905 = tpu.concatenate %slice3A_1903, %slice3A_1904 in 1 : vector<32x4xi32>, vector<32x2044xi32> -> vector<32x2048xi32>
    %select_n3A_1906 = arith.select %eq3A_1893, %concatenate3A_1896, %concatenate3A_1899 : vector<32x2048xi1>, vector<32x2048xf32>
    %select_n3A_1907 = arith.select %eq3A_1893, %concatenate3A_1902, %concatenate3A_1905 : vector<32x2048xi1>, vector<32x2048xi32>
    %lt3A_1908 = arith.cmpf olt, %select_n3A_1886, %select_n3A_1906 : vector<32x2048xf32>
    %eq3A_1909 = arith.cmpf oeq, %select_n3A_1886, %select_n3A_1906 : vector<32x2048xf32>
    %lt3A_1910 = arith.cmpi slt, %select_n3A_1887, %select_n3A_1907 : vector<32x2048xi32>
    %and3A_1911 = arith.andi %eq3A_1909, %lt3A_1910 : vector<32x2048xi1>
    %or3A_1912 = arith.ori %lt3A_1908, %and3A_1911 : vector<32x2048xi1>
    %xor3A_1913 = arith.xori %or3A_1912, %eq3A_1893 : vector<32x2048xi1>
    %xor3A_1914 = arith.xori %xor3A_1913, %eq3A_1655 : vector<32x2048xi1>
    %select_n3A_1915 = arith.select %xor3A_1914, %select_n3A_1886, %select_n3A_1906 : vector<32x2048xi1>, vector<32x2048xf32>
    %select_n3A_1916 = arith.select %xor3A_1914, %select_n3A_1887, %select_n3A_1907 : vector<32x2048xi1>, vector<32x2048xi32>
    %and3A_1917 = arith.constant 2 : i32
    %and3A_1918 = vector.broadcast %and3A_1917 : i32 to vector<32x2048xi32>
    %and3A_1919 = arith.andi %iota3A_2, %and3A_1918 : vector<32x2048xi32>
    %eq3A_1920 = arith.constant 0 : i32
    %eq3A_1921 = vector.broadcast %eq3A_1920 : i32 to vector<32x2048xi32>
    %eq3A_1922 = arith.cmpi eq, %and3A_1919, %eq3A_1921 : vector<32x2048xi32>
    %slice3A_1923 = vector.extract_strided_slice %select_n3A_1915 {offsets = [0, 2], sizes = [32, 2046], strides = [1, 1]} : vector<32x2048xf32> to vector<32x2046xf32>
    %slice3A_1924 = vector.extract_strided_slice %select_n3A_1915 {offsets = [0, 0], sizes = [32, 2], strides = [1, 1]} : vector<32x2048xf32> to vector<32x2xf32>
    %concatenate3A_1925 = tpu.concatenate %slice3A_1923, %slice3A_1924 in 1 : vector<32x2046xf32>, vector<32x2xf32> -> vector<32x2048xf32>
    %slice3A_1926 = vector.extract_strided_slice %select_n3A_1915 {offsets = [0, 2046], sizes = [32, 2], strides = [1, 1]} : vector<32x2048xf32> to vector<32x2xf32>
    %slice3A_1927 = vector.extract_strided_slice %select_n3A_1915 {offsets = [0, 0], sizes = [32, 2046], strides = [1, 1]} : vector<32x2048xf32> to vector<32x2046xf32>
    %concatenate3A_1928 = tpu.concatenate %slice3A_1926, %slice3A_1927 in 1 : vector<32x2xf32>, vector<32x2046xf32> -> vector<32x2048xf32>
    %slice3A_1929 = vector.extract_strided_slice %select_n3A_1916 {offsets = [0, 2], sizes = [32, 2046], strides = [1, 1]} : vector<32x2048xi32> to vector<32x2046xi32>
    %slice3A_1930 = vector.extract_strided_slice %select_n3A_1916 {offsets = [0, 0], sizes = [32, 2], strides = [1, 1]} : vector<32x2048xi32> to vector<32x2xi32>
    %concatenate3A_1931 = tpu.concatenate %slice3A_1929, %slice3A_1930 in 1 : vector<32x2046xi32>, vector<32x2xi32> -> vector<32x2048xi32>
    %slice3A_1932 = vector.extract_strided_slice %select_n3A_1916 {offsets = [0, 2046], sizes = [32, 2], strides = [1, 1]} : vector<32x2048xi32> to vector<32x2xi32>
    %slice3A_1933 = vector.extract_strided_slice %select_n3A_1916 {offsets = [0, 0], sizes = [32, 2046], strides = [1, 1]} : vector<32x2048xi32> to vector<32x2046xi32>
    %concatenate3A_1934 = tpu.concatenate %slice3A_1932, %slice3A_1933 in 1 : vector<32x2xi32>, vector<32x2046xi32> -> vector<32x2048xi32>
    %select_n3A_1935 = arith.select %eq3A_1922, %concatenate3A_1925, %concatenate3A_1928 : vector<32x2048xi1>, vector<32x2048xf32>
    %select_n3A_1936 = arith.select %eq3A_1922, %concatenate3A_1931, %concatenate3A_1934 : vector<32x2048xi1>, vector<32x2048xi32>
    %lt3A_1937 = arith.cmpf olt, %select_n3A_1915, %select_n3A_1935 : vector<32x2048xf32>
    %eq3A_1938 = arith.cmpf oeq, %select_n3A_1915, %select_n3A_1935 : vector<32x2048xf32>
    %lt3A_1939 = arith.cmpi slt, %select_n3A_1916, %select_n3A_1936 : vector<32x2048xi32>
    %and3A_1940 = arith.andi %eq3A_1938, %lt3A_1939 : vector<32x2048xi1>
    %or3A_1941 = arith.ori %lt3A_1937, %and3A_1940 : vector<32x2048xi1>
    %xor3A_1942 = arith.xori %or3A_1941, %eq3A_1922 : vector<32x2048xi1>
    %xor3A_1943 = arith.xori %xor3A_1942, %eq3A_1655 : vector<32x2048xi1>
    %select_n3A_1944 = arith.select %xor3A_1943, %select_n3A_1915, %select_n3A_1935 : vector<32x2048xi1>, vector<32x2048xf32>
    %select_n3A_1945 = arith.select %xor3A_1943, %select_n3A_1916, %select_n3A_1936 : vector<32x2048xi1>, vector<32x2048xi32>
    %and3A_1946 = arith.constant 1 : i32
    %and3A_1947 = vector.broadcast %and3A_1946 : i32 to vector<32x2048xi32>
    %and3A_1948 = arith.andi %iota3A_2, %and3A_1947 : vector<32x2048xi32>
    %eq3A_1949 = arith.constant 0 : i32
    %eq3A_1950 = vector.broadcast %eq3A_1949 : i32 to vector<32x2048xi32>
    %eq3A_1951 = arith.cmpi eq, %and3A_1948, %eq3A_1950 : vector<32x2048xi32>
    %slice3A_1952 = vector.extract_strided_slice %select_n3A_1944 {offsets = [0, 1], sizes = [32, 2047], strides = [1, 1]} : vector<32x2048xf32> to vector<32x2047xf32>
    %slice3A_1953 = vector.extract_strided_slice %select_n3A_1944 {offsets = [0, 0], sizes = [32, 1], strides = [1, 1]} : vector<32x2048xf32> to vector<32x1xf32>
    %concatenate3A_1954 = tpu.concatenate %slice3A_1952, %slice3A_1953 in 1 : vector<32x2047xf32>, vector<32x1xf32> -> vector<32x2048xf32>
    %slice3A_1955 = vector.extract_strided_slice %select_n3A_1944 {offsets = [0, 2047], sizes = [32, 1], strides = [1, 1]} : vector<32x2048xf32> to vector<32x1xf32>
    %slice3A_1956 = vector.extract_strided_slice %select_n3A_1944 {offsets = [0, 0], sizes = [32, 2047], strides = [1, 1]} : vector<32x2048xf32> to vector<32x2047xf32>
    %concatenate3A_1957 = tpu.concatenate %slice3A_1955, %slice3A_1956 in 1 : vector<32x1xf32>, vector<32x2047xf32> -> vector<32x2048xf32>
    %slice3A_1958 = vector.extract_strided_slice %select_n3A_1945 {offsets = [0, 1], sizes = [32, 2047], strides = [1, 1]} : vector<32x2048xi32> to vector<32x2047xi32>
    %slice3A_1959 = vector.extract_strided_slice %select_n3A_1945 {offsets = [0, 0], sizes = [32, 1], strides = [1, 1]} : vector<32x2048xi32> to vector<32x1xi32>
    %concatenate3A_1960 = tpu.concatenate %slice3A_1958, %slice3A_1959 in 1 : vector<32x2047xi32>, vector<32x1xi32> -> vector<32x2048xi32>
    %slice3A_1961 = vector.extract_strided_slice %select_n3A_1945 {offsets = [0, 2047], sizes = [32, 1], strides = [1, 1]} : vector<32x2048xi32> to vector<32x1xi32>
    %slice3A_1962 = vector.extract_strided_slice %select_n3A_1945 {offsets = [0, 0], sizes = [32, 2047], strides = [1, 1]} : vector<32x2048xi32> to vector<32x2047xi32>
    %concatenate3A_1963 = tpu.concatenate %slice3A_1961, %slice3A_1962 in 1 : vector<32x1xi32>, vector<32x2047xi32> -> vector<32x2048xi32>
    %select_n3A_1964 = arith.select %eq3A_1951, %concatenate3A_1954, %concatenate3A_1957 : vector<32x2048xi1>, vector<32x2048xf32>
    %select_n3A_1965 = arith.select %eq3A_1951, %concatenate3A_1960, %concatenate3A_1963 : vector<32x2048xi1>, vector<32x2048xi32>
    %lt3A_1966 = arith.cmpf olt, %select_n3A_1944, %select_n3A_1964 : vector<32x2048xf32>
    %eq3A_1967 = arith.cmpf oeq, %select_n3A_1944, %select_n3A_1964 : vector<32x2048xf32>
    %lt3A_1968 = arith.cmpi slt, %select_n3A_1945, %select_n3A_1965 : vector<32x2048xi32>
    %and3A_1969 = arith.andi %eq3A_1967, %lt3A_1968 : vector<32x2048xi1>
    %or3A_1970 = arith.ori %lt3A_1966, %and3A_1969 : vector<32x2048xi1>
    %xor3A_1971 = arith.xori %or3A_1970, %eq3A_1951 : vector<32x2048xi1>
    %xor3A_1972 = arith.xori %xor3A_1971, %eq3A_1655 : vector<32x2048xi1>
    %select_n3A_1973 = arith.select %xor3A_1972, %select_n3A_1945, %select_n3A_1965 : vector<32x2048xi1>, vector<32x2048xi32>
    %swap3A = arith.constant 0 : index
    %swap3A_1974 = arith.constant 0 : index
    %swap3A_1975 = vector.load %arg2[%swap3A, %swap3A_1974] : memref<32x2048xi32, #tpu.memory_space<vmem>>, vector<32x2048xi32>
    tpu.vector_store %arg2[%swap3A, %swap3A_1974], %select_n3A_1973 {strides = array<i32>} : memref<32x2048xi32, #tpu.memory_space<vmem>>, vector<32x2048xi32>,
    return
  }
  func.func @transform_0(%arg0: i32) -> (i32, i32) {
    %c0_i32 = arith.constant 0 : i32
    %c0_i32_0 = arith.constant 0 : i32
    return %arg0, %c0_i32 : i32, i32
  }
  func.func @transform_1(%arg0: i32) -> (i32, i32) {
    %c0_i32 = arith.constant 0 : i32
    %c0_i32_0 = arith.constant 0 : i32
    return %arg0, %c0_i32 : i32, i32
  }
}

module attributes {stable_mosaic.version = 14 : i64} {
  func.func @_attn_blocks_kernel(%arg0: i32, %arg1: memref<1x16x128x128xf32, #tpu.memory_space<vmem>>, %arg2: memref<1x16x128x128xf32, #tpu.memory_space<vmem>>, %arg3: memref<1x16x128x128xf32, #tpu.memory_space<vmem>>) attributes {dimension_semantics = [#tpu.dimension_semantics<arbitrary>], iteration_bounds = array<i64: 128>, scalar_prefetch = 0 : i64, scratch_operands = 0 : i64, tpu.core_type = #tpu.core_type<tc>, window_params = [{transform_indices = @transform_0, window_bounds = array<i64: 1, 16, 128, 128>}, {transform_indices = @transform_1, window_bounds = array<i64: 1, 16, 128, 128>}, {transform_indices = @transform_2, window_bounds = array<i64: 1, 16, 128, 128>}]} {
    %get3A = arith.constant 0 : index
    %get3A_0 = arith.constant 0 : index
    %get3A_1 = arith.constant 0 : index
    %get3A_2 = arith.constant 0 : index
    %get3A_3 = vector.load %arg1[%get3A, %get3A_0, %get3A_1, %get3A_2] : memref<1x16x128x128xf32, #tpu.memory_space<vmem>>, vector<1x16x128x128xf32>
    %get3A_4 = vector.shape_cast %get3A_3 : vector<1x16x128x128xf32> to vector<16x128x128xf32>
    %slice3A = vector.extract_strided_slice %get3A_4 {offsets = [0, 0, 0], sizes = [16, 128, 64], strides = [1, 1, 1]} : vector<16x128x128xf32> to vector<16x128x64xf32>
    %get3A_5 = arith.constant 0 : index
    %get3A_6 = arith.constant 0 : index
    %get3A_7 = arith.constant 0 : index
    %get3A_8 = arith.constant 0 : index
    %get3A_9 = vector.load %arg2[%get3A_5, %get3A_6, %get3A_7, %get3A_8] : memref<1x16x128x128xf32, #tpu.memory_space<vmem>>, vector<1x16x128x128xf32>
    %get3A_10 = vector.shape_cast %get3A_9 : vector<1x16x128x128xf32> to vector<16x128x128xf32>
    %slice3A_11 = vector.extract_strided_slice %get3A_10 {offsets = [0, 0, 0], sizes = [16, 128, 64], strides = [1, 1, 1]} : vector<16x128x128xf32> to vector<16x128x64xf32>
    %get3A_12 = arith.constant 0 : index
    %get3A_13 = arith.constant 0 : index
    %get3A_14 = arith.constant 0 : index
    %get3A_15 = arith.constant 0 : index
    %get3A_16 = vector.load %arg2[%get3A_12, %get3A_13, %get3A_14, %get3A_15] : memref<1x16x128x128xf32, #tpu.memory_space<vmem>>, vector<1x16x128x128xf32>
    %get3A_17 = vector.shape_cast %get3A_16 : vector<1x16x128x128xf32> to vector<16x128x128xf32>
    %slice3A_18 = vector.extract_strided_slice %get3A_17 {offsets = [0, 0, 64], sizes = [16, 128, 64], strides = [1, 1, 1]} : vector<16x128x128xf32> to vector<16x128x64xf32>
    %dot_general3A = arith.constant dense<0.000000e+00> : vector<16x128x128xf32>
    %dot_general3A_19 = tpu.matmul %slice3A, %slice3A_11, %dot_general3A {dimension_numbers = #tpu.dot_dimension_numbers<[2], [2], [1], [1], [0, 0, 0, 1, 1, 1], [0], [0]>, transpose_lhs_hint = false} : vector<16x128x64xf32>, vector<16x128x64xf32>, vector<16x128x128xf32> -> vector<16x128x128xf32>
    %reduce_max3A = arith.constant dense<0xFF800000> : vector<16x128xf32>
    %reduce_max3A_20 = vector.multi_reduction <maximumf>, %dot_general3A_19, %reduce_max3A [2] : vector<16x128x128xf32> to vector<16x128xf32>
    %broadcast_in_dim3A = vector.shape_cast %reduce_max3A_20 : vector<16x128xf32> to vector<16x128x1xf32>
    %sub3A = vector.broadcast %broadcast_in_dim3A : vector<16x128x1xf32> to vector<16x128x128xf32>
    %sub3A_21 = arith.subf %dot_general3A_19, %sub3A : vector<16x128x128xf32>
    %exp3A = math.exp %sub3A_21 : vector<16x128x128xf32>
    %reduce_sum3A = arith.constant dense<0.000000e+00> : vector<16x128xf32>
    %reduce_sum3A_22 = vector.multi_reduction <add>, %exp3A, %reduce_sum3A [2] : vector<16x128x128xf32> to vector<16x128xf32>
    %broadcast_in_dim3A_23 = vector.shape_cast %reduce_sum3A_22 : vector<16x128xf32> to vector<16x128x1xf32>
    %div3A = vector.broadcast %broadcast_in_dim3A_23 : vector<16x128x1xf32> to vector<16x128x128xf32>
    %div3A_24 = arith.divf %exp3A, %div3A : vector<16x128x128xf32>
    %dot_general3A_25 = arith.constant dense<0.000000e+00> : vector<16x128x64xf32>
    %dot_general3A_26 = tpu.matmul %div3A_24, %slice3A_18, %dot_general3A_25 {dimension_numbers = #tpu.dot_dimension_numbers<[2], [1], [1], [2], [0, 0, 0, 1, 1, 2], [0], [0]>, transpose_lhs_hint = false} : vector<16x128x128xf32>, vector<16x128x64xf32>, vector<16x128x64xf32> -> vector<16x128x64xf32>
    %log3A = math.log %broadcast_in_dim3A_23 : vector<16x128x1xf32>
    %add3A = arith.addf %broadcast_in_dim3A, %log3A : vector<16x128x1xf32>
    %broadcast_in_dim3A_27 = vector.shape_cast %add3A : vector<16x128x1xf32> to vector<16x128x1xf32>
    %broadcast_in_dim3A_28 = vector.broadcast %broadcast_in_dim3A_27 : vector<16x128x1xf32> to vector<16x128x64xf32>
    %concatenate3A = tpu.concatenate %dot_general3A_26, %broadcast_in_dim3A_28 in 2 : vector<16x128x64xf32>, vector<16x128x64xf32> -> vector<16x128x128xf32>
    %swap3A = arith.constant 0 : index
    %swap3A_29 = arith.constant 0 : index
    %swap3A_30 = arith.constant 0 : index
    %swap3A_31 = arith.constant 0 : index
    %swap3A_32 = vector.load %arg3[%swap3A, %swap3A_29, %swap3A_30, %swap3A_31] : memref<1x16x128x128xf32, #tpu.memory_space<vmem>>, vector<1x16x128x128xf32>
    %swap3A_33 = vector.shape_cast %swap3A_32 : vector<1x16x128x128xf32> to vector<16x128x128xf32>
    %swap3A_34 = vector.shape_cast %concatenate3A : vector<16x128x128xf32> to vector<1x16x128x128xf32>
    tpu.vector_store %arg3[%swap3A, %swap3A_29, %swap3A_30, %swap3A_31], %swap3A_34 {strides = array<i32>} : memref<1x16x128x128xf32, #tpu.memory_space<vmem>>, vector<1x16x128x128xf32>,
    return
  }
  func.func @transform_0(%arg0: i32) -> (i32, i32, i32, i32) {
    %c0_i32 = arith.constant 0 : i32
    %c0_i32_0 = arith.constant 0 : i32
    %c0_i32_1 = arith.constant 0 : i32
    %c0_i32_2 = arith.constant 0 : i32
    return %arg0, %c0_i32, %c0_i32_0, %c0_i32_1 : i32, i32, i32, i32
  }
  func.func @transform_1(%arg0: i32) -> (i32, i32, i32, i32) {
    %c0_i32 = arith.constant 0 : i32
    %c0_i32_0 = arith.constant 0 : i32
    %c0_i32_1 = arith.constant 0 : i32
    %c0_i32_2 = arith.constant 0 : i32
    return %arg0, %c0_i32, %c0_i32_0, %c0_i32_1 : i32, i32, i32, i32
  }
  func.func @transform_2(%arg0: i32) -> (i32, i32, i32, i32) {
    %c0_i32 = arith.constant 0 : i32
    %c0_i32_0 = arith.constant 0 : i32
    %c0_i32_1 = arith.constant 0 : i32
    %c0_i32_2 = arith.constant 0 : i32
    return %arg0, %c0_i32, %c0_i32_0, %c0_i32_1 : i32, i32, i32, i32
  }
}

module attributes {stable_mosaic.version = 14 : i64} {
  func.func @_combine_kernel(%arg0: i32, %arg1: memref<4x1x2048x128xf32, #tpu.memory_space<vmem>>, %arg2: memref<4x1x2048x128xf32, #tpu.memory_space<vmem>>, %arg3: memref<1x2048x64xf32, #tpu.memory_space<vmem>>) attributes {dimension_semantics = [#tpu.dimension_semantics<arbitrary>], iteration_bounds = array<i64: 32>, scalar_prefetch = 0 : i64, scratch_operands = 0 : i64, tpu.core_type = #tpu.core_type<tc>, window_params = [{transform_indices = @transform_0, window_bounds = array<i64: 4, 1, 2048, 128>}, {transform_indices = @transform_1, window_bounds = array<i64: 4, 1, 2048, 128>}, {transform_indices = @transform_2, window_bounds = array<i64: 1, 2048, 64>}]} {
    %get3A = arith.constant 0 : index
    %get3A_0 = arith.constant 0 : index
    %get3A_1 = arith.constant 0 : index
    %get3A_2 = arith.constant 0 : index
    %get3A_3 = vector.load %arg1[%get3A, %get3A_0, %get3A_1, %get3A_2] : memref<4x1x2048x128xf32, #tpu.memory_space<vmem>>, vector<4x1x2048x128xf32>
    %get3A_4 = vector.shape_cast %get3A_3 : vector<4x1x2048x128xf32> to vector<4x2048x128xf32>
    %get3A_5 = arith.constant 0 : index
    %get3A_6 = arith.constant 0 : index
    %get3A_7 = arith.constant 0 : index
    %get3A_8 = arith.constant 0 : index
    %get3A_9 = vector.load %arg2[%get3A_5, %get3A_6, %get3A_7, %get3A_8] : memref<4x1x2048x128xf32, #tpu.memory_space<vmem>>, vector<4x1x2048x128xf32>
    %get3A_10 = vector.shape_cast %get3A_9 : vector<4x1x2048x128xf32> to vector<4x2048x128xf32>
    %concatenate3A = tpu.concatenate %get3A_4, %get3A_10 in 0 : vector<4x2048x128xf32>, vector<4x2048x128xf32> -> vector<8x2048x128xf32>
    %slice3A = vector.extract_strided_slice %concatenate3A {offsets = [0, 0, 0], sizes = [8, 2048, 64], strides = [1, 1, 1]} : vector<8x2048x128xf32> to vector<8x2048x64xf32>
    %slice3A_11 = vector.extract_strided_slice %concatenate3A {offsets = [0, 0, 64], sizes = [8, 2048, 1], strides = [1, 1, 1]} : vector<8x2048x128xf32> to vector<8x2048x1xf32>
    %squeeze3A = vector.shape_cast %slice3A_11 : vector<8x2048x1xf32> to vector<8x2048xf32>
    %reduce_max3A = arith.constant dense<0xFF800000> : vector<2048xf32>
    %reduce_max3A_12 = vector.multi_reduction <maximumf>, %squeeze3A, %reduce_max3A [0] : vector<8x2048xf32> to vector<2048xf32>
    %broadcast_in_dim3A = vector.shape_cast %reduce_max3A_12 : vector<2048xf32> to vector<1x2048xf32>
    %sub3A = vector.broadcast %broadcast_in_dim3A : vector<1x2048xf32> to vector<8x2048xf32>
    %sub3A_13 = arith.subf %squeeze3A, %sub3A : vector<8x2048xf32>
    %exp3A = math.exp %sub3A_13 : vector<8x2048xf32>
    %reduce_sum3A = arith.constant dense<0.000000e+00> : vector<2048xf32>
    %reduce_sum3A_14 = vector.multi_reduction <add>, %exp3A, %reduce_sum3A [0] : vector<8x2048xf32> to vector<2048xf32>
    %broadcast_in_dim3A_15 = vector.shape_cast %exp3A : vector<8x2048xf32> to vector<8x2048x1xf32>
    %mul3A = vector.broadcast %broadcast_in_dim3A_15 : vector<8x2048x1xf32> to vector<8x2048x64xf32>
    %mul3A_16 = arith.mulf %mul3A, %slice3A : vector<8x2048x64xf32>
    %reduce_sum3A_17 = arith.constant dense<0.000000e+00> : vector<2048x64xf32>
    %reduce_sum3A_18 = vector.multi_reduction <add>, %mul3A_16, %reduce_sum3A_17 [0] : vector<8x2048x64xf32> to vector<2048x64xf32>
    %broadcast_in_dim3A_19 = vector.shape_cast %reduce_sum3A_14 : vector<2048xf32> to vector<2048x1xf32>
    %div3A = vector.broadcast %broadcast_in_dim3A_19 : vector<2048x1xf32> to vector<2048x64xf32>
    %div3A_20 = arith.divf %reduce_sum3A_18, %div3A : vector<2048x64xf32>
    %swap3A = arith.constant 0 : index
    %swap3A_21 = arith.constant 0 : index
    %swap3A_22 = arith.constant 0 : index
    %swap3A_23 = vector.load %arg3[%swap3A, %swap3A_21, %swap3A_22] : memref<1x2048x64xf32, #tpu.memory_space<vmem>>, vector<1x2048x64xf32>
    %swap3A_24 = vector.shape_cast %swap3A_23 : vector<1x2048x64xf32> to vector<2048x64xf32>
    %swap3A_25 = vector.shape_cast %div3A_20 : vector<2048x64xf32> to vector<1x2048x64xf32>
    tpu.vector_store %arg3[%swap3A, %swap3A_21, %swap3A_22], %swap3A_25 {strides = array<i32>} : memref<1x2048x64xf32, #tpu.memory_space<vmem>>, vector<1x2048x64xf32>,
    return
  }
  func.func @transform_0(%arg0: i32) -> (i32, i32, i32, i32) {
    %c0_i32 = arith.constant 0 : i32
    %c0_i32_0 = arith.constant 0 : i32
    %c0_i32_1 = arith.constant 0 : i32
    %c0_i32_2 = arith.constant 0 : i32
    return %c0_i32, %arg0, %c0_i32_0, %c0_i32_1 : i32, i32, i32, i32
  }
  func.func @transform_1(%arg0: i32) -> (i32, i32, i32, i32) {
    %c0_i32 = arith.constant 0 : i32
    %c0_i32_0 = arith.constant 0 : i32
    %c0_i32_1 = arith.constant 0 : i32
    %c0_i32_2 = arith.constant 0 : i32
    return %c0_i32, %arg0, %c0_i32_0, %c0_i32_1 : i32, i32, i32, i32
  }
  func.func @transform_2(%arg0: i32) -> (i32, i32, i32) {
    %c0_i32 = arith.constant 0 : i32
    %c0_i32_0 = arith.constant 0 : i32
    %c0_i32_1 = arith.constant 0 : i32
    return %arg0, %c0_i32, %c0_i32_0 : i32, i32, i32
  }
}

</mosaic_0001>

<sc_bundles>
// kernel: kernel.15.cloned.1.call-start
scs
__scs_entry_jumppad:
0x0: {  	(pc) =	sbr.rel $0x88, $3  }
0x1: {  	(tag) =	ssettag $0x0;
	lr =	simm.s32 $0x1  }
0x2: {  	[smem:$0x3F9E] =	sst lr;
	_ =	strace $0xD0000000  }
0x3: {  	_ = 	snop  }
0x4: {  	_ = 	snop  }
0x5: {  	_ = 	snop  }
0x6: {  	_ = 	snop  }
0x7: {  	_ = 	snop  }
__scs_overlays_trampoline_lowered:
0x8: {  	[smem:$0x3FAD] =	sst s0  }
0x9: {  	[smem:$0x3FAE] =	sst s1  }
0xa: {  	[smem:$0x3FAF] =	sst s2  }
0xb: {  	[smem:$0x3FB0] =	sst s3  }
0xc: {  	[smem:$0x3FB1] =	sst s4  }
0xd: {  	[smem:$0x3FB2] =	sst s5  }
0xe: {  	[smem:$0x3FB3] =	sst s6  }
0xf: {  	[smem:$0x3FB4] =	sst s7  }
0x10: {  	[smem:$0x3FB5] =	sst s8  }
0x11: {  	[smem:$0x3FB6] =	sst s9;
	s0 =	simm.s32 @!p0 $0x0  }
0x12: {  	s1 =	sld [smem:$0x3F9C];
	s0 =	simm.s32 @p0 $0x1  }
0x13: {  	[smem:$0x3FB7] =	sst s0;
	s0 =	simm.s32 @!p1 $0x0  }
0x14: {  	s2 =	sld [smem:$0x3F9B];
	s0 =	simm.s32 @p1 $0x1  }
0x15: {  	[smem:$0x3FB8] =	sst s0;
	s0 =	simm.s32 @!p2 $0x0  }
0x16: {  	s3 =	sld [smem:$0x3FDB];
	s0 =	simm.s32 @p2 $0x1  }
0x17: {  	s4 =	simm.s32 $0x1BF5;
	[smem:$0x3FBA] =	sst s0  }
0x18: {  	s0 =	sld [smem:$0x3F9D];
	_ =	swait.ge [sflag:s4], $0x0  }
0x19: {  	s7 =	sld [smem:$0x3F9E]  }
0x1a: {  	s8 =	sadd.s32 $0xFFFFE003, lr  }
0x1b: {  	s9 =	sadd.s32 $0xFFFFFEF7, lr;
	s5 =	simm.s32 $0xFFFFFFFF;
	p2 =	slt.u32 s8, $0xFFFFF086  }
0x1c: {  	p1 =	slt.u32 s9, $0xF7A;
	s5 =	simm.s32 @!p2 $0x0  }
0x1d: {  	s5 =	simm.s32 @p1 $0x1;
	p0 =	seq.s32 s7, s2  }
0x1e: {  	s7 =	smul.u32 @!p0 $0xF7A, s2;
	p2 =	seq.s32 @!p0 s5, $0x0  }
0x1f: {  	s9 =	smul.u32 $0xF7A, s1;
	s8 =	simm.s32 @!p0 $0x1BF5;
	p2 =	por !p2, p0  }
0x20: {  	[sflag:s8] =	ssyncset.s32 @!p0 $0xFFFFF086;
	s6 =	sadd.s32 @!p0 s3, s7;
	s7 =	simm.s32 @!p0 $0x108  }
0x21: {  	s3 =	sadd.s32 s3, s9;
	s6 =	sadd.s32 @!p0 $0x88, s6;
	s7 =	simm.s32 @p2 $0x1082  }
0x22: {  	[simem:s7], [sflag:s8] =	dma.local @!p0 [hbm:s6], $0xF7A  }
0x23: {  	s9 =	sor.u32 $0xD0000000, s2;
	s6 =	simm.s32 $0x108;
	_ =	swait.ge @!p0 [sflag:s8], $0x0  }
0x24: {  	s3 =	sadd.s32 $0x88, s3;
	s6 =	simm.s32 @!p1 $0x1082;
	[sflag:s4] =	ssyncset.s32 $0xFFFFF086  }
0x25: {  	[simem:s6], [sflag:s4] =	dma.local [hbm:s3], $0xF7A  }
0x26: {  	[smem:$0x3F9E] =	sst s1;
	(tag) =	ssettag s2;
	_ =	strace s9  }
0x27: {  	s1 =	sld [smem:$0x3FAE]  }
0x28: {  	s2 =	sld [smem:$0x3FAF]  }
0x29: {  	s4 =	sld [smem:$0x3FB1]  }
0x2a: {  	p0 =	seq.s32 s5, $0x0;
	s5 =	sld [smem:$0x3FB2]  }
0x2b: {  	s6 =	sld [smem:$0x3FB3]  }
0x2c: {  	s7 =	sld [smem:$0x3FB4]  }
0x2d: {  	s3 =	simm.s32 $0x108;
	s8 =	sld [smem:$0x3FB5]  }
0x2e: {  	s3 =	simm.s32 @!p0 $0x1082;
	s9 =	sld [smem:$0x3FB6]  }
0x2f: {  	lr =	sadd.s32 s0, s3;
	s0 =	sld [smem:$0x3FAD]  }
0x30: {  	s3 =	sld [smem:$0x3FB0]  }
0x31: {  	[smem:$0x3FB9] =	sst s10  }
0x32: {  	s10 =	sld [smem:$0x3FB7];
	_ =	sdelay $0x3  }
0x33: {  	p0 =	seq.s32 s10, $0x1;
	s10 =	sld [smem:$0x3FB9];
	_ =	sdelay $0x3  }
0x34: {  	[smem:$0x3FB9] =	sst s10  }
0x35: {  	s10 =	sld [smem:$0x3FB8];
	_ =	sdelay $0x3  }
0x36: {  	p1 =	seq.s32 s10, $0x1;
	s10 =	sld [smem:$0x3FB9];
	_ =	sdelay $0x3  }
0x37: {  	[smem:$0x3FB9] =	sst s10  }
0x38: {  	s10 =	sld [smem:$0x3FBA]  }
0x39: {  	_ = 	snop;
	(pc) =	sbr.ind lr, $3  }
0x3a: {  	_ = 	snop  }
0x3b: {  	_ = 	snop  }
0x3c: {  	p2 =	seq.s32 s10, $0x1;
	s10 =	sld [smem:$0x3FB9]  }
0x3d: {  	_ =	shalt  }
0x3e: {  	_ =	shalt  }
0x3f: {  	_ =	shalt  }
0x40: {  	_ =	shalt  }
0x41: {  	_ =	shalt  }
0x42: {  	_ =	shalt  }
0x43: {  	_ =	shalt  }
0x44: {  	_ =	shalt  }
0x45: {  	_ =	shalt  }
0x46: {  	_ =	shalt  }
0x47: {  	_ =	shalt  }
0x48: {  	_ =	shalt  }
0x49: {  	_ =	shalt  }
0x4a: {  	_ =	shalt  }
0x4b: {  	_ =	shalt  }
0x4c: {  	_ =	shalt  }
0x4d: {  	_ =	shalt  }
0x4e: {  	_ =	shalt  }
0x4f: {  	_ =	shalt  }
0x50: {  	_ =	shalt  }
0x51: {  	_ =	shalt  }
0x52: {  	_ =	shalt  }
0x53: {  	_ =	shalt  }
0x54: {  	_ =	shalt  }
0x55: {  	_ =	shalt  }
0x56: {  	_ =	shalt  }
0x57: {  	_ =	shalt  }
0x58: {  	_ =	shalt  }
0x59: {  	_ =	shalt  }
0x5a: {  	_ =	shalt  }
0x5b: {  	_ =	shalt  }
0x5c: {  	_ =	shalt  }
0x5d: {  	_ =	shalt  }
0x5e: {  	_ =	shalt  }
0x5f: {  	_ =	shalt  }
0x60: {  	_ =	shalt  }
0x61: {  	_ =	shalt  }
0x62: {  	_ =	shalt  }
0x63: {  	_ =	shalt  }
0x64: {  	_ =	shalt  }
0x65: {  	_ =	shalt  }
0x66: {  	_ =	shalt  }
0x67: {  	_ =	shalt  }
0x68: {  	_ =	shalt  }
0x69: {  	_ =	shalt  }
0x6a: {  	_ =	shalt  }
0x6b: {  	_ =	shalt  }
0x6c: {  	_ =	shalt  }
0x6d: {  	_ =	shalt  }
0x6e: {  	_ =	shalt  }
0x6f: {  	_ =	shalt  }
0x70: {  	_ =	shalt  }
0x71: {  	_ =	shalt  }
0x72: {  	_ =	shalt  }
0x73: {  	_ =	shalt  }
0x74: {  	_ =	shalt  }
0x75: {  	_ =	shalt  }
0x76: {  	_ =	shalt  }
0x77: {  	_ =	shalt  }
0x78: {  	_ =	shalt  }
0x79: {  	_ =	shalt  }
0x7a: {  	_ =	shalt  }
0x7b: {  	_ =	shalt  }
0x7c: {  	_ =	shalt  }
0x7d: {  	_ =	shalt  }
0x7e: {  	_ =	shalt  }
0x7f: {  	_ =	shalt  }
0x80: {  	_ =	shalt  }
0x81: {  	_ =	shalt  }
0x82: {  	_ =	shalt  }
0x83: {  	_ =	shalt  }
0x84: {  	_ =	shalt  }
0x85: {  	_ =	shalt  }
0x86: {  	_ =	shalt  }
0x87: {  	_ =	shalt  }
.Lfunc_end0:
.L_simem_size_0:
called_computation.1_lowered:
.L_overlay_start_0:
0x88: {  	s2 =	sld [smem:$0x3FD9]  }
0x89: {  	s3 =	sld [smem:$0x3FFE];
	_ =	sdelay $0x1  }
0x8a: {  	s1 =	srdreg.scid  }
0x8b: {  	s0 =	sand.u32 $0x1, s1  }
0x8c: {  	s17 =	sshll.u32 s0, $0xA;
	s2 =	sadd.s32 s3, s2  }
0x8d: {  	s2 =	sadd.s32 s2, s17  }
0x8e: {  	[smem:$0x3FC5] =	sst s2  }
0x8f: {  	_ = 	snop  }
0x90: {  	(tm) =	ssettm $0x1  }
0x91: {  	s18 =	sld [smem:$0x3FFB];
	_ =	sdelay $0x3  }
0x92: {  	_ =	strace s18  }
0x93: {  	s2 =	sld [smem:$0x3FFC];
	_ =	sdelay $0x3  }
0x94: {  	_ =	strace s2  }
0x95: {  	s2 =	sld [smem:$0x3FFD];
	_ =	sdelay $0x3  }
0x96: {  	_ =	strace s2  }
0x97: {  	_ =	strace $0x8FFFFFFF  }
0x98: {  	s19 =	sld [smem:$0x3FDB];
	_ =	sdelay $0x1  }
0x99: {  	s20 =	simm.s32 $_scs_section_size  }
0x9a: {  	s4 =	simm.s32 $_size__tile_overlayer_lowered;
	s5 =	simm.s32 $_tile_overlayer_lowered  }
0x9b: {  	s6 =	simm.s32 $0x1BFF;
	s21 =	sshll.u32 s5, $0x1;
	s3 =	sadd.s32 s20, s19  }
0x9c: {  	s22 =	simm.s32 $0x0;
	s4 =	sshll.u32 s4, $0x1;
	s5 =	sadd.s32 s21, s3  }
0x9d: {  	[timem:s22], [sflag:s6] =	dma.local [hbm:s5], s4  }
0x9e: {  	_ =	swait.ge [sflag:s6], s4  }
0x9f: {  	s4 =	ssub.s32 $0x0, s4;
	[sflag:s6] =	ssyncset.done $0x0  }
0xa0: {  	[sflag:s6] =	ssyncadd.s32 s4;
	_ =	sdelay $0x1  }
0xa1: {  	s23 =	simm.s32 $0x1B8B  }
0xa2: {  	_ =	swait.ge [sflag:s23], $0x1  }
0xa3: {  	[sflag:s23] =	ssyncset.done $0x0  }
0xa4: {  	[sflag:s23] =	ssyncadd.s32 $0xFFFFFFFF  }
0xa5: {  	s4 =	sld [smem:$0x0]  }
0xa6: {  	s5 =	sand.u32 $0xFFFFFFFE, s1  }
0xa7: {  	p0 =	sne.s32 s1, s5  }
0xa8: {  	s5 =	sshll.u32 @p0 s5, $0xE  }
0xa9: {  	s5 =	sadd.s32 @p0 $0x11B8D, s5;
	s6 =	sshll.u32 @p0 s4, $0x11  }
0xaa: {  	s5 =	sor.u32 @p0 s6, s5  }
0xab: {  	[sflag:s5] =	ssyncadd.remote.s32 @p0 $0x1;
	_ =	sdelay $0x1  }
0xac: {  	s5 =	simm.s32 @p0 $0x1B8D  }
0xad: {  	_ =	swait.eq @p0 [sflag:s5], $0x1  }
0xae: {  	[sflag:s5] =	ssyncadd.s32 @p0 $0xFFFFFFFF  }
0xaf: {  	s6 =	sshll.u32 @!p0 s1, $0xE  }
0xb0: {  	s6 =	sor.u32 @!p0 $0x4000, s6;
	s5 =	simm.s32 @!p0 $0x1B8D  }
0xb1: {  	s4 =	sshll.u32 @!p0 s4, $0x11;
	s6 =	sadd.s32 @!p0 $0x11B8D, s6;
	_ =	swait.eq @!p0 [sflag:s5], $0x1  }
0xb2: {  	s4 =	sor.u32 @!p0 s4, s6;
	[sflag:s5] =	ssyncadd.s32 @!p0 $0xFFFFFFFF  }
0xb3: {  	s25 =	simm.s32 $0x1B8E;
	s24 =	sld [smem:$0x3FFE];
	[sflag:s4] =	ssyncadd.remote.s32 @!p0 $0x1  }
0xb4: {  	s26 =	simm.s32 $execute0_lowered;
	[smem:$0x3FD2] =	sst s25  }
0xb5: {  	s5 =	sshll.u32 s26, $0x1;
	_ =	strace $0x80000057;
	[dreg:$0x1] =	wrdreg $0xFFFFFFFF  }
0xb6: {  	s28 =	simm.s32 $_size_execute0_lowered;
	s3 =	sadd.s32 s3, s5;
	[dreg:$0x0] =	wrdreg $0x0  }
0xb7: {  	s5 =	sshll.u32 s28, $0x1;
	[dreg:$0x2] =	wrdreg s3  }
0xb8: {  	[dreg:$0x3] =	wrdreg s5  }
0xb9: {  	[dreg:$0x4] =	wrdreg $0xC0  }
0xba: {  	_ =	task [dreg:s22], $0x5FFFF  }
0xbb: {  	[dreg:$0x1] =	wrdreg $0xFFFFFFFF  }
0xbc: {  	[dreg:$0x0] =	wrdreg $0x60  }
0xbd: {  	[dreg:$0x2] =	wrdreg s24  }
0xbe: {  	[dreg:$0x3] =	wrdreg $0x9  }
0xbf: {  	_ =	task.clear_ibuf [dreg:s22], $0x4FFFF;
	_ =	strace $0x90000057  }
0xc0: {  	s29 =	simm.s32 $0x9;
	_ =	strace $0x80000064  }
0xc1: {  	_ =	swait.ge [sflag:s29], $0x1  }
0xc2: {  	[sflag:s29] =	ssyncadd.s32 $0xFFFFFFFF  }
0xc3: {  	_ =	strace $0x90000064  }
0xc4: {  	_ =	sfence  }
0xc5: {  	s30 =	sld [smem:$0x0];
	_ =	sdelay $0x2  }
0xc6: {  	s31 =	sshll.u32 s1, $0xD;
	s1 =	sshrl.u32 s1, $0x2  }
0xc7: {  	s4 =	sand.u32 $0x4000, s31;
	s1 =	sadd.s32 s1, s30  }
0xc8: {  	s0 =	sor.u32 s4, s0;
	s1 =	sshll.u32 s1, $0x11  }
0xc9: {  	s0 =	sor.u32 s1, s0  }
0xca: {  	s0 =	sadd.s32 $0x8F2B, s0  }
0xcb: {  	[sflag:s0] =	ssyncadd.remote.s32 $0x1  }
0xcc: {  	_ =	sfence.sel $0xFFFF  }
0xcd: {  	[dreg:$0x0] =	wrdreg $0xFFFFFFFF;
	(pc) =	sbr.abs _section_cstart, $3  }
0xce: {  	[dreg:$0x1] =	wrdreg $0xFFFFFFFF  }
0xcf: {  	_ =	task.clear_ibuf [dreg:s22], $0x2FFFF;
	_ =	strace $0x9FFFFFFF  }
0xd0: {  	(tm) =	ssettm $0x7FFFFFFF  }
0xd1: {  	_ =	shalt  }
tec
execute0_lowered:
.L_overlay_start_1:
0x0: {  	(tag) =	ssettag $0x1  }
0x1: {  	s0 =	rddreg [dreg:$0x0]  }
0x2: {  	s1 =	simm.s32 $0x0;
	s4 =	srdreg.scid;
	s8 =	stileid.u32  }
0x3: {  	s14 =	simm.s32 $0x80;
	s15 =	simm.s32 $0x1;
	s16 =	simm.s32 $0x2  }
0x4: {  	s17 =	simm.s32 $0x0;
	[smem:$0x7FF] =	sst s1;
	s2 =	sadd.s32 $0x32BC00, s0  }
0x5: {  	s3 =	sadd.s32 $0x103C00, s0;
	s5 =	sadd.s32 $0x213C00, s0;
	s4 =	sand.u32 $0x1, s4  }
0x6: {  	s6 =	sadd.s32 $0x21BC00, s0;
	s9 =	ssub.s32 $0x2, s4;
	s4 =	sshll.u32 s4, $0x4  }
0x7: {  	s7 =	sadd.s32 $0xC2BC00, s0;
	_ =	strace $0x80000058;
	s4 =	sor.u32 s8, s4  }
0x8: {  	s10 =	sshrl.u32 s9, $0x1;
	s8 =	sadd.s32 $0x102BC00, s0;
	s11 =	sshll.u32 s4, $0xA  }
0x9: {  	s30 =	ssub.s32 s9, s10;
	s9 =	sshll.u32 s4, $0x6;
	s31 =	sadd.s32 s5, s11  }
0xa: {  	s11 =	sadd.s32 s6, s11;
	s12 =	smax.u32 s30, $0x1;
	[dreg:$0x2] =	wrdreg s31  }
.LBB2_1:
0xb: {  	_ =	strace $0x80000059;
	s31 =	simm.s32 $0x100  }
0xc: {  	s19 =	simm.s32 $0x40;
	s29 =	simm.s32 $0x0;
	s18 =	simm.s32 $0x0  }
0xd: {  	s20 =	simm.s32 $0x0;
	s25 =	simm.s32 $0x0;
	s0 =	rddreg [dreg:$0x2]  }
0xe: {  	[tilespmem:s1], [sflag:$0x3] =	stream.linear.gather [hbm4b:s0+s1], $0x80, $0x200038;
	[tilespmem:$0x10200] =	vst v63  }
0xf: {  	s21 =	simm.s32 $0x0;
	s22 =	simm.s32 $0x0;
	s23 =	simm.s32 $0x1  }
0x10: {  	[tilespmem:s31], [sflag:$0x5] =	stream.linear.gather [hbm4b:s11+s1], $0x80, $0x200038;
	[tilespmem:$0x10200] =	vst v63  }
0x11: {  	s24 =	simm.s32 $0x0;
	s28 =	simm.s32 $0x1;
	_ =	strace $0x90000059  }
.LBB2_2:
0x12: {  	s26 =	sadd.s32 $0x1, s29  }
0x13: {  	p0 =	seq.s32 s26, $0x40  }
0x14: {  	s26 =	simm.s32 @p0 $0x0;
	p0 =	seq.s32 s19, $0x1  }
0x15: {  	p1 =	seq.s32 @!p0 s29, s26  }
0x16: {  	p2 =	por p1, p0  }
0x17: {  	s0 =	sadd.s32 @!p2 s9, s26  }
0x18: {  	s4 =	sand.u32 @!p2 $0x1, s28;
	s0 =	sshll.u32 @!p2 s0, $0x4  }
0x19: {  	_ =	strace @!p2 $0x8000005A;
	s31 =	simm.s32 @!p2 $0x0;
	s0 =	sand.u32 @!p2 $0x1FFFFFF0, s0  }
0x1a: {  	s13 =	sshll.u32 @!p2 s4, $0x7;
	s4 =	sadd.s32 @!p2 $0x3, s4;
	s30 =	sadd.s32 @!p2 s5, s0  }
0x1b: {  	[tilespmem:s13], [sflag:s4] =	stream.linear.gather @!p2 [hbm4b:s30+s31], $0x80, $0x200038;
	[tilespmem:$0x10200] =	vst v63  }
0x1c: {  	s4 =	sand.u32 @!p2 $0x1, s23  }
0x1d: {  	s0 =	sadd.s32 @!p2 s6, s0;
	_ =	strace @!p2 $0x9000005A;
	s13 =	sshll.u32 @!p2 s4, $0x7  }
0x1e: {  	s4 =	sadd.s32 @!p2 $0x5, s4;
	_ =	strace @!p2 $0x8000005B;
	s13 =	sor.u32 @!p2 $0x100, s13  }
0x1f: {  	[tilespmem:s13], [sflag:s4] =	stream.linear.gather @!p2 [hbm4b:s0+s31], $0x80, $0x200038;
	[tilespmem:$0x10200] =	vst v63  }
0x20: {  	s30 =	sand.u32 $0x1, s24;
	_ =	strace @!p2 $0x9000005B  }
0x21: {  	s0 =	sadd.s32 $0x3, s30;
	_ =	strace $0x8000005C  }
0x22: {  	_ =	swait.ge [sflag:s0], $0x80  }
0x23: {  	[sflag:s0] =	ssyncset.done $0x0  }
0x24: {  	[sflag:s0] =	ssyncadd.s32 $0xFFFFFF80  }
0x25: {  	s31 =	sand.u32 $0x1, s22;
	_ =	strace $0x9000005C  }
0x26: {  	s0 =	sadd.s32 $0x5, s31;
	_ =	strace $0x8000005D  }
0x27: {  	_ =	swait.ge [sflag:s0], $0x80  }
0x28: {  	s10 =	sshll.u32 s24, $0x7;
	[sflag:s0] =	ssyncset.done $0x0  }
0x29: {  	s30 =	sand.u32 $0x80, s10;
	s31 =	sand.u32 $0x1, s21;
	[sflag:s0] =	ssyncadd.s32 $0xFFFFFF80  }
0x2a: {  	s10 =	sshll.u32 s22, $0x7;
	s4 =	sshll.u32 s31, $0xE;
	_ =	strace $0x9000005D  }
0x2b: {  	s4 =	sor.u32 $0x200, s4;
	s0 =	sand.u32 $0x1, s20;
	_ =	strace $0x8000005E  }
0x2c: {  	[tilespmem:s4], [sflag:$0x1] =	stream.indirect.gather [hbm4b:s2+s14], $0x80, s30, s14, $0x2000b8;
	[tilespmem:$0x10200] =	vst v63  }
0x2d: {  	s10 =	sand.u32 $0x80, s10;
	s30 =	sshll.u32 s0, $0xE  }
0x2e: {  	s10 =	sor.u32 $0x100, s10;
	s13 =	sor.u32 $0x8200, s30  }
0x2f: {  	[tilespmem:s13], [sflag:$0x2] =	stream.indirect.gather [hbm4b:s3+s14], $0x80, s10, s14, $0x2000b8;
	[tilespmem:$0x10200] =	vst v63  }
0x30: {  	_ =	swait.ge [sflag:s15], $0x4000  }
0x31: {  	[sflag:s15] =	ssyncset.done $0x0  }
0x32: {  	[sflag:s15] =	ssyncadd.s32 $0xFFFFC000  }
0x33: {  	p3 =	por p0, !p1;
	_ =	swait.ge [sflag:s16], $0x4000  }
0x34: {  	s10 =	sadd.s32 @p3 s9, s29;
	[sflag:s16] =	ssyncset.done $0x0  }
0x35: {  	s10 =	sshll.u32 @p3 s10, $0xB;
	[sflag:s16] =	ssyncadd.s32 $0xFFFFC000  }
0x36: {  	s30 =	simm.s32 $0x0;
	s10 =	sand.u32 @p3 $0x1FFFF800, s10;
	_ =	strace $0x9000005E  }
0x37: {  	s29 =	sadd.s32 @p3 $0x7, s31;
	s30 =	sadd.s32 @p3 s7, s10;
	_ =	strace @p3 $0x8000005F  }
0x38: {  	[hbm4b:s30+s1] =	stream.linear.scatter @p3 [tilespmem:s4], [sflag:s29], $0x4000, $0x200038;
	[tilespmem:$0x10200] =	vst v63  }
0x39: {  	p1 =	por !p1, p0;
	s21 =	sadd.s32 @p3 $0x1, s21;
	_ =	strace @p3 $0x9000005F  }
0x3a: {  	s0 =	sadd.s32 @p3 $0x9, s0;
	s4 =	sadd.s32 @p3 s8, s10;
	_ =	strace @p3 $0x80000060  }
0x3b: {  	[hbm4b:s4+s1] =	stream.linear.scatter @p3 [tilespmem:s13], [sflag:s0], $0x4000, $0x200038;
	[tilespmem:$0x10200] =	vst v63  }
0x3c: {  	s30 =	simm.s32 @p3 $0x1;
	_ =	strace @p3 $0x90000060;
	p3 =	seq.s32 s19, $0x40  }
0x3d: {  	s29 =	smov.u32 s26;
	s20 =	sadd.s32 s20, s30;
	s0 =	sand.u32 @!p3 $0x1, s25  }
0x3e: {  	s24 =	sadd.s32 s24, s30;
	_ =	strace @!p3 $0x80000061;
	s0 =	sadd.s32 @!p3 $0x7, s0  }
0x3f: {  	s4 =	sadd.s32 @!p2 $0x1, s28;
	s13 =	smov.u32 s28;
	_ =	swait.ge @!p3 [sflag:s0], $0x4000  }
0x40: {  	s13 =	smov.u32 @p1 s4;
	s19 =	sadd.s32 $0xFFFFFFFF, s19;
	[sflag:s0] =	ssyncset.done @!p3 $0x0  }
0x41: {  	s10 =	sand.u32 @!p3 $0x1, s18;
	[sflag:s0] =	ssyncadd.s32 @!p3 $0xFFFFC000;
	s0 =	simm.s32 $0x0  }
0x42: {  	s13 =	smov.u32 @p0 s28;
	s4 =	simm.s32 @!p3 $0x1;
	s0 =	simm.s32 @p1 $0x1  }
0x43: {  	_ =	strace @!p3 $0x90000061;
	s0 =	simm.s32 @p0 $0x0;
	p0 =	sne.s32 s19, $0x0  }
.Ltmp0:
0x44: {  	s10 =	sadd.s32 @!p3 $0x9, s10;
	_ =	strace @!p3 $0x80000062;
	(pc) =	sbr.rel @p0 .LBB2_2-.Ltmp0, $4  }
0x45: {  	s22 =	sadd.s32 s22, s30;
	s4 =	simm.s32 @p3 $0x0;
	_ =	swait.ge @!p3 [sflag:s10], $0x4000  }
0x46: {  	s23 =	sadd.s32 s23, s0;
	s0 =	sadd.s32 @!p3 $0x1, s25;
	[sflag:s10] =	ssyncset.done @!p3 $0x0  }
0x47: {  	s28 =	smov.u32 s13;
	s0 =	smov.u32 @p3 s25;
	[sflag:s10] =	ssyncadd.s32 @!p3 $0xFFFFC000  }
0x48: {  	s18 =	sadd.s32 s18, s4;
	s25 =	smov.u32 s0;
	_ =	strace @!p3 $0x90000062  }
0x49: {  	s0 =	sand.u32 $0x1, s0  }
0x4a: {  	_ =	strace $0x80000063;
	s0 =	sadd.s32 $0x7, s0  }
0x4b: {  	s17 =	sadd.s32 $0x1, s17;
	_ =	swait.ge [sflag:s0], $0x4000  }
0x4c: {  	s4 =	sand.u32 $0x1, s18;
	p0 =	sne.s32 s17, s12;
	[sflag:s0] =	ssyncset.done $0x0  }
.Ltmp1:
0x4d: {  	s31 =	sadd.s32 $0x9, s4;
	[sflag:s0] =	ssyncadd.s32 $0xFFFFC000;
	(pc) =	sbr.rel @p0 .LBB2_1-.Ltmp1, $4  }
0x4e: {  	_ =	swait.ge [sflag:s31], $0x4000  }
0x4f: {  	[sflag:s31] =	ssyncset.done $0x0  }
0x50: {  	[sflag:s31] =	ssyncadd.s32 $0xFFFFC000  }
0x51: {  	_ =	strace $0x90000063  }
0x52: {  	_ =	sfence.sel $0x180000  }
0x53: {  	[bflag:$0x0] =	sbarrier.arrive $0xFFFF  }
0x54: {  	_ =	strace $0x90000058  }
0x55: {  	s0 =	stileid.u32;
	[bflag:$0x2] =	sbarrier.arrive $0xFFFF  }
0x56: {  	p0 =	sne.s32 s0, $0x0;
	s0 =	rddreg [dreg:$0x1]  }
0x57: {  	s0 =	sadd.s32 @!p0 $0x100000, s0  }
0x58: {  	[sflag:s0] =	ssyncadd.tile.s32 @!p0 $0x1;
	_ =	shalt  }
.Lfunc_end2:
_tile_overlayer_lowered:
.L_overlay_start_2:
0x59: {  	(tag) =	ssettag $0x2  }
0x5a: {  	s0 =	rddreg [dreg:$0x0];
	s2 =	stileid.u32  }
0x5b: {  	s1 =	rddreg [dreg:$0x1];
	p0 =	sne.s32 s2, $0x0  }
0x5c: {  	s3 =	rddreg [dreg:$0x2];
	[bflag:$0x3] =	sbarrier.arrive $0xFFFF;
	s2 =	simm.s32 @!p0 $0x1C03  }
0x5d: {  	[timem:s3], [sflag:s2] =	dma.local @!p0 [hbm:s0], s1  }
0x5e: {  	s0 =	simm.s32 @!p0 $0x3  }
0x5f: {  	_ =	swait.ge @!p0 [sflag:s0], s1  }
0x60: {  	s1 =	ssub.s32 @!p0 $0x0, s1;
	[sflag:s0] =	ssyncset.done @!p0 $0x0  }
0x61: {  	[sflag:s0] =	ssyncadd.s32 @!p0 s1  }
0x62: {  	[bflag:$0x3] =	sbarrier.arrive $0xFFFF  }
0x63: {  	_ =	shalt  }

// kernel: kernel.18.cloned.1.call-start
scs
__scs_entry_jumppad:
0x0: {  	(pc) =	sbr.rel $0x88, $3  }
0x1: {  	(tag) =	ssettag $0x0;
	lr =	simm.s32 $0x1  }
0x2: {  	[smem:$0x3F9E] =	sst lr;
	_ =	strace $0xD0000000  }
0x3: {  	_ = 	snop  }
0x4: {  	_ = 	snop  }
0x5: {  	_ = 	snop  }
0x6: {  	_ = 	snop  }
0x7: {  	_ = 	snop  }
__scs_overlays_trampoline_lowered:
0x8: {  	[smem:$0x3FAD] =	sst s0  }
0x9: {  	[smem:$0x3FAE] =	sst s1  }
0xa: {  	[smem:$0x3FAF] =	sst s2  }
0xb: {  	[smem:$0x3FB0] =	sst s3  }
0xc: {  	[smem:$0x3FB1] =	sst s4  }
0xd: {  	[smem:$0x3FB2] =	sst s5  }
0xe: {  	[smem:$0x3FB3] =	sst s6  }
0xf: {  	[smem:$0x3FB4] =	sst s7  }
0x10: {  	[smem:$0x3FB5] =	sst s8  }
0x11: {  	[smem:$0x3FB6] =	sst s9;
	s0 =	simm.s32 @!p0 $0x0  }
0x12: {  	s1 =	sld [smem:$0x3F9C];
	s0 =	simm.s32 @p0 $0x1  }
0x13: {  	[smem:$0x3FB7] =	sst s0;
	s0 =	simm.s32 @!p1 $0x0  }
0x14: {  	s2 =	sld [smem:$0x3F9B];
	s0 =	simm.s32 @p1 $0x1  }
0x15: {  	[smem:$0x3FB8] =	sst s0;
	s0 =	simm.s32 @!p2 $0x0  }
0x16: {  	s3 =	sld [smem:$0x3FDB];
	s0 =	simm.s32 @p2 $0x1  }
0x17: {  	s4 =	simm.s32 $0x1BF5;
	[smem:$0x3FBA] =	sst s0  }
0x18: {  	s0 =	sld [smem:$0x3F9D];
	_ =	swait.ge [sflag:s4], $0x0  }
0x19: {  	s7 =	sld [smem:$0x3F9E]  }
0x1a: {  	s8 =	sadd.s32 $0xFFFFE003, lr  }
0x1b: {  	s9 =	sadd.s32 $0xFFFFFEF7, lr;
	s5 =	simm.s32 $0xFFFFFFFF;
	p2 =	slt.u32 s8, $0xFFFFF086  }
0x1c: {  	p1 =	slt.u32 s9, $0xF7A;
	s5 =	simm.s32 @!p2 $0x0  }
0x1d: {  	s5 =	simm.s32 @p1 $0x1;
	p0 =	seq.s32 s7, s2  }
0x1e: {  	s7 =	smul.u32 @!p0 $0xF7A, s2;
	p2 =	seq.s32 @!p0 s5, $0x0  }
0x1f: {  	s9 =	smul.u32 $0xF7A, s1;
	s8 =	simm.s32 @!p0 $0x1BF5;
	p2 =	por !p2, p0  }
0x20: {  	[sflag:s8] =	ssyncset.s32 @!p0 $0xFFFFF086;
	s6 =	sadd.s32 @!p0 s3, s7;
	s7 =	simm.s32 @!p0 $0x108  }
0x21: {  	s3 =	sadd.s32 s3, s9;
	s6 =	sadd.s32 @!p0 $0x88, s6;
	s7 =	simm.s32 @p2 $0x1082  }
0x22: {  	[simem:s7], [sflag:s8] =	dma.local @!p0 [hbm:s6], $0xF7A  }
0x23: {  	s9 =	sor.u32 $0xD0000000, s2;
	s6 =	simm.s32 $0x108;
	_ =	swait.ge @!p0 [sflag:s8], $0x0  }
0x24: {  	s3 =	sadd.s32 $0x88, s3;
	s6 =	simm.s32 @!p1 $0x1082;
	[sflag:s4] =	ssyncset.s32 $0xFFFFF086  }
0x25: {  	[simem:s6], [sflag:s4] =	dma.local [hbm:s3], $0xF7A  }
0x26: {  	[smem:$0x3F9E] =	sst s1;
	(tag) =	ssettag s2;
	_ =	strace s9  }
0x27: {  	s1 =	sld [smem:$0x3FAE]  }
0x28: {  	s2 =	sld [smem:$0x3FAF]  }
0x29: {  	s4 =	sld [smem:$0x3FB1]  }
0x2a: {  	p0 =	seq.s32 s5, $0x0;
	s5 =	sld [smem:$0x3FB2]  }
0x2b: {  	s6 =	sld [smem:$0x3FB3]  }
0x2c: {  	s7 =	sld [smem:$0x3FB4]  }
0x2d: {  	s3 =	simm.s32 $0x108;
	s8 =	sld [smem:$0x3FB5]  }
0x2e: {  	s3 =	simm.s32 @!p0 $0x1082;
	s9 =	sld [smem:$0x3FB6]  }
0x2f: {  	lr =	sadd.s32 s0, s3;
	s0 =	sld [smem:$0x3FAD]  }
0x30: {  	s3 =	sld [smem:$0x3FB0]  }
0x31: {  	[smem:$0x3FB9] =	sst s10  }
0x32: {  	s10 =	sld [smem:$0x3FB7];
	_ =	sdelay $0x3  }
0x33: {  	p0 =	seq.s32 s10, $0x1;
	s10 =	sld [smem:$0x3FB9];
	_ =	sdelay $0x3  }
0x34: {  	[smem:$0x3FB9] =	sst s10  }
0x35: {  	s10 =	sld [smem:$0x3FB8];
	_ =	sdelay $0x3  }
0x36: {  	p1 =	seq.s32 s10, $0x1;
	s10 =	sld [smem:$0x3FB9];
	_ =	sdelay $0x3  }
0x37: {  	[smem:$0x3FB9] =	sst s10  }
0x38: {  	s10 =	sld [smem:$0x3FBA]  }
0x39: {  	_ = 	snop;
	(pc) =	sbr.ind lr, $3  }
0x3a: {  	_ = 	snop  }
0x3b: {  	_ = 	snop  }
0x3c: {  	p2 =	seq.s32 s10, $0x1;
	s10 =	sld [smem:$0x3FB9]  }
0x3d: {  	_ =	shalt  }
0x3e: {  	_ =	shalt  }
0x3f: {  	_ =	shalt  }
0x40: {  	_ =	shalt  }
0x41: {  	_ =	shalt  }
0x42: {  	_ =	shalt  }
0x43: {  	_ =	shalt  }
0x44: {  	_ =	shalt  }
0x45: {  	_ =	shalt  }
0x46: {  	_ =	shalt  }
0x47: {  	_ =	shalt  }
0x48: {  	_ =	shalt  }
0x49: {  	_ =	shalt  }
0x4a: {  	_ =	shalt  }
0x4b: {  	_ =	shalt  }
0x4c: {  	_ =	shalt  }
0x4d: {  	_ =	shalt  }
0x4e: {  	_ =	shalt  }
0x4f: {  	_ =	shalt  }
0x50: {  	_ =	shalt  }
0x51: {  	_ =	shalt  }
0x52: {  	_ =	shalt  }
0x53: {  	_ =	shalt  }
0x54: {  	_ =	shalt  }
0x55: {  	_ =	shalt  }
0x56: {  	_ =	shalt  }
0x57: {  	_ =	shalt  }
0x58: {  	_ =	shalt  }
0x59: {  	_ =	shalt  }
0x5a: {  	_ =	shalt  }
0x5b: {  	_ =	shalt  }
0x5c: {  	_ =	shalt  }
0x5d: {  	_ =	shalt  }
0x5e: {  	_ =	shalt  }
0x5f: {  	_ =	shalt  }
0x60: {  	_ =	shalt  }
0x61: {  	_ =	shalt  }
0x62: {  	_ =	shalt  }
0x63: {  	_ =	shalt  }
0x64: {  	_ =	shalt  }
0x65: {  	_ =	shalt  }
0x66: {  	_ =	shalt  }
0x67: {  	_ =	shalt  }
0x68: {  	_ =	shalt  }
0x69: {  	_ =	shalt  }
0x6a: {  	_ =	shalt  }
0x6b: {  	_ =	shalt  }
0x6c: {  	_ =	shalt  }
0x6d: {  	_ =	shalt  }
0x6e: {  	_ =	shalt  }
0x6f: {  	_ =	shalt  }
0x70: {  	_ =	shalt  }
0x71: {  	_ =	shalt  }
0x72: {  	_ =	shalt  }
0x73: {  	_ =	shalt  }
0x74: {  	_ =	shalt  }
0x75: {  	_ =	shalt  }
0x76: {  	_ =	shalt  }
0x77: {  	_ =	shalt  }
0x78: {  	_ =	shalt  }
0x79: {  	_ =	shalt  }
0x7a: {  	_ =	shalt  }
0x7b: {  	_ =	shalt  }
0x7c: {  	_ =	shalt  }
0x7d: {  	_ =	shalt  }
0x7e: {  	_ =	shalt  }
0x7f: {  	_ =	shalt  }
0x80: {  	_ =	shalt  }
0x81: {  	_ =	shalt  }
0x82: {  	_ =	shalt  }
0x83: {  	_ =	shalt  }
0x84: {  	_ =	shalt  }
0x85: {  	_ =	shalt  }
0x86: {  	_ =	shalt  }
0x87: {  	_ =	shalt  }
.Lfunc_end0:
.L_simem_size_0:
called_computation.2_lowered:
.L_overlay_start_0:
0x88: {  	s2 =	sld [smem:$0x3FD9]  }
0x89: {  	s3 =	sld [smem:$0x3FFE];
	_ =	sdelay $0x1  }
0x8a: {  	s1 =	srdreg.scid  }
0x8b: {  	s0 =	sand.u32 $0x1, s1  }
0x8c: {  	s17 =	sshll.u32 s0, $0xA;
	s2 =	sadd.s32 s3, s2  }
0x8d: {  	s2 =	sadd.s32 s2, s17  }
0x8e: {  	[smem:$0x3FC5] =	sst s2  }
0x8f: {  	_ = 	snop  }
0x90: {  	(tm) =	ssettm $0x1  }
0x91: {  	s18 =	sld [smem:$0x3FFB];
	_ =	sdelay $0x3  }
0x92: {  	_ =	strace s18  }
0x93: {  	s2 =	sld [smem:$0x3FFC];
	_ =	sdelay $0x3  }
0x94: {  	_ =	strace s2  }
0x95: {  	s2 =	sld [smem:$0x3FFD];
	_ =	sdelay $0x3  }
0x96: {  	_ =	strace s2  }
0x97: {  	_ =	strace $0x8FFFFFFF  }
0x98: {  	s19 =	sld [smem:$0x3FDB];
	_ =	sdelay $0x1  }
0x99: {  	s20 =	simm.s32 $_scs_section_size  }
0x9a: {  	s4 =	simm.s32 $_size__tile_overlayer_lowered;
	s5 =	simm.s32 $_tile_overlayer_lowered  }
0x9b: {  	s6 =	simm.s32 $0x1BFF;
	s21 =	sshll.u32 s5, $0x1;
	s3 =	sadd.s32 s20, s19  }
0x9c: {  	s22 =	simm.s32 $0x0;
	s4 =	sshll.u32 s4, $0x1;
	s5 =	sadd.s32 s21, s3  }
0x9d: {  	[timem:s22], [sflag:s6] =	dma.local [hbm:s5], s4  }
0x9e: {  	_ =	swait.ge [sflag:s6], s4  }
0x9f: {  	s4 =	ssub.s32 $0x0, s4;
	[sflag:s6] =	ssyncset.done $0x0  }
0xa0: {  	[sflag:s6] =	ssyncadd.s32 s4;
	_ =	sdelay $0x1  }
0xa1: {  	s23 =	simm.s32 $0x1B8B  }
0xa2: {  	_ =	swait.ge [sflag:s23], $0x1  }
0xa3: {  	[sflag:s23] =	ssyncset.done $0x0  }
0xa4: {  	[sflag:s23] =	ssyncadd.s32 $0xFFFFFFFF  }
0xa5: {  	s4 =	sld [smem:$0x0]  }
0xa6: {  	s5 =	sand.u32 $0xFFFFFFFE, s1  }
0xa7: {  	p0 =	sne.s32 s1, s5  }
0xa8: {  	s5 =	sshll.u32 @p0 s5, $0xE  }
0xa9: {  	s5 =	sadd.s32 @p0 $0x11B8D, s5;
	s6 =	sshll.u32 @p0 s4, $0x11  }
0xaa: {  	s5 =	sor.u32 @p0 s6, s5  }
0xab: {  	[sflag:s5] =	ssyncadd.remote.s32 @p0 $0x1;
	_ =	sdelay $0x1  }
0xac: {  	s5 =	simm.s32 @p0 $0x1B8D  }
0xad: {  	_ =	swait.eq @p0 [sflag:s5], $0x1  }
0xae: {  	[sflag:s5] =	ssyncadd.s32 @p0 $0xFFFFFFFF  }
0xaf: {  	s6 =	sshll.u32 @!p0 s1, $0xE  }
0xb0: {  	s6 =	sor.u32 @!p0 $0x4000, s6;
	s5 =	simm.s32 @!p0 $0x1B8D  }
0xb1: {  	s4 =	sshll.u32 @!p0 s4, $0x11;
	s6 =	sadd.s32 @!p0 $0x11B8D, s6;
	_ =	swait.eq @!p0 [sflag:s5], $0x1  }
0xb2: {  	s4 =	sor.u32 @!p0 s4, s6;
	[sflag:s5] =	ssyncadd.s32 @!p0 $0xFFFFFFFF  }
0xb3: {  	s25 =	simm.s32 $0x1B8E;
	s24 =	sld [smem:$0x3FFE];
	[sflag:s4] =	ssyncadd.remote.s32 @!p0 $0x1  }
0xb4: {  	s26 =	simm.s32 $execute0_lowered;
	[smem:$0x3FD2] =	sst s25  }
0xb5: {  	s5 =	sshll.u32 s26, $0x1;
	_ =	strace $0x8000006E;
	[dreg:$0x1] =	wrdreg $0xFFFFFFFF  }
0xb6: {  	s28 =	simm.s32 $_size_execute0_lowered;
	s3 =	sadd.s32 s3, s5;
	[dreg:$0x0] =	wrdreg $0x0  }
0xb7: {  	s5 =	sshll.u32 s28, $0x1;
	[dreg:$0x2] =	wrdreg s3  }
0xb8: {  	[dreg:$0x3] =	wrdreg s5  }
0xb9: {  	[dreg:$0x4] =	wrdreg $0xC0  }
0xba: {  	_ =	task [dreg:s22], $0x5FFFF  }
0xbb: {  	[dreg:$0x1] =	wrdreg $0xFFFFFFFF  }
0xbc: {  	[dreg:$0x0] =	wrdreg $0x60  }
0xbd: {  	[dreg:$0x2] =	wrdreg s24  }
0xbe: {  	[dreg:$0x3] =	wrdreg $0x9  }
0xbf: {  	_ =	task.clear_ibuf [dreg:s22], $0x4FFFF;
	_ =	strace $0x9000006E  }
0xc0: {  	s29 =	simm.s32 $0x9;
	_ =	strace $0x80000076  }
0xc1: {  	_ =	swait.ge [sflag:s29], $0x1  }
0xc2: {  	[sflag:s29] =	ssyncadd.s32 $0xFFFFFFFF  }
0xc3: {  	_ =	strace $0x90000076  }
0xc4: {  	_ =	sfence  }
0xc5: {  	s30 =	sld [smem:$0x0];
	_ =	sdelay $0x2  }
0xc6: {  	s31 =	sshll.u32 s1, $0xD;
	s1 =	sshrl.u32 s1, $0x2  }
0xc7: {  	s4 =	sand.u32 $0x4000, s31;
	s1 =	sadd.s32 s1, s30  }
0xc8: {  	s0 =	sor.u32 s4, s0;
	s1 =	sshll.u32 s1, $0x11  }
0xc9: {  	s0 =	sor.u32 s1, s0  }
0xca: {  	s0 =	sadd.s32 $0x8F2B, s0  }
0xcb: {  	[sflag:s0] =	ssyncadd.remote.s32 $0x1  }
0xcc: {  	_ =	sfence.sel $0xFFFF  }
0xcd: {  	[dreg:$0x0] =	wrdreg $0xFFFFFFFF;
	(pc) =	sbr.abs _section_cstart, $3  }
0xce: {  	[dreg:$0x1] =	wrdreg $0xFFFFFFFF  }
0xcf: {  	_ =	task.clear_ibuf [dreg:s22], $0x2FFFF;
	_ =	strace $0x9FFFFFFF  }
0xd0: {  	(tm) =	ssettm $0x7FFFFFFF  }
0xd1: {  	_ =	shalt  }
tec
execute0_lowered:
.L_overlay_start_1:
0x0: {  	(tag) =	ssettag $0x1  }
0x1: {  	s5 =	rddreg [dreg:$0x0]  }
0x2: {  	s0 =	rddreg [dreg:$0x1];
	s1 =	simm.s32 $0x0;
	s2 =	srdreg.scid  }
0x3: {  	s11 =	simm.s32 $0x5;
	s12 =	simm.s32 $0x1;
	s13 =	simm.s32 $0x0  }
0x4: {  	[smem:$0x7FF] =	sst s1;
	s6 =	sand.u32 $0x1, s2;
	s3 =	sadd.s32 $0x82BC00, s5  }
0x5: {  	s4 =	sadd.s32 $0x223C00, s5;
	s2 =	stileid.u32;
	s7 =	ssub.s32 $0x2, s6  }
0x6: {  	s5 =	sadd.s32 $0xC2BC00, s5;
	s6 =	sshll.u32 s6, $0x4;
	s8 =	sshrl.u32 s7, $0x1  }
0x7: {  	_ =	strace $0x8000006F;
	s6 =	sor.u32 s2, s6;
	s8 =	ssub.s32 s7, s8  }
0x8: {  	s31 =	sshll.u32 s6, $0x6;
	s9 =	sshll.u32 s6, $0x11;
	s10 =	sshll.u32 s6, $0xA  }
0x9: {  	[dreg:$0x2] =	wrdreg s31;
	s6 =	sadd.s32 s3, s9;
	s7 =	sadd.s32 s4, s10  }
0xa: {  	s8 =	smax.u32 s8, $0x1;
	s9 =	simm.s32 $0x8000;
	s10 =	simm.s32 $0x80  }
.LBB2_1:
0xb: {  	_ =	strace $0x80000070  }
0xc: {  	[tilespmem:s1], [sflag:$0x1] =	stream.linear.gather [hbm4b:s6+s1], $0x4000, $0x200038;
	[tilespmem:$0x8100] =	vst v63  }
0xd: {  	s14 =	simm.s32 $0x1;
	p0 =	por $0x0, $0x0  }
0xe: {  	[tilespmem:s9], [sflag:$0x3] =	stream.linear.gather [hbm4b:s7+s1], $0x80, $0x200038;
	[tilespmem:$0x8100] =	vst v63  }
0xf: {  	s14 =	simm.s32 @p0 $0x0;
	_ =	strace $0x90000070  }
0x10: {  	p0 =	seq.s32 s14, $0x0;
	s15 =	rddreg [dreg:$0x2]  }
0x11: {  	s16 =	sand.u32 @!p0 $0x1, s12;
	s15 =	sadd.s32 @!p0 s15, s14  }
0x12: {  	s21 =	simm.s32 @!p0 $0x0;
	s17 =	sshll.u32 @!p0 s16, $0xE;
	s19 =	sshll.u32 @!p0 s15, $0xB  }
0x13: {  	s18 =	sadd.s32 @!p0 $0x1, s16;
	s20 =	sshll.u32 @!p0 s16, $0x7;
	s19 =	sand.u32 @!p0 $0x1FFFF800, s19  }
0x14: {  	_ =	strace @!p0 $0x80000071;
	s15 =	sshll.u32 @!p0 s15, $0x4;
	s19 =	sadd.s32 @!p0 s3, s19  }
0x15: {  	[tilespmem:s17], [sflag:s18] =	stream.linear.gather @!p0 [hbm4b:s19+s21], $0x4000, $0x200038;
	[tilespmem:$0x8100] =	vst v63  }
0x16: {  	s16 =	sadd.s32 @!p0 $0x3, s16;
	s15 =	sand.u32 @!p0 $0x1FFFFFF0, s15;
	_ =	strace @!p0 $0x90000071  }
0x17: {  	s15 =	sadd.s32 @!p0 s4, s15;
	s17 =	sor.u32 @!p0 $0x8000, s20;
	_ =	strace @!p0 $0x80000072  }
0x18: {  	[tilespmem:s17], [sflag:s16] =	stream.linear.gather @!p0 [hbm4b:s15+s21], $0x80, $0x200038;
	[tilespmem:$0x8100] =	vst v63  }
0x19: {  	s26 =	sand.u32 $0x1, s1;
	_ =	strace @!p0 $0x90000072  }
0x1a: {  	s28 =	sadd.s32 $0x1, s26;
	_ =	strace $0x80000073  }
0x1b: {  	_ =	swait.ge [sflag:s28], $0x4000  }
0x1c: {  	s29 =	simm.s32 $0x0;
	[sflag:s28] =	ssyncset.done $0x0  }
0x1d: {  	s30 =	simm.s32 $0x0;
	p1 =	sne.s32 s14, $0x0;
	[sflag:s28] =	ssyncadd.s32 $0xFFFFC000  }
0x1e: {  	s24 =	smov.u32 s14;
	s23 =	simm.s32 @!p0 $0x2;
	_ =	strace $0x90000073  }
0x1f: {  	s23 =	smov.u32 @p0 s12;
	s15 =	sadd.s32 $0x3, s26;
	_ =	strace $0x80000074  }
0x20: {  	s20 =	simm.s32 $0x3D;
	s19 =	simm.s32 $0x1;
	_ =	swait.ge [sflag:s15], $0x80  }
0x21: {  	s18 =	simm.s32 @!p0 $0x1;
	s19 =	simm.s32 @!p1 $0x0;
	[sflag:s15] =	ssyncset.done $0x0  }
0x22: {  	s18 =	simm.s32 @p0 $0x0;
	s17 =	sand.u32 $0x80, s29;
	[sflag:s15] =	ssyncadd.s32 $0xFFFFFF80  }
0x23: {  	s16 =	sand.u32 $0x4000, s30;
	s21 =	sadd.s32 $0x1, s18;
	_ =	strace $0x90000074  }
0x24: {  	s17 =	sor.u32 $0x8000, s17;
	s15 =	sadd.s32 $0x0, s19;
	_ =	strace $0x80000075  }
0x25: {  	[hbm4b:s5+s10] =	stream.indirect.scatter [tilespmem:s16], [sflag:$0x5], $0x80, s17, s10, $0x2000b8;
	[tilespmem:$0x8100] =	vst v63  }
0x26: {  	s22 =	sand.u32 $0x1, s15;
	s31 =	sshll.u32 s15, $0x7;
	_ =	swait.ge [sflag:s11], $0x4000  }
0x27: {  	s19 =	sand.u32 $0x1, s15;
	s18 =	sand.u32 $0x80, s31;
	[sflag:s11] =	ssyncset.done $0x0  }
0x28: {  	s17 =	sshll.u32 s15, $0xE;
	s16 =	smov.u32 s15;
	[sflag:s11] =	ssyncadd.s32 $0xFFFFC000  }
.LBB2_2:
0x29: {  	s14 =	sadd.s32 $0x1, s14  }
0x2a: {  	_ =	strace $0x90000075;
	p1 =	seq.s32 s14, $0x40  }
0x2b: {  	s25 =	smov.u32 s23;
	s23 =	rddreg [dreg:$0x2];
	s14 =	simm.s32 @p1 $0x0  }
0x2c: {  	p2 =	seq.s32 s24, s14;
	p1 =	sne.s32 s24, s14;
	s24 =	sadd.s32 $0x1, s22  }
0x2d: {  	s22 =	sadd.s32 @!p2 s23, s14;
	s23 =	sand.u32 @!p2 $0x1, s25;
	s26 =	sand.u32 @!p2 $0x1, s21  }
0x2e: {  	_ =	strace @!p2 $0x80000071;
	s31 =	simm.s32 @!p2 $0x0;
	s29 =	sshll.u32 @!p2 s22, $0xB  }
0x2f: {  	s28 =	sshll.u32 @!p2 s23, $0xE;
	s22 =	sshll.u32 @!p2 s22, $0x4;
	s29 =	sand.u32 @!p2 $0x1FFFF800, s29  }
0x30: {  	s23 =	sadd.s32 @!p2 $0x1, s23;
	s22 =	sand.u32 @!p2 $0x1FFFFFF0, s22;
	s29 =	sadd.s32 @!p2 s3, s29  }
0x31: {  	[tilespmem:s28], [sflag:s23] =	stream.linear.gather @!p2 [hbm4b:s29+s31], $0x4000, $0x200038;
	[tilespmem:$0x8100] =	vst v63  }
0x32: {  	s30 =	sshll.u32 @!p2 s26, $0x7;
	s22 =	sadd.s32 @!p2 s4, s22;
	_ =	strace @!p2 $0x90000071  }
0x33: {  	s23 =	sadd.s32 @!p2 $0x3, s26;
	s26 =	sor.u32 @!p2 $0x8000, s30;
	_ =	strace @!p2 $0x80000072  }
0x34: {  	[tilespmem:s26], [sflag:s23] =	stream.linear.gather @!p2 [hbm4b:s22+s31], $0x80, $0x200038;
	[tilespmem:$0x8100] =	vst v63  }
0x35: {  	_ =	strace @!p2 $0x90000072  }
0x36: {  	_ =	strace $0x80000073  }
0x37: {  	_ =	swait.ge [sflag:s24], $0x4000  }
0x38: {  	s20 =	sadd.s32 $0xFFFFFFFF, s20;
	s18 =	sor.u32 $0x8000, s18;
	[sflag:s24] =	ssyncset.done $0x0  }
0x39: {  	p0 =	sne.s32 s20, $0x0;
	s22 =	simm.s32 @!p2 $0x1;
	[sflag:s24] =	ssyncadd.s32 $0xFFFFC000  }
0x3a: {  	s30 =	sadd.s32 $0x3, s19;
	s22 =	simm.s32 @p2 $0x0;
	_ =	strace $0x90000073  }
0x3b: {  	s21 =	sadd.s32 s21, s22;
	s22 =	simm.s32 $0x1;
	_ =	strace $0x80000074  }
0x3c: {  	s23 =	sadd.s32 @!p2 $0x1, s25;
	s22 =	simm.s32 @!p1 $0x0;
	_ =	swait.ge [sflag:s30], $0x80  }
0x3d: {  	s23 =	smov.u32 @p2 s25;
	s16 =	sadd.s32 s22, s16;
	[sflag:s30] =	ssyncset.done $0x0  }
0x3e: {  	s15 =	sadd.s32 s22, s15;
	s31 =	sand.u32 $0x1, s16;
	[sflag:s30] =	ssyncadd.s32 $0xFFFFFF80  }
0x3f: {  	s22 =	sand.u32 $0x1, s15;
	s19 =	smov.u32 s31;
	_ =	strace $0x90000074  }
.Ltmp0:
0x40: {  	s31 =	sand.u32 $0x4000, s17;
	_ =	strace $0x80000075;
	(pc) =	sbr.rel @p0 .LBB2_2-.Ltmp0, $4  }
0x41: {  	[hbm4b:s5+s10] =	stream.indirect.scatter [tilespmem:s31], [sflag:$0x5], $0x80, s18, s10, $0x2000b8;
	[tilespmem:$0x8100] =	vst v63  }
0x42: {  	s26 =	sshll.u32 s15, $0xE;
	s29 =	sshll.u32 s16, $0x7;
	_ =	swait.ge [sflag:s11], $0x4000  }
0x43: {  	s24 =	smov.u32 s14;
	s28 =	sand.u32 $0x80, s29;
	[sflag:s11] =	ssyncset.done $0x0  }
0x44: {  	s17 =	smov.u32 s26;
	s18 =	smov.u32 s28;
	[sflag:s11] =	ssyncadd.s32 $0xFFFFC000  }
0x45: {  	s14 =	sadd.s32 $0x1, s14  }
0x46: {  	p0 =	seq.s32 s14, $0x40  }
0x47: {  	_ =	strace $0x90000075;
	s14 =	simm.s32 @p0 $0x0  }
0x48: {  	s20 =	rddreg [dreg:$0x2];
	p0 =	seq.s32 s24, s14  }
0x49: {  	s20 =	sadd.s32 @!p0 s20, s14;
	s23 =	sand.u32 @!p0 $0x1, s23;
	_ =	strace @!p0 $0x80000071  }
0x4a: {  	s28 =	simm.s32 @!p0 $0x0;
	s21 =	sand.u32 @!p0 $0x1, s21;
	s25 =	sshll.u32 @!p0 s20, $0xB  }
0x4b: {  	s26 =	sshll.u32 @!p0 s23, $0xE;
	s20 =	sshll.u32 @!p0 s20, $0x4;
	s25 =	sand.u32 @!p0 $0x1FFFF800, s25  }
0x4c: {  	s23 =	sadd.s32 @!p0 $0x1, s23;
	s20 =	sand.u32 @!p0 $0x1FFFFFF0, s20;
	s25 =	sadd.s32 @!p0 s3, s25  }
0x4d: {  	[tilespmem:s26], [sflag:s23] =	stream.linear.gather @!p0 [hbm4b:s25+s28], $0x4000, $0x200038;
	[tilespmem:$0x8100] =	vst v63  }
0x4e: {  	s20 =	sadd.s32 @!p0 s4, s20;
	s23 =	sshll.u32 @!p0 s21, $0x7;
	_ =	strace @!p0 $0x90000071  }
0x4f: {  	s21 =	sadd.s32 @!p0 $0x3, s21;
	s23 =	sor.u32 @!p0 $0x8000, s23;
	_ =	strace @!p0 $0x80000072  }
0x50: {  	[tilespmem:s23], [sflag:s21] =	stream.linear.gather @!p0 [hbm4b:s20+s28], $0x80, $0x200038;
	[tilespmem:$0x8100] =	vst v63  }
0x51: {  	_ =	strace @!p0 $0x90000072  }
0x52: {  	s30 =	sadd.s32 $0x1, s22;
	_ =	strace $0x80000073  }
0x53: {  	_ =	swait.ge [sflag:s30], $0x4000  }
0x54: {  	[sflag:s30] =	ssyncset.done $0x0  }
0x55: {  	[sflag:s30] =	ssyncadd.s32 $0xFFFFC000  }
0x56: {  	_ =	strace $0x90000073  }
0x57: {  	s19 =	sadd.s32 $0x3, s19;
	_ =	strace $0x80000074  }
0x58: {  	_ =	swait.ge [sflag:s19], $0x80  }
0x59: {  	[sflag:s19] =	ssyncset.done $0x0  }
0x5a: {  	[sflag:s19] =	ssyncadd.s32 $0xFFFFFF80  }
0x5b: {  	_ =	strace $0x90000074  }
0x5c: {  	s17 =	sand.u32 $0x4000, s17;
	s18 =	sor.u32 $0x8000, s18;
	_ =	strace $0x80000075  }
0x5d: {  	[hbm4b:s5+s10] =	stream.indirect.scatter [tilespmem:s17], [sflag:$0x5], $0x80, s18, s10, $0x2000b8;
	[tilespmem:$0x8100] =	vst v63  }
0x5e: {  	p0 =	sne.s32 s24, s14;
	s14 =	simm.s32 $0x1;
	_ =	swait.ge [sflag:s11], $0x4000  }
0x5f: {  	s14 =	simm.s32 @!p0 $0x0;
	[sflag:s11] =	ssyncset.done $0x0  }
0x60: {  	s15 =	sadd.s32 s14, s15;
	[sflag:s11] =	ssyncadd.s32 $0xFFFFC000  }
0x61: {  	s31 =	sand.u32 $0x1, s15;
	_ =	strace $0x90000075  }
0x62: {  	s17 =	sadd.s32 $0x1, s31;
	_ =	strace $0x80000073  }
0x63: {  	_ =	swait.ge [sflag:s17], $0x4000  }
0x64: {  	[sflag:s17] =	ssyncset.done $0x0  }
0x65: {  	s14 =	sadd.s32 s14, s16;
	[sflag:s17] =	ssyncadd.s32 $0xFFFFC000  }
0x66: {  	s16 =	sand.u32 $0x1, s14;
	_ =	strace $0x90000073  }
0x67: {  	s16 =	sadd.s32 $0x3, s16;
	_ =	strace $0x80000074  }
0x68: {  	_ =	swait.ge [sflag:s16], $0x80  }
0x69: {  	s13 =	sadd.s32 $0x1, s13;
	[sflag:s16] =	ssyncset.done $0x0  }
0x6a: {  	p0 =	sne.s32 s13, s8;
	s14 =	sshll.u32 s14, $0x7;
	[sflag:s16] =	ssyncadd.s32 $0xFFFFFF80  }
0x6b: {  	s15 =	sshll.u32 s15, $0xE;
	s14 =	sand.u32 $0x80, s14;
	_ =	strace $0x90000074  }
0x6c: {  	s15 =	sand.u32 $0x4000, s15;
	s14 =	sor.u32 $0x8000, s14;
	_ =	strace $0x80000075  }
0x6d: {  	[hbm4b:s5+s10] =	stream.indirect.scatter [tilespmem:s15], [sflag:$0x5], $0x80, s14, s10, $0x2000b8;
	[tilespmem:$0x8100] =	vst v63  }
.Ltmp1:
0x6e: {  	_ = 	snop;
	(pc) =	sbr.rel @p0 .LBB2_1-.Ltmp1, $4  }
0x6f: {  	_ =	swait.ge [sflag:s11], $0x4000  }
0x70: {  	[sflag:s11] =	ssyncset.done $0x0  }
0x71: {  	[sflag:s11] =	ssyncadd.s32 $0xFFFFC000  }
0x72: {  	_ =	strace $0x90000075  }
0x73: {  	_ =	sfence.sel $0x180000  }
0x74: {  	[bflag:$0x0] =	sbarrier.arrive $0xFFFF  }
0x75: {  	p0 =	sne.s32 s2, $0x0;
	_ =	strace $0x9000006F  }
0x76: {  	s0 =	sadd.s32 @!p0 $0x100000, s0;
	[bflag:$0x2] =	sbarrier.arrive $0xFFFF  }
0x77: {  	[sflag:s0] =	ssyncadd.tile.s32 @!p0 $0x1;
	_ =	shalt  }
.Lfunc_end2:
_tile_overlayer_lowered:
.L_overlay_start_2:
0x78: {  	(tag) =	ssettag $0x2  }
0x79: {  	s0 =	rddreg [dreg:$0x0];
	s2 =	stileid.u32  }
0x7a: {  	s1 =	rddreg [dreg:$0x1];
	p0 =	sne.s32 s2, $0x0  }
0x7b: {  	s3 =	rddreg [dreg:$0x2];
	[bflag:$0x3] =	sbarrier.arrive $0xFFFF;
	s2 =	simm.s32 @!p0 $0x1C01  }
0x7c: {  	[timem:s3], [sflag:s2] =	dma.local @!p0 [hbm:s0], s1  }
0x7d: {  	s0 =	simm.s32 @!p0 $0x1  }
0x7e: {  	_ =	swait.ge @!p0 [sflag:s0], s1  }
0x7f: {  	s1 =	ssub.s32 @!p0 $0x0, s1;
	[sflag:s0] =	ssyncset.done @!p0 $0x0  }
0x80: {  	[sflag:s0] =	ssyncadd.s32 @!p0 s1  }
0x81: {  	[bflag:$0x3] =	sbarrier.arrive $0xFFFF  }
0x82: {  	_ =	shalt  }

// kernel: kernel.21.cloned.1.call-start
scs
__scs_entry_jumppad:
0x0: {  	(pc) =	sbr.rel $0x88, $3  }
0x1: {  	(tag) =	ssettag $0x0;
	lr =	simm.s32 $0x1  }
0x2: {  	[smem:$0x3F9E] =	sst lr;
	_ =	strace $0xD0000000  }
0x3: {  	_ = 	snop  }
0x4: {  	_ = 	snop  }
0x5: {  	_ = 	snop  }
0x6: {  	_ = 	snop  }
0x7: {  	_ = 	snop  }
__scs_overlays_trampoline_lowered:
0x8: {  	[smem:$0x3FAD] =	sst s0  }
0x9: {  	[smem:$0x3FAE] =	sst s1  }
0xa: {  	[smem:$0x3FAF] =	sst s2  }
0xb: {  	[smem:$0x3FB0] =	sst s3  }
0xc: {  	[smem:$0x3FB1] =	sst s4  }
0xd: {  	[smem:$0x3FB2] =	sst s5  }
0xe: {  	[smem:$0x3FB3] =	sst s6  }
0xf: {  	[smem:$0x3FB4] =	sst s7  }
0x10: {  	[smem:$0x3FB5] =	sst s8  }
0x11: {  	[smem:$0x3FB6] =	sst s9;
	s0 =	simm.s32 @!p0 $0x0  }
0x12: {  	s1 =	sld [smem:$0x3F9C];
	s0 =	simm.s32 @p0 $0x1  }
0x13: {  	[smem:$0x3FB7] =	sst s0;
	s0 =	simm.s32 @!p1 $0x0  }
0x14: {  	s2 =	sld [smem:$0x3F9B];
	s0 =	simm.s32 @p1 $0x1  }
0x15: {  	[smem:$0x3FB8] =	sst s0;
	s0 =	simm.s32 @!p2 $0x0  }
0x16: {  	s3 =	sld [smem:$0x3FDB];
	s0 =	simm.s32 @p2 $0x1  }
0x17: {  	s4 =	simm.s32 $0x1BF5;
	[smem:$0x3FBA] =	sst s0  }
0x18: {  	s0 =	sld [smem:$0x3F9D];
	_ =	swait.ge [sflag:s4], $0x0  }
0x19: {  	s7 =	sld [smem:$0x3F9E]  }
0x1a: {  	s8 =	sadd.s32 $0xFFFFE003, lr  }
0x1b: {  	s9 =	sadd.s32 $0xFFFFFEF7, lr;
	s5 =	simm.s32 $0xFFFFFFFF;
	p2 =	slt.u32 s8, $0xFFFFF086  }
0x1c: {  	p1 =	slt.u32 s9, $0xF7A;
	s5 =	simm.s32 @!p2 $0x0  }
0x1d: {  	s5 =	simm.s32 @p1 $0x1;
	p0 =	seq.s32 s7, s2  }
0x1e: {  	s7 =	smul.u32 @!p0 $0xF7A, s2;
	p2 =	seq.s32 @!p0 s5, $0x0  }
0x1f: {  	s9 =	smul.u32 $0xF7A, s1;
	s8 =	simm.s32 @!p0 $0x1BF5;
	p2 =	por !p2, p0  }
0x20: {  	[sflag:s8] =	ssyncset.s32 @!p0 $0xFFFFF086;
	s6 =	sadd.s32 @!p0 s3, s7;
	s7 =	simm.s32 @!p0 $0x108  }
0x21: {  	s3 =	sadd.s32 s3, s9;
	s6 =	sadd.s32 @!p0 $0x88, s6;
	s7 =	simm.s32 @p2 $0x1082  }
0x22: {  	[simem:s7], [sflag:s8] =	dma.local @!p0 [hbm:s6], $0xF7A  }
0x23: {  	s9 =	sor.u32 $0xD0000000, s2;
	s6 =	simm.s32 $0x108;
	_ =	swait.ge @!p0 [sflag:s8], $0x0  }
0x24: {  	s3 =	sadd.s32 $0x88, s3;
	s6 =	simm.s32 @!p1 $0x1082;
	[sflag:s4] =	ssyncset.s32 $0xFFFFF086  }
0x25: {  	[simem:s6], [sflag:s4] =	dma.local [hbm:s3], $0xF7A  }
0x26: {  	[smem:$0x3F9E] =	sst s1;
	(tag) =	ssettag s2;
	_ =	strace s9  }
0x27: {  	s1 =	sld [smem:$0x3FAE]  }
0x28: {  	s2 =	sld [smem:$0x3FAF]  }
0x29: {  	s4 =	sld [smem:$0x3FB1]  }
0x2a: {  	p0 =	seq.s32 s5, $0x0;
	s5 =	sld [smem:$0x3FB2]  }
0x2b: {  	s6 =	sld [smem:$0x3FB3]  }
0x2c: {  	s7 =	sld [smem:$0x3FB4]  }
0x2d: {  	s3 =	simm.s32 $0x108;
	s8 =	sld [smem:$0x3FB5]  }
0x2e: {  	s3 =	simm.s32 @!p0 $0x1082;
	s9 =	sld [smem:$0x3FB6]  }
0x2f: {  	lr =	sadd.s32 s0, s3;
	s0 =	sld [smem:$0x3FAD]  }
0x30: {  	s3 =	sld [smem:$0x3FB0]  }
0x31: {  	[smem:$0x3FB9] =	sst s10  }
0x32: {  	s10 =	sld [smem:$0x3FB7];
	_ =	sdelay $0x3  }
0x33: {  	p0 =	seq.s32 s10, $0x1;
	s10 =	sld [smem:$0x3FB9];
	_ =	sdelay $0x3  }
0x34: {  	[smem:$0x3FB9] =	sst s10  }
0x35: {  	s10 =	sld [smem:$0x3FB8];
	_ =	sdelay $0x3  }
0x36: {  	p1 =	seq.s32 s10, $0x1;
	s10 =	sld [smem:$0x3FB9];
	_ =	sdelay $0x3  }
0x37: {  	[smem:$0x3FB9] =	sst s10  }
0x38: {  	s10 =	sld [smem:$0x3FBA]  }
0x39: {  	_ = 	snop;
	(pc) =	sbr.ind lr, $3  }
0x3a: {  	_ = 	snop  }
0x3b: {  	_ = 	snop  }
0x3c: {  	p2 =	seq.s32 s10, $0x1;
	s10 =	sld [smem:$0x3FB9]  }
0x3d: {  	_ =	shalt  }
0x3e: {  	_ =	shalt  }
0x3f: {  	_ =	shalt  }
0x40: {  	_ =	shalt  }
0x41: {  	_ =	shalt  }
0x42: {  	_ =	shalt  }
0x43: {  	_ =	shalt  }
0x44: {  	_ =	shalt  }
0x45: {  	_ =	shalt  }
0x46: {  	_ =	shalt  }
0x47: {  	_ =	shalt  }
0x48: {  	_ =	shalt  }
0x49: {  	_ =	shalt  }
0x4a: {  	_ =	shalt  }
0x4b: {  	_ =	shalt  }
0x4c: {  	_ =	shalt  }
0x4d: {  	_ =	shalt  }
0x4e: {  	_ =	shalt  }
0x4f: {  	_ =	shalt  }
0x50: {  	_ =	shalt  }
0x51: {  	_ =	shalt  }
0x52: {  	_ =	shalt  }
0x53: {  	_ =	shalt  }
0x54: {  	_ =	shalt  }
0x55: {  	_ =	shalt  }
0x56: {  	_ =	shalt  }
0x57: {  	_ =	shalt  }
0x58: {  	_ =	shalt  }
0x59: {  	_ =	shalt  }
0x5a: {  	_ =	shalt  }
0x5b: {  	_ =	shalt  }
0x5c: {  	_ =	shalt  }
0x5d: {  	_ =	shalt  }
0x5e: {  	_ =	shalt  }
0x5f: {  	_ =	shalt  }
0x60: {  	_ =	shalt  }
0x61: {  	_ =	shalt  }
0x62: {  	_ =	shalt  }
0x63: {  	_ =	shalt  }
0x64: {  	_ =	shalt  }
0x65: {  	_ =	shalt  }
0x66: {  	_ =	shalt  }
0x67: {  	_ =	shalt  }
0x68: {  	_ =	shalt  }
0x69: {  	_ =	shalt  }
0x6a: {  	_ =	shalt  }
0x6b: {  	_ =	shalt  }
0x6c: {  	_ =	shalt  }
0x6d: {  	_ =	shalt  }
0x6e: {  	_ =	shalt  }
0x6f: {  	_ =	shalt  }
0x70: {  	_ =	shalt  }
0x71: {  	_ =	shalt  }
0x72: {  	_ =	shalt  }
0x73: {  	_ =	shalt  }
0x74: {  	_ =	shalt  }
0x75: {  	_ =	shalt  }
0x76: {  	_ =	shalt  }
0x77: {  	_ =	shalt  }
0x78: {  	_ =	shalt  }
0x79: {  	_ =	shalt  }
0x7a: {  	_ =	shalt  }
0x7b: {  	_ =	shalt  }
0x7c: {  	_ =	shalt  }
0x7d: {  	_ =	shalt  }
0x7e: {  	_ =	shalt  }
0x7f: {  	_ =	shalt  }
0x80: {  	_ =	shalt  }
0x81: {  	_ =	shalt  }
0x82: {  	_ =	shalt  }
0x83: {  	_ =	shalt  }
0x84: {  	_ =	shalt  }
0x85: {  	_ =	shalt  }
0x86: {  	_ =	shalt  }
0x87: {  	_ =	shalt  }
.Lfunc_end0:
.L_simem_size_0:
called_computation.3_lowered:
.L_overlay_start_0:
0x88: {  	s2 =	sld [smem:$0x3FD9]  }
0x89: {  	s3 =	sld [smem:$0x3FFE];
	_ =	sdelay $0x1  }
0x8a: {  	s1 =	srdreg.scid  }
0x8b: {  	s0 =	sand.u32 $0x1, s1  }
0x8c: {  	s16 =	sshll.u32 s0, $0xA;
	s2 =	sadd.s32 s3, s2  }
0x8d: {  	s2 =	sadd.s32 s2, s16  }
0x8e: {  	[smem:$0x3FC5] =	sst s2  }
0x8f: {  	_ = 	snop  }
0x90: {  	(tm) =	ssettm $0x1  }
0x91: {  	s17 =	sld [smem:$0x3FFB];
	_ =	sdelay $0x3  }
0x92: {  	_ =	strace s17  }
0x93: {  	s2 =	sld [smem:$0x3FFC];
	_ =	sdelay $0x3  }
0x94: {  	_ =	strace s2  }
0x95: {  	s2 =	sld [smem:$0x3FFD];
	_ =	sdelay $0x3  }
0x96: {  	_ =	strace s2  }
0x97: {  	_ =	strace $0x8FFFFFFF  }
0x98: {  	s18 =	sld [smem:$0x3FDB];
	_ =	sdelay $0x1  }
0x99: {  	s19 =	simm.s32 $_scs_section_size  }
0x9a: {  	s4 =	simm.s32 $_size__tile_overlayer_lowered;
	s5 =	simm.s32 $_tile_overlayer_lowered  }
0x9b: {  	s22 =	simm.s32 $0x1BFF;
	s21 =	sshll.u32 s5, $0x1;
	s2 =	sadd.s32 s19, s18  }
0x9c: {  	s6 =	simm.s32 $0x0;
	s20 =	sshll.u32 s4, $0x1;
	s4 =	sadd.s32 s21, s2  }
0x9d: {  	[timem:s6], [sflag:s22] =	dma.local [hbm:s4], s20  }
0x9e: {  	_ =	swait.ge [sflag:s22], s20  }
0x9f: {  	s3 =	ssub.s32 $0x0, s20;
	[sflag:s22] =	ssyncset.done $0x0  }
0xa0: {  	[sflag:s22] =	ssyncadd.s32 s3;
	_ =	sdelay $0x1  }
0xa1: {  	s23 =	simm.s32 $0x1B8B  }
0xa2: {  	_ =	swait.ge [sflag:s23], $0x1  }
0xa3: {  	[sflag:s23] =	ssyncset.done $0x0  }
0xa4: {  	s25 =	simm.s32 $0x1B8E;
	s24 =	sld [smem:$0x3FFE];
	[sflag:s23] =	ssyncadd.s32 $0xFFFFFFFF  }
0xa5: {  	s26 =	simm.s32 $execute0_lowered;
	[smem:$0x3FD2] =	sst s25  }
0xa6: {  	s4 =	sshll.u32 s26, $0x1;
	_ =	strace $0x80000049;
	[dreg:$0x1] =	wrdreg $0xFFFFFFFF  }
0xa7: {  	s28 =	simm.s32 $_size_execute0_lowered;
	s2 =	sadd.s32 s2, s4;
	[dreg:$0x0] =	wrdreg $0x0  }
0xa8: {  	s4 =	sshll.u32 s28, $0x1;
	[dreg:$0x2] =	wrdreg s2  }
0xa9: {  	[dreg:$0x3] =	wrdreg s4  }
0xaa: {  	[dreg:$0x4] =	wrdreg $0xC0  }
0xab: {  	_ =	task [dreg:s6], $0x5FFFF  }
0xac: {  	[dreg:$0x1] =	wrdreg $0xFFFFFFFF  }
0xad: {  	[dreg:$0x0] =	wrdreg $0x60  }
0xae: {  	[dreg:$0x2] =	wrdreg s24  }
0xaf: {  	[dreg:$0x3] =	wrdreg $0xA  }
0xb0: {  	_ =	task.clear_ibuf [dreg:s6], $0x4FFFF;
	_ =	strace $0x90000049  }
0xb1: {  	s29 =	simm.s32 $0xA;
	_ =	strace $0x80000056  }
0xb2: {  	_ =	swait.ge [sflag:s29], $0x1  }
0xb3: {  	[sflag:s29] =	ssyncadd.s32 $0xFFFFFFFF  }
0xb4: {  	_ =	strace $0x90000056  }
0xb5: {  	_ =	sfence  }
0xb6: {  	s30 =	sld [smem:$0x0];
	_ =	sdelay $0x2  }
0xb7: {  	s31 =	sshll.u32 s1, $0xD;
	s1 =	sshrl.u32 s1, $0x2  }
0xb8: {  	s3 =	sand.u32 $0x4000, s31;
	s1 =	sadd.s32 s1, s30  }
0xb9: {  	s0 =	sor.u32 s3, s0;
	s1 =	sshll.u32 s1, $0x11  }
0xba: {  	s0 =	sor.u32 s1, s0  }
0xbb: {  	s0 =	sadd.s32 $0x8F2B, s0  }
0xbc: {  	[sflag:s0] =	ssyncadd.remote.s32 $0x1  }
0xbd: {  	_ =	sfence.sel $0xFFFF  }
0xbe: {  	[dreg:$0x0] =	wrdreg $0xFFFFFFFF;
	(pc) =	sbr.abs _section_cstart, $3  }
0xbf: {  	[dreg:$0x1] =	wrdreg $0xFFFFFFFF  }
0xc0: {  	_ =	task.clear_ibuf [dreg:s6], $0x2FFFF;
	_ =	strace $0x9FFFFFFF  }
0xc1: {  	(tm) =	ssettm $0x7FFFFFFF  }
tec
execute0_lowered:
.L_overlay_start_1:
0x0: {  	(tag) =	ssettag $0x1  }
0x1: {  	s0 =	rddreg [dreg:$0x0]  }
0x2: {  	s1 =	simm.s32 $0x0;
	s4 =	srdreg.scid;
	s8 =	stileid.u32  }
0x3: {  	s14 =	simm.s32 $0x80;
	s15 =	simm.s32 $0x1;
	s16 =	simm.s32 $0x2  }
0x4: {  	s17 =	simm.s32 $0x0;
	[smem:$0x7FF] =	sst s1;
	s2 =	sadd.s32 $0x32BC00, s0  }
0x5: {  	s3 =	sadd.s32 $0x103C00, s0;
	s5 =	sadd.s32 $0x203C00, s0;
	s4 =	sand.u32 $0x1, s4  }
0x6: {  	s6 =	sadd.s32 $0x20BC00, s0;
	s9 =	ssub.s32 $0x2, s4;
	s4 =	sshll.u32 s4, $0x4  }
0x7: {  	s7 =	sadd.s32 $0x42BC00, s0;
	_ =	strace $0x8000004A;
	s4 =	sor.u32 s8, s4  }
0x8: {  	s10 =	sshrl.u32 s9, $0x1;
	s8 =	sadd.s32 $0x82BC00, s0;
	s11 =	sshll.u32 s4, $0xA  }
0x9: {  	s30 =	ssub.s32 s9, s10;
	s9 =	sshll.u32 s4, $0x6;
	s31 =	sadd.s32 s5, s11  }
0xa: {  	s11 =	sadd.s32 s6, s11;
	s12 =	smax.u32 s30, $0x1;
	[dreg:$0x2] =	wrdreg s31  }
.LBB2_1:
0xb: {  	_ =	strace $0x8000004B;
	s31 =	simm.s32 $0x100  }
0xc: {  	s19 =	simm.s32 $0x40;
	s29 =	simm.s32 $0x0;
	s18 =	simm.s32 $0x0  }
0xd: {  	s20 =	simm.s32 $0x0;
	s25 =	simm.s32 $0x0;
	s0 =	rddreg [dreg:$0x2]  }
0xe: {  	[tilespmem:s1], [sflag:$0x3] =	stream.linear.gather [hbm4b:s0+s1], $0x80, $0x200038;
	[tilespmem:$0x10200] =	vst v63  }
0xf: {  	s21 =	simm.s32 $0x0;
	s22 =	simm.s32 $0x0;
	s23 =	simm.s32 $0x1  }
0x10: {  	[tilespmem:s31], [sflag:$0x5] =	stream.linear.gather [hbm4b:s11+s1], $0x80, $0x200038;
	[tilespmem:$0x10200] =	vst v63  }
0x11: {  	s24 =	simm.s32 $0x0;
	s28 =	simm.s32 $0x1;
	_ =	strace $0x9000004B  }
.LBB2_2:
0x12: {  	s26 =	sadd.s32 $0x1, s29  }
0x13: {  	p0 =	seq.s32 s26, $0x40  }
0x14: {  	s26 =	simm.s32 @p0 $0x0;
	p0 =	seq.s32 s19, $0x1  }
0x15: {  	p1 =	seq.s32 @!p0 s29, s26  }
0x16: {  	p2 =	por p1, p0  }
0x17: {  	s0 =	sadd.s32 @!p2 s9, s26  }
0x18: {  	s4 =	sand.u32 @!p2 $0x1, s28;
	s0 =	sshll.u32 @!p2 s0, $0x4  }
0x19: {  	_ =	strace @!p2 $0x8000004C;
	s31 =	simm.s32 @!p2 $0x0;
	s0 =	sand.u32 @!p2 $0x1FFFFFF0, s0  }
0x1a: {  	s13 =	sshll.u32 @!p2 s4, $0x7;
	s4 =	sadd.s32 @!p2 $0x3, s4;
	s30 =	sadd.s32 @!p2 s5, s0  }
0x1b: {  	[tilespmem:s13], [sflag:s4] =	stream.linear.gather @!p2 [hbm4b:s30+s31], $0x80, $0x200038;
	[tilespmem:$0x10200] =	vst v63  }
0x1c: {  	s4 =	sand.u32 @!p2 $0x1, s23  }
0x1d: {  	s0 =	sadd.s32 @!p2 s6, s0;
	_ =	strace @!p2 $0x9000004C;
	s13 =	sshll.u32 @!p2 s4, $0x7  }
0x1e: {  	s4 =	sadd.s32 @!p2 $0x5, s4;
	_ =	strace @!p2 $0x8000004D;
	s13 =	sor.u32 @!p2 $0x100, s13  }
0x1f: {  	[tilespmem:s13], [sflag:s4] =	stream.linear.gather @!p2 [hbm4b:s0+s31], $0x80, $0x200038;
	[tilespmem:$0x10200] =	vst v63  }
0x20: {  	s30 =	sand.u32 $0x1, s24;
	_ =	strace @!p2 $0x9000004D  }
0x21: {  	s0 =	sadd.s32 $0x3, s30;
	_ =	strace $0x8000004E  }
0x22: {  	_ =	swait.ge [sflag:s0], $0x80  }
0x23: {  	[sflag:s0] =	ssyncset.done $0x0  }
0x24: {  	[sflag:s0] =	ssyncadd.s32 $0xFFFFFF80  }
0x25: {  	s31 =	sand.u32 $0x1, s22;
	_ =	strace $0x9000004E  }
0x26: {  	s0 =	sadd.s32 $0x5, s31;
	_ =	strace $0x8000004F  }
0x27: {  	_ =	swait.ge [sflag:s0], $0x80  }
0x28: {  	s10 =	sshll.u32 s24, $0x7;
	[sflag:s0] =	ssyncset.done $0x0  }
0x29: {  	s30 =	sand.u32 $0x80, s10;
	s31 =	sand.u32 $0x1, s21;
	[sflag:s0] =	ssyncadd.s32 $0xFFFFFF80  }
0x2a: {  	s10 =	sshll.u32 s22, $0x7;
	s4 =	sshll.u32 s31, $0xE;
	_ =	strace $0x9000004F  }
0x2b: {  	s4 =	sor.u32 $0x200, s4;
	s0 =	sand.u32 $0x1, s20;
	_ =	strace $0x80000050  }
0x2c: {  	[tilespmem:s4], [sflag:$0x1] =	stream.indirect.gather [hbm4b:s2+s14], $0x80, s30, s14, $0x2000b8;
	[tilespmem:$0x10200] =	vst v63  }
0x2d: {  	s10 =	sand.u32 $0x80, s10;
	s30 =	sshll.u32 s0, $0xE  }
0x2e: {  	s10 =	sor.u32 $0x100, s10;
	s13 =	sor.u32 $0x8200, s30  }
0x2f: {  	[tilespmem:s13], [sflag:$0x2] =	stream.indirect.gather [hbm4b:s3+s14], $0x80, s10, s14, $0x2000b8;
	[tilespmem:$0x10200] =	vst v63  }
0x30: {  	_ =	swait.ge [sflag:s15], $0x4000  }
0x31: {  	[sflag:s15] =	ssyncset.done $0x0  }
0x32: {  	[sflag:s15] =	ssyncadd.s32 $0xFFFFC000  }
0x33: {  	p3 =	por p0, !p1;
	_ =	swait.ge [sflag:s16], $0x4000  }
0x34: {  	s10 =	sadd.s32 @p3 s9, s29;
	[sflag:s16] =	ssyncset.done $0x0  }
0x35: {  	s10 =	sshll.u32 @p3 s10, $0xB;
	[sflag:s16] =	ssyncadd.s32 $0xFFFFC000  }
0x36: {  	s30 =	simm.s32 $0x0;
	s10 =	sand.u32 @p3 $0x1FFFF800, s10;
	_ =	strace $0x90000050  }
0x37: {  	s29 =	sadd.s32 @p3 $0x7, s31;
	s30 =	sadd.s32 @p3 s7, s10;
	_ =	strace @p3 $0x80000051  }
0x38: {  	[hbm4b:s30+s1] =	stream.linear.scatter @p3 [tilespmem:s4], [sflag:s29], $0x4000, $0x200038;
	[tilespmem:$0x10200] =	vst v63  }
0x39: {  	p1 =	por !p1, p0;
	s21 =	sadd.s32 @p3 $0x1, s21;
	_ =	strace @p3 $0x90000051  }
0x3a: {  	s0 =	sadd.s32 @p3 $0x9, s0;
	s4 =	sadd.s32 @p3 s8, s10;
	_ =	strace @p3 $0x80000052  }
0x3b: {  	[hbm4b:s4+s1] =	stream.linear.scatter @p3 [tilespmem:s13], [sflag:s0], $0x4000, $0x200038;
	[tilespmem:$0x10200] =	vst v63  }
0x3c: {  	s30 =	simm.s32 @p3 $0x1;
	_ =	strace @p3 $0x90000052;
	p3 =	seq.s32 s19, $0x40  }
0x3d: {  	s29 =	smov.u32 s26;
	s20 =	sadd.s32 s20, s30;
	s0 =	sand.u32 @!p3 $0x1, s25  }
0x3e: {  	s24 =	sadd.s32 s24, s30;
	_ =	strace @!p3 $0x80000053;
	s0 =	sadd.s32 @!p3 $0x7, s0  }
0x3f: {  	s4 =	sadd.s32 @!p2 $0x1, s28;
	s13 =	smov.u32 s28;
	_ =	swait.ge @!p3 [sflag:s0], $0x4000  }
0x40: {  	s13 =	smov.u32 @p1 s4;
	s19 =	sadd.s32 $0xFFFFFFFF, s19;
	[sflag:s0] =	ssyncset.done @!p3 $0x0  }
0x41: {  	s10 =	sand.u32 @!p3 $0x1, s18;
	[sflag:s0] =	ssyncadd.s32 @!p3 $0xFFFFC000;
	s0 =	simm.s32 $0x0  }
0x42: {  	s13 =	smov.u32 @p0 s28;
	s4 =	simm.s32 @!p3 $0x1;
	s0 =	simm.s32 @p1 $0x1  }
0x43: {  	_ =	strace @!p3 $0x90000053;
	s0 =	simm.s32 @p0 $0x0;
	p0 =	sne.s32 s19, $0x0  }
.Ltmp0:
0x44: {  	s10 =	sadd.s32 @!p3 $0x9, s10;
	_ =	strace @!p3 $0x80000054;
	(pc) =	sbr.rel @p0 .LBB2_2-.Ltmp0, $4  }
0x45: {  	s22 =	sadd.s32 s22, s30;
	s4 =	simm.s32 @p3 $0x0;
	_ =	swait.ge @!p3 [sflag:s10], $0x4000  }
0x46: {  	s23 =	sadd.s32 s23, s0;
	s0 =	sadd.s32 @!p3 $0x1, s25;
	[sflag:s10] =	ssyncset.done @!p3 $0x0  }
0x47: {  	s28 =	smov.u32 s13;
	s0 =	smov.u32 @p3 s25;
	[sflag:s10] =	ssyncadd.s32 @!p3 $0xFFFFC000  }
0x48: {  	s18 =	sadd.s32 s18, s4;
	s25 =	smov.u32 s0;
	_ =	strace @!p3 $0x90000054  }
0x49: {  	s0 =	sand.u32 $0x1, s0  }
0x4a: {  	_ =	strace $0x80000055;
	s0 =	sadd.s32 $0x7, s0  }
0x4b: {  	s17 =	sadd.s32 $0x1, s17;
	_ =	swait.ge [sflag:s0], $0x4000  }
0x4c: {  	s4 =	sand.u32 $0x1, s18;
	p0 =	sne.s32 s17, s12;
	[sflag:s0] =	ssyncset.done $0x0  }
.Ltmp1:
0x4d: {  	s31 =	sadd.s32 $0x9, s4;
	[sflag:s0] =	ssyncadd.s32 $0xFFFFC000;
	(pc) =	sbr.rel @p0 .LBB2_1-.Ltmp1, $4  }
0x4e: {  	_ =	swait.ge [sflag:s31], $0x4000  }
0x4f: {  	[sflag:s31] =	ssyncset.done $0x0  }
0x50: {  	[sflag:s31] =	ssyncadd.s32 $0xFFFFC000  }
0x51: {  	_ =	strace $0x90000055  }
0x52: {  	_ =	sfence.sel $0x180000  }
0x53: {  	[bflag:$0x0] =	sbarrier.arrive $0xFFFF  }
0x54: {  	_ =	strace $0x9000004A  }
0x55: {  	s0 =	stileid.u32;
	[bflag:$0x2] =	sbarrier.arrive $0xFFFF  }
0x56: {  	p0 =	sne.s32 s0, $0x0;
	s0 =	rddreg [dreg:$0x1]  }
0x57: {  	s0 =	sadd.s32 @!p0 $0x100000, s0  }
0x58: {  	[sflag:s0] =	ssyncadd.tile.s32 @!p0 $0x1;
	_ =	shalt  }
.Lfunc_end2:
_tile_overlayer_lowered:
.L_overlay_start_2:
0x59: {  	(tag) =	ssettag $0x2  }
0x5a: {  	s0 =	rddreg [dreg:$0x0];
	s2 =	stileid.u32  }
0x5b: {  	s1 =	rddreg [dreg:$0x1];
	p0 =	sne.s32 s2, $0x0  }
0x5c: {  	s3 =	rddreg [dreg:$0x2];
	[bflag:$0x3] =	sbarrier.arrive $0xFFFF;
	s2 =	simm.s32 @!p0 $0x1C03  }
0x5d: {  	[timem:s3], [sflag:s2] =	dma.local @!p0 [hbm:s0], s1  }
0x5e: {  	s0 =	simm.s32 @!p0 $0x3  }
0x5f: {  	_ =	swait.ge @!p0 [sflag:s0], s1  }
0x60: {  	s1 =	ssub.s32 @!p0 $0x0, s1;
	[sflag:s0] =	ssyncset.done @!p0 $0x0  }
0x61: {  	[sflag:s0] =	ssyncadd.s32 @!p0 s1  }
0x62: {  	[bflag:$0x3] =	sbarrier.arrive $0xFFFF  }
0x63: {  	_ =	shalt  }

// kernel: kernel.24.cloned.1.call-start
scs
__scs_entry_jumppad:
0x0: {  	(pc) =	sbr.rel $0x88, $3  }
0x1: {  	(tag) =	ssettag $0x0;
	lr =	simm.s32 $0x1  }
0x2: {  	[smem:$0x3F9E] =	sst lr;
	_ =	strace $0xD0000000  }
0x3: {  	_ = 	snop  }
0x4: {  	_ = 	snop  }
0x5: {  	_ = 	snop  }
0x6: {  	_ = 	snop  }
0x7: {  	_ = 	snop  }
__scs_overlays_trampoline_lowered:
0x8: {  	[smem:$0x3FAD] =	sst s0  }
0x9: {  	[smem:$0x3FAE] =	sst s1  }
0xa: {  	[smem:$0x3FAF] =	sst s2  }
0xb: {  	[smem:$0x3FB0] =	sst s3  }
0xc: {  	[smem:$0x3FB1] =	sst s4  }
0xd: {  	[smem:$0x3FB2] =	sst s5  }
0xe: {  	[smem:$0x3FB3] =	sst s6  }
0xf: {  	[smem:$0x3FB4] =	sst s7  }
0x10: {  	[smem:$0x3FB5] =	sst s8  }
0x11: {  	[smem:$0x3FB6] =	sst s9;
	s0 =	simm.s32 @!p0 $0x0  }
0x12: {  	s1 =	sld [smem:$0x3F9C];
	s0 =	simm.s32 @p0 $0x1  }
0x13: {  	[smem:$0x3FB7] =	sst s0;
	s0 =	simm.s32 @!p1 $0x0  }
0x14: {  	s2 =	sld [smem:$0x3F9B];
	s0 =	simm.s32 @p1 $0x1  }
0x15: {  	[smem:$0x3FB8] =	sst s0;
	s0 =	simm.s32 @!p2 $0x0  }
0x16: {  	s3 =	sld [smem:$0x3FDB];
	s0 =	simm.s32 @p2 $0x1  }
0x17: {  	s4 =	simm.s32 $0x1BF5;
	[smem:$0x3FBA] =	sst s0  }
0x18: {  	s0 =	sld [smem:$0x3F9D];
	_ =	swait.ge [sflag:s4], $0x0  }
0x19: {  	s7 =	sld [smem:$0x3F9E]  }
0x1a: {  	s8 =	sadd.s32 $0xFFFFE003, lr  }
0x1b: {  	s9 =	sadd.s32 $0xFFFFFEF7, lr;
	s5 =	simm.s32 $0xFFFFFFFF;
	p2 =	slt.u32 s8, $0xFFFFF086  }
0x1c: {  	p1 =	slt.u32 s9, $0xF7A;
	s5 =	simm.s32 @!p2 $0x0  }
0x1d: {  	s5 =	simm.s32 @p1 $0x1;
	p0 =	seq.s32 s7, s2  }
0x1e: {  	s7 =	smul.u32 @!p0 $0xF7A, s2;
	p2 =	seq.s32 @!p0 s5, $0x0  }
0x1f: {  	s9 =	smul.u32 $0xF7A, s1;
	s8 =	simm.s32 @!p0 $0x1BF5;
	p2 =	por !p2, p0  }
0x20: {  	[sflag:s8] =	ssyncset.s32 @!p0 $0xFFFFF086;
	s6 =	sadd.s32 @!p0 s3, s7;
	s7 =	simm.s32 @!p0 $0x108  }
0x21: {  	s3 =	sadd.s32 s3, s9;
	s6 =	sadd.s32 @!p0 $0x88, s6;
	s7 =	simm.s32 @p2 $0x1082  }
0x22: {  	[simem:s7], [sflag:s8] =	dma.local @!p0 [hbm:s6], $0xF7A  }
0x23: {  	s9 =	sor.u32 $0xD0000000, s2;
	s6 =	simm.s32 $0x108;
	_ =	swait.ge @!p0 [sflag:s8], $0x0  }
0x24: {  	s3 =	sadd.s32 $0x88, s3;
	s6 =	simm.s32 @!p1 $0x1082;
	[sflag:s4] =	ssyncset.s32 $0xFFFFF086  }
0x25: {  	[simem:s6], [sflag:s4] =	dma.local [hbm:s3], $0xF7A  }
0x26: {  	[smem:$0x3F9E] =	sst s1;
	(tag) =	ssettag s2;
	_ =	strace s9  }
0x27: {  	s1 =	sld [smem:$0x3FAE]  }
0x28: {  	s2 =	sld [smem:$0x3FAF]  }
0x29: {  	s4 =	sld [smem:$0x3FB1]  }
0x2a: {  	p0 =	seq.s32 s5, $0x0;
	s5 =	sld [smem:$0x3FB2]  }
0x2b: {  	s6 =	sld [smem:$0x3FB3]  }
0x2c: {  	s7 =	sld [smem:$0x3FB4]  }
0x2d: {  	s3 =	simm.s32 $0x108;
	s8 =	sld [smem:$0x3FB5]  }
0x2e: {  	s3 =	simm.s32 @!p0 $0x1082;
	s9 =	sld [smem:$0x3FB6]  }
0x2f: {  	lr =	sadd.s32 s0, s3;
	s0 =	sld [smem:$0x3FAD]  }
0x30: {  	s3 =	sld [smem:$0x3FB0]  }
0x31: {  	[smem:$0x3FB9] =	sst s10  }
0x32: {  	s10 =	sld [smem:$0x3FB7];
	_ =	sdelay $0x3  }
0x33: {  	p0 =	seq.s32 s10, $0x1;
	s10 =	sld [smem:$0x3FB9];
	_ =	sdelay $0x3  }
0x34: {  	[smem:$0x3FB9] =	sst s10  }
0x35: {  	s10 =	sld [smem:$0x3FB8];
	_ =	sdelay $0x3  }
0x36: {  	p1 =	seq.s32 s10, $0x1;
	s10 =	sld [smem:$0x3FB9];
	_ =	sdelay $0x3  }
0x37: {  	[smem:$0x3FB9] =	sst s10  }
0x38: {  	s10 =	sld [smem:$0x3FBA]  }
0x39: {  	_ = 	snop;
	(pc) =	sbr.ind lr, $3  }
0x3a: {  	_ = 	snop  }
0x3b: {  	_ = 	snop  }
0x3c: {  	p2 =	seq.s32 s10, $0x1;
	s10 =	sld [smem:$0x3FB9]  }
0x3d: {  	_ =	shalt  }
0x3e: {  	_ =	shalt  }
0x3f: {  	_ =	shalt  }
0x40: {  	_ =	shalt  }
0x41: {  	_ =	shalt  }
0x42: {  	_ =	shalt  }
0x43: {  	_ =	shalt  }
0x44: {  	_ =	shalt  }
0x45: {  	_ =	shalt  }
0x46: {  	_ =	shalt  }
0x47: {  	_ =	shalt  }
0x48: {  	_ =	shalt  }
0x49: {  	_ =	shalt  }
0x4a: {  	_ =	shalt  }
0x4b: {  	_ =	shalt  }
0x4c: {  	_ =	shalt  }
0x4d: {  	_ =	shalt  }
0x4e: {  	_ =	shalt  }
0x4f: {  	_ =	shalt  }
0x50: {  	_ =	shalt  }
0x51: {  	_ =	shalt  }
0x52: {  	_ =	shalt  }
0x53: {  	_ =	shalt  }
0x54: {  	_ =	shalt  }
0x55: {  	_ =	shalt  }
0x56: {  	_ =	shalt  }
0x57: {  	_ =	shalt  }
0x58: {  	_ =	shalt  }
0x59: {  	_ =	shalt  }
0x5a: {  	_ =	shalt  }
0x5b: {  	_ =	shalt  }
0x5c: {  	_ =	shalt  }
0x5d: {  	_ =	shalt  }
0x5e: {  	_ =	shalt  }
0x5f: {  	_ =	shalt  }
0x60: {  	_ =	shalt  }
0x61: {  	_ =	shalt  }
0x62: {  	_ =	shalt  }
0x63: {  	_ =	shalt  }
0x64: {  	_ =	shalt  }
0x65: {  	_ =	shalt  }
0x66: {  	_ =	shalt  }
0x67: {  	_ =	shalt  }
0x68: {  	_ =	shalt  }
0x69: {  	_ =	shalt  }
0x6a: {  	_ =	shalt  }
0x6b: {  	_ =	shalt  }
0x6c: {  	_ =	shalt  }
0x6d: {  	_ =	shalt  }
0x6e: {  	_ =	shalt  }
0x6f: {  	_ =	shalt  }
0x70: {  	_ =	shalt  }
0x71: {  	_ =	shalt  }
0x72: {  	_ =	shalt  }
0x73: {  	_ =	shalt  }
0x74: {  	_ =	shalt  }
0x75: {  	_ =	shalt  }
0x76: {  	_ =	shalt  }
0x77: {  	_ =	shalt  }
0x78: {  	_ =	shalt  }
0x79: {  	_ =	shalt  }
0x7a: {  	_ =	shalt  }
0x7b: {  	_ =	shalt  }
0x7c: {  	_ =	shalt  }
0x7d: {  	_ =	shalt  }
0x7e: {  	_ =	shalt  }
0x7f: {  	_ =	shalt  }
0x80: {  	_ =	shalt  }
0x81: {  	_ =	shalt  }
0x82: {  	_ =	shalt  }
0x83: {  	_ =	shalt  }
0x84: {  	_ =	shalt  }
0x85: {  	_ =	shalt  }
0x86: {  	_ =	shalt  }
0x87: {  	_ =	shalt  }
.Lfunc_end0:
.L_simem_size_0:
called_computation.4_lowered:
.L_overlay_start_0:
0x88: {  	s2 =	sld [smem:$0x3FD9]  }
0x89: {  	s3 =	sld [smem:$0x3FFE];
	_ =	sdelay $0x1  }
0x8a: {  	s1 =	srdreg.scid  }
0x8b: {  	s0 =	sand.u32 $0x1, s1  }
0x8c: {  	s17 =	sshll.u32 s0, $0xA;
	s2 =	sadd.s32 s3, s2  }
0x8d: {  	s2 =	sadd.s32 s2, s17  }
0x8e: {  	[smem:$0x3FC5] =	sst s2  }
0x8f: {  	_ = 	snop  }
0x90: {  	s18 =	sld [smem:$0x3FD0];
	(tm) =	ssettm $0x1  }
0x91: {  	s19 =	sld [smem:$0x3FFB];
	_ =	sdelay $0x3  }
0x92: {  	_ =	strace s19  }
0x93: {  	s2 =	sld [smem:$0x3FFC];
	_ =	sdelay $0x3  }
0x94: {  	_ =	strace s2  }
0x95: {  	s2 =	sld [smem:$0x3FFD];
	_ =	sdelay $0x3  }
0x96: {  	_ =	strace s2  }
0x97: {  	_ =	strace $0x8FFFFFFF  }
0x98: {  	s20 =	sld [smem:$0x3FDB];
	_ =	sdelay $0x1  }
0x99: {  	s4 =	simm.s32 $_scs_section_size  }
0x9a: {  	s5 =	simm.s32 $_size__tile_overlayer_lowered;
	s6 =	simm.s32 $_tile_overlayer_lowered  }
0x9b: {  	s7 =	simm.s32 $0x1BFF;
	s21 =	sshll.u32 s6, $0x1;
	s4 =	sadd.s32 s4, s20  }
0x9c: {  	s22 =	simm.s32 $0x0;
	s5 =	sshll.u32 s5, $0x1;
	s6 =	sadd.s32 s21, s4  }
0x9d: {  	[timem:s22], [sflag:s7] =	dma.local [hbm:s6], s5  }
0x9e: {  	_ =	swait.ge [sflag:s7], s5  }
0x9f: {  	s5 =	ssub.s32 $0x0, s5;
	[sflag:s7] =	ssyncset.done $0x0  }
0xa0: {  	[sflag:s7] =	ssyncadd.s32 s5;
	_ =	sdelay $0x1  }
0xa1: {  	s23 =	simm.s32 $0x1B8B  }
0xa2: {  	_ =	swait.ge [sflag:s23], $0x1  }
0xa3: {  	[sflag:s23] =	ssyncset.done $0x0  }
0xa4: {  	[sflag:s23] =	ssyncadd.s32 $0xFFFFFFFF  }
0xa5: {  	s5 =	sld [smem:$0x0]  }
0xa6: {  	s6 =	sand.u32 $0xFFFFFFFE, s1  }
0xa7: {  	p0 =	sne.s32 s1, s6  }
0xa8: {  	s6 =	sshll.u32 @p0 s6, $0xE  }
0xa9: {  	s6 =	sadd.s32 @p0 $0x11B8D, s6;
	s7 =	sshll.u32 @p0 s5, $0x11  }
0xaa: {  	s6 =	sor.u32 @p0 s7, s6  }
0xab: {  	[sflag:s6] =	ssyncadd.remote.s32 @p0 $0x1;
	_ =	sdelay $0x1  }
0xac: {  	s6 =	simm.s32 @p0 $0x1B8D  }
0xad: {  	_ =	swait.eq @p0 [sflag:s6], $0x1  }
0xae: {  	[sflag:s6] =	ssyncadd.s32 @p0 $0xFFFFFFFF  }
0xaf: {  	s7 =	sshll.u32 @!p0 s1, $0xE  }
0xb0: {  	s7 =	sor.u32 @!p0 $0x4000, s7;
	s6 =	simm.s32 @!p0 $0x1B8D  }
0xb1: {  	s5 =	sshll.u32 @!p0 s5, $0x11;
	s7 =	sadd.s32 @!p0 $0x11B8D, s7;
	_ =	swait.eq @!p0 [sflag:s6], $0x1  }
0xb2: {  	s5 =	sor.u32 @!p0 s5, s7;
	[sflag:s6] =	ssyncadd.s32 @!p0 $0xFFFFFFFF  }
0xb3: {  	s25 =	simm.s32 $0x1B8E;
	s24 =	sld [smem:$0x3FFE];
	[sflag:s5] =	ssyncadd.remote.s32 @!p0 $0x1  }
0xb4: {  	s26 =	simm.s32 $execute0_lowered;
	[smem:$0x3FD2] =	sst s25  }
0xb5: {  	s6 =	sshll.u32 s26, $0x1;
	_ =	strace $0x80000065;
	[dreg:$0x1] =	wrdreg $0xFFFFFFFF  }
0xb6: {  	s28 =	simm.s32 $_size_execute0_lowered;
	s4 =	sadd.s32 s4, s6;
	[dreg:$0x0] =	wrdreg $0x0  }
0xb7: {  	s6 =	sshll.u32 s28, $0x1;
	[dreg:$0x2] =	wrdreg s4  }
0xb8: {  	[dreg:$0x3] =	wrdreg s6  }
0xb9: {  	[dreg:$0x4] =	wrdreg $0xC0  }
0xba: {  	_ =	task [dreg:s22], $0x5FFFF  }
0xbb: {  	[dreg:$0x1] =	wrdreg $0xFFFFFFFF  }
0xbc: {  	[dreg:$0x0] =	wrdreg $0x60  }
0xbd: {  	[dreg:$0x2] =	wrdreg s24  }
0xbe: {  	[dreg:$0x3] =	wrdreg s18  }
0xbf: {  	[dreg:$0x4] =	wrdreg $0xA  }
0xc0: {  	_ =	task.clear_ibuf [dreg:s22], $0x5FFFF;
	_ =	strace $0x90000065  }
0xc1: {  	s29 =	simm.s32 $0xA;
	_ =	strace $0x8000006D  }
0xc2: {  	_ =	swait.ge [sflag:s29], $0x1  }
0xc3: {  	[sflag:s29] =	ssyncadd.s32 $0xFFFFFFFF  }
0xc4: {  	_ =	strace $0x9000006D  }
0xc5: {  	_ =	sfence  }
0xc6: {  	s30 =	sld [smem:$0x0];
	_ =	sdelay $0x2  }
0xc7: {  	s31 =	sshll.u32 s1, $0xD;
	s1 =	sshrl.u32 s1, $0x2  }
0xc8: {  	s4 =	sand.u32 $0x4000, s31;
	s1 =	sadd.s32 s1, s30  }
0xc9: {  	s0 =	sor.u32 s4, s0;
	s1 =	sshll.u32 s1, $0x11  }
0xca: {  	s0 =	sor.u32 s1, s0  }
0xcb: {  	s0 =	sadd.s32 $0x8F2B, s0  }
0xcc: {  	[sflag:s0] =	ssyncadd.remote.s32 $0x1  }
0xcd: {  	_ =	sfence.sel $0xFFFF  }
0xce: {  	[dreg:$0x0] =	wrdreg $0xFFFFFFFF;
	(pc) =	sbr.abs _section_cstart, $3  }
0xcf: {  	[dreg:$0x1] =	wrdreg $0xFFFFFFFF  }
0xd0: {  	_ =	task.clear_ibuf [dreg:s22], $0x2FFFF;
	_ =	strace $0x9FFFFFFF  }
0xd1: {  	(tm) =	ssettm $0x7FFFFFFF  }
tec
execute0_lowered:
.L_overlay_start_1:
0x0: {  	(tag) =	ssettag $0x1  }
0x1: {  	s5 =	rddreg [dreg:$0x0]  }
0x2: {  	s1 =	rddreg [dreg:$0x1]  }
0x3: {  	s0 =	rddreg [dreg:$0x2];
	s2 =	simm.s32 $0x0  }
0x4: {  	s3 =	srdreg.scid;
	s11 =	simm.s32 $0x5;
	s12 =	simm.s32 $0x1  }
0x5: {  	s13 =	simm.s32 $0x0;
	[smem:$0x7FF] =	sst s2;
	s6 =	sand.u32 $0x1, s3  }
0x6: {  	s4 =	sadd.s32 $0x142BC00, s5;
	s3 =	stileid.u32;
	s7 =	ssub.s32 $0x2, s6  }
0x7: {  	s5 =	sadd.s32 $0x42BC00, s5;
	s6 =	sshll.u32 s6, $0x4;
	s8 =	sshrl.u32 s7, $0x1  }
0x8: {  	_ =	strace $0x80000066;
	s6 =	sor.u32 s3, s6;
	s8 =	ssub.s32 s7, s8  }
0x9: {  	s31 =	sshll.u32 s6, $0x6;
	s9 =	sshll.u32 s6, $0x11;
	s10 =	sshll.u32 s6, $0xA  }
0xa: {  	[dreg:$0x3] =	wrdreg s31;
	s6 =	sadd.s32 s4, s9;
	s7 =	sadd.s32 s1, s10  }
0xb: {  	s8 =	smax.u32 s8, $0x1;
	s9 =	simm.s32 $0x8000;
	s10 =	simm.s32 $0x80  }
.LBB2_1:
0xc: {  	_ =	strace $0x80000067  }
0xd: {  	[tilespmem:s2], [sflag:$0x1] =	stream.linear.gather [hbm4b:s6+s2], $0x4000, $0x200038;
	[tilespmem:$0x8100] =	vst v63  }
0xe: {  	s14 =	simm.s32 $0x1;
	p0 =	por $0x0, $0x0  }
0xf: {  	[tilespmem:s9], [sflag:$0x3] =	stream.linear.gather [hbm4b:s7+s2], $0x80, $0x200038;
	[tilespmem:$0x8100] =	vst v63  }
0x10: {  	s14 =	simm.s32 @p0 $0x0;
	_ =	strace $0x90000067  }
0x11: {  	p0 =	seq.s32 s14, $0x0;
	s15 =	rddreg [dreg:$0x3]  }
0x12: {  	s16 =	sand.u32 @!p0 $0x1, s12;
	s15 =	sadd.s32 @!p0 s15, s14  }
0x13: {  	s21 =	simm.s32 @!p0 $0x0;
	s17 =	sshll.u32 @!p0 s16, $0xE;
	s19 =	sshll.u32 @!p0 s15, $0xB  }
0x14: {  	s18 =	sadd.s32 @!p0 $0x1, s16;
	s20 =	sshll.u32 @!p0 s16, $0x7;
	s19 =	sand.u32 @!p0 $0x1FFFF800, s19  }
0x15: {  	_ =	strace @!p0 $0x80000068;
	s15 =	sshll.u32 @!p0 s15, $0x4;
	s19 =	sadd.s32 @!p0 s4, s19  }
0x16: {  	[tilespmem:s17], [sflag:s18] =	stream.linear.gather @!p0 [hbm4b:s19+s21], $0x4000, $0x200038;
	[tilespmem:$0x8100] =	vst v63  }
0x17: {  	s16 =	sadd.s32 @!p0 $0x3, s16;
	s15 =	sand.u32 @!p0 $0x1FFFFFF0, s15;
	_ =	strace @!p0 $0x90000068  }
0x18: {  	s15 =	sadd.s32 @!p0 s1, s15;
	s17 =	sor.u32 @!p0 $0x8000, s20;
	_ =	strace @!p0 $0x80000069  }
0x19: {  	[tilespmem:s17], [sflag:s16] =	stream.linear.gather @!p0 [hbm4b:s15+s21], $0x80, $0x200038;
	[tilespmem:$0x8100] =	vst v63  }
0x1a: {  	s26 =	sand.u32 $0x1, s2;
	_ =	strace @!p0 $0x90000069  }
0x1b: {  	s28 =	sadd.s32 $0x1, s26;
	_ =	strace $0x8000006A  }
0x1c: {  	_ =	swait.ge [sflag:s28], $0x4000  }
0x1d: {  	s29 =	simm.s32 $0x0;
	[sflag:s28] =	ssyncset.done $0x0  }
0x1e: {  	s30 =	simm.s32 $0x0;
	p1 =	sne.s32 s14, $0x0;
	[sflag:s28] =	ssyncadd.s32 $0xFFFFC000  }
0x1f: {  	s24 =	smov.u32 s14;
	s23 =	simm.s32 @!p0 $0x2;
	_ =	strace $0x9000006A  }
0x20: {  	s23 =	smov.u32 @p0 s12;
	s15 =	sadd.s32 $0x3, s26;
	_ =	strace $0x8000006B  }
0x21: {  	s20 =	simm.s32 $0x3D;
	s19 =	simm.s32 $0x1;
	_ =	swait.ge [sflag:s15], $0x80  }
0x22: {  	s18 =	simm.s32 @!p0 $0x1;
	s19 =	simm.s32 @!p1 $0x0;
	[sflag:s15] =	ssyncset.done $0x0  }
0x23: {  	s18 =	simm.s32 @p0 $0x0;
	s17 =	sand.u32 $0x80, s29;
	[sflag:s15] =	ssyncadd.s32 $0xFFFFFF80  }
0x24: {  	s16 =	sand.u32 $0x4000, s30;
	s21 =	sadd.s32 $0x1, s18;
	_ =	strace $0x9000006B  }
0x25: {  	s17 =	sor.u32 $0x8000, s17;
	s15 =	sadd.s32 $0x0, s19;
	_ =	strace $0x8000006C  }
0x26: {  	[hbm4b:s5+s10] =	stream.indirect.scatter [tilespmem:s16], [sflag:$0x5], $0x80, s17, s10, $0x2000b8;
	[tilespmem:$0x8100] =	vst v63  }
0x27: {  	s22 =	sand.u32 $0x1, s15;
	s31 =	sshll.u32 s15, $0x7;
	_ =	swait.ge [sflag:s11], $0x4000  }
0x28: {  	s19 =	sand.u32 $0x1, s15;
	s18 =	sand.u32 $0x80, s31;
	[sflag:s11] =	ssyncset.done $0x0  }
0x29: {  	s17 =	sshll.u32 s15, $0xE;
	s16 =	smov.u32 s15;
	[sflag:s11] =	ssyncadd.s32 $0xFFFFC000  }
.LBB2_2:
0x2a: {  	s14 =	sadd.s32 $0x1, s14  }
0x2b: {  	_ =	strace $0x9000006C;
	p1 =	seq.s32 s14, $0x40  }
0x2c: {  	s25 =	smov.u32 s23;
	s23 =	rddreg [dreg:$0x3];
	s14 =	simm.s32 @p1 $0x0  }
0x2d: {  	p2 =	seq.s32 s24, s14;
	p1 =	sne.s32 s24, s14;
	s24 =	sadd.s32 $0x1, s22  }
0x2e: {  	s22 =	sadd.s32 @!p2 s23, s14;
	s23 =	sand.u32 @!p2 $0x1, s25;
	s26 =	sand.u32 @!p2 $0x1, s21  }
0x2f: {  	_ =	strace @!p2 $0x80000068;
	s31 =	simm.s32 @!p2 $0x0;
	s29 =	sshll.u32 @!p2 s22, $0xB  }
0x30: {  	s28 =	sshll.u32 @!p2 s23, $0xE;
	s22 =	sshll.u32 @!p2 s22, $0x4;
	s29 =	sand.u32 @!p2 $0x1FFFF800, s29  }
0x31: {  	s23 =	sadd.s32 @!p2 $0x1, s23;
	s22 =	sand.u32 @!p2 $0x1FFFFFF0, s22;
	s29 =	sadd.s32 @!p2 s4, s29  }
0x32: {  	[tilespmem:s28], [sflag:s23] =	stream.linear.gather @!p2 [hbm4b:s29+s31], $0x4000, $0x200038;
	[tilespmem:$0x8100] =	vst v63  }
0x33: {  	s30 =	sshll.u32 @!p2 s26, $0x7;
	s22 =	sadd.s32 @!p2 s1, s22;
	_ =	strace @!p2 $0x90000068  }
0x34: {  	s23 =	sadd.s32 @!p2 $0x3, s26;
	s26 =	sor.u32 @!p2 $0x8000, s30;
	_ =	strace @!p2 $0x80000069  }
0x35: {  	[tilespmem:s26], [sflag:s23] =	stream.linear.gather @!p2 [hbm4b:s22+s31], $0x80, $0x200038;
	[tilespmem:$0x8100] =	vst v63  }
0x36: {  	_ =	strace @!p2 $0x90000069  }
0x37: {  	_ =	strace $0x8000006A  }
0x38: {  	_ =	swait.ge [sflag:s24], $0x4000  }
0x39: {  	s20 =	sadd.s32 $0xFFFFFFFF, s20;
	s18 =	sor.u32 $0x8000, s18;
	[sflag:s24] =	ssyncset.done $0x0  }
0x3a: {  	p0 =	sne.s32 s20, $0x0;
	s22 =	simm.s32 @!p2 $0x1;
	[sflag:s24] =	ssyncadd.s32 $0xFFFFC000  }
0x3b: {  	s30 =	sadd.s32 $0x3, s19;
	s22 =	simm.s32 @p2 $0x0;
	_ =	strace $0x9000006A  }
0x3c: {  	s21 =	sadd.s32 s21, s22;
	s22 =	simm.s32 $0x1;
	_ =	strace $0x8000006B  }
0x3d: {  	s23 =	sadd.s32 @!p2 $0x1, s25;
	s22 =	simm.s32 @!p1 $0x0;
	_ =	swait.ge [sflag:s30], $0x80  }
0x3e: {  	s23 =	smov.u32 @p2 s25;
	s16 =	sadd.s32 s22, s16;
	[sflag:s30] =	ssyncset.done $0x0  }
0x3f: {  	s15 =	sadd.s32 s22, s15;
	s31 =	sand.u32 $0x1, s16;
	[sflag:s30] =	ssyncadd.s32 $0xFFFFFF80  }
0x40: {  	s22 =	sand.u32 $0x1, s15;
	s19 =	smov.u32 s31;
	_ =	strace $0x9000006B  }
.Ltmp0:
0x41: {  	s31 =	sand.u32 $0x4000, s17;
	_ =	strace $0x8000006C;
	(pc) =	sbr.rel @p0 .LBB2_2-.Ltmp0, $4  }
0x42: {  	[hbm4b:s5+s10] =	stream.indirect.scatter [tilespmem:s31], [sflag:$0x5], $0x80, s18, s10, $0x2000b8;
	[tilespmem:$0x8100] =	vst v63  }
0x43: {  	s26 =	sshll.u32 s15, $0xE;
	s29 =	sshll.u32 s16, $0x7;
	_ =	swait.ge [sflag:s11], $0x4000  }
0x44: {  	s24 =	smov.u32 s14;
	s28 =	sand.u32 $0x80, s29;
	[sflag:s11] =	ssyncset.done $0x0  }
0x45: {  	s17 =	smov.u32 s26;
	s18 =	smov.u32 s28;
	[sflag:s11] =	ssyncadd.s32 $0xFFFFC000  }
0x46: {  	s14 =	sadd.s32 $0x1, s14  }
0x47: {  	p0 =	seq.s32 s14, $0x40  }
0x48: {  	_ =	strace $0x9000006C;
	s14 =	simm.s32 @p0 $0x0  }
0x49: {  	s20 =	rddreg [dreg:$0x3];
	p0 =	seq.s32 s24, s14  }
0x4a: {  	s20 =	sadd.s32 @!p0 s20, s14;
	s23 =	sand.u32 @!p0 $0x1, s23;
	_ =	strace @!p0 $0x80000068  }
0x4b: {  	s28 =	simm.s32 @!p0 $0x0;
	s21 =	sand.u32 @!p0 $0x1, s21;
	s25 =	sshll.u32 @!p0 s20, $0xB  }
0x4c: {  	s26 =	sshll.u32 @!p0 s23, $0xE;
	s20 =	sshll.u32 @!p0 s20, $0x4;
	s25 =	sand.u32 @!p0 $0x1FFFF800, s25  }
0x4d: {  	s23 =	sadd.s32 @!p0 $0x1, s23;
	s20 =	sand.u32 @!p0 $0x1FFFFFF0, s20;
	s25 =	sadd.s32 @!p0 s4, s25  }
0x4e: {  	[tilespmem:s26], [sflag:s23] =	stream.linear.gather @!p0 [hbm4b:s25+s28], $0x4000, $0x200038;
	[tilespmem:$0x8100] =	vst v63  }
0x4f: {  	s20 =	sadd.s32 @!p0 s1, s20;
	s23 =	sshll.u32 @!p0 s21, $0x7;
	_ =	strace @!p0 $0x90000068  }
0x50: {  	s21 =	sadd.s32 @!p0 $0x3, s21;
	s23 =	sor.u32 @!p0 $0x8000, s23;
	_ =	strace @!p0 $0x80000069  }
0x51: {  	[tilespmem:s23], [sflag:s21] =	stream.linear.gather @!p0 [hbm4b:s20+s28], $0x80, $0x200038;
	[tilespmem:$0x8100] =	vst v63  }
0x52: {  	_ =	strace @!p0 $0x90000069  }
0x53: {  	s30 =	sadd.s32 $0x1, s22;
	_ =	strace $0x8000006A  }
0x54: {  	_ =	swait.ge [sflag:s30], $0x4000  }
0x55: {  	[sflag:s30] =	ssyncset.done $0x0  }
0x56: {  	[sflag:s30] =	ssyncadd.s32 $0xFFFFC000  }
0x57: {  	_ =	strace $0x9000006A  }
0x58: {  	s19 =	sadd.s32 $0x3, s19;
	_ =	strace $0x8000006B  }
0x59: {  	_ =	swait.ge [sflag:s19], $0x80  }
0x5a: {  	[sflag:s19] =	ssyncset.done $0x0  }
0x5b: {  	[sflag:s19] =	ssyncadd.s32 $0xFFFFFF80  }
0x5c: {  	_ =	strace $0x9000006B  }
0x5d: {  	s17 =	sand.u32 $0x4000, s17;
	s18 =	sor.u32 $0x8000, s18;
	_ =	strace $0x8000006C  }
0x5e: {  	[hbm4b:s5+s10] =	stream.indirect.scatter [tilespmem:s17], [sflag:$0x5], $0x80, s18, s10, $0x2000b8;
	[tilespmem:$0x8100] =	vst v63  }
0x5f: {  	p0 =	sne.s32 s24, s14;
	s14 =	simm.s32 $0x1;
	_ =	swait.ge [sflag:s11], $0x4000  }
0x60: {  	s14 =	simm.s32 @!p0 $0x0;
	[sflag:s11] =	ssyncset.done $0x0  }
0x61: {  	s15 =	sadd.s32 s14, s15;
	[sflag:s11] =	ssyncadd.s32 $0xFFFFC000  }
0x62: {  	s31 =	sand.u32 $0x1, s15;
	_ =	strace $0x9000006C  }
0x63: {  	s17 =	sadd.s32 $0x1, s31;
	_ =	strace $0x8000006A  }
0x64: {  	_ =	swait.ge [sflag:s17], $0x4000  }
0x65: {  	[sflag:s17] =	ssyncset.done $0x0  }
0x66: {  	s14 =	sadd.s32 s14, s16;
	[sflag:s17] =	ssyncadd.s32 $0xFFFFC000  }
0x67: {  	s16 =	sand.u32 $0x1, s14;
	_ =	strace $0x9000006A  }
0x68: {  	s16 =	sadd.s32 $0x3, s16;
	_ =	strace $0x8000006B  }
0x69: {  	_ =	swait.ge [sflag:s16], $0x80  }
0x6a: {  	s13 =	sadd.s32 $0x1, s13;
	[sflag:s16] =	ssyncset.done $0x0  }
0x6b: {  	p0 =	sne.s32 s13, s8;
	s14 =	sshll.u32 s14, $0x7;
	[sflag:s16] =	ssyncadd.s32 $0xFFFFFF80  }
0x6c: {  	s15 =	sshll.u32 s15, $0xE;
	s14 =	sand.u32 $0x80, s14;
	_ =	strace $0x9000006B  }
0x6d: {  	s15 =	sand.u32 $0x4000, s15;
	s14 =	sor.u32 $0x8000, s14;
	_ =	strace $0x8000006C  }
0x6e: {  	[hbm4b:s5+s10] =	stream.indirect.scatter [tilespmem:s15], [sflag:$0x5], $0x80, s14, s10, $0x2000b8;
	[tilespmem:$0x8100] =	vst v63  }
.Ltmp1:
0x6f: {  	_ = 	snop;
	(pc) =	sbr.rel @p0 .LBB2_1-.Ltmp1, $4  }
0x70: {  	_ =	swait.ge [sflag:s11], $0x4000  }
0x71: {  	[sflag:s11] =	ssyncset.done $0x0  }
0x72: {  	[sflag:s11] =	ssyncadd.s32 $0xFFFFC000  }
0x73: {  	_ =	strace $0x9000006C  }
0x74: {  	_ =	sfence.sel $0x180000  }
0x75: {  	[bflag:$0x0] =	sbarrier.arrive $0xFFFF  }
0x76: {  	p0 =	sne.s32 s3, $0x0;
	_ =	strace $0x90000066  }
0x77: {  	s0 =	sadd.s32 @!p0 $0x100000, s0;
	[bflag:$0x2] =	sbarrier.arrive $0xFFFF  }
0x78: {  	[sflag:s0] =	ssyncadd.tile.s32 @!p0 $0x1;
	_ =	shalt  }
.Lfunc_end2:
_tile_overlayer_lowered:
.L_overlay_start_2:
0x79: {  	(tag) =	ssettag $0x2  }
0x7a: {  	s0 =	rddreg [dreg:$0x0];
	s2 =	stileid.u32  }
0x7b: {  	s1 =	rddreg [dreg:$0x1];
	p0 =	sne.s32 s2, $0x0  }
0x7c: {  	s3 =	rddreg [dreg:$0x2];
	[bflag:$0x3] =	sbarrier.arrive $0xFFFF;
	s2 =	simm.s32 @!p0 $0x1C01  }
0x7d: {  	[timem:s3], [sflag:s2] =	dma.local @!p0 [hbm:s0], s1  }
0x7e: {  	s0 =	simm.s32 @!p0 $0x1  }
0x7f: {  	_ =	swait.ge @!p0 [sflag:s0], s1  }
0x80: {  	s1 =	ssub.s32 @!p0 $0x0, s1;
	[sflag:s0] =	ssyncset.done @!p0 $0x0  }
0x81: {  	[sflag:s0] =	ssyncadd.s32 @!p0 s1  }
0x82: {  	[bflag:$0x3] =	sbarrier.arrive $0xFFFF  }
0x83: {  	_ =	shalt  }

// kernel: sparse-core-data-format-call.cloned.1.call-start
scs
called_computation_lowered:
.L_overlay_start_0:
0x0: {  	s1 =	sld [smem:$0x3FD9]  }
0x1: {  	s2 =	sld [smem:$0x3FFE];
	_ =	sdelay $0x1  }
0x2: {  	s3 =	srdreg.scid  }
0x3: {  	s0 =	sand.u32 $0x1, s3  }
0x4: {  	s17 =	sshll.u32 s0, $0xA;
	s1 =	sadd.s32 s2, s1  }
0x5: {  	s1 =	sadd.s32 s1, s17  }
0x6: {  	[smem:$0x3FC5] =	sst s1  }
0x7: {  	_ = 	snop  }
0x8: {  	(tm) =	ssettm $0x1  }
0x9: {  	s18 =	sld [smem:$0x3FFB];
	_ =	sdelay $0x3  }
0xa: {  	_ =	strace s18  }
0xb: {  	s1 =	sld [smem:$0x3FFC];
	_ =	sdelay $0x3  }
0xc: {  	_ =	strace s1  }
0xd: {  	s1 =	sld [smem:$0x3FFD];
	_ =	sdelay $0x3  }
0xe: {  	_ =	strace s1  }
0xf: {  	_ =	strace $0x8FFFFFFF  }
0x10: {  	s19 =	sld [smem:$0x3FDB];
	_ =	sdelay $0x1  }
0x11: {  	s20 =	simm.s32 $_scs_section_size  }
0x12: {  	s4 =	simm.s32 $_size__tile_overlayer_lowered;
	s5 =	simm.s32 $_tile_overlayer_lowered  }
0x13: {  	s23 =	simm.s32 $0x1BFF;
	s22 =	sshll.u32 s5, $0x1;
	s1 =	sadd.s32 s20, s19  }
0x14: {  	s6 =	simm.s32 $0x0;
	s21 =	sshll.u32 s4, $0x1;
	s4 =	sadd.s32 s22, s1  }
0x15: {  	[timem:s6], [sflag:s23] =	dma.local [hbm:s4], s21  }
0x16: {  	_ =	swait.ge [sflag:s23], s21  }
0x17: {  	s2 =	ssub.s32 $0x0, s21;
	[sflag:s23] =	ssyncset.done $0x0  }
0x18: {  	[sflag:s23] =	ssyncadd.s32 s2;
	_ =	sdelay $0x1  }
0x19: {  	s24 =	simm.s32 $0x1B8B  }
0x1a: {  	_ =	swait.ge [sflag:s24], $0x1  }
0x1b: {  	[sflag:s24] =	ssyncset.done $0x0  }
0x1c: {  	s26 =	simm.s32 $0x1B8E;
	s25 =	sld [smem:$0x3FFE];
	[sflag:s24] =	ssyncadd.s32 $0xFFFFFFFF  }
0x1d: {  	s27 =	simm.s32 $execute0_lowered;
	[smem:$0x3FD2] =	sst s26  }
0x1e: {  	s4 =	sshll.u32 s27, $0x1;
	_ =	strace $0x80000046;
	[dreg:$0x1] =	wrdreg $0xFFFFFFFF  }
0x1f: {  	s28 =	simm.s32 $_size_execute0_lowered;
	s1 =	sadd.s32 s1, s4;
	[dreg:$0x0] =	wrdreg $0x0  }
0x20: {  	s4 =	sshll.u32 s28, $0x1;
	[dreg:$0x2] =	wrdreg s1  }
0x21: {  	[dreg:$0x3] =	wrdreg s4  }
0x22: {  	[dreg:$0x4] =	wrdreg $0xC0  }
0x23: {  	_ =	task [dreg:s6], $0x5FFFF  }
0x24: {  	[dreg:$0x1] =	wrdreg $0xFFFFFFFF  }
0x25: {  	[dreg:$0x0] =	wrdreg $0x60  }
0x26: {  	[dreg:$0x2] =	wrdreg s25  }
0x27: {  	[dreg:$0x3] =	wrdreg $0x9  }
0x28: {  	_ =	task.clear_ibuf [dreg:s6], $0x4FFFF;
	_ =	strace $0x90000046  }
0x29: {  	s29 =	simm.s32 $0x9;
	_ =	strace $0x80000048  }
0x2a: {  	_ =	swait.ge [sflag:s29], $0x1  }
0x2b: {  	[sflag:s29] =	ssyncadd.s32 $0xFFFFFFFF  }
0x2c: {  	_ =	strace $0x90000048  }
0x2d: {  	_ =	sfence  }
0x2e: {  	s30 =	sld [smem:$0x0];
	_ =	sdelay $0x2  }
0x2f: {  	s31 =	sshll.u32 s3, $0xD;
	s3 =	sshrl.u32 s3, $0x2  }
0x30: {  	s2 =	sand.u32 $0x4000, s31;
	s1 =	sadd.s32 s3, s30  }
0x31: {  	s0 =	sor.u32 s2, s0;
	s1 =	sshll.u32 s1, $0x11  }
0x32: {  	s0 =	sor.u32 s1, s0  }
0x33: {  	s0 =	sadd.s32 $0x8F2B, s0  }
0x34: {  	[sflag:s0] =	ssyncadd.remote.s32 $0x1  }
0x35: {  	_ =	sfence.sel $0xFFFF  }
0x36: {  	[dreg:$0x0] =	wrdreg $0xFFFFFFFF;
	(pc) =	sbr.abs _section_cstart, $3  }
0x37: {  	[dreg:$0x1] =	wrdreg $0xFFFFFFFF  }
0x38: {  	_ =	task.clear_ibuf [dreg:s6], $0x2FFFF;
	_ =	strace $0x9FFFFFFF  }
0x39: {  	(tm) =	ssettm $0x7FFFFFFF  }
tec
execute0_lowered:
.L_overlay_start_1:
0x0: {  	(tag) =	ssettag $0x1  }
0x1: {  	s1 =	rddreg [dreg:$0x0]  }
0x2: {  	s0 =	rddreg [dreg:$0x1]  }
0x3: {  	_ =	strace $0x80000047;
	s4 =	srdreg.scid;
	s6 =	simm.s32 $0x2  }
0x4: {  	s12 =	simm.s32 $0x0;
	p0 =	por $0x0, $0x0;
	s10 =	simm.s32 $0x0  }
.Ltmp0:
0x5: {  	s11 =	simm.s32 $0x0;
	s7 =	simm.s32 $0x0;
	(pc) =	sbr.rel .LBB1_1-.Ltmp0, $4  }
0x6: {  	s2 =	sadd.s32 $0x3C00, s1;
	s3 =	sadd.s32 $0x103C00, s1;
	s5 =	sshll.u32 s4, $0x4  }
0x7: {  	s1 =	stileid.u32;
	s4 =	simm.s32 $0x1;
	s5 =	sand.u32 $0x10, s5  }
0x8: {  	s8 =	simm.s32 $0x0;
	[sflag:s4] =	ssyncpa.u1 $0x0;
	s5 =	sor.u32 s1, s5  }
0x9: {  	[sflag:s6] =	ssyncpa.u1 $0x0;
	s6 =	simm.s32 $0x0;
	s9 =	smov.u32 s5  }
.LBB1_5:
0xa: {  	s13 =	sadd.s32 $0x80, s7  }
0xb: {  	s10 =	sadd.s32 $0x80, s8;
	s14 =	smov.u32 s8;
	p2 =	sgt.s32 s13, $0x7FF  }
0xc: {  	s14 =	smov.u32 @p2 s10  }
0xd: {  	s16 =	smov.u32 s9;
	s10 =	sadd.s32 $0x20, s9;
	p3 =	sgt.s32 s14, $0x7F  }
0xe: {  	p1 =	slt.u32 s6, $0x2;
	s16 =	smov.u32 @p3 s10  }
0xf: {  	s6 =	sadd.s32 $0x1, s6;
	s13 =	simm.s32 @p2 $0x0;
	p2 =	sgt.s32 s16, $0x1F  }
0x10: {  	s16 =	smov.u32 @p2 s5;
	p2 =	sne.s32 s6, $0x12  }
.Ltmp1:
0x11: {  	s15 =	simm.s32 @!p1 $0x2;
	(pc) =	sbr.rel @!p2 .LBB1_6-.Ltmp1, $4  }
0x12: {  	s12 =	smov.u32 s7;
	_ =	swait.ge @!p1 [sflag:s15], $0x4000  }
0x13: {  	s11 =	smov.u32 s9;
	p0 =	por !p0, !p0;
	[sflag:s15] =	ssyncset.done @!p1 $0x0  }
0x14: {  	s7 =	smov.u32 s13;
	s14 =	simm.s32 @p3 $0x0;
	s10 =	smov.u32 s8  }
0x15: {  	[sflag:s15] =	ssyncadd.s32 @!p1 $0xFFFFC000;
	s8 =	smov.u32 s14;
	s9 =	smov.u32 s16  }
.LBB1_1:
0x16: {  	p1 =	sgt.u32 s6, $0xF  }
0x17: {  	s13 =	sxor.u32 @!p1 $0xFFFFFFFF, s6;
	s14 =	sand.u32 @!p1 $0x78, s7;
	s15 =	sshll.u32 @!p1 s8, $0xB  }
0x18: {  	s16 =	sshll.u32 @!p1 s8, $0x7;
	s17 =	sshll.u32 @!p1 s7, $0x3;
	s13 =	sshll.u32 @!p1 s13, $0xE  }
0x19: {  	s15 =	sand.u32 @!p1 $0x3C000, s15;
	s16 =	sand.u32 @!p1 $0x380, s16;
	s13 =	sand.u32 @!p1 $0x4000, s13  }
0x1a: {  	s15 =	sadd.s32 @!p1 s15, s17;
	s17 =	sand.u32 @!p1 $0x400, s17;
	s14 =	sor.u32 @!p1 s16, s14  }
0x1b: {  	s16 =	sshll.u32 @!p1 s9, $0xF;
	s14 =	sor.u32 @!p1 s17, s14;
	s15 =	sshrl.u32 @!p1 s15, $0x3  }
0x1c: {  	s16 =	sadd.s32 @!p1 s2, s16;
	s17 =	sand.u32 @!p1 $0x7, s7;
	s15 =	sand.u32 @!p1 $0x7F00, s15  }
0x1d: {  	s14 =	sshrl.u32 @!p1 s14, $0x3;
	s15 =	sadd.s32 @!p1 s15, s16;
	s16 =	sshll.u32 @!p1 s17, $0x12  }
0x1e: {  	s14 =	sadd.s32 @!p1 s14, s15;
	s15 =	sor.u32 @!p1 $0x400, s16;
	s16 =	simm.s32 @!p1 $0x4000  }
0x1f: {  	[tilespmem:s13], [sflag:$0x1] =	stream.strided.gather @!p1 [hbm4b:s14+s15], $0x4000, s16, s15, $0x38;
	[tilespmem:$0x10100] =	vst v63  }
0x20: {  	p1 =	seq.s32 s6, $0x0  }
0x21: {  	p2 =	seq.s32 @!p1 s6, $0x11  }
0x22: {  	p1 =	por p1, p2  }
.Ltmp2:
0x23: {  	_ = 	snop;
	(pc) =	sbr.rel @p1 .LBB1_5-.Ltmp2, $1  }
0x24: {  	_ =	sdelay $0x3  }
0x25: {  	s13 =	simm.s32 $0x1  }
0x26: {  	_ =	swait.ge [sflag:s4], $0x4000;
	s13 =	simm.s32 @!p0 $0x0  }
0x27: {  	[sflag:s4] =	ssyncset.done $0x0;
	s14 =	sshll.u32 s13, $0xE  }
0x28: {  	[sflag:s4] =	ssyncadd.s32 $0xFFFFC000;
	s16 =	sor.u32 $0x40, s14  }
0x29: {  	s13 =	smul.u32 $0x10200, s13;
	v0 =	vld [tilespmem:s16+$0x30]  }
0x2a: {  	v3 =	vld [tilespmem:s16+$0xFFFFFFD0]  }
0x2b: {  	s13 =	sshrl.u32 s13, $0x2;
	v4 =	vld [tilespmem:s16+$0xFFFFFFE0]  }
0x2c: {  	v5 =	vld [tilespmem:s16+$0xFFFFFFF0];
	s14 =	sor.u32 $0x8000, s13  }
0x2d: {  	s31 =	sand.u32 $0x1, s6;
	v1 =	vld [tilespmem:s16+$0x0];
	s15 =	sadd.s32 $0x0, s14  }
0x2e: {  	v2 =	vld [tilespmem:s16+$0x10];
	s13 =	smul.u32 $0x10200, s31;
	[tilespmem:s15+$0x3870 ss:$0x81] =	vst.msk $0xffff, v0  }
0x2f: {  	[tilespmem:s15+$0x810 ss:$0x81] =	vst.msk $0xffff, v3;
	v3 =	vld [tilespmem:s16+$0x20]  }
0x30: {  	s13 =	sshrl.u32 s13, $0x2;
	v0 =	vld [tilespmem:s16+$0xFFFFFFC0];
	[tilespmem:s15+$0x1020 ss:$0x81] =	vst.msk $0xffff, v4;
	s16 =	sadd.s32 $0x80, s16  }
0x31: {  	s17 =	simm.s32 $0x4;
	s18 =	simm.s32 $0x8;
	s13 =	sor.u32 $0x8000, s13;
	[tilespmem:s15+$0x1830 ss:$0x81] =	vst.msk $0xffff, v5;
	v4 =	vld [tilespmem:s16+$0x30]  }
.LBB1_3:
0x32: {  	p1 =	sne.s32 s18, $0x1FC;
	v5 =	vld [tilespmem:s16+$0xFFFFFFD0];
	[tilespmem:s15+$0x2040 ss:$0x81] =	vst.msk $0xffff, v1  }
0x33: {  	v6 =	vld [tilespmem:s16+$0xFFFFFFE0];
	[tilespmem:s15+$0x2850 ss:$0x81] =	vst.msk $0xffff, v2  }
0x34: {  	s19 =	sshra.s32 s17, $0x2;
	s17 =	smov.u32 s18;
	v7 =	vld [tilespmem:s16+$0xFFFFFFF0];
	[tilespmem:s15+$0x3060 ss:$0x81] =	vst.msk $0xffff, v3  }
.Ltmp3:
0x35: {  	v1 =	vld [tilespmem:s16+$0x0];
	[tilespmem:s15+$0x0 ss:$0x81] =	vst.msk $0xffff, v0;
	s15 =	sadd.s32 s19, s14;
	(pc) =	sbr.rel @p1 .LBB1_3-.Ltmp3, $4  }
0x36: {  	v2 =	vld [tilespmem:s16+$0x10];
	[tilespmem:s15+$0x3870 ss:$0x81] =	vst.msk $0xffff, v4  }
0x37: {  	[tilespmem:s15+$0x810 ss:$0x81] =	vst.msk $0xffff, v5;
	v3 =	vld [tilespmem:s16+$0x20]  }
0x38: {  	v0 =	vld [tilespmem:s16+$0xFFFFFFC0];
	[tilespmem:s15+$0x1020 ss:$0x81] =	vst.msk $0xffff, v6;
	s16 =	sadd.s32 $0x80, s16  }
0x39: {  	s18 =	sadd.s32 $0x4, s18;
	v4 =	vld [tilespmem:s16+$0x30];
	[tilespmem:s15+$0x1830 ss:$0x81] =	vst.msk $0xffff, v7  }
0x3a: {  	v5 =	vld [tilespmem:s16+$0xFFFFFFD0];
	[tilespmem:s15+$0x2040 ss:$0x81] =	vst.msk $0xffff, v1  }
0x3b: {  	v58 =	vld [tilespmem:s16+$0xFFFFFFE0];
	[tilespmem:s15+$0x2850 ss:$0x81] =	vst.msk $0xffff, v2  }
0x3c: {  	s17 =	sshra.s32 s17, $0x2;
	v59 =	vld [tilespmem:s16+$0xFFFFFFF0];
	[tilespmem:s15+$0x3060 ss:$0x81] =	vst.msk $0xffff, v3  }
0x3d: {  	v60 =	vld [tilespmem:s16+$0x0];
	s14 =	sadd.s32 s17, s14;
	[tilespmem:s15+$0x0 ss:$0x81] =	vst.msk $0xffff, v0  }
0x3e: {  	v61 =	vld [tilespmem:s16+$0x10];
	[tilespmem:s14+$0x3870 ss:$0x81] =	vst.msk $0xffff, v4  }
0x3f: {  	v62 =	vld [tilespmem:s16+$0x20];
	s12 =	sshll.u32 s12, $0x7;
	s28 =	sshll.u32 s10, $0x3;
	[tilespmem:s14+$0x810 ss:$0x81] =	vst.msk $0xffff, v5  }
0x40: {  	v63 =	vld [tilespmem:s16+$0xFFFFFFC0];
	s29 =	sand.u32 $0x3FC00, s12;
	s15 =	sand.u32 $0x3FC00, s28;
	[tilespmem:s14+$0x1020 ss:$0x81] =	vst.msk $0xffff, v58  }
0x41: {  	s11 =	sshll.u32 s11, $0xF;
	s12 =	sand.u32 $0x380, s12;
	s15 =	sadd.s32 s15, s29;
	[tilespmem:s14+$0x1830 ss:$0x81] =	vst.msk $0xffff, v59  }
.Ltmp4:
0x42: {  	s30 =	sshrl.u32 s10, $0x3;
	[tilespmem:s14+$0x2040 ss:$0x81] =	vst.msk $0xffff, v60;
	s12 =	sor.u32 s12, s15;
	(pc) =	sbr.rel .LBB1_5-.Ltmp4, $4  }
0x43: {  	s11 =	sadd.s32 s3, s11;
	[tilespmem:s14+$0x2850 ss:$0x81] =	vst.msk $0xffff, v61;
	s15 =	sand.u32 $0xF, s30;
	s12 =	sshrl.u32 s12, $0x3  }
0x44: {  	[tilespmem:s14+$0x3060 ss:$0x81] =	vst.msk $0xffff, v62;
	s11 =	sadd.s32 s15, s11;
	s12 =	sand.u32 $0x7FF0, s12  }
0x45: {  	s31 =	sand.u32 $0x7, s10;
	[tilespmem:s14+$0x0 ss:$0x81] =	vst.msk $0xffff, v63;
	s11 =	sadd.s32 s12, s11  }
0x46: {  	[hbm4b:s11+s31] =	stream.linear.scatter [tilespmem:s13], [sflag:$0x2], $0x4000, $0x20;
	[tilespmem:$0x10100] =	vst v63  }
.LBB1_6:
0x47: {  	_ =	sfence.sel $0x180000  }
0x48: {  	s2 =	simm.s32 $0x1;
	[bflag:$0x0] =	sbarrier.arrive $0xFFFF  }
0x49: {  	s31 =	simm.s32 $0x2;
	[sflag:s2] =	ssyncpa.u1 $0x1  }
0x4a: {  	[sflag:s31] =	ssyncpa.u1 $0x1  }
0x4b: {  	p0 =	sne.s32 s1, $0x0;
	_ =	strace $0x90000047  }
0x4c: {  	s0 =	sadd.s32 @!p0 $0x100000, s0;
	[bflag:$0x2] =	sbarrier.arrive $0xFFFF  }
0x4d: {  	[sflag:s0] =	ssyncadd.tile.s32 @!p0 $0x1;
	_ =	shalt  }
.Lfunc_end1:
_tile_overlayer_lowered:
.L_overlay_start_2:
0x4e: {  	(tag) =	ssettag $0x2  }
0x4f: {  	s0 =	rddreg [dreg:$0x0];
	s2 =	stileid.u32  }
0x50: {  	s1 =	rddreg [dreg:$0x1];
	p0 =	sne.s32 s2, $0x0  }
0x51: {  	s3 =	rddreg [dreg:$0x2];
	[bflag:$0x3] =	sbarrier.arrive $0xFFFF;
	s2 =	simm.s32 @!p0 $0x1C01  }
0x52: {  	[timem:s3], [sflag:s2] =	dma.local @!p0 [hbm:s0], s1  }
0x53: {  	s0 =	simm.s32 @!p0 $0x1  }
0x54: {  	_ =	swait.ge @!p0 [sflag:s0], s1  }
0x55: {  	s1 =	ssub.s32 @!p0 $0x0, s1;
	[sflag:s0] =	ssyncset.done @!p0 $0x0  }
0x56: {  	[sflag:s0] =	ssyncadd.s32 @!p0 s1  }
0x57: {  	[bflag:$0x3] =	sbarrier.arrive $0xFFFF  }
0x58: {  	_ =	shalt  }

</sc_bundles>
